<compile_context>
chip_gen: v7x
topology: tpu7x:2x2x1
jax: 0.10.2.dev20260603
libtpu: 0.0.44.dev20260713+nightly
codegen_flags: <defaults>
</compile_context>

<pallas_src>
import functools

import jax
import jax.numpy as jnp
from jax import lax
from jax.experimental import pallas as pl
from jax.experimental.pallas import tpu as pltpu
from jax.experimental.pallas import tpu_sc as plsc

N = 10000
E = 320000
NODE_DIM = 128
EDGE_DIM = 16
OUT_DIM = 128

EBLK = 2560

NW = 32
GCH = 400
GCHUNKS = E // (NW * GCH)


def _make_gather():
    mesh = plsc.VectorSubcoreMesh(core_axis_name="c", subcore_axis_name="s")

    @functools.partial(
        pl.kernel,
        out_type=jax.ShapeDtypeStruct((E, OUT_DIM), jnp.float32),
        mesh=mesh,
        scratch_types=[
            pltpu.VMEM((GCH,), jnp.int32),
            pltpu.VMEM((GCH, OUT_DIM), jnp.float32),
            pltpu.SemaphoreType.DMA,
        ],
    )
    def gather_k(xa_hbm, dst_hbm, out_hbm, idx_v, rows_v, sem):
        wid = lax.axis_index("s") * 2 + lax.axis_index("c")
        base = wid * (E // NW)
        for c in range(GCHUNKS):
            off = base + c * GCH
            pltpu.sync_copy(dst_hbm.at[pl.ds(off, GCH)], idx_v)
            pltpu.async_copy(xa_hbm.at[idx_v], rows_v, sem).wait()
            pltpu.sync_copy(rows_v, out_hbm.at[pl.ds(off, GCH)])

    return gather_k


_gather = _make_gather()


def _xa_kernel(x_ref, w_ref, b_ref, out_ref):
    out_ref[...] = jnp.dot(x_ref[...], w_ref[...],
                           preferred_element_type=jnp.float32) + b_ref[...]


def _msg_kernel(g_ref, ea_ref, w1b_ref, w2_ref, b2_ref, out_ref, outbf_ref):
    h = g_ref[...] + jnp.dot(ea_ref[...], w1b_ref[...],
                             preferred_element_type=jnp.float32)
    h = jnp.maximum(h, 0.0)
    msg = jnp.dot(h, w2_ref[...],
                  preferred_element_type=jnp.float32) + b2_ref[...]
    out_ref[...] = msg
    outbf_ref[...] = msg.astype(jnp.bfloat16)


def _combine_kernel(sum_ref, max_ref, cnt_ref, wmean_ref, wmax_ref,
                    wsum_ref, b_ref, out_ref):
    s = sum_ref[...]
    cnt = cnt_ref[...]
    mean = s / jnp.maximum(cnt, 1.0)
    mx = jnp.where(cnt > 0.0, max_ref[...], 0.0)
    out = jnp.dot(mean, wmean_ref[...], preferred_element_type=jnp.float32)
    out += jnp.dot(mx, wmax_ref[...], preferred_element_type=jnp.float32)
    out += jnp.dot(s, wsum_ref[...], preferred_element_type=jnp.float32)
    out_ref[...] = out + b_ref[...]


@jax.jit
def kernel(x, edge_index, edge_attr, W1, b1, W2, b2, Wmean, bmean, Wmax, bmax,
           Wsum, bsum):
    dst = edge_index[1]

    xa = pl.pallas_call(
        _xa_kernel,
        out_shape=jax.ShapeDtypeStruct((N, OUT_DIM), jnp.float32),
    )(x, W1[:NODE_DIM], b1.reshape(1, OUT_DIM))

    g = _gather(xa, dst)

    msg_pair = pl.pallas_call(
        _msg_kernel,
        grid=(E // EBLK,),
        in_specs=[
            pl.BlockSpec((EBLK, OUT_DIM), lambda i: (i, 0)),
            pl.BlockSpec((EBLK, EDGE_DIM), lambda i: (i, 0)),
            pl.BlockSpec((EDGE_DIM, OUT_DIM), lambda i: (0, 0)),
            pl.BlockSpec((OUT_DIM, OUT_DIM), lambda i: (0, 0)),
            pl.BlockSpec((1, OUT_DIM), lambda i: (0, 0)),
        ],
        out_specs=[pl.BlockSpec((EBLK, OUT_DIM), lambda i: (i, 0)),
                   pl.BlockSpec((EBLK, OUT_DIM), lambda i: (i, 0))],
        out_shape=[jax.ShapeDtypeStruct((E, OUT_DIM), jnp.float32),
                   jax.ShapeDtypeStruct((E, OUT_DIM), jnp.bfloat16)],
    )(g, edge_attr, W1[NODE_DIM:], W2, b2.reshape(1, OUT_DIM))
    msg, msg_bf = msg_pair

    sum_agg = jax.ops.segment_sum(msg, dst, num_segments=N)
    cnt = jax.ops.segment_sum(jnp.ones((E,), jnp.float32), dst, num_segments=N)
    max_agg = jax.ops.segment_max(msg_bf, dst,
                                  num_segments=N).astype(jnp.float32)

    out = pl.pallas_call(
        _combine_kernel,
        out_shape=jax.ShapeDtypeStruct((N, OUT_DIM), jnp.float32),
    )(sum_agg, max_agg, cnt.reshape(N, 1),
      Wmean, Wmax, Wsum, (bmean + bmax + bsum).reshape(1, OUT_DIM))
    return out

# --- scband reference (transcript-rebuilt; emitter-appended) ---
"""Pipeline reference for scband-message-passing-layer-15006615732841 (READ-ONLY COPY).

The authoritative reference and input builder live on the scoring server;
editing this copy changes nothing except your own understanding.
"""

import jax, jax.numpy as jnp
import numpy as np

N = 10000
E = 320000
NODE_DIM = 128
EDGE_DIM = 16
OUT_DIM = 128


def setup_inputs(seed: int = 0) -> dict:
    key = jax.random.key(seed)
    ks = jax.random.split(key, 16)
    x = jax.random.normal(ks[0], (N, NODE_DIM), dtype=jnp.float32)
    edge_index = jax.random.randint(ks[1], (2, E), 0, N)
    edge_attr = jax.random.normal(ks[2], (E, EDGE_DIM), dtype=jnp.float32)
    # node_mlp: Linear(node_dim+edge_dim -> out_dim), ReLU, Linear(out_dim -> out_dim)
    W1 = jax.random.normal(ks[3], (NODE_DIM + EDGE_DIM, OUT_DIM), dtype=jnp.float32) * 0.05
    b1 = jnp.zeros((OUT_DIM,), dtype=jnp.float32)
    W2 = jax.random.normal(ks[4], (OUT_DIM, OUT_DIM), dtype=jnp.float32) * 0.05
    b2 = jnp.zeros((OUT_DIM,), dtype=jnp.float32)
    # agg_nns: one Linear(out_dim -> out_dim) per aggregator ['mean', 'max', 'sum']
    Wmean = jax.random.normal(ks[5], (OUT_DIM, OUT_DIM), dtype=jnp.float32) * 0.05
    bmean = jnp.zeros((OUT_DIM,), dtype=jnp.float32)
    Wmax = jax.random.normal(ks[6], (OUT_DIM, OUT_DIM), dtype=jnp.float32) * 0.05
    bmax = jnp.zeros((OUT_DIM,), dtype=jnp.float32)
    Wsum = jax.random.normal(ks[7], (OUT_DIM, OUT_DIM), dtype=jnp.float32) * 0.05
    bsum = jnp.zeros((OUT_DIM,), dtype=jnp.float32)
    return {
        "x": x, "edge_index": edge_index, "edge_attr": edge_attr,
        "W1": W1, "b1": b1, "W2": W2, "b2": b2,
        "Wmean": Wmean, "bmean": bmean,
        "Wmax": Wmax, "bmax": bmax,
        "Wsum": Wsum, "bsum": bsum,
    }


def reference(x, edge_index, edge_attr, W1, b1, W2, b2, Wmean, bmean, Wmax, bmax, Wsum, bsum):
    src = edge_index[0]
    dst = edge_index[1]
    num_nodes = x.shape[0]
    # message: note torch forward passes x_i = x[dst]; x_j = x[src] is unused
    x_i = jnp.take(x, dst, axis=0)
    combined = jnp.concatenate([x_i, edge_attr], axis=-1)
    h = jax.nn.relu(combined @ W1 + b1)
    messages = h @ W2 + b2
    # aggregate: sum / mean / max, each followed by its own linear, summed
    sum_agg = jax.ops.segment_sum(messages, dst, num_segments=num_nodes)
    cnt = jax.ops.segment_sum(jnp.ones((messages.shape[0],), dtype=jnp.float32), dst, num_segments=num_nodes)
    mean_agg = sum_agg / jnp.maximum(cnt, 1.0)[:, None]
    max_agg = jax.ops.segment_max(messages, dst, num_segments=num_nodes)
    max_agg = jnp.where(jnp.isneginf(max_agg), 0.0, max_agg)
    out = (mean_agg @ Wmean + bmean) + (max_agg @ Wmax + bmax) + (sum_agg @ Wsum + bsum)
    return out

if __name__ == "__main__":
    import jax
    _d = setup_inputs()
    print(jax.jit(kernel)(*tuple(_d.values())))

</pallas_src>

<mosaic_0001>
#map = affine_map<(d0, d1) -> (0, 0)>
#map1 = affine_map<(d0, d1) -> (0)>
module attributes {stable_mosaic.version = 14 : i64} {
  func.func @gather_k(%arg0: i32, %arg1: i32, %arg2: memref<10000x128xf32, #tpu.memory_space<hbm>>, %arg3: memref<320000xi32, #tpu.memory_space<hbm>>, %arg4: memref<320000x128xf32, #tpu.memory_space<hbm>>, %arg5: memref<400xi32, #tpu.memory_space<vmem>>, %arg6: memref<400x128xf32, #tpu.memory_space<vmem>>, %arg7: memref<!tpu.dma_semaphore, #tpu.memory_space<semaphore_mem>>) attributes {dimension_semantics = [#tpu.dimension_semantics<core_parallel>, #tpu.dimension_semantics<subcore_parallel>], iteration_bounds = array<i64: 2, 16>, scalar_prefetch = 0 : i64, scratch_operands = 3 : i64, tpu.core_type = #tpu.core_type<sc_vector_subcore>, window_params = [{transform_indices = #map}, {transform_indices = #map1}, {transform_indices = #map}]} {
    %mul3A = arith.constant 2 : i32
    %mul3A_0 = arith.muli %arg1, %mul3A : i32
    %add3A = arith.addi %mul3A_0, %arg0 : i32
    %mul3A_1 = arith.constant 10000 : i32
    %mul3A_2 = arith.muli %add3A, %mul3A_1 : i32
    %add3A_3 = arith.constant 0 : i32
    %add3A_4 = arith.addi %mul3A_2, %add3A_3 : i32
    "tpu.region"() ({
      %run_scoped3A = tpu.sem_alloc : memref<!tpu.dma_semaphore, #tpu.memory_space<semaphore_mem>>
      %dma_start3A_201 = tpu.memref_slice %arg3[%add3A_4] : memref<320000xi32, #tpu.memory_space<hbm>> -> memref<400xi32, #tpu.memory_space<hbm>>
      %dma_start3A_202 = tpu.memref_slice %arg3[%add3A_4] : memref<320000xi32, #tpu.memory_space<hbm>> -> memref<400xi32, #tpu.memory_space<hbm>>
      tpu.enqueue_dma source(%dma_start3A_202 : memref<400xi32, #tpu.memory_space<hbm>>) target(%arg5 : memref<400xi32, #tpu.memory_space<vmem>>) target_semaphore(%run_scoped3A : memref<!tpu.dma_semaphore, #tpu.memory_space<semaphore_mem>>)
      %dma_wait3A_203 = tpu.memref_slice %arg3[%add3A_4] : memref<320000xi32, #tpu.memory_space<hbm>> -> memref<400xi32, #tpu.memory_space<hbm>>
      %dma_wait3A_204 = tpu.memref_slice %arg3[%add3A_4] : memref<320000xi32, #tpu.memory_space<hbm>> -> memref<400xi32, #tpu.memory_space<hbm>>
      tpu.wait_dma2 semaphore(%run_scoped3A : memref<!tpu.dma_semaphore, #tpu.memory_space<semaphore_mem>>) src(%dma_wait3A_204 : memref<400xi32, #tpu.memory_space<hbm>>) dst(%arg5 : memref<400xi32, #tpu.memory_space<vmem>>)
      tpu.yield
    }) : () -> ()
    %dma_start3A = arith.constant 0 : i32
    %dma_start3A_5 = arith.constant 0 : i32
    %dma_start3A_6 = tpu.memref_slice %arg2[%dma_start3A, %dma_start3A_5] : memref<10000x128xf32, #tpu.memory_space<hbm>> -> memref<10000x128xf32, #tpu.memory_space<hbm>>
    tpu.enqueue_indirect_dma source(%dma_start3A_6 : memref<10000x128xf32, #tpu.memory_space<hbm>>) target(%arg6 : memref<400x128xf32, #tpu.memory_space<vmem>>) offsets(%arg5 : memref<400xi32, #tpu.memory_space<vmem>>) semaphore(%arg7 : memref<!tpu.dma_semaphore, #tpu.memory_space<semaphore_mem>>)
    %dma_wait3A = arith.constant 0 : i32
    %dma_wait3A_7 = arith.constant 0 : i32
    %dma_wait3A_8 = tpu.memref_slice %arg2[%dma_wait3A, %dma_wait3A_7] : memref<10000x128xf32, #tpu.memory_space<hbm>> -> memref<10000x128xf32, #tpu.memory_space<hbm>>
    tpu.wait_indirect_dma semaphore(%arg7 : memref<!tpu.dma_semaphore, #tpu.memory_space<semaphore_mem>>) src(%dma_wait3A_8 : memref<10000x128xf32, #tpu.memory_space<hbm>>) dst(%arg6 : memref<400x128xf32, #tpu.memory_space<vmem>>)
    "tpu.region"() ({
      %run_scoped3A = tpu.sem_alloc : memref<!tpu.dma_semaphore, #tpu.memory_space<semaphore_mem>>
      %dma_start3A_201 = arith.constant 0 : i32
      %dma_start3A_202 = tpu.memref_slice %arg4[%add3A_4, %dma_start3A_201] : memref<320000x128xf32, #tpu.memory_space<hbm>> -> memref<400x128xf32, #tpu.memory_space<hbm>>
      %dma_start3A_203 = arith.constant 0 : i32
      %dma_start3A_204 = tpu.memref_slice %arg4[%add3A_4, %dma_start3A_203] : memref<320000x128xf32, #tpu.memory_space<hbm>> -> memref<400x128xf32, #tpu.memory_space<hbm>>
      tpu.enqueue_dma source(%arg6 : memref<400x128xf32, #tpu.memory_space<vmem>>) target(%dma_start3A_204 : memref<400x128xf32, #tpu.memory_space<hbm>>) target_semaphore(%run_scoped3A : memref<!tpu.dma_semaphore, #tpu.memory_space<semaphore_mem>>)
      %dma_wait3A_205 = arith.constant 0 : i32
      %dma_wait3A_206 = tpu.memref_slice %arg4[%add3A_4, %dma_wait3A_205] : memref<320000x128xf32, #tpu.memory_space<hbm>> -> memref<400x128xf32, #tpu.memory_space<hbm>>
      %dma_wait3A_207 = arith.constant 0 : i32
      %dma_wait3A_208 = tpu.memref_slice %arg4[%add3A_4, %dma_wait3A_207] : memref<320000x128xf32, #tpu.memory_space<hbm>> -> memref<400x128xf32, #tpu.memory_space<hbm>>
      tpu.wait_dma2 semaphore(%run_scoped3A : memref<!tpu.dma_semaphore, #tpu.memory_space<semaphore_mem>>) src(%arg6 : memref<400x128xf32, #tpu.memory_space<vmem>>) dst(%dma_wait3A_208 : memref<400x128xf32, #tpu.memory_space<hbm>>)
      tpu.yield
    }) : () -> ()
    %add3A_9 = arith.constant 400 : i32
    %add3A_10 = arith.addi %mul3A_2, %add3A_9 : i32
    "tpu.region"() ({
      %run_scoped3A = tpu.sem_alloc : memref<!tpu.dma_semaphore, #tpu.memory_space<semaphore_mem>>
      %dma_start3A_201 = tpu.memref_slice %arg3[%add3A_10] : memref<320000xi32, #tpu.memory_space<hbm>> -> memref<400xi32, #tpu.memory_space<hbm>>
      %dma_start3A_202 = tpu.memref_slice %arg3[%add3A_10] : memref<320000xi32, #tpu.memory_space<hbm>> -> memref<400xi32, #tpu.memory_space<hbm>>
      tpu.enqueue_dma source(%dma_start3A_202 : memref<400xi32, #tpu.memory_space<hbm>>) target(%arg5 : memref<400xi32, #tpu.memory_space<vmem>>) target_semaphore(%run_scoped3A : memref<!tpu.dma_semaphore, #tpu.memory_space<semaphore_mem>>)
      %dma_wait3A_203 = tpu.memref_slice %arg3[%add3A_10] : memref<320000xi32, #tpu.memory_space<hbm>> -> memref<400xi32, #tpu.memory_space<hbm>>
      %dma_wait3A_204 = tpu.memref_slice %arg3[%add3A_10] : memref<320000xi32, #tpu.memory_space<hbm>> -> memref<400xi32, #tpu.memory_space<hbm>>
      tpu.wait_dma2 semaphore(%run_scoped3A : memref<!tpu.dma_semaphore, #tpu.memory_space<semaphore_mem>>) src(%dma_wait3A_204 : memref<400xi32, #tpu.memory_space<hbm>>) dst(%arg5 : memref<400xi32, #tpu.memory_space<vmem>>)
      tpu.yield
    }) : () -> ()
    %dma_start3A_11 = arith.constant 0 : i32
    %dma_start3A_12 = arith.constant 0 : i32
    %dma_start3A_13 = tpu.memref_slice %arg2[%dma_start3A_11, %dma_start3A_12] : memref<10000x128xf32, #tpu.memory_space<hbm>> -> memref<10000x128xf32, #tpu.memory_space<hbm>>
    tpu.enqueue_indirect_dma source(%dma_start3A_13 : memref<10000x128xf32, #tpu.memory_space<hbm>>) target(%arg6 : memref<400x128xf32, #tpu.memory_space<vmem>>) offsets(%arg5 : memref<400xi32, #tpu.memory_space<vmem>>) semaphore(%arg7 : memref<!tpu.dma_semaphore, #tpu.memory_space<semaphore_mem>>)
    %dma_wait3A_14 = arith.constant 0 : i32
    %dma_wait3A_15 = arith.constant 0 : i32
    %dma_wait3A_16 = tpu.memref_slice %arg2[%dma_wait3A_14, %dma_wait3A_15] : memref<10000x128xf32, #tpu.memory_space<hbm>> -> memref<10000x128xf32, #tpu.memory_space<hbm>>
    tpu.wait_indirect_dma semaphore(%arg7 : memref<!tpu.dma_semaphore, #tpu.memory_space<semaphore_mem>>) src(%dma_wait3A_16 : memref<10000x128xf32, #tpu.memory_space<hbm>>) dst(%arg6 : memref<400x128xf32, #tpu.memory_space<vmem>>)
    "tpu.region"() ({
      %run_scoped3A = tpu.sem_alloc : memref<!tpu.dma_semaphore, #tpu.memory_space<semaphore_mem>>
      %dma_start3A_201 = arith.constant 0 : i32
      %dma_start3A_202 = tpu.memref_slice %arg4[%add3A_10, %dma_start3A_201] : memref<320000x128xf32, #tpu.memory_space<hbm>> -> memref<400x128xf32, #tpu.memory_space<hbm>>
      %dma_start3A_203 = arith.constant 0 : i32
      %dma_start3A_204 = tpu.memref_slice %arg4[%add3A_10, %dma_start3A_203] : memref<320000x128xf32, #tpu.memory_space<hbm>> -> memref<400x128xf32, #tpu.memory_space<hbm>>
      tpu.enqueue_dma source(%arg6 : memref<400x128xf32, #tpu.memory_space<vmem>>) target(%dma_start3A_204 : memref<400x128xf32, #tpu.memory_space<hbm>>) target_semaphore(%run_scoped3A : memref<!tpu.dma_semaphore, #tpu.memory_space<semaphore_mem>>)
      %dma_wait3A_205 = arith.constant 0 : i32
      %dma_wait3A_206 = tpu.memref_slice %arg4[%add3A_10, %dma_wait3A_205] : memref<320000x128xf32, #tpu.memory_space<hbm>> -> memref<400x128xf32, #tpu.memory_space<hbm>>
      %dma_wait3A_207 = arith.constant 0 : i32
      %dma_wait3A_208 = tpu.memref_slice %arg4[%add3A_10, %dma_wait3A_207] : memref<320000x128xf32, #tpu.memory_space<hbm>> -> memref<400x128xf32, #tpu.memory_space<hbm>>
      tpu.wait_dma2 semaphore(%run_scoped3A : memref<!tpu.dma_semaphore, #tpu.memory_space<semaphore_mem>>) src(%arg6 : memref<400x128xf32, #tpu.memory_space<vmem>>) dst(%dma_wait3A_208 : memref<400x128xf32, #tpu.memory_space<hbm>>)
      tpu.yield
    }) : () -> ()
    %add3A_17 = arith.constant 800 : i32
    %add3A_18 = arith.addi %mul3A_2, %add3A_17 : i32
    "tpu.region"() ({
      %run_scoped3A = tpu.sem_alloc : memref<!tpu.dma_semaphore, #tpu.memory_space<semaphore_mem>>
      %dma_start3A_201 = tpu.memref_slice %arg3[%add3A_18] : memref<320000xi32, #tpu.memory_space<hbm>> -> memref<400xi32, #tpu.memory_space<hbm>>
      %dma_start3A_202 = tpu.memref_slice %arg3[%add3A_18] : memref<320000xi32, #tpu.memory_space<hbm>> -> memref<400xi32, #tpu.memory_space<hbm>>
      tpu.enqueue_dma source(%dma_start3A_202 : memref<400xi32, #tpu.memory_space<hbm>>) target(%arg5 : memref<400xi32, #tpu.memory_space<vmem>>) target_semaphore(%run_scoped3A : memref<!tpu.dma_semaphore, #tpu.memory_space<semaphore_mem>>)
      %dma_wait3A_203 = tpu.memref_slice %arg3[%add3A_18] : memref<320000xi32, #tpu.memory_space<hbm>> -> memref<400xi32, #tpu.memory_space<hbm>>
      %dma_wait3A_204 = tpu.memref_slice %arg3[%add3A_18] : memref<320000xi32, #tpu.memory_space<hbm>> -> memref<400xi32, #tpu.memory_space<hbm>>
      tpu.wait_dma2 semaphore(%run_scoped3A : memref<!tpu.dma_semaphore, #tpu.memory_space<semaphore_mem>>) src(%dma_wait3A_204 : memref<400xi32, #tpu.memory_space<hbm>>) dst(%arg5 : memref<400xi32, #tpu.memory_space<vmem>>)
      tpu.yield
    }) : () -> ()
    %dma_start3A_19 = arith.constant 0 : i32
    %dma_start3A_20 = arith.constant 0 : i32
    %dma_start3A_21 = tpu.memref_slice %arg2[%dma_start3A_19, %dma_start3A_20] : memref<10000x128xf32, #tpu.memory_space<hbm>> -> memref<10000x128xf32, #tpu.memory_space<hbm>>
    tpu.enqueue_indirect_dma source(%dma_start3A_21 : memref<10000x128xf32, #tpu.memory_space<hbm>>) target(%arg6 : memref<400x128xf32, #tpu.memory_space<vmem>>) offsets(%arg5 : memref<400xi32, #tpu.memory_space<vmem>>) semaphore(%arg7 : memref<!tpu.dma_semaphore, #tpu.memory_space<semaphore_mem>>)
    %dma_wait3A_22 = arith.constant 0 : i32
    %dma_wait3A_23 = arith.constant 0 : i32
    %dma_wait3A_24 = tpu.memref_slice %arg2[%dma_wait3A_22, %dma_wait3A_23] : memref<10000x128xf32, #tpu.memory_space<hbm>> -> memref<10000x128xf32, #tpu.memory_space<hbm>>
    tpu.wait_indirect_dma semaphore(%arg7 : memref<!tpu.dma_semaphore, #tpu.memory_space<semaphore_mem>>) src(%dma_wait3A_24 : memref<10000x128xf32, #tpu.memory_space<hbm>>) dst(%arg6 : memref<400x128xf32, #tpu.memory_space<vmem>>)
    "tpu.region"() ({
      %run_scoped3A = tpu.sem_alloc : memref<!tpu.dma_semaphore, #tpu.memory_space<semaphore_mem>>
      %dma_start3A_201 = arith.constant 0 : i32
      %dma_start3A_202 = tpu.memref_slice %arg4[%add3A_18, %dma_start3A_201] : memref<320000x128xf32, #tpu.memory_space<hbm>> -> memref<400x128xf32, #tpu.memory_space<hbm>>
      %dma_start3A_203 = arith.constant 0 : i32
      %dma_start3A_204 = tpu.memref_slice %arg4[%add3A_18, %dma_start3A_203] : memref<320000x128xf32, #tpu.memory_space<hbm>> -> memref<400x128xf32, #tpu.memory_space<hbm>>
      tpu.enqueue_dma source(%arg6 : memref<400x128xf32, #tpu.memory_space<vmem>>) target(%dma_start3A_204 : memref<400x128xf32, #tpu.memory_space<hbm>>) target_semaphore(%run_scoped3A : memref<!tpu.dma_semaphore, #tpu.memory_space<semaphore_mem>>)
      %dma_wait3A_205 = arith.constant 0 : i32
      %dma_wait3A_206 = tpu.memref_slice %arg4[%add3A_18, %dma_wait3A_205] : memref<320000x128xf32, #tpu.memory_space<hbm>> -> memref<400x128xf32, #tpu.memory_space<hbm>>
      %dma_wait3A_207 = arith.constant 0 : i32
      %dma_wait3A_208 = tpu.memref_slice %arg4[%add3A_18, %dma_wait3A_207] : memref<320000x128xf32, #tpu.memory_space<hbm>> -> memref<400x128xf32, #tpu.memory_space<hbm>>
      tpu.wait_dma2 semaphore(%run_scoped3A : memref<!tpu.dma_semaphore, #tpu.memory_space<semaphore_mem>>) src(%arg6 : memref<400x128xf32, #tpu.memory_space<vmem>>) dst(%dma_wait3A_208 : memref<400x128xf32, #tpu.memory_space<hbm>>)
      tpu.yield
    }) : () -> ()
    %add3A_25 = arith.constant 1200 : i32
    %add3A_26 = arith.addi %mul3A_2, %add3A_25 : i32
    "tpu.region"() ({
      %run_scoped3A = tpu.sem_alloc : memref<!tpu.dma_semaphore, #tpu.memory_space<semaphore_mem>>
      %dma_start3A_201 = tpu.memref_slice %arg3[%add3A_26] : memref<320000xi32, #tpu.memory_space<hbm>> -> memref<400xi32, #tpu.memory_space<hbm>>
      %dma_start3A_202 = tpu.memref_slice %arg3[%add3A_26] : memref<320000xi32, #tpu.memory_space<hbm>> -> memref<400xi32, #tpu.memory_space<hbm>>
      tpu.enqueue_dma source(%dma_start3A_202 : memref<400xi32, #tpu.memory_space<hbm>>) target(%arg5 : memref<400xi32, #tpu.memory_space<vmem>>) target_semaphore(%run_scoped3A : memref<!tpu.dma_semaphore, #tpu.memory_space<semaphore_mem>>)
      %dma_wait3A_203 = tpu.memref_slice %arg3[%add3A_26] : memref<320000xi32, #tpu.memory_space<hbm>> -> memref<400xi32, #tpu.memory_space<hbm>>
      %dma_wait3A_204 = tpu.memref_slice %arg3[%add3A_26] : memref<320000xi32, #tpu.memory_space<hbm>> -> memref<400xi32, #tpu.memory_space<hbm>>
      tpu.wait_dma2 semaphore(%run_scoped3A : memref<!tpu.dma_semaphore, #tpu.memory_space<semaphore_mem>>) src(%dma_wait3A_204 : memref<400xi32, #tpu.memory_space<hbm>>) dst(%arg5 : memref<400xi32, #tpu.memory_space<vmem>>)
      tpu.yield
    }) : () -> ()
    %dma_start3A_27 = arith.constant 0 : i32
    %dma_start3A_28 = arith.constant 0 : i32
    %dma_start3A_29 = tpu.memref_slice %arg2[%dma_start3A_27, %dma_start3A_28] : memref<10000x128xf32, #tpu.memory_space<hbm>> -> memref<10000x128xf32, #tpu.memory_space<hbm>>
    tpu.enqueue_indirect_dma source(%dma_start3A_29 : memref<10000x128xf32, #tpu.memory_space<hbm>>) target(%arg6 : memref<400x128xf32, #tpu.memory_space<vmem>>) offsets(%arg5 : memref<400xi32, #tpu.memory_space<vmem>>) semaphore(%arg7 : memref<!tpu.dma_semaphore, #tpu.memory_space<semaphore_mem>>)
    %dma_wait3A_30 = arith.constant 0 : i32
    %dma_wait3A_31 = arith.constant 0 : i32
    %dma_wait3A_32 = tpu.memref_slice %arg2[%dma_wait3A_30, %dma_wait3A_31] : memref<10000x128xf32, #tpu.memory_space<hbm>> -> memref<10000x128xf32, #tpu.memory_space<hbm>>
    tpu.wait_indirect_dma semaphore(%arg7 : memref<!tpu.dma_semaphore, #tpu.memory_space<semaphore_mem>>) src(%dma_wait3A_32 : memref<10000x128xf32, #tpu.memory_space<hbm>>) dst(%arg6 : memref<400x128xf32, #tpu.memory_space<vmem>>)
    "tpu.region"() ({
      %run_scoped3A = tpu.sem_alloc : memref<!tpu.dma_semaphore, #tpu.memory_space<semaphore_mem>>
      %dma_start3A_201 = arith.constant 0 : i32
      %dma_start3A_202 = tpu.memref_slice %arg4[%add3A_26, %dma_start3A_201] : memref<320000x128xf32, #tpu.memory_space<hbm>> -> memref<400x128xf32, #tpu.memory_space<hbm>>
      %dma_start3A_203 = arith.constant 0 : i32
      %dma_start3A_204 = tpu.memref_slice %arg4[%add3A_26, %dma_start3A_203] : memref<320000x128xf32, #tpu.memory_space<hbm>> -> memref<400x128xf32, #tpu.memory_space<hbm>>
      tpu.enqueue_dma source(%arg6 : memref<400x128xf32, #tpu.memory_space<vmem>>) target(%dma_start3A_204 : memref<400x128xf32, #tpu.memory_space<hbm>>) target_semaphore(%run_scoped3A : memref<!tpu.dma_semaphore, #tpu.memory_space<semaphore_mem>>)
      %dma_wait3A_205 = arith.constant 0 : i32
      %dma_wait3A_206 = tpu.memref_slice %arg4[%add3A_26, %dma_wait3A_205] : memref<320000x128xf32, #tpu.memory_space<hbm>> -> memref<400x128xf32, #tpu.memory_space<hbm>>
      %dma_wait3A_207 = arith.constant 0 : i32
      %dma_wait3A_208 = tpu.memref_slice %arg4[%add3A_26, %dma_wait3A_207] : memref<320000x128xf32, #tpu.memory_space<hbm>> -> memref<400x128xf32, #tpu.memory_space<hbm>>
      tpu.wait_dma2 semaphore(%run_scoped3A : memref<!tpu.dma_semaphore, #tpu.memory_space<semaphore_mem>>) src(%arg6 : memref<400x128xf32, #tpu.memory_space<vmem>>) dst(%dma_wait3A_208 : memref<400x128xf32, #tpu.memory_space<hbm>>)
      tpu.yield
    }) : () -> ()
    %add3A_33 = arith.constant 1600 : i32
    %add3A_34 = arith.addi %mul3A_2, %add3A_33 : i32
    "tpu.region"() ({
      %run_scoped3A = tpu.sem_alloc : memref<!tpu.dma_semaphore, #tpu.memory_space<semaphore_mem>>
      %dma_start3A_201 = tpu.memref_slice %arg3[%add3A_34] : memref<320000xi32, #tpu.memory_space<hbm>> -> memref<400xi32, #tpu.memory_space<hbm>>
      %dma_start3A_202 = tpu.memref_slice %arg3[%add3A_34] : memref<320000xi32, #tpu.memory_space<hbm>> -> memref<400xi32, #tpu.memory_space<hbm>>
      tpu.enqueue_dma source(%dma_start3A_202 : memref<400xi32, #tpu.memory_space<hbm>>) target(%arg5 : memref<400xi32, #tpu.memory_space<vmem>>) target_semaphore(%run_scoped3A : memref<!tpu.dma_semaphore, #tpu.memory_space<semaphore_mem>>)
      %dma_wait3A_203 = tpu.memref_slice %arg3[%add3A_34] : memref<320000xi32, #tpu.memory_space<hbm>> -> memref<400xi32, #tpu.memory_space<hbm>>
      %dma_wait3A_204 = tpu.memref_slice %arg3[%add3A_34] : memref<320000xi32, #tpu.memory_space<hbm>> -> memref<400xi32, #tpu.memory_space<hbm>>
      tpu.wait_dma2 semaphore(%run_scoped3A : memref<!tpu.dma_semaphore, #tpu.memory_space<semaphore_mem>>) src(%dma_wait3A_204 : memref<400xi32, #tpu.memory_space<hbm>>) dst(%arg5 : memref<400xi32, #tpu.memory_space<vmem>>)
      tpu.yield
    }) : () -> ()
    %dma_start3A_35 = arith.constant 0 : i32
    %dma_start3A_36 = arith.constant 0 : i32
    %dma_start3A_37 = tpu.memref_slice %arg2[%dma_start3A_35, %dma_start3A_36] : memref<10000x128xf32, #tpu.memory_space<hbm>> -> memref<10000x128xf32, #tpu.memory_space<hbm>>
    tpu.enqueue_indirect_dma source(%dma_start3A_37 : memref<10000x128xf32, #tpu.memory_space<hbm>>) target(%arg6 : memref<400x128xf32, #tpu.memory_space<vmem>>) offsets(%arg5 : memref<400xi32, #tpu.memory_space<vmem>>) semaphore(%arg7 : memref<!tpu.dma_semaphore, #tpu.memory_space<semaphore_mem>>)
    %dma_wait3A_38 = arith.constant 0 : i32
    %dma_wait3A_39 = arith.constant 0 : i32
    %dma_wait3A_40 = tpu.memref_slice %arg2[%dma_wait3A_38, %dma_wait3A_39] : memref<10000x128xf32, #tpu.memory_space<hbm>> -> memref<10000x128xf32, #tpu.memory_space<hbm>>
    tpu.wait_indirect_dma semaphore(%arg7 : memref<!tpu.dma_semaphore, #tpu.memory_space<semaphore_mem>>) src(%dma_wait3A_40 : memref<10000x128xf32, #tpu.memory_space<hbm>>) dst(%arg6 : memref<400x128xf32, #tpu.memory_space<vmem>>)
    "tpu.region"() ({
      %run_scoped3A = tpu.sem_alloc : memref<!tpu.dma_semaphore, #tpu.memory_space<semaphore_mem>>
      %dma_start3A_201 = arith.constant 0 : i32
      %dma_start3A_202 = tpu.memref_slice %arg4[%add3A_34, %dma_start3A_201] : memref<320000x128xf32, #tpu.memory_space<hbm>> -> memref<400x128xf32, #tpu.memory_space<hbm>>
      %dma_start3A_203 = arith.constant 0 : i32
      %dma_start3A_204 = tpu.memref_slice %arg4[%add3A_34, %dma_start3A_203] : memref<320000x128xf32, #tpu.memory_space<hbm>> -> memref<400x128xf32, #tpu.memory_space<hbm>>
      tpu.enqueue_dma source(%arg6 : memref<400x128xf32, #tpu.memory_space<vmem>>) target(%dma_start3A_204 : memref<400x128xf32, #tpu.memory_space<hbm>>) target_semaphore(%run_scoped3A : memref<!tpu.dma_semaphore, #tpu.memory_space<semaphore_mem>>)
      %dma_wait3A_205 = arith.constant 0 : i32
      %dma_wait3A_206 = tpu.memref_slice %arg4[%add3A_34, %dma_wait3A_205] : memref<320000x128xf32, #tpu.memory_space<hbm>> -> memref<400x128xf32, #tpu.memory_space<hbm>>
      %dma_wait3A_207 = arith.constant 0 : i32
      %dma_wait3A_208 = tpu.memref_slice %arg4[%add3A_34, %dma_wait3A_207] : memref<320000x128xf32, #tpu.memory_space<hbm>> -> memref<400x128xf32, #tpu.memory_space<hbm>>
      tpu.wait_dma2 semaphore(%run_scoped3A : memref<!tpu.dma_semaphore, #tpu.memory_space<semaphore_mem>>) src(%arg6 : memref<400x128xf32, #tpu.memory_space<vmem>>) dst(%dma_wait3A_208 : memref<400x128xf32, #tpu.memory_space<hbm>>)
      tpu.yield
    }) : () -> ()
    %add3A_41 = arith.constant 2000 : i32
    %add3A_42 = arith.addi %mul3A_2, %add3A_41 : i32
    "tpu.region"() ({
      %run_scoped3A = tpu.sem_alloc : memref<!tpu.dma_semaphore, #tpu.memory_space<semaphore_mem>>
      %dma_start3A_201 = tpu.memref_slice %arg3[%add3A_42] : memref<320000xi32, #tpu.memory_space<hbm>> -> memref<400xi32, #tpu.memory_space<hbm>>
      %dma_start3A_202 = tpu.memref_slice %arg3[%add3A_42] : memref<320000xi32, #tpu.memory_space<hbm>> -> memref<400xi32, #tpu.memory_space<hbm>>
      tpu.enqueue_dma source(%dma_start3A_202 : memref<400xi32, #tpu.memory_space<hbm>>) target(%arg5 : memref<400xi32, #tpu.memory_space<vmem>>) target_semaphore(%run_scoped3A : memref<!tpu.dma_semaphore, #tpu.memory_space<semaphore_mem>>)
      %dma_wait3A_203 = tpu.memref_slice %arg3[%add3A_42] : memref<320000xi32, #tpu.memory_space<hbm>> -> memref<400xi32, #tpu.memory_space<hbm>>
      %dma_wait3A_204 = tpu.memref_slice %arg3[%add3A_42] : memref<320000xi32, #tpu.memory_space<hbm>> -> memref<400xi32, #tpu.memory_space<hbm>>
      tpu.wait_dma2 semaphore(%run_scoped3A : memref<!tpu.dma_semaphore, #tpu.memory_space<semaphore_mem>>) src(%dma_wait3A_204 : memref<400xi32, #tpu.memory_space<hbm>>) dst(%arg5 : memref<400xi32, #tpu.memory_space<vmem>>)
      tpu.yield
    }) : () -> ()
    %dma_start3A_43 = arith.constant 0 : i32
    %dma_start3A_44 = arith.constant 0 : i32
    %dma_start3A_45 = tpu.memref_slice %arg2[%dma_start3A_43, %dma_start3A_44] : memref<10000x128xf32, #tpu.memory_space<hbm>> -> memref<10000x128xf32, #tpu.memory_space<hbm>>
    tpu.enqueue_indirect_dma source(%dma_start3A_45 : memref<10000x128xf32, #tpu.memory_space<hbm>>) target(%arg6 : memref<400x128xf32, #tpu.memory_space<vmem>>) offsets(%arg5 : memref<400xi32, #tpu.memory_space<vmem>>) semaphore(%arg7 : memref<!tpu.dma_semaphore, #tpu.memory_space<semaphore_mem>>)
    %dma_wait3A_46 = arith.constant 0 : i32
    %dma_wait3A_47 = arith.constant 0 : i32
    %dma_wait3A_48 = tpu.memref_slice %arg2[%dma_wait3A_46, %dma_wait3A_47] : memref<10000x128xf32, #tpu.memory_space<hbm>> -> memref<10000x128xf32, #tpu.memory_space<hbm>>
    tpu.wait_indirect_dma semaphore(%arg7 : memref<!tpu.dma_semaphore, #tpu.memory_space<semaphore_mem>>) src(%dma_wait3A_48 : memref<10000x128xf32, #tpu.memory_space<hbm>>) dst(%arg6 : memref<400x128xf32, #tpu.memory_space<vmem>>)
    "tpu.region"() ({
      %run_scoped3A = tpu.sem_alloc : memref<!tpu.dma_semaphore, #tpu.memory_space<semaphore_mem>>
      %dma_start3A_201 = arith.constant 0 : i32
      %dma_start3A_202 = tpu.memref_slice %arg4[%add3A_42, %dma_start3A_201] : memref<320000x128xf32, #tpu.memory_space<hbm>> -> memref<400x128xf32, #tpu.memory_space<hbm>>
      %dma_start3A_203 = arith.constant 0 : i32
      %dma_start3A_204 = tpu.memref_slice %arg4[%add3A_42, %dma_start3A_203] : memref<320000x128xf32, #tpu.memory_space<hbm>> -> memref<400x128xf32, #tpu.memory_space<hbm>>
      tpu.enqueue_dma source(%arg6 : memref<400x128xf32, #tpu.memory_space<vmem>>) target(%dma_start3A_204 : memref<400x128xf32, #tpu.memory_space<hbm>>) target_semaphore(%run_scoped3A : memref<!tpu.dma_semaphore, #tpu.memory_space<semaphore_mem>>)
      %dma_wait3A_205 = arith.constant 0 : i32
      %dma_wait3A_206 = tpu.memref_slice %arg4[%add3A_42, %dma_wait3A_205] : memref<320000x128xf32, #tpu.memory_space<hbm>> -> memref<400x128xf32, #tpu.memory_space<hbm>>
      %dma_wait3A_207 = arith.constant 0 : i32
      %dma_wait3A_208 = tpu.memref_slice %arg4[%add3A_42, %dma_wait3A_207] : memref<320000x128xf32, #tpu.memory_space<hbm>> -> memref<400x128xf32, #tpu.memory_space<hbm>>
      tpu.wait_dma2 semaphore(%run_scoped3A : memref<!tpu.dma_semaphore, #tpu.memory_space<semaphore_mem>>) src(%arg6 : memref<400x128xf32, #tpu.memory_space<vmem>>) dst(%dma_wait3A_208 : memref<400x128xf32, #tpu.memory_space<hbm>>)
      tpu.yield
    }) : () -> ()
    %add3A_49 = arith.constant 2400 : i32
    %add3A_50 = arith.addi %mul3A_2, %add3A_49 : i32
    "tpu.region"() ({
      %run_scoped3A = tpu.sem_alloc : memref<!tpu.dma_semaphore, #tpu.memory_space<semaphore_mem>>
      %dma_start3A_201 = tpu.memref_slice %arg3[%add3A_50] : memref<320000xi32, #tpu.memory_space<hbm>> -> memref<400xi32, #tpu.memory_space<hbm>>
      %dma_start3A_202 = tpu.memref_slice %arg3[%add3A_50] : memref<320000xi32, #tpu.memory_space<hbm>> -> memref<400xi32, #tpu.memory_space<hbm>>
      tpu.enqueue_dma source(%dma_start3A_202 : memref<400xi32, #tpu.memory_space<hbm>>) target(%arg5 : memref<400xi32, #tpu.memory_space<vmem>>) target_semaphore(%run_scoped3A : memref<!tpu.dma_semaphore, #tpu.memory_space<semaphore_mem>>)
      %dma_wait3A_203 = tpu.memref_slice %arg3[%add3A_50] : memref<320000xi32, #tpu.memory_space<hbm>> -> memref<400xi32, #tpu.memory_space<hbm>>
      %dma_wait3A_204 = tpu.memref_slice %arg3[%add3A_50] : memref<320000xi32, #tpu.memory_space<hbm>> -> memref<400xi32, #tpu.memory_space<hbm>>
      tpu.wait_dma2 semaphore(%run_scoped3A : memref<!tpu.dma_semaphore, #tpu.memory_space<semaphore_mem>>) src(%dma_wait3A_204 : memref<400xi32, #tpu.memory_space<hbm>>) dst(%arg5 : memref<400xi32, #tpu.memory_space<vmem>>)
      tpu.yield
    }) : () -> ()
    %dma_start3A_51 = arith.constant 0 : i32
    %dma_start3A_52 = arith.constant 0 : i32
    %dma_start3A_53 = tpu.memref_slice %arg2[%dma_start3A_51, %dma_start3A_52] : memref<10000x128xf32, #tpu.memory_space<hbm>> -> memref<10000x128xf32, #tpu.memory_space<hbm>>
    tpu.enqueue_indirect_dma source(%dma_start3A_53 : memref<10000x128xf32, #tpu.memory_space<hbm>>) target(%arg6 : memref<400x128xf32, #tpu.memory_space<vmem>>) offsets(%arg5 : memref<400xi32, #tpu.memory_space<vmem>>) semaphore(%arg7 : memref<!tpu.dma_semaphore, #tpu.memory_space<semaphore_mem>>)
    %dma_wait3A_54 = arith.constant 0 : i32
    %dma_wait3A_55 = arith.constant 0 : i32
    %dma_wait3A_56 = tpu.memref_slice %arg2[%dma_wait3A_54, %dma_wait3A_55] : memref<10000x128xf32, #tpu.memory_space<hbm>> -> memref<10000x128xf32, #tpu.memory_space<hbm>>
    tpu.wait_indirect_dma semaphore(%arg7 : memref<!tpu.dma_semaphore, #tpu.memory_space<semaphore_mem>>) src(%dma_wait3A_56 : memref<10000x128xf32, #tpu.memory_space<hbm>>) dst(%arg6 : memref<400x128xf32, #tpu.memory_space<vmem>>)
    "tpu.region"() ({
      %run_scoped3A = tpu.sem_alloc : memref<!tpu.dma_semaphore, #tpu.memory_space<semaphore_mem>>
      %dma_start3A_201 = arith.constant 0 : i32
      %dma_start3A_202 = tpu.memref_slice %arg4[%add3A_50, %dma_start3A_201] : memref<320000x128xf32, #tpu.memory_space<hbm>> -> memref<400x128xf32, #tpu.memory_space<hbm>>
      %dma_start3A_203 = arith.constant 0 : i32
      %dma_start3A_204 = tpu.memref_slice %arg4[%add3A_50, %dma_start3A_203] : memref<320000x128xf32, #tpu.memory_space<hbm>> -> memref<400x128xf32, #tpu.memory_space<hbm>>
      tpu.enqueue_dma source(%arg6 : memref<400x128xf32, #tpu.memory_space<vmem>>) target(%dma_start3A_204 : memref<400x128xf32, #tpu.memory_space<hbm>>) target_semaphore(%run_scoped3A : memref<!tpu.dma_semaphore, #tpu.memory_space<semaphore_mem>>)
      %dma_wait3A_205 = arith.constant 0 : i32
      %dma_wait3A_206 = tpu.memref_slice %arg4[%add3A_50, %dma_wait3A_205] : memref<320000x128xf32, #tpu.memory_space<hbm>> -> memref<400x128xf32, #tpu.memory_space<hbm>>
      %dma_wait3A_207 = arith.constant 0 : i32
      %dma_wait3A_208 = tpu.memref_slice %arg4[%add3A_50, %dma_wait3A_207] : memref<320000x128xf32, #tpu.memory_space<hbm>> -> memref<400x128xf32, #tpu.memory_space<hbm>>
      tpu.wait_dma2 semaphore(%run_scoped3A : memref<!tpu.dma_semaphore, #tpu.memory_space<semaphore_mem>>) src(%arg6 : memref<400x128xf32, #tpu.memory_space<vmem>>) dst(%dma_wait3A_208 : memref<400x128xf32, #tpu.memory_space<hbm>>)
      tpu.yield
    }) : () -> ()
    %add3A_57 = arith.constant 2800 : i32
    %add3A_58 = arith.addi %mul3A_2, %add3A_57 : i32
    "tpu.region"() ({
      %run_scoped3A = tpu.sem_alloc : memref<!tpu.dma_semaphore, #tpu.memory_space<semaphore_mem>>
      %dma_start3A_201 = tpu.memref_slice %arg3[%add3A_58] : memref<320000xi32, #tpu.memory_space<hbm>> -> memref<400xi32, #tpu.memory_space<hbm>>
      %dma_start3A_202 = tpu.memref_slice %arg3[%add3A_58] : memref<320000xi32, #tpu.memory_space<hbm>> -> memref<400xi32, #tpu.memory_space<hbm>>
      tpu.enqueue_dma source(%dma_start3A_202 : memref<400xi32, #tpu.memory_space<hbm>>) target(%arg5 : memref<400xi32, #tpu.memory_space<vmem>>) target_semaphore(%run_scoped3A : memref<!tpu.dma_semaphore, #tpu.memory_space<semaphore_mem>>)
      %dma_wait3A_203 = tpu.memref_slice %arg3[%add3A_58] : memref<320000xi32, #tpu.memory_space<hbm>> -> memref<400xi32, #tpu.memory_space<hbm>>
      %dma_wait3A_204 = tpu.memref_slice %arg3[%add3A_58] : memref<320000xi32, #tpu.memory_space<hbm>> -> memref<400xi32, #tpu.memory_space<hbm>>
      tpu.wait_dma2 semaphore(%run_scoped3A : memref<!tpu.dma_semaphore, #tpu.memory_space<semaphore_mem>>) src(%dma_wait3A_204 : memref<400xi32, #tpu.memory_space<hbm>>) dst(%arg5 : memref<400xi32, #tpu.memory_space<vmem>>)
      tpu.yield
    }) : () -> ()
    %dma_start3A_59 = arith.constant 0 : i32
    %dma_start3A_60 = arith.constant 0 : i32
    %dma_start3A_61 = tpu.memref_slice %arg2[%dma_start3A_59, %dma_start3A_60] : memref<10000x128xf32, #tpu.memory_space<hbm>> -> memref<10000x128xf32, #tpu.memory_space<hbm>>
    tpu.enqueue_indirect_dma source(%dma_start3A_61 : memref<10000x128xf32, #tpu.memory_space<hbm>>) target(%arg6 : memref<400x128xf32, #tpu.memory_space<vmem>>) offsets(%arg5 : memref<400xi32, #tpu.memory_space<vmem>>) semaphore(%arg7 : memref<!tpu.dma_semaphore, #tpu.memory_space<semaphore_mem>>)
    %dma_wait3A_62 = arith.constant 0 : i32
    %dma_wait3A_63 = arith.constant 0 : i32
    %dma_wait3A_64 = tpu.memref_slice %arg2[%dma_wait3A_62, %dma_wait3A_63] : memref<10000x128xf32, #tpu.memory_space<hbm>> -> memref<10000x128xf32, #tpu.memory_space<hbm>>
    tpu.wait_indirect_dma semaphore(%arg7 : memref<!tpu.dma_semaphore, #tpu.memory_space<semaphore_mem>>) src(%dma_wait3A_64 : memref<10000x128xf32, #tpu.memory_space<hbm>>) dst(%arg6 : memref<400x128xf32, #tpu.memory_space<vmem>>)
    "tpu.region"() ({
      %run_scoped3A = tpu.sem_alloc : memref<!tpu.dma_semaphore, #tpu.memory_space<semaphore_mem>>
      %dma_start3A_201 = arith.constant 0 : i32
      %dma_start3A_202 = tpu.memref_slice %arg4[%add3A_58, %dma_start3A_201] : memref<320000x128xf32, #tpu.memory_space<hbm>> -> memref<400x128xf32, #tpu.memory_space<hbm>>
      %dma_start3A_203 = arith.constant 0 : i32
      %dma_start3A_204 = tpu.memref_slice %arg4[%add3A_58, %dma_start3A_203] : memref<320000x128xf32, #tpu.memory_space<hbm>> -> memref<400x128xf32, #tpu.memory_space<hbm>>
      tpu.enqueue_dma source(%arg6 : memref<400x128xf32, #tpu.memory_space<vmem>>) target(%dma_start3A_204 : memref<400x128xf32, #tpu.memory_space<hbm>>) target_semaphore(%run_scoped3A : memref<!tpu.dma_semaphore, #tpu.memory_space<semaphore_mem>>)
      %dma_wait3A_205 = arith.constant 0 : i32
      %dma_wait3A_206 = tpu.memref_slice %arg4[%add3A_58, %dma_wait3A_205] : memref<320000x128xf32, #tpu.memory_space<hbm>> -> memref<400x128xf32, #tpu.memory_space<hbm>>
      %dma_wait3A_207 = arith.constant 0 : i32
      %dma_wait3A_208 = tpu.memref_slice %arg4[%add3A_58, %dma_wait3A_207] : memref<320000x128xf32, #tpu.memory_space<hbm>> -> memref<400x128xf32, #tpu.memory_space<hbm>>
      tpu.wait_dma2 semaphore(%run_scoped3A : memref<!tpu.dma_semaphore, #tpu.memory_space<semaphore_mem>>) src(%arg6 : memref<400x128xf32, #tpu.memory_space<vmem>>) dst(%dma_wait3A_208 : memref<400x128xf32, #tpu.memory_space<hbm>>)
      tpu.yield
    }) : () -> ()
    %add3A_65 = arith.constant 3200 : i32
    %add3A_66 = arith.addi %mul3A_2, %add3A_65 : i32
    "tpu.region"() ({
      %run_scoped3A = tpu.sem_alloc : memref<!tpu.dma_semaphore, #tpu.memory_space<semaphore_mem>>
      %dma_start3A_201 = tpu.memref_slice %arg3[%add3A_66] : memref<320000xi32, #tpu.memory_space<hbm>> -> memref<400xi32, #tpu.memory_space<hbm>>
      %dma_start3A_202 = tpu.memref_slice %arg3[%add3A_66] : memref<320000xi32, #tpu.memory_space<hbm>> -> memref<400xi32, #tpu.memory_space<hbm>>
      tpu.enqueue_dma source(%dma_start3A_202 : memref<400xi32, #tpu.memory_space<hbm>>) target(%arg5 : memref<400xi32, #tpu.memory_space<vmem>>) target_semaphore(%run_scoped3A : memref<!tpu.dma_semaphore, #tpu.memory_space<semaphore_mem>>)
      %dma_wait3A_203 = tpu.memref_slice %arg3[%add3A_66] : memref<320000xi32, #tpu.memory_space<hbm>> -> memref<400xi32, #tpu.memory_space<hbm>>
      %dma_wait3A_204 = tpu.memref_slice %arg3[%add3A_66] : memref<320000xi32, #tpu.memory_space<hbm>> -> memref<400xi32, #tpu.memory_space<hbm>>
      tpu.wait_dma2 semaphore(%run_scoped3A : memref<!tpu.dma_semaphore, #tpu.memory_space<semaphore_mem>>) src(%dma_wait3A_204 : memref<400xi32, #tpu.memory_space<hbm>>) dst(%arg5 : memref<400xi32, #tpu.memory_space<vmem>>)
      tpu.yield
    }) : () -> ()
    %dma_start3A_67 = arith.constant 0 : i32
    %dma_start3A_68 = arith.constant 0 : i32
    %dma_start3A_69 = tpu.memref_slice %arg2[%dma_start3A_67, %dma_start3A_68] : memref<10000x128xf32, #tpu.memory_space<hbm>> -> memref<10000x128xf32, #tpu.memory_space<hbm>>
    tpu.enqueue_indirect_dma source(%dma_start3A_69 : memref<10000x128xf32, #tpu.memory_space<hbm>>) target(%arg6 : memref<400x128xf32, #tpu.memory_space<vmem>>) offsets(%arg5 : memref<400xi32, #tpu.memory_space<vmem>>) semaphore(%arg7 : memref<!tpu.dma_semaphore, #tpu.memory_space<semaphore_mem>>)
    %dma_wait3A_70 = arith.constant 0 : i32
    %dma_wait3A_71 = arith.constant 0 : i32
    %dma_wait3A_72 = tpu.memref_slice %arg2[%dma_wait3A_70, %dma_wait3A_71] : memref<10000x128xf32, #tpu.memory_space<hbm>> -> memref<10000x128xf32, #tpu.memory_space<hbm>>
    tpu.wait_indirect_dma semaphore(%arg7 : memref<!tpu.dma_semaphore, #tpu.memory_space<semaphore_mem>>) src(%dma_wait3A_72 : memref<10000x128xf32, #tpu.memory_space<hbm>>) dst(%arg6 : memref<400x128xf32, #tpu.memory_space<vmem>>)
    "tpu.region"() ({
      %run_scoped3A = tpu.sem_alloc : memref<!tpu.dma_semaphore, #tpu.memory_space<semaphore_mem>>
      %dma_start3A_201 = arith.constant 0 : i32
      %dma_start3A_202 = tpu.memref_slice %arg4[%add3A_66, %dma_start3A_201] : memref<320000x128xf32, #tpu.memory_space<hbm>> -> memref<400x128xf32, #tpu.memory_space<hbm>>
      %dma_start3A_203 = arith.constant 0 : i32
      %dma_start3A_204 = tpu.memref_slice %arg4[%add3A_66, %dma_start3A_203] : memref<320000x128xf32, #tpu.memory_space<hbm>> -> memref<400x128xf32, #tpu.memory_space<hbm>>
      tpu.enqueue_dma source(%arg6 : memref<400x128xf32, #tpu.memory_space<vmem>>) target(%dma_start3A_204 : memref<400x128xf32, #tpu.memory_space<hbm>>) target_semaphore(%run_scoped3A : memref<!tpu.dma_semaphore, #tpu.memory_space<semaphore_mem>>)
      %dma_wait3A_205 = arith.constant 0 : i32
      %dma_wait3A_206 = tpu.memref_slice %arg4[%add3A_66, %dma_wait3A_205] : memref<320000x128xf32, #tpu.memory_space<hbm>> -> memref<400x128xf32, #tpu.memory_space<hbm>>
      %dma_wait3A_207 = arith.constant 0 : i32
      %dma_wait3A_208 = tpu.memref_slice %arg4[%add3A_66, %dma_wait3A_207] : memref<320000x128xf32, #tpu.memory_space<hbm>> -> memref<400x128xf32, #tpu.memory_space<hbm>>
      tpu.wait_dma2 semaphore(%run_scoped3A : memref<!tpu.dma_semaphore, #tpu.memory_space<semaphore_mem>>) src(%arg6 : memref<400x128xf32, #tpu.memory_space<vmem>>) dst(%dma_wait3A_208 : memref<400x128xf32, #tpu.memory_space<hbm>>)
      tpu.yield
    }) : () -> ()
    %add3A_73 = arith.constant 3600 : i32
    %add3A_74 = arith.addi %mul3A_2, %add3A_73 : i32
    "tpu.region"() ({
      %run_scoped3A = tpu.sem_alloc : memref<!tpu.dma_semaphore, #tpu.memory_space<semaphore_mem>>
      %dma_start3A_201 = tpu.memref_slice %arg3[%add3A_74] : memref<320000xi32, #tpu.memory_space<hbm>> -> memref<400xi32, #tpu.memory_space<hbm>>
      %dma_start3A_202 = tpu.memref_slice %arg3[%add3A_74] : memref<320000xi32, #tpu.memory_space<hbm>> -> memref<400xi32, #tpu.memory_space<hbm>>
      tpu.enqueue_dma source(%dma_start3A_202 : memref<400xi32, #tpu.memory_space<hbm>>) target(%arg5 : memref<400xi32, #tpu.memory_space<vmem>>) target_semaphore(%run_scoped3A : memref<!tpu.dma_semaphore, #tpu.memory_space<semaphore_mem>>)
      %dma_wait3A_203 = tpu.memref_slice %arg3[%add3A_74] : memref<320000xi32, #tpu.memory_space<hbm>> -> memref<400xi32, #tpu.memory_space<hbm>>
      %dma_wait3A_204 = tpu.memref_slice %arg3[%add3A_74] : memref<320000xi32, #tpu.memory_space<hbm>> -> memref<400xi32, #tpu.memory_space<hbm>>
      tpu.wait_dma2 semaphore(%run_scoped3A : memref<!tpu.dma_semaphore, #tpu.memory_space<semaphore_mem>>) src(%dma_wait3A_204 : memref<400xi32, #tpu.memory_space<hbm>>) dst(%arg5 : memref<400xi32, #tpu.memory_space<vmem>>)
      tpu.yield
    }) : () -> ()
    %dma_start3A_75 = arith.constant 0 : i32
    %dma_start3A_76 = arith.constant 0 : i32
    %dma_start3A_77 = tpu.memref_slice %arg2[%dma_start3A_75, %dma_start3A_76] : memref<10000x128xf32, #tpu.memory_space<hbm>> -> memref<10000x128xf32, #tpu.memory_space<hbm>>
    tpu.enqueue_indirect_dma source(%dma_start3A_77 : memref<10000x128xf32, #tpu.memory_space<hbm>>) target(%arg6 : memref<400x128xf32, #tpu.memory_space<vmem>>) offsets(%arg5 : memref<400xi32, #tpu.memory_space<vmem>>) semaphore(%arg7 : memref<!tpu.dma_semaphore, #tpu.memory_space<semaphore_mem>>)
    %dma_wait3A_78 = arith.constant 0 : i32
    %dma_wait3A_79 = arith.constant 0 : i32
    %dma_wait3A_80 = tpu.memref_slice %arg2[%dma_wait3A_78, %dma_wait3A_79] : memref<10000x128xf32, #tpu.memory_space<hbm>> -> memref<10000x128xf32, #tpu.memory_space<hbm>>
    tpu.wait_indirect_dma semaphore(%arg7 : memref<!tpu.dma_semaphore, #tpu.memory_space<semaphore_mem>>) src(%dma_wait3A_80 : memref<10000x128xf32, #tpu.memory_space<hbm>>) dst(%arg6 : memref<400x128xf32, #tpu.memory_space<vmem>>)
    "tpu.region"() ({
      %run_scoped3A = tpu.sem_alloc : memref<!tpu.dma_semaphore, #tpu.memory_space<semaphore_mem>>
      %dma_start3A_201 = arith.constant 0 : i32
      %dma_start3A_202 = tpu.memref_slice %arg4[%add3A_74, %dma_start3A_201] : memref<320000x128xf32, #tpu.memory_space<hbm>> -> memref<400x128xf32, #tpu.memory_space<hbm>>
      %dma_start3A_203 = arith.constant 0 : i32
      %dma_start3A_204 = tpu.memref_slice %arg4[%add3A_74, %dma_start3A_203] : memref<320000x128xf32, #tpu.memory_space<hbm>> -> memref<400x128xf32, #tpu.memory_space<hbm>>
      tpu.enqueue_dma source(%arg6 : memref<400x128xf32, #tpu.memory_space<vmem>>) target(%dma_start3A_204 : memref<400x128xf32, #tpu.memory_space<hbm>>) target_semaphore(%run_scoped3A : memref<!tpu.dma_semaphore, #tpu.memory_space<semaphore_mem>>)
      %dma_wait3A_205 = arith.constant 0 : i32
      %dma_wait3A_206 = tpu.memref_slice %arg4[%add3A_74, %dma_wait3A_205] : memref<320000x128xf32, #tpu.memory_space<hbm>> -> memref<400x128xf32, #tpu.memory_space<hbm>>
      %dma_wait3A_207 = arith.constant 0 : i32
      %dma_wait3A_208 = tpu.memref_slice %arg4[%add3A_74, %dma_wait3A_207] : memref<320000x128xf32, #tpu.memory_space<hbm>> -> memref<400x128xf32, #tpu.memory_space<hbm>>
      tpu.wait_dma2 semaphore(%run_scoped3A : memref<!tpu.dma_semaphore, #tpu.memory_space<semaphore_mem>>) src(%arg6 : memref<400x128xf32, #tpu.memory_space<vmem>>) dst(%dma_wait3A_208 : memref<400x128xf32, #tpu.memory_space<hbm>>)
      tpu.yield
    }) : () -> ()
    %add3A_81 = arith.constant 4000 : i32
    %add3A_82 = arith.addi %mul3A_2, %add3A_81 : i32
    "tpu.region"() ({
      %run_scoped3A = tpu.sem_alloc : memref<!tpu.dma_semaphore, #tpu.memory_space<semaphore_mem>>
      %dma_start3A_201 = tpu.memref_slice %arg3[%add3A_82] : memref<320000xi32, #tpu.memory_space<hbm>> -> memref<400xi32, #tpu.memory_space<hbm>>
      %dma_start3A_202 = tpu.memref_slice %arg3[%add3A_82] : memref<320000xi32, #tpu.memory_space<hbm>> -> memref<400xi32, #tpu.memory_space<hbm>>
      tpu.enqueue_dma source(%dma_start3A_202 : memref<400xi32, #tpu.memory_space<hbm>>) target(%arg5 : memref<400xi32, #tpu.memory_space<vmem>>) target_semaphore(%run_scoped3A : memref<!tpu.dma_semaphore, #tpu.memory_space<semaphore_mem>>)
      %dma_wait3A_203 = tpu.memref_slice %arg3[%add3A_82] : memref<320000xi32, #tpu.memory_space<hbm>> -> memref<400xi32, #tpu.memory_space<hbm>>
      %dma_wait3A_204 = tpu.memref_slice %arg3[%add3A_82] : memref<320000xi32, #tpu.memory_space<hbm>> -> memref<400xi32, #tpu.memory_space<hbm>>
      tpu.wait_dma2 semaphore(%run_scoped3A : memref<!tpu.dma_semaphore, #tpu.memory_space<semaphore_mem>>) src(%dma_wait3A_204 : memref<400xi32, #tpu.memory_space<hbm>>) dst(%arg5 : memref<400xi32, #tpu.memory_space<vmem>>)
      tpu.yield
    }) : () -> ()
    %dma_start3A_83 = arith.constant 0 : i32
    %dma_start3A_84 = arith.constant 0 : i32
    %dma_start3A_85 = tpu.memref_slice %arg2[%dma_start3A_83, %dma_start3A_84] : memref<10000x128xf32, #tpu.memory_space<hbm>> -> memref<10000x128xf32, #tpu.memory_space<hbm>>
    tpu.enqueue_indirect_dma source(%dma_start3A_85 : memref<10000x128xf32, #tpu.memory_space<hbm>>) target(%arg6 : memref<400x128xf32, #tpu.memory_space<vmem>>) offsets(%arg5 : memref<400xi32, #tpu.memory_space<vmem>>) semaphore(%arg7 : memref<!tpu.dma_semaphore, #tpu.memory_space<semaphore_mem>>)
    %dma_wait3A_86 = arith.constant 0 : i32
    %dma_wait3A_87 = arith.constant 0 : i32
    %dma_wait3A_88 = tpu.memref_slice %arg2[%dma_wait3A_86, %dma_wait3A_87] : memref<10000x128xf32, #tpu.memory_space<hbm>> -> memref<10000x128xf32, #tpu.memory_space<hbm>>
    tpu.wait_indirect_dma semaphore(%arg7 : memref<!tpu.dma_semaphore, #tpu.memory_space<semaphore_mem>>) src(%dma_wait3A_88 : memref<10000x128xf32, #tpu.memory_space<hbm>>) dst(%arg6 : memref<400x128xf32, #tpu.memory_space<vmem>>)
    "tpu.region"() ({
      %run_scoped3A = tpu.sem_alloc : memref<!tpu.dma_semaphore, #tpu.memory_space<semaphore_mem>>
      %dma_start3A_201 = arith.constant 0 : i32
      %dma_start3A_202 = tpu.memref_slice %arg4[%add3A_82, %dma_start3A_201] : memref<320000x128xf32, #tpu.memory_space<hbm>> -> memref<400x128xf32, #tpu.memory_space<hbm>>
      %dma_start3A_203 = arith.constant 0 : i32
      %dma_start3A_204 = tpu.memref_slice %arg4[%add3A_82, %dma_start3A_203] : memref<320000x128xf32, #tpu.memory_space<hbm>> -> memref<400x128xf32, #tpu.memory_space<hbm>>
      tpu.enqueue_dma source(%arg6 : memref<400x128xf32, #tpu.memory_space<vmem>>) target(%dma_start3A_204 : memref<400x128xf32, #tpu.memory_space<hbm>>) target_semaphore(%run_scoped3A : memref<!tpu.dma_semaphore, #tpu.memory_space<semaphore_mem>>)
      %dma_wait3A_205 = arith.constant 0 : i32
      %dma_wait3A_206 = tpu.memref_slice %arg4[%add3A_82, %dma_wait3A_205] : memref<320000x128xf32, #tpu.memory_space<hbm>> -> memref<400x128xf32, #tpu.memory_space<hbm>>
      %dma_wait3A_207 = arith.constant 0 : i32
      %dma_wait3A_208 = tpu.memref_slice %arg4[%add3A_82, %dma_wait3A_207] : memref<320000x128xf32, #tpu.memory_space<hbm>> -> memref<400x128xf32, #tpu.memory_space<hbm>>
      tpu.wait_dma2 semaphore(%run_scoped3A : memref<!tpu.dma_semaphore, #tpu.memory_space<semaphore_mem>>) src(%arg6 : memref<400x128xf32, #tpu.memory_space<vmem>>) dst(%dma_wait3A_208 : memref<400x128xf32, #tpu.memory_space<hbm>>)
      tpu.yield
    }) : () -> ()
    %add3A_89 = arith.constant 4400 : i32
    %add3A_90 = arith.addi %mul3A_2, %add3A_89 : i32
    "tpu.region"() ({
      %run_scoped3A = tpu.sem_alloc : memref<!tpu.dma_semaphore, #tpu.memory_space<semaphore_mem>>
      %dma_start3A_201 = tpu.memref_slice %arg3[%add3A_90] : memref<320000xi32, #tpu.memory_space<hbm>> -> memref<400xi32, #tpu.memory_space<hbm>>
      %dma_start3A_202 = tpu.memref_slice %arg3[%add3A_90] : memref<320000xi32, #tpu.memory_space<hbm>> -> memref<400xi32, #tpu.memory_space<hbm>>
      tpu.enqueue_dma source(%dma_start3A_202 : memref<400xi32, #tpu.memory_space<hbm>>) target(%arg5 : memref<400xi32, #tpu.memory_space<vmem>>) target_semaphore(%run_scoped3A : memref<!tpu.dma_semaphore, #tpu.memory_space<semaphore_mem>>)
      %dma_wait3A_203 = tpu.memref_slice %arg3[%add3A_90] : memref<320000xi32, #tpu.memory_space<hbm>> -> memref<400xi32, #tpu.memory_space<hbm>>
      %dma_wait3A_204 = tpu.memref_slice %arg3[%add3A_90] : memref<320000xi32, #tpu.memory_space<hbm>> -> memref<400xi32, #tpu.memory_space<hbm>>
      tpu.wait_dma2 semaphore(%run_scoped3A : memref<!tpu.dma_semaphore, #tpu.memory_space<semaphore_mem>>) src(%dma_wait3A_204 : memref<400xi32, #tpu.memory_space<hbm>>) dst(%arg5 : memref<400xi32, #tpu.memory_space<vmem>>)
      tpu.yield
    }) : () -> ()
    %dma_start3A_91 = arith.constant 0 : i32
    %dma_start3A_92 = arith.constant 0 : i32
    %dma_start3A_93 = tpu.memref_slice %arg2[%dma_start3A_91, %dma_start3A_92] : memref<10000x128xf32, #tpu.memory_space<hbm>> -> memref<10000x128xf32, #tpu.memory_space<hbm>>
    tpu.enqueue_indirect_dma source(%dma_start3A_93 : memref<10000x128xf32, #tpu.memory_space<hbm>>) target(%arg6 : memref<400x128xf32, #tpu.memory_space<vmem>>) offsets(%arg5 : memref<400xi32, #tpu.memory_space<vmem>>) semaphore(%arg7 : memref<!tpu.dma_semaphore, #tpu.memory_space<semaphore_mem>>)
    %dma_wait3A_94 = arith.constant 0 : i32
    %dma_wait3A_95 = arith.constant 0 : i32
    %dma_wait3A_96 = tpu.memref_slice %arg2[%dma_wait3A_94, %dma_wait3A_95] : memref<10000x128xf32, #tpu.memory_space<hbm>> -> memref<10000x128xf32, #tpu.memory_space<hbm>>
    tpu.wait_indirect_dma semaphore(%arg7 : memref<!tpu.dma_semaphore, #tpu.memory_space<semaphore_mem>>) src(%dma_wait3A_96 : memref<10000x128xf32, #tpu.memory_space<hbm>>) dst(%arg6 : memref<400x128xf32, #tpu.memory_space<vmem>>)
    "tpu.region"() ({
      %run_scoped3A = tpu.sem_alloc : memref<!tpu.dma_semaphore, #tpu.memory_space<semaphore_mem>>
      %dma_start3A_201 = arith.constant 0 : i32
      %dma_start3A_202 = tpu.memref_slice %arg4[%add3A_90, %dma_start3A_201] : memref<320000x128xf32, #tpu.memory_space<hbm>> -> memref<400x128xf32, #tpu.memory_space<hbm>>
      %dma_start3A_203 = arith.constant 0 : i32
      %dma_start3A_204 = tpu.memref_slice %arg4[%add3A_90, %dma_start3A_203] : memref<320000x128xf32, #tpu.memory_space<hbm>> -> memref<400x128xf32, #tpu.memory_space<hbm>>
      tpu.enqueue_dma source(%arg6 : memref<400x128xf32, #tpu.memory_space<vmem>>) target(%dma_start3A_204 : memref<400x128xf32, #tpu.memory_space<hbm>>) target_semaphore(%run_scoped3A : memref<!tpu.dma_semaphore, #tpu.memory_space<semaphore_mem>>)
      %dma_wait3A_205 = arith.constant 0 : i32
      %dma_wait3A_206 = tpu.memref_slice %arg4[%add3A_90, %dma_wait3A_205] : memref<320000x128xf32, #tpu.memory_space<hbm>> -> memref<400x128xf32, #tpu.memory_space<hbm>>
      %dma_wait3A_207 = arith.constant 0 : i32
      %dma_wait3A_208 = tpu.memref_slice %arg4[%add3A_90, %dma_wait3A_207] : memref<320000x128xf32, #tpu.memory_space<hbm>> -> memref<400x128xf32, #tpu.memory_space<hbm>>
      tpu.wait_dma2 semaphore(%run_scoped3A : memref<!tpu.dma_semaphore, #tpu.memory_space<semaphore_mem>>) src(%arg6 : memref<400x128xf32, #tpu.memory_space<vmem>>) dst(%dma_wait3A_208 : memref<400x128xf32, #tpu.memory_space<hbm>>)
      tpu.yield
    }) : () -> ()
    %add3A_97 = arith.constant 4800 : i32
    %add3A_98 = arith.addi %mul3A_2, %add3A_97 : i32
    "tpu.region"() ({
      %run_scoped3A = tpu.sem_alloc : memref<!tpu.dma_semaphore, #tpu.memory_space<semaphore_mem>>
      %dma_start3A_201 = tpu.memref_slice %arg3[%add3A_98] : memref<320000xi32, #tpu.memory_space<hbm>> -> memref<400xi32, #tpu.memory_space<hbm>>
      %dma_start3A_202 = tpu.memref_slice %arg3[%add3A_98] : memref<320000xi32, #tpu.memory_space<hbm>> -> memref<400xi32, #tpu.memory_space<hbm>>
      tpu.enqueue_dma source(%dma_start3A_202 : memref<400xi32, #tpu.memory_space<hbm>>) target(%arg5 : memref<400xi32, #tpu.memory_space<vmem>>) target_semaphore(%run_scoped3A : memref<!tpu.dma_semaphore, #tpu.memory_space<semaphore_mem>>)
      %dma_wait3A_203 = tpu.memref_slice %arg3[%add3A_98] : memref<320000xi32, #tpu.memory_space<hbm>> -> memref<400xi32, #tpu.memory_space<hbm>>
      %dma_wait3A_204 = tpu.memref_slice %arg3[%add3A_98] : memref<320000xi32, #tpu.memory_space<hbm>> -> memref<400xi32, #tpu.memory_space<hbm>>
      tpu.wait_dma2 semaphore(%run_scoped3A : memref<!tpu.dma_semaphore, #tpu.memory_space<semaphore_mem>>) src(%dma_wait3A_204 : memref<400xi32, #tpu.memory_space<hbm>>) dst(%arg5 : memref<400xi32, #tpu.memory_space<vmem>>)
      tpu.yield
    }) : () -> ()
    %dma_start3A_99 = arith.constant 0 : i32
    %dma_start3A_100 = arith.constant 0 : i32
    %dma_start3A_101 = tpu.memref_slice %arg2[%dma_start3A_99, %dma_start3A_100] : memref<10000x128xf32, #tpu.memory_space<hbm>> -> memref<10000x128xf32, #tpu.memory_space<hbm>>
    tpu.enqueue_indirect_dma source(%dma_start3A_101 : memref<10000x128xf32, #tpu.memory_space<hbm>>) target(%arg6 : memref<400x128xf32, #tpu.memory_space<vmem>>) offsets(%arg5 : memref<400xi32, #tpu.memory_space<vmem>>) semaphore(%arg7 : memref<!tpu.dma_semaphore, #tpu.memory_space<semaphore_mem>>)
    %dma_wait3A_102 = arith.constant 0 : i32
    %dma_wait3A_103 = arith.constant 0 : i32
    %dma_wait3A_104 = tpu.memref_slice %arg2[%dma_wait3A_102, %dma_wait3A_103] : memref<10000x128xf32, #tpu.memory_space<hbm>> -> memref<10000x128xf32, #tpu.memory_space<hbm>>
    tpu.wait_indirect_dma semaphore(%arg7 : memref<!tpu.dma_semaphore, #tpu.memory_space<semaphore_mem>>) src(%dma_wait3A_104 : memref<10000x128xf32, #tpu.memory_space<hbm>>) dst(%arg6 : memref<400x128xf32, #tpu.memory_space<vmem>>)
    "tpu.region"() ({
      %run_scoped3A = tpu.sem_alloc : memref<!tpu.dma_semaphore, #tpu.memory_space<semaphore_mem>>
      %dma_start3A_201 = arith.constant 0 : i32
      %dma_start3A_202 = tpu.memref_slice %arg4[%add3A_98, %dma_start3A_201] : memref<320000x128xf32, #tpu.memory_space<hbm>> -> memref<400x128xf32, #tpu.memory_space<hbm>>
      %dma_start3A_203 = arith.constant 0 : i32
      %dma_start3A_204 = tpu.memref_slice %arg4[%add3A_98, %dma_start3A_203] : memref<320000x128xf32, #tpu.memory_space<hbm>> -> memref<400x128xf32, #tpu.memory_space<hbm>>
      tpu.enqueue_dma source(%arg6 : memref<400x128xf32, #tpu.memory_space<vmem>>) target(%dma_start3A_204 : memref<400x128xf32, #tpu.memory_space<hbm>>) target_semaphore(%run_scoped3A : memref<!tpu.dma_semaphore, #tpu.memory_space<semaphore_mem>>)
      %dma_wait3A_205 = arith.constant 0 : i32
      %dma_wait3A_206 = tpu.memref_slice %arg4[%add3A_98, %dma_wait3A_205] : memref<320000x128xf32, #tpu.memory_space<hbm>> -> memref<400x128xf32, #tpu.memory_space<hbm>>
      %dma_wait3A_207 = arith.constant 0 : i32
      %dma_wait3A_208 = tpu.memref_slice %arg4[%add3A_98, %dma_wait3A_207] : memref<320000x128xf32, #tpu.memory_space<hbm>> -> memref<400x128xf32, #tpu.memory_space<hbm>>
      tpu.wait_dma2 semaphore(%run_scoped3A : memref<!tpu.dma_semaphore, #tpu.memory_space<semaphore_mem>>) src(%arg6 : memref<400x128xf32, #tpu.memory_space<vmem>>) dst(%dma_wait3A_208 : memref<400x128xf32, #tpu.memory_space<hbm>>)
      tpu.yield
    }) : () -> ()
    %add3A_105 = arith.constant 5200 : i32
    %add3A_106 = arith.addi %mul3A_2, %add3A_105 : i32
    "tpu.region"() ({
      %run_scoped3A = tpu.sem_alloc : memref<!tpu.dma_semaphore, #tpu.memory_space<semaphore_mem>>
      %dma_start3A_201 = tpu.memref_slice %arg3[%add3A_106] : memref<320000xi32, #tpu.memory_space<hbm>> -> memref<400xi32, #tpu.memory_space<hbm>>
      %dma_start3A_202 = tpu.memref_slice %arg3[%add3A_106] : memref<320000xi32, #tpu.memory_space<hbm>> -> memref<400xi32, #tpu.memory_space<hbm>>
      tpu.enqueue_dma source(%dma_start3A_202 : memref<400xi32, #tpu.memory_space<hbm>>) target(%arg5 : memref<400xi32, #tpu.memory_space<vmem>>) target_semaphore(%run_scoped3A : memref<!tpu.dma_semaphore, #tpu.memory_space<semaphore_mem>>)
      %dma_wait3A_203 = tpu.memref_slice %arg3[%add3A_106] : memref<320000xi32, #tpu.memory_space<hbm>> -> memref<400xi32, #tpu.memory_space<hbm>>
      %dma_wait3A_204 = tpu.memref_slice %arg3[%add3A_106] : memref<320000xi32, #tpu.memory_space<hbm>> -> memref<400xi32, #tpu.memory_space<hbm>>
      tpu.wait_dma2 semaphore(%run_scoped3A : memref<!tpu.dma_semaphore, #tpu.memory_space<semaphore_mem>>) src(%dma_wait3A_204 : memref<400xi32, #tpu.memory_space<hbm>>) dst(%arg5 : memref<400xi32, #tpu.memory_space<vmem>>)
      tpu.yield
    }) : () -> ()
    %dma_start3A_107 = arith.constant 0 : i32
    %dma_start3A_108 = arith.constant 0 : i32
    %dma_start3A_109 = tpu.memref_slice %arg2[%dma_start3A_107, %dma_start3A_108] : memref<10000x128xf32, #tpu.memory_space<hbm>> -> memref<10000x128xf32, #tpu.memory_space<hbm>>
    tpu.enqueue_indirect_dma source(%dma_start3A_109 : memref<10000x128xf32, #tpu.memory_space<hbm>>) target(%arg6 : memref<400x128xf32, #tpu.memory_space<vmem>>) offsets(%arg5 : memref<400xi32, #tpu.memory_space<vmem>>) semaphore(%arg7 : memref<!tpu.dma_semaphore, #tpu.memory_space<semaphore_mem>>)
    %dma_wait3A_110 = arith.constant 0 : i32
    %dma_wait3A_111 = arith.constant 0 : i32
    %dma_wait3A_112 = tpu.memref_slice %arg2[%dma_wait3A_110, %dma_wait3A_111] : memref<10000x128xf32, #tpu.memory_space<hbm>> -> memref<10000x128xf32, #tpu.memory_space<hbm>>
    tpu.wait_indirect_dma semaphore(%arg7 : memref<!tpu.dma_semaphore, #tpu.memory_space<semaphore_mem>>) src(%dma_wait3A_112 : memref<10000x128xf32, #tpu.memory_space<hbm>>) dst(%arg6 : memref<400x128xf32, #tpu.memory_space<vmem>>)
    "tpu.region"() ({
      %run_scoped3A = tpu.sem_alloc : memref<!tpu.dma_semaphore, #tpu.memory_space<semaphore_mem>>
      %dma_start3A_201 = arith.constant 0 : i32
      %dma_start3A_202 = tpu.memref_slice %arg4[%add3A_106, %dma_start3A_201] : memref<320000x128xf32, #tpu.memory_space<hbm>> -> memref<400x128xf32, #tpu.memory_space<hbm>>
      %dma_start3A_203 = arith.constant 0 : i32
      %dma_start3A_204 = tpu.memref_slice %arg4[%add3A_106, %dma_start3A_203] : memref<320000x128xf32, #tpu.memory_space<hbm>> -> memref<400x128xf32, #tpu.memory_space<hbm>>
      tpu.enqueue_dma source(%arg6 : memref<400x128xf32, #tpu.memory_space<vmem>>) target(%dma_start3A_204 : memref<400x128xf32, #tpu.memory_space<hbm>>) target_semaphore(%run_scoped3A : memref<!tpu.dma_semaphore, #tpu.memory_space<semaphore_mem>>)
      %dma_wait3A_205 = arith.constant 0 : i32
      %dma_wait3A_206 = tpu.memref_slice %arg4[%add3A_106, %dma_wait3A_205] : memref<320000x128xf32, #tpu.memory_space<hbm>> -> memref<400x128xf32, #tpu.memory_space<hbm>>
      %dma_wait3A_207 = arith.constant 0 : i32
      %dma_wait3A_208 = tpu.memref_slice %arg4[%add3A_106, %dma_wait3A_207] : memref<320000x128xf32, #tpu.memory_space<hbm>> -> memref<400x128xf32, #tpu.memory_space<hbm>>
      tpu.wait_dma2 semaphore(%run_scoped3A : memref<!tpu.dma_semaphore, #tpu.memory_space<semaphore_mem>>) src(%arg6 : memref<400x128xf32, #tpu.memory_space<vmem>>) dst(%dma_wait3A_208 : memref<400x128xf32, #tpu.memory_space<hbm>>)
      tpu.yield
    }) : () -> ()
    %add3A_113 = arith.constant 5600 : i32
    %add3A_114 = arith.addi %mul3A_2, %add3A_113 : i32
    "tpu.region"() ({
      %run_scoped3A = tpu.sem_alloc : memref<!tpu.dma_semaphore, #tpu.memory_space<semaphore_mem>>
      %dma_start3A_201 = tpu.memref_slice %arg3[%add3A_114] : memref<320000xi32, #tpu.memory_space<hbm>> -> memref<400xi32, #tpu.memory_space<hbm>>
      %dma_start3A_202 = tpu.memref_slice %arg3[%add3A_114] : memref<320000xi32, #tpu.memory_space<hbm>> -> memref<400xi32, #tpu.memory_space<hbm>>
      tpu.enqueue_dma source(%dma_start3A_202 : memref<400xi32, #tpu.memory_space<hbm>>) target(%arg5 : memref<400xi32, #tpu.memory_space<vmem>>) target_semaphore(%run_scoped3A : memref<!tpu.dma_semaphore, #tpu.memory_space<semaphore_mem>>)
      %dma_wait3A_203 = tpu.memref_slice %arg3[%add3A_114] : memref<320000xi32, #tpu.memory_space<hbm>> -> memref<400xi32, #tpu.memory_space<hbm>>
      %dma_wait3A_204 = tpu.memref_slice %arg3[%add3A_114] : memref<320000xi32, #tpu.memory_space<hbm>> -> memref<400xi32, #tpu.memory_space<hbm>>
      tpu.wait_dma2 semaphore(%run_scoped3A : memref<!tpu.dma_semaphore, #tpu.memory_space<semaphore_mem>>) src(%dma_wait3A_204 : memref<400xi32, #tpu.memory_space<hbm>>) dst(%arg5 : memref<400xi32, #tpu.memory_space<vmem>>)
      tpu.yield
    }) : () -> ()
    %dma_start3A_115 = arith.constant 0 : i32
    %dma_start3A_116 = arith.constant 0 : i32
    %dma_start3A_117 = tpu.memref_slice %arg2[%dma_start3A_115, %dma_start3A_116] : memref<10000x128xf32, #tpu.memory_space<hbm>> -> memref<10000x128xf32, #tpu.memory_space<hbm>>
    tpu.enqueue_indirect_dma source(%dma_start3A_117 : memref<10000x128xf32, #tpu.memory_space<hbm>>) target(%arg6 : memref<400x128xf32, #tpu.memory_space<vmem>>) offsets(%arg5 : memref<400xi32, #tpu.memory_space<vmem>>) semaphore(%arg7 : memref<!tpu.dma_semaphore, #tpu.memory_space<semaphore_mem>>)
    %dma_wait3A_118 = arith.constant 0 : i32
    %dma_wait3A_119 = arith.constant 0 : i32
    %dma_wait3A_120 = tpu.memref_slice %arg2[%dma_wait3A_118, %dma_wait3A_119] : memref<10000x128xf32, #tpu.memory_space<hbm>> -> memref<10000x128xf32, #tpu.memory_space<hbm>>
    tpu.wait_indirect_dma semaphore(%arg7 : memref<!tpu.dma_semaphore, #tpu.memory_space<semaphore_mem>>) src(%dma_wait3A_120 : memref<10000x128xf32, #tpu.memory_space<hbm>>) dst(%arg6 : memref<400x128xf32, #tpu.memory_space<vmem>>)
    "tpu.region"() ({
      %run_scoped3A = tpu.sem_alloc : memref<!tpu.dma_semaphore, #tpu.memory_space<semaphore_mem>>
      %dma_start3A_201 = arith.constant 0 : i32
      %dma_start3A_202 = tpu.memref_slice %arg4[%add3A_114, %dma_start3A_201] : memref<320000x128xf32, #tpu.memory_space<hbm>> -> memref<400x128xf32, #tpu.memory_space<hbm>>
      %dma_start3A_203 = arith.constant 0 : i32
      %dma_start3A_204 = tpu.memref_slice %arg4[%add3A_114, %dma_start3A_203] : memref<320000x128xf32, #tpu.memory_space<hbm>> -> memref<400x128xf32, #tpu.memory_space<hbm>>
      tpu.enqueue_dma source(%arg6 : memref<400x128xf32, #tpu.memory_space<vmem>>) target(%dma_start3A_204 : memref<400x128xf32, #tpu.memory_space<hbm>>) target_semaphore(%run_scoped3A : memref<!tpu.dma_semaphore, #tpu.memory_space<semaphore_mem>>)
      %dma_wait3A_205 = arith.constant 0 : i32
      %dma_wait3A_206 = tpu.memref_slice %arg4[%add3A_114, %dma_wait3A_205] : memref<320000x128xf32, #tpu.memory_space<hbm>> -> memref<400x128xf32, #tpu.memory_space<hbm>>
      %dma_wait3A_207 = arith.constant 0 : i32
      %dma_wait3A_208 = tpu.memref_slice %arg4[%add3A_114, %dma_wait3A_207] : memref<320000x128xf32, #tpu.memory_space<hbm>> -> memref<400x128xf32, #tpu.memory_space<hbm>>
      tpu.wait_dma2 semaphore(%run_scoped3A : memref<!tpu.dma_semaphore, #tpu.memory_space<semaphore_mem>>) src(%arg6 : memref<400x128xf32, #tpu.memory_space<vmem>>) dst(%dma_wait3A_208 : memref<400x128xf32, #tpu.memory_space<hbm>>)
      tpu.yield
    }) : () -> ()
    %add3A_121 = arith.constant 6000 : i32
    %add3A_122 = arith.addi %mul3A_2, %add3A_121 : i32
    "tpu.region"() ({
      %run_scoped3A = tpu.sem_alloc : memref<!tpu.dma_semaphore, #tpu.memory_space<semaphore_mem>>
      %dma_start3A_201 = tpu.memref_slice %arg3[%add3A_122] : memref<320000xi32, #tpu.memory_space<hbm>> -> memref<400xi32, #tpu.memory_space<hbm>>
      %dma_start3A_202 = tpu.memref_slice %arg3[%add3A_122] : memref<320000xi32, #tpu.memory_space<hbm>> -> memref<400xi32, #tpu.memory_space<hbm>>
      tpu.enqueue_dma source(%dma_start3A_202 : memref<400xi32, #tpu.memory_space<hbm>>) target(%arg5 : memref<400xi32, #tpu.memory_space<vmem>>) target_semaphore(%run_scoped3A : memref<!tpu.dma_semaphore, #tpu.memory_space<semaphore_mem>>)
      %dma_wait3A_203 = tpu.memref_slice %arg3[%add3A_122] : memref<320000xi32, #tpu.memory_space<hbm>> -> memref<400xi32, #tpu.memory_space<hbm>>
      %dma_wait3A_204 = tpu.memref_slice %arg3[%add3A_122] : memref<320000xi32, #tpu.memory_space<hbm>> -> memref<400xi32, #tpu.memory_space<hbm>>
      tpu.wait_dma2 semaphore(%run_scoped3A : memref<!tpu.dma_semaphore, #tpu.memory_space<semaphore_mem>>) src(%dma_wait3A_204 : memref<400xi32, #tpu.memory_space<hbm>>) dst(%arg5 : memref<400xi32, #tpu.memory_space<vmem>>)
      tpu.yield
    }) : () -> ()
    %dma_start3A_123 = arith.constant 0 : i32
    %dma_start3A_124 = arith.constant 0 : i32
    %dma_start3A_125 = tpu.memref_slice %arg2[%dma_start3A_123, %dma_start3A_124] : memref<10000x128xf32, #tpu.memory_space<hbm>> -> memref<10000x128xf32, #tpu.memory_space<hbm>>
    tpu.enqueue_indirect_dma source(%dma_start3A_125 : memref<10000x128xf32, #tpu.memory_space<hbm>>) target(%arg6 : memref<400x128xf32, #tpu.memory_space<vmem>>) offsets(%arg5 : memref<400xi32, #tpu.memory_space<vmem>>) semaphore(%arg7 : memref<!tpu.dma_semaphore, #tpu.memory_space<semaphore_mem>>)
    %dma_wait3A_126 = arith.constant 0 : i32
    %dma_wait3A_127 = arith.constant 0 : i32
    %dma_wait3A_128 = tpu.memref_slice %arg2[%dma_wait3A_126, %dma_wait3A_127] : memref<10000x128xf32, #tpu.memory_space<hbm>> -> memref<10000x128xf32, #tpu.memory_space<hbm>>
    tpu.wait_indirect_dma semaphore(%arg7 : memref<!tpu.dma_semaphore, #tpu.memory_space<semaphore_mem>>) src(%dma_wait3A_128 : memref<10000x128xf32, #tpu.memory_space<hbm>>) dst(%arg6 : memref<400x128xf32, #tpu.memory_space<vmem>>)
    "tpu.region"() ({
      %run_scoped3A = tpu.sem_alloc : memref<!tpu.dma_semaphore, #tpu.memory_space<semaphore_mem>>
      %dma_start3A_201 = arith.constant 0 : i32
      %dma_start3A_202 = tpu.memref_slice %arg4[%add3A_122, %dma_start3A_201] : memref<320000x128xf32, #tpu.memory_space<hbm>> -> memref<400x128xf32, #tpu.memory_space<hbm>>
      %dma_start3A_203 = arith.constant 0 : i32
      %dma_start3A_204 = tpu.memref_slice %arg4[%add3A_122, %dma_start3A_203] : memref<320000x128xf32, #tpu.memory_space<hbm>> -> memref<400x128xf32, #tpu.memory_space<hbm>>
      tpu.enqueue_dma source(%arg6 : memref<400x128xf32, #tpu.memory_space<vmem>>) target(%dma_start3A_204 : memref<400x128xf32, #tpu.memory_space<hbm>>) target_semaphore(%run_scoped3A : memref<!tpu.dma_semaphore, #tpu.memory_space<semaphore_mem>>)
      %dma_wait3A_205 = arith.constant 0 : i32
      %dma_wait3A_206 = tpu.memref_slice %arg4[%add3A_122, %dma_wait3A_205] : memref<320000x128xf32, #tpu.memory_space<hbm>> -> memref<400x128xf32, #tpu.memory_space<hbm>>
      %dma_wait3A_207 = arith.constant 0 : i32
      %dma_wait3A_208 = tpu.memref_slice %arg4[%add3A_122, %dma_wait3A_207] : memref<320000x128xf32, #tpu.memory_space<hbm>> -> memref<400x128xf32, #tpu.memory_space<hbm>>
      tpu.wait_dma2 semaphore(%run_scoped3A : memref<!tpu.dma_semaphore, #tpu.memory_space<semaphore_mem>>) src(%arg6 : memref<400x128xf32, #tpu.memory_space<vmem>>) dst(%dma_wait3A_208 : memref<400x128xf32, #tpu.memory_space<hbm>>)
      tpu.yield
    }) : () -> ()
    %add3A_129 = arith.constant 6400 : i32
    %add3A_130 = arith.addi %mul3A_2, %add3A_129 : i32
    "tpu.region"() ({
      %run_scoped3A = tpu.sem_alloc : memref<!tpu.dma_semaphore, #tpu.memory_space<semaphore_mem>>
      %dma_start3A_201 = tpu.memref_slice %arg3[%add3A_130] : memref<320000xi32, #tpu.memory_space<hbm>> -> memref<400xi32, #tpu.memory_space<hbm>>
      %dma_start3A_202 = tpu.memref_slice %arg3[%add3A_130] : memref<320000xi32, #tpu.memory_space<hbm>> -> memref<400xi32, #tpu.memory_space<hbm>>
      tpu.enqueue_dma source(%dma_start3A_202 : memref<400xi32, #tpu.memory_space<hbm>>) target(%arg5 : memref<400xi32, #tpu.memory_space<vmem>>) target_semaphore(%run_scoped3A : memref<!tpu.dma_semaphore, #tpu.memory_space<semaphore_mem>>)
      %dma_wait3A_203 = tpu.memref_slice %arg3[%add3A_130] : memref<320000xi32, #tpu.memory_space<hbm>> -> memref<400xi32, #tpu.memory_space<hbm>>
      %dma_wait3A_204 = tpu.memref_slice %arg3[%add3A_130] : memref<320000xi32, #tpu.memory_space<hbm>> -> memref<400xi32, #tpu.memory_space<hbm>>
      tpu.wait_dma2 semaphore(%run_scoped3A : memref<!tpu.dma_semaphore, #tpu.memory_space<semaphore_mem>>) src(%dma_wait3A_204 : memref<400xi32, #tpu.memory_space<hbm>>) dst(%arg5 : memref<400xi32, #tpu.memory_space<vmem>>)
      tpu.yield
    }) : () -> ()
    %dma_start3A_131 = arith.constant 0 : i32
    %dma_start3A_132 = arith.constant 0 : i32
    %dma_start3A_133 = tpu.memref_slice %arg2[%dma_start3A_131, %dma_start3A_132] : memref<10000x128xf32, #tpu.memory_space<hbm>> -> memref<10000x128xf32, #tpu.memory_space<hbm>>
    tpu.enqueue_indirect_dma source(%dma_start3A_133 : memref<10000x128xf32, #tpu.memory_space<hbm>>) target(%arg6 : memref<400x128xf32, #tpu.memory_space<vmem>>) offsets(%arg5 : memref<400xi32, #tpu.memory_space<vmem>>) semaphore(%arg7 : memref<!tpu.dma_semaphore, #tpu.memory_space<semaphore_mem>>)
    %dma_wait3A_134 = arith.constant 0 : i32
    %dma_wait3A_135 = arith.constant 0 : i32
    %dma_wait3A_136 = tpu.memref_slice %arg2[%dma_wait3A_134, %dma_wait3A_135] : memref<10000x128xf32, #tpu.memory_space<hbm>> -> memref<10000x128xf32, #tpu.memory_space<hbm>>
    tpu.wait_indirect_dma semaphore(%arg7 : memref<!tpu.dma_semaphore, #tpu.memory_space<semaphore_mem>>) src(%dma_wait3A_136 : memref<10000x128xf32, #tpu.memory_space<hbm>>) dst(%arg6 : memref<400x128xf32, #tpu.memory_space<vmem>>)
    "tpu.region"() ({
      %run_scoped3A = tpu.sem_alloc : memref<!tpu.dma_semaphore, #tpu.memory_space<semaphore_mem>>
      %dma_start3A_201 = arith.constant 0 : i32
      %dma_start3A_202 = tpu.memref_slice %arg4[%add3A_130, %dma_start3A_201] : memref<320000x128xf32, #tpu.memory_space<hbm>> -> memref<400x128xf32, #tpu.memory_space<hbm>>
      %dma_start3A_203 = arith.constant 0 : i32
      %dma_start3A_204 = tpu.memref_slice %arg4[%add3A_130, %dma_start3A_203] : memref<320000x128xf32, #tpu.memory_space<hbm>> -> memref<400x128xf32, #tpu.memory_space<hbm>>
      tpu.enqueue_dma source(%arg6 : memref<400x128xf32, #tpu.memory_space<vmem>>) target(%dma_start3A_204 : memref<400x128xf32, #tpu.memory_space<hbm>>) target_semaphore(%run_scoped3A : memref<!tpu.dma_semaphore, #tpu.memory_space<semaphore_mem>>)
      %dma_wait3A_205 = arith.constant 0 : i32
      %dma_wait3A_206 = tpu.memref_slice %arg4[%add3A_130, %dma_wait3A_205] : memref<320000x128xf32, #tpu.memory_space<hbm>> -> memref<400x128xf32, #tpu.memory_space<hbm>>
      %dma_wait3A_207 = arith.constant 0 : i32
      %dma_wait3A_208 = tpu.memref_slice %arg4[%add3A_130, %dma_wait3A_207] : memref<320000x128xf32, #tpu.memory_space<hbm>> -> memref<400x128xf32, #tpu.memory_space<hbm>>
      tpu.wait_dma2 semaphore(%run_scoped3A : memref<!tpu.dma_semaphore, #tpu.memory_space<semaphore_mem>>) src(%arg6 : memref<400x128xf32, #tpu.memory_space<vmem>>) dst(%dma_wait3A_208 : memref<400x128xf32, #tpu.memory_space<hbm>>)
      tpu.yield
    }) : () -> ()
    %add3A_137 = arith.constant 6800 : i32
    %add3A_138 = arith.addi %mul3A_2, %add3A_137 : i32
    "tpu.region"() ({
      %run_scoped3A = tpu.sem_alloc : memref<!tpu.dma_semaphore, #tpu.memory_space<semaphore_mem>>
      %dma_start3A_201 = tpu.memref_slice %arg3[%add3A_138] : memref<320000xi32, #tpu.memory_space<hbm>> -> memref<400xi32, #tpu.memory_space<hbm>>
      %dma_start3A_202 = tpu.memref_slice %arg3[%add3A_138] : memref<320000xi32, #tpu.memory_space<hbm>> -> memref<400xi32, #tpu.memory_space<hbm>>
      tpu.enqueue_dma source(%dma_start3A_202 : memref<400xi32, #tpu.memory_space<hbm>>) target(%arg5 : memref<400xi32, #tpu.memory_space<vmem>>) target_semaphore(%run_scoped3A : memref<!tpu.dma_semaphore, #tpu.memory_space<semaphore_mem>>)
      %dma_wait3A_203 = tpu.memref_slice %arg3[%add3A_138] : memref<320000xi32, #tpu.memory_space<hbm>> -> memref<400xi32, #tpu.memory_space<hbm>>
      %dma_wait3A_204 = tpu.memref_slice %arg3[%add3A_138] : memref<320000xi32, #tpu.memory_space<hbm>> -> memref<400xi32, #tpu.memory_space<hbm>>
      tpu.wait_dma2 semaphore(%run_scoped3A : memref<!tpu.dma_semaphore, #tpu.memory_space<semaphore_mem>>) src(%dma_wait3A_204 : memref<400xi32, #tpu.memory_space<hbm>>) dst(%arg5 : memref<400xi32, #tpu.memory_space<vmem>>)
      tpu.yield
    }) : () -> ()
    %dma_start3A_139 = arith.constant 0 : i32
    %dma_start3A_140 = arith.constant 0 : i32
    %dma_start3A_141 = tpu.memref_slice %arg2[%dma_start3A_139, %dma_start3A_140] : memref<10000x128xf32, #tpu.memory_space<hbm>> -> memref<10000x128xf32, #tpu.memory_space<hbm>>
    tpu.enqueue_indirect_dma source(%dma_start3A_141 : memref<10000x128xf32, #tpu.memory_space<hbm>>) target(%arg6 : memref<400x128xf32, #tpu.memory_space<vmem>>) offsets(%arg5 : memref<400xi32, #tpu.memory_space<vmem>>) semaphore(%arg7 : memref<!tpu.dma_semaphore, #tpu.memory_space<semaphore_mem>>)
    %dma_wait3A_142 = arith.constant 0 : i32
    %dma_wait3A_143 = arith.constant 0 : i32
    %dma_wait3A_144 = tpu.memref_slice %arg2[%dma_wait3A_142, %dma_wait3A_143] : memref<10000x128xf32, #tpu.memory_space<hbm>> -> memref<10000x128xf32, #tpu.memory_space<hbm>>
    tpu.wait_indirect_dma semaphore(%arg7 : memref<!tpu.dma_semaphore, #tpu.memory_space<semaphore_mem>>) src(%dma_wait3A_144 : memref<10000x128xf32, #tpu.memory_space<hbm>>) dst(%arg6 : memref<400x128xf32, #tpu.memory_space<vmem>>)
    "tpu.region"() ({
      %run_scoped3A = tpu.sem_alloc : memref<!tpu.dma_semaphore, #tpu.memory_space<semaphore_mem>>
      %dma_start3A_201 = arith.constant 0 : i32
      %dma_start3A_202 = tpu.memref_slice %arg4[%add3A_138, %dma_start3A_201] : memref<320000x128xf32, #tpu.memory_space<hbm>> -> memref<400x128xf32, #tpu.memory_space<hbm>>
      %dma_start3A_203 = arith.constant 0 : i32
      %dma_start3A_204 = tpu.memref_slice %arg4[%add3A_138, %dma_start3A_203] : memref<320000x128xf32, #tpu.memory_space<hbm>> -> memref<400x128xf32, #tpu.memory_space<hbm>>
      tpu.enqueue_dma source(%arg6 : memref<400x128xf32, #tpu.memory_space<vmem>>) target(%dma_start3A_204 : memref<400x128xf32, #tpu.memory_space<hbm>>) target_semaphore(%run_scoped3A : memref<!tpu.dma_semaphore, #tpu.memory_space<semaphore_mem>>)
      %dma_wait3A_205 = arith.constant 0 : i32
      %dma_wait3A_206 = tpu.memref_slice %arg4[%add3A_138, %dma_wait3A_205] : memref<320000x128xf32, #tpu.memory_space<hbm>> -> memref<400x128xf32, #tpu.memory_space<hbm>>
      %dma_wait3A_207 = arith.constant 0 : i32
      %dma_wait3A_208 = tpu.memref_slice %arg4[%add3A_138, %dma_wait3A_207] : memref<320000x128xf32, #tpu.memory_space<hbm>> -> memref<400x128xf32, #tpu.memory_space<hbm>>
      tpu.wait_dma2 semaphore(%run_scoped3A : memref<!tpu.dma_semaphore, #tpu.memory_space<semaphore_mem>>) src(%arg6 : memref<400x128xf32, #tpu.memory_space<vmem>>) dst(%dma_wait3A_208 : memref<400x128xf32, #tpu.memory_space<hbm>>)
      tpu.yield
    }) : () -> ()
    %add3A_145 = arith.constant 7200 : i32
    %add3A_146 = arith.addi %mul3A_2, %add3A_145 : i32
    "tpu.region"() ({
      %run_scoped3A = tpu.sem_alloc : memref<!tpu.dma_semaphore, #tpu.memory_space<semaphore_mem>>
      %dma_start3A_201 = tpu.memref_slice %arg3[%add3A_146] : memref<320000xi32, #tpu.memory_space<hbm>> -> memref<400xi32, #tpu.memory_space<hbm>>
      %dma_start3A_202 = tpu.memref_slice %arg3[%add3A_146] : memref<320000xi32, #tpu.memory_space<hbm>> -> memref<400xi32, #tpu.memory_space<hbm>>
      tpu.enqueue_dma source(%dma_start3A_202 : memref<400xi32, #tpu.memory_space<hbm>>) target(%arg5 : memref<400xi32, #tpu.memory_space<vmem>>) target_semaphore(%run_scoped3A : memref<!tpu.dma_semaphore, #tpu.memory_space<semaphore_mem>>)
      %dma_wait3A_203 = tpu.memref_slice %arg3[%add3A_146] : memref<320000xi32, #tpu.memory_space<hbm>> -> memref<400xi32, #tpu.memory_space<hbm>>
      %dma_wait3A_204 = tpu.memref_slice %arg3[%add3A_146] : memref<320000xi32, #tpu.memory_space<hbm>> -> memref<400xi32, #tpu.memory_space<hbm>>
      tpu.wait_dma2 semaphore(%run_scoped3A : memref<!tpu.dma_semaphore, #tpu.memory_space<semaphore_mem>>) src(%dma_wait3A_204 : memref<400xi32, #tpu.memory_space<hbm>>) dst(%arg5 : memref<400xi32, #tpu.memory_space<vmem>>)
      tpu.yield
    }) : () -> ()
    %dma_start3A_147 = arith.constant 0 : i32
    %dma_start3A_148 = arith.constant 0 : i32
    %dma_start3A_149 = tpu.memref_slice %arg2[%dma_start3A_147, %dma_start3A_148] : memref<10000x128xf32, #tpu.memory_space<hbm>> -> memref<10000x128xf32, #tpu.memory_space<hbm>>
    tpu.enqueue_indirect_dma source(%dma_start3A_149 : memref<10000x128xf32, #tpu.memory_space<hbm>>) target(%arg6 : memref<400x128xf32, #tpu.memory_space<vmem>>) offsets(%arg5 : memref<400xi32, #tpu.memory_space<vmem>>) semaphore(%arg7 : memref<!tpu.dma_semaphore, #tpu.memory_space<semaphore_mem>>)
    %dma_wait3A_150 = arith.constant 0 : i32
    %dma_wait3A_151 = arith.constant 0 : i32
    %dma_wait3A_152 = tpu.memref_slice %arg2[%dma_wait3A_150, %dma_wait3A_151] : memref<10000x128xf32, #tpu.memory_space<hbm>> -> memref<10000x128xf32, #tpu.memory_space<hbm>>
    tpu.wait_indirect_dma semaphore(%arg7 : memref<!tpu.dma_semaphore, #tpu.memory_space<semaphore_mem>>) src(%dma_wait3A_152 : memref<10000x128xf32, #tpu.memory_space<hbm>>) dst(%arg6 : memref<400x128xf32, #tpu.memory_space<vmem>>)
    "tpu.region"() ({
      %run_scoped3A = tpu.sem_alloc : memref<!tpu.dma_semaphore, #tpu.memory_space<semaphore_mem>>
      %dma_start3A_201 = arith.constant 0 : i32
      %dma_start3A_202 = tpu.memref_slice %arg4[%add3A_146, %dma_start3A_201] : memref<320000x128xf32, #tpu.memory_space<hbm>> -> memref<400x128xf32, #tpu.memory_space<hbm>>
      %dma_start3A_203 = arith.constant 0 : i32
      %dma_start3A_204 = tpu.memref_slice %arg4[%add3A_146, %dma_start3A_203] : memref<320000x128xf32, #tpu.memory_space<hbm>> -> memref<400x128xf32, #tpu.memory_space<hbm>>
      tpu.enqueue_dma source(%arg6 : memref<400x128xf32, #tpu.memory_space<vmem>>) target(%dma_start3A_204 : memref<400x128xf32, #tpu.memory_space<hbm>>) target_semaphore(%run_scoped3A : memref<!tpu.dma_semaphore, #tpu.memory_space<semaphore_mem>>)
      %dma_wait3A_205 = arith.constant 0 : i32
      %dma_wait3A_206 = tpu.memref_slice %arg4[%add3A_146, %dma_wait3A_205] : memref<320000x128xf32, #tpu.memory_space<hbm>> -> memref<400x128xf32, #tpu.memory_space<hbm>>
      %dma_wait3A_207 = arith.constant 0 : i32
      %dma_wait3A_208 = tpu.memref_slice %arg4[%add3A_146, %dma_wait3A_207] : memref<320000x128xf32, #tpu.memory_space<hbm>> -> memref<400x128xf32, #tpu.memory_space<hbm>>
      tpu.wait_dma2 semaphore(%run_scoped3A : memref<!tpu.dma_semaphore, #tpu.memory_space<semaphore_mem>>) src(%arg6 : memref<400x128xf32, #tpu.memory_space<vmem>>) dst(%dma_wait3A_208 : memref<400x128xf32, #tpu.memory_space<hbm>>)
      tpu.yield
    }) : () -> ()
    %add3A_153 = arith.constant 7600 : i32
    %add3A_154 = arith.addi %mul3A_2, %add3A_153 : i32
    "tpu.region"() ({
      %run_scoped3A = tpu.sem_alloc : memref<!tpu.dma_semaphore, #tpu.memory_space<semaphore_mem>>
      %dma_start3A_201 = tpu.memref_slice %arg3[%add3A_154] : memref<320000xi32, #tpu.memory_space<hbm>> -> memref<400xi32, #tpu.memory_space<hbm>>
      %dma_start3A_202 = tpu.memref_slice %arg3[%add3A_154] : memref<320000xi32, #tpu.memory_space<hbm>> -> memref<400xi32, #tpu.memory_space<hbm>>
      tpu.enqueue_dma source(%dma_start3A_202 : memref<400xi32, #tpu.memory_space<hbm>>) target(%arg5 : memref<400xi32, #tpu.memory_space<vmem>>) target_semaphore(%run_scoped3A : memref<!tpu.dma_semaphore, #tpu.memory_space<semaphore_mem>>)
      %dma_wait3A_203 = tpu.memref_slice %arg3[%add3A_154] : memref<320000xi32, #tpu.memory_space<hbm>> -> memref<400xi32, #tpu.memory_space<hbm>>
      %dma_wait3A_204 = tpu.memref_slice %arg3[%add3A_154] : memref<320000xi32, #tpu.memory_space<hbm>> -> memref<400xi32, #tpu.memory_space<hbm>>
      tpu.wait_dma2 semaphore(%run_scoped3A : memref<!tpu.dma_semaphore, #tpu.memory_space<semaphore_mem>>) src(%dma_wait3A_204 : memref<400xi32, #tpu.memory_space<hbm>>) dst(%arg5 : memref<400xi32, #tpu.memory_space<vmem>>)
      tpu.yield
    }) : () -> ()
    %dma_start3A_155 = arith.constant 0 : i32
    %dma_start3A_156 = arith.constant 0 : i32
    %dma_start3A_157 = tpu.memref_slice %arg2[%dma_start3A_155, %dma_start3A_156] : memref<10000x128xf32, #tpu.memory_space<hbm>> -> memref<10000x128xf32, #tpu.memory_space<hbm>>
    tpu.enqueue_indirect_dma source(%dma_start3A_157 : memref<10000x128xf32, #tpu.memory_space<hbm>>) target(%arg6 : memref<400x128xf32, #tpu.memory_space<vmem>>) offsets(%arg5 : memref<400xi32, #tpu.memory_space<vmem>>) semaphore(%arg7 : memref<!tpu.dma_semaphore, #tpu.memory_space<semaphore_mem>>)
    %dma_wait3A_158 = arith.constant 0 : i32
    %dma_wait3A_159 = arith.constant 0 : i32
    %dma_wait3A_160 = tpu.memref_slice %arg2[%dma_wait3A_158, %dma_wait3A_159] : memref<10000x128xf32, #tpu.memory_space<hbm>> -> memref<10000x128xf32, #tpu.memory_space<hbm>>
    tpu.wait_indirect_dma semaphore(%arg7 : memref<!tpu.dma_semaphore, #tpu.memory_space<semaphore_mem>>) src(%dma_wait3A_160 : memref<10000x128xf32, #tpu.memory_space<hbm>>) dst(%arg6 : memref<400x128xf32, #tpu.memory_space<vmem>>)
    "tpu.region"() ({
      %run_scoped3A = tpu.sem_alloc : memref<!tpu.dma_semaphore, #tpu.memory_space<semaphore_mem>>
      %dma_start3A_201 = arith.constant 0 : i32
      %dma_start3A_202 = tpu.memref_slice %arg4[%add3A_154, %dma_start3A_201] : memref<320000x128xf32, #tpu.memory_space<hbm>> -> memref<400x128xf32, #tpu.memory_space<hbm>>
      %dma_start3A_203 = arith.constant 0 : i32
      %dma_start3A_204 = tpu.memref_slice %arg4[%add3A_154, %dma_start3A_203] : memref<320000x128xf32, #tpu.memory_space<hbm>> -> memref<400x128xf32, #tpu.memory_space<hbm>>
      tpu.enqueue_dma source(%arg6 : memref<400x128xf32, #tpu.memory_space<vmem>>) target(%dma_start3A_204 : memref<400x128xf32, #tpu.memory_space<hbm>>) target_semaphore(%run_scoped3A : memref<!tpu.dma_semaphore, #tpu.memory_space<semaphore_mem>>)
      %dma_wait3A_205 = arith.constant 0 : i32
      %dma_wait3A_206 = tpu.memref_slice %arg4[%add3A_154, %dma_wait3A_205] : memref<320000x128xf32, #tpu.memory_space<hbm>> -> memref<400x128xf32, #tpu.memory_space<hbm>>
      %dma_wait3A_207 = arith.constant 0 : i32
      %dma_wait3A_208 = tpu.memref_slice %arg4[%add3A_154, %dma_wait3A_207] : memref<320000x128xf32, #tpu.memory_space<hbm>> -> memref<400x128xf32, #tpu.memory_space<hbm>>
      tpu.wait_dma2 semaphore(%run_scoped3A : memref<!tpu.dma_semaphore, #tpu.memory_space<semaphore_mem>>) src(%arg6 : memref<400x128xf32, #tpu.memory_space<vmem>>) dst(%dma_wait3A_208 : memref<400x128xf32, #tpu.memory_space<hbm>>)
      tpu.yield
    }) : () -> ()
    %add3A_161 = arith.constant 8000 : i32
    %add3A_162 = arith.addi %mul3A_2, %add3A_161 : i32
    "tpu.region"() ({
      %run_scoped3A = tpu.sem_alloc : memref<!tpu.dma_semaphore, #tpu.memory_space<semaphore_mem>>
      %dma_start3A_201 = tpu.memref_slice %arg3[%add3A_162] : memref<320000xi32, #tpu.memory_space<hbm>> -> memref<400xi32, #tpu.memory_space<hbm>>
      %dma_start3A_202 = tpu.memref_slice %arg3[%add3A_162] : memref<320000xi32, #tpu.memory_space<hbm>> -> memref<400xi32, #tpu.memory_space<hbm>>
      tpu.enqueue_dma source(%dma_start3A_202 : memref<400xi32, #tpu.memory_space<hbm>>) target(%arg5 : memref<400xi32, #tpu.memory_space<vmem>>) target_semaphore(%run_scoped3A : memref<!tpu.dma_semaphore, #tpu.memory_space<semaphore_mem>>)
      %dma_wait3A_203 = tpu.memref_slice %arg3[%add3A_162] : memref<320000xi32, #tpu.memory_space<hbm>> -> memref<400xi32, #tpu.memory_space<hbm>>
      %dma_wait3A_204 = tpu.memref_slice %arg3[%add3A_162] : memref<320000xi32, #tpu.memory_space<hbm>> -> memref<400xi32, #tpu.memory_space<hbm>>
      tpu.wait_dma2 semaphore(%run_scoped3A : memref<!tpu.dma_semaphore, #tpu.memory_space<semaphore_mem>>) src(%dma_wait3A_204 : memref<400xi32, #tpu.memory_space<hbm>>) dst(%arg5 : memref<400xi32, #tpu.memory_space<vmem>>)
      tpu.yield
    }) : () -> ()
    %dma_start3A_163 = arith.constant 0 : i32
    %dma_start3A_164 = arith.constant 0 : i32
    %dma_start3A_165 = tpu.memref_slice %arg2[%dma_start3A_163, %dma_start3A_164] : memref<10000x128xf32, #tpu.memory_space<hbm>> -> memref<10000x128xf32, #tpu.memory_space<hbm>>
    tpu.enqueue_indirect_dma source(%dma_start3A_165 : memref<10000x128xf32, #tpu.memory_space<hbm>>) target(%arg6 : memref<400x128xf32, #tpu.memory_space<vmem>>) offsets(%arg5 : memref<400xi32, #tpu.memory_space<vmem>>) semaphore(%arg7 : memref<!tpu.dma_semaphore, #tpu.memory_space<semaphore_mem>>)
    %dma_wait3A_166 = arith.constant 0 : i32
    %dma_wait3A_167 = arith.constant 0 : i32
    %dma_wait3A_168 = tpu.memref_slice %arg2[%dma_wait3A_166, %dma_wait3A_167] : memref<10000x128xf32, #tpu.memory_space<hbm>> -> memref<10000x128xf32, #tpu.memory_space<hbm>>
    tpu.wait_indirect_dma semaphore(%arg7 : memref<!tpu.dma_semaphore, #tpu.memory_space<semaphore_mem>>) src(%dma_wait3A_168 : memref<10000x128xf32, #tpu.memory_space<hbm>>) dst(%arg6 : memref<400x128xf32, #tpu.memory_space<vmem>>)
    "tpu.region"() ({
      %run_scoped3A = tpu.sem_alloc : memref<!tpu.dma_semaphore, #tpu.memory_space<semaphore_mem>>
      %dma_start3A_201 = arith.constant 0 : i32
      %dma_start3A_202 = tpu.memref_slice %arg4[%add3A_162, %dma_start3A_201] : memref<320000x128xf32, #tpu.memory_space<hbm>> -> memref<400x128xf32, #tpu.memory_space<hbm>>
      %dma_start3A_203 = arith.constant 0 : i32
      %dma_start3A_204 = tpu.memref_slice %arg4[%add3A_162, %dma_start3A_203] : memref<320000x128xf32, #tpu.memory_space<hbm>> -> memref<400x128xf32, #tpu.memory_space<hbm>>
      tpu.enqueue_dma source(%arg6 : memref<400x128xf32, #tpu.memory_space<vmem>>) target(%dma_start3A_204 : memref<400x128xf32, #tpu.memory_space<hbm>>) target_semaphore(%run_scoped3A : memref<!tpu.dma_semaphore, #tpu.memory_space<semaphore_mem>>)
      %dma_wait3A_205 = arith.constant 0 : i32
      %dma_wait3A_206 = tpu.memref_slice %arg4[%add3A_162, %dma_wait3A_205] : memref<320000x128xf32, #tpu.memory_space<hbm>> -> memref<400x128xf32, #tpu.memory_space<hbm>>
      %dma_wait3A_207 = arith.constant 0 : i32
      %dma_wait3A_208 = tpu.memref_slice %arg4[%add3A_162, %dma_wait3A_207] : memref<320000x128xf32, #tpu.memory_space<hbm>> -> memref<400x128xf32, #tpu.memory_space<hbm>>
      tpu.wait_dma2 semaphore(%run_scoped3A : memref<!tpu.dma_semaphore, #tpu.memory_space<semaphore_mem>>) src(%arg6 : memref<400x128xf32, #tpu.memory_space<vmem>>) dst(%dma_wait3A_208 : memref<400x128xf32, #tpu.memory_space<hbm>>)
      tpu.yield
    }) : () -> ()
    %add3A_169 = arith.constant 8400 : i32
    %add3A_170 = arith.addi %mul3A_2, %add3A_169 : i32
    "tpu.region"() ({
      %run_scoped3A = tpu.sem_alloc : memref<!tpu.dma_semaphore, #tpu.memory_space<semaphore_mem>>
      %dma_start3A_201 = tpu.memref_slice %arg3[%add3A_170] : memref<320000xi32, #tpu.memory_space<hbm>> -> memref<400xi32, #tpu.memory_space<hbm>>
      %dma_start3A_202 = tpu.memref_slice %arg3[%add3A_170] : memref<320000xi32, #tpu.memory_space<hbm>> -> memref<400xi32, #tpu.memory_space<hbm>>
      tpu.enqueue_dma source(%dma_start3A_202 : memref<400xi32, #tpu.memory_space<hbm>>) target(%arg5 : memref<400xi32, #tpu.memory_space<vmem>>) target_semaphore(%run_scoped3A : memref<!tpu.dma_semaphore, #tpu.memory_space<semaphore_mem>>)
      %dma_wait3A_203 = tpu.memref_slice %arg3[%add3A_170] : memref<320000xi32, #tpu.memory_space<hbm>> -> memref<400xi32, #tpu.memory_space<hbm>>
      %dma_wait3A_204 = tpu.memref_slice %arg3[%add3A_170] : memref<320000xi32, #tpu.memory_space<hbm>> -> memref<400xi32, #tpu.memory_space<hbm>>
      tpu.wait_dma2 semaphore(%run_scoped3A : memref<!tpu.dma_semaphore, #tpu.memory_space<semaphore_mem>>) src(%dma_wait3A_204 : memref<400xi32, #tpu.memory_space<hbm>>) dst(%arg5 : memref<400xi32, #tpu.memory_space<vmem>>)
      tpu.yield
    }) : () -> ()
    %dma_start3A_171 = arith.constant 0 : i32
    %dma_start3A_172 = arith.constant 0 : i32
    %dma_start3A_173 = tpu.memref_slice %arg2[%dma_start3A_171, %dma_start3A_172] : memref<10000x128xf32, #tpu.memory_space<hbm>> -> memref<10000x128xf32, #tpu.memory_space<hbm>>
    tpu.enqueue_indirect_dma source(%dma_start3A_173 : memref<10000x128xf32, #tpu.memory_space<hbm>>) target(%arg6 : memref<400x128xf32, #tpu.memory_space<vmem>>) offsets(%arg5 : memref<400xi32, #tpu.memory_space<vmem>>) semaphore(%arg7 : memref<!tpu.dma_semaphore, #tpu.memory_space<semaphore_mem>>)
    %dma_wait3A_174 = arith.constant 0 : i32
    %dma_wait3A_175 = arith.constant 0 : i32
    %dma_wait3A_176 = tpu.memref_slice %arg2[%dma_wait3A_174, %dma_wait3A_175] : memref<10000x128xf32, #tpu.memory_space<hbm>> -> memref<10000x128xf32, #tpu.memory_space<hbm>>
    tpu.wait_indirect_dma semaphore(%arg7 : memref<!tpu.dma_semaphore, #tpu.memory_space<semaphore_mem>>) src(%dma_wait3A_176 : memref<10000x128xf32, #tpu.memory_space<hbm>>) dst(%arg6 : memref<400x128xf32, #tpu.memory_space<vmem>>)
    "tpu.region"() ({
      %run_scoped3A = tpu.sem_alloc : memref<!tpu.dma_semaphore, #tpu.memory_space<semaphore_mem>>
      %dma_start3A_201 = arith.constant 0 : i32
      %dma_start3A_202 = tpu.memref_slice %arg4[%add3A_170, %dma_start3A_201] : memref<320000x128xf32, #tpu.memory_space<hbm>> -> memref<400x128xf32, #tpu.memory_space<hbm>>
      %dma_start3A_203 = arith.constant 0 : i32
      %dma_start3A_204 = tpu.memref_slice %arg4[%add3A_170, %dma_start3A_203] : memref<320000x128xf32, #tpu.memory_space<hbm>> -> memref<400x128xf32, #tpu.memory_space<hbm>>
      tpu.enqueue_dma source(%arg6 : memref<400x128xf32, #tpu.memory_space<vmem>>) target(%dma_start3A_204 : memref<400x128xf32, #tpu.memory_space<hbm>>) target_semaphore(%run_scoped3A : memref<!tpu.dma_semaphore, #tpu.memory_space<semaphore_mem>>)
      %dma_wait3A_205 = arith.constant 0 : i32
      %dma_wait3A_206 = tpu.memref_slice %arg4[%add3A_170, %dma_wait3A_205] : memref<320000x128xf32, #tpu.memory_space<hbm>> -> memref<400x128xf32, #tpu.memory_space<hbm>>
      %dma_wait3A_207 = arith.constant 0 : i32
      %dma_wait3A_208 = tpu.memref_slice %arg4[%add3A_170, %dma_wait3A_207] : memref<320000x128xf32, #tpu.memory_space<hbm>> -> memref<400x128xf32, #tpu.memory_space<hbm>>
      tpu.wait_dma2 semaphore(%run_scoped3A : memref<!tpu.dma_semaphore, #tpu.memory_space<semaphore_mem>>) src(%arg6 : memref<400x128xf32, #tpu.memory_space<vmem>>) dst(%dma_wait3A_208 : memref<400x128xf32, #tpu.memory_space<hbm>>)
      tpu.yield
    }) : () -> ()
    %add3A_177 = arith.constant 8800 : i32
    %add3A_178 = arith.addi %mul3A_2, %add3A_177 : i32
    "tpu.region"() ({
      %run_scoped3A = tpu.sem_alloc : memref<!tpu.dma_semaphore, #tpu.memory_space<semaphore_mem>>
      %dma_start3A_201 = tpu.memref_slice %arg3[%add3A_178] : memref<320000xi32, #tpu.memory_space<hbm>> -> memref<400xi32, #tpu.memory_space<hbm>>
      %dma_start3A_202 = tpu.memref_slice %arg3[%add3A_178] : memref<320000xi32, #tpu.memory_space<hbm>> -> memref<400xi32, #tpu.memory_space<hbm>>
      tpu.enqueue_dma source(%dma_start3A_202 : memref<400xi32, #tpu.memory_space<hbm>>) target(%arg5 : memref<400xi32, #tpu.memory_space<vmem>>) target_semaphore(%run_scoped3A : memref<!tpu.dma_semaphore, #tpu.memory_space<semaphore_mem>>)
      %dma_wait3A_203 = tpu.memref_slice %arg3[%add3A_178] : memref<320000xi32, #tpu.memory_space<hbm>> -> memref<400xi32, #tpu.memory_space<hbm>>
      %dma_wait3A_204 = tpu.memref_slice %arg3[%add3A_178] : memref<320000xi32, #tpu.memory_space<hbm>> -> memref<400xi32, #tpu.memory_space<hbm>>
      tpu.wait_dma2 semaphore(%run_scoped3A : memref<!tpu.dma_semaphore, #tpu.memory_space<semaphore_mem>>) src(%dma_wait3A_204 : memref<400xi32, #tpu.memory_space<hbm>>) dst(%arg5 : memref<400xi32, #tpu.memory_space<vmem>>)
      tpu.yield
    }) : () -> ()
    %dma_start3A_179 = arith.constant 0 : i32
    %dma_start3A_180 = arith.constant 0 : i32
    %dma_start3A_181 = tpu.memref_slice %arg2[%dma_start3A_179, %dma_start3A_180] : memref<10000x128xf32, #tpu.memory_space<hbm>> -> memref<10000x128xf32, #tpu.memory_space<hbm>>
    tpu.enqueue_indirect_dma source(%dma_start3A_181 : memref<10000x128xf32, #tpu.memory_space<hbm>>) target(%arg6 : memref<400x128xf32, #tpu.memory_space<vmem>>) offsets(%arg5 : memref<400xi32, #tpu.memory_space<vmem>>) semaphore(%arg7 : memref<!tpu.dma_semaphore, #tpu.memory_space<semaphore_mem>>)
    %dma_wait3A_182 = arith.constant 0 : i32
    %dma_wait3A_183 = arith.constant 0 : i32
    %dma_wait3A_184 = tpu.memref_slice %arg2[%dma_wait3A_182, %dma_wait3A_183] : memref<10000x128xf32, #tpu.memory_space<hbm>> -> memref<10000x128xf32, #tpu.memory_space<hbm>>
    tpu.wait_indirect_dma semaphore(%arg7 : memref<!tpu.dma_semaphore, #tpu.memory_space<semaphore_mem>>) src(%dma_wait3A_184 : memref<10000x128xf32, #tpu.memory_space<hbm>>) dst(%arg6 : memref<400x128xf32, #tpu.memory_space<vmem>>)
    "tpu.region"() ({
      %run_scoped3A = tpu.sem_alloc : memref<!tpu.dma_semaphore, #tpu.memory_space<semaphore_mem>>
      %dma_start3A_201 = arith.constant 0 : i32
      %dma_start3A_202 = tpu.memref_slice %arg4[%add3A_178, %dma_start3A_201] : memref<320000x128xf32, #tpu.memory_space<hbm>> -> memref<400x128xf32, #tpu.memory_space<hbm>>
      %dma_start3A_203 = arith.constant 0 : i32
      %dma_start3A_204 = tpu.memref_slice %arg4[%add3A_178, %dma_start3A_203] : memref<320000x128xf32, #tpu.memory_space<hbm>> -> memref<400x128xf32, #tpu.memory_space<hbm>>
      tpu.enqueue_dma source(%arg6 : memref<400x128xf32, #tpu.memory_space<vmem>>) target(%dma_start3A_204 : memref<400x128xf32, #tpu.memory_space<hbm>>) target_semaphore(%run_scoped3A : memref<!tpu.dma_semaphore, #tpu.memory_space<semaphore_mem>>)
      %dma_wait3A_205 = arith.constant 0 : i32
      %dma_wait3A_206 = tpu.memref_slice %arg4[%add3A_178, %dma_wait3A_205] : memref<320000x128xf32, #tpu.memory_space<hbm>> -> memref<400x128xf32, #tpu.memory_space<hbm>>
      %dma_wait3A_207 = arith.constant 0 : i32
      %dma_wait3A_208 = tpu.memref_slice %arg4[%add3A_178, %dma_wait3A_207] : memref<320000x128xf32, #tpu.memory_space<hbm>> -> memref<400x128xf32, #tpu.memory_space<hbm>>
      tpu.wait_dma2 semaphore(%run_scoped3A : memref<!tpu.dma_semaphore, #tpu.memory_space<semaphore_mem>>) src(%arg6 : memref<400x128xf32, #tpu.memory_space<vmem>>) dst(%dma_wait3A_208 : memref<400x128xf32, #tpu.memory_space<hbm>>)
      tpu.yield
    }) : () -> ()
    %add3A_185 = arith.constant 9200 : i32
    %add3A_186 = arith.addi %mul3A_2, %add3A_185 : i32
    "tpu.region"() ({
      %run_scoped3A = tpu.sem_alloc : memref<!tpu.dma_semaphore, #tpu.memory_space<semaphore_mem>>
      %dma_start3A_201 = tpu.memref_slice %arg3[%add3A_186] : memref<320000xi32, #tpu.memory_space<hbm>> -> memref<400xi32, #tpu.memory_space<hbm>>
      %dma_start3A_202 = tpu.memref_slice %arg3[%add3A_186] : memref<320000xi32, #tpu.memory_space<hbm>> -> memref<400xi32, #tpu.memory_space<hbm>>
      tpu.enqueue_dma source(%dma_start3A_202 : memref<400xi32, #tpu.memory_space<hbm>>) target(%arg5 : memref<400xi32, #tpu.memory_space<vmem>>) target_semaphore(%run_scoped3A : memref<!tpu.dma_semaphore, #tpu.memory_space<semaphore_mem>>)
      %dma_wait3A_203 = tpu.memref_slice %arg3[%add3A_186] : memref<320000xi32, #tpu.memory_space<hbm>> -> memref<400xi32, #tpu.memory_space<hbm>>
      %dma_wait3A_204 = tpu.memref_slice %arg3[%add3A_186] : memref<320000xi32, #tpu.memory_space<hbm>> -> memref<400xi32, #tpu.memory_space<hbm>>
      tpu.wait_dma2 semaphore(%run_scoped3A : memref<!tpu.dma_semaphore, #tpu.memory_space<semaphore_mem>>) src(%dma_wait3A_204 : memref<400xi32, #tpu.memory_space<hbm>>) dst(%arg5 : memref<400xi32, #tpu.memory_space<vmem>>)
      tpu.yield
    }) : () -> ()
    %dma_start3A_187 = arith.constant 0 : i32
    %dma_start3A_188 = arith.constant 0 : i32
    %dma_start3A_189 = tpu.memref_slice %arg2[%dma_start3A_187, %dma_start3A_188] : memref<10000x128xf32, #tpu.memory_space<hbm>> -> memref<10000x128xf32, #tpu.memory_space<hbm>>
    tpu.enqueue_indirect_dma source(%dma_start3A_189 : memref<10000x128xf32, #tpu.memory_space<hbm>>) target(%arg6 : memref<400x128xf32, #tpu.memory_space<vmem>>) offsets(%arg5 : memref<400xi32, #tpu.memory_space<vmem>>) semaphore(%arg7 : memref<!tpu.dma_semaphore, #tpu.memory_space<semaphore_mem>>)
    %dma_wait3A_190 = arith.constant 0 : i32
    %dma_wait3A_191 = arith.constant 0 : i32
    %dma_wait3A_192 = tpu.memref_slice %arg2[%dma_wait3A_190, %dma_wait3A_191] : memref<10000x128xf32, #tpu.memory_space<hbm>> -> memref<10000x128xf32, #tpu.memory_space<hbm>>
    tpu.wait_indirect_dma semaphore(%arg7 : memref<!tpu.dma_semaphore, #tpu.memory_space<semaphore_mem>>) src(%dma_wait3A_192 : memref<10000x128xf32, #tpu.memory_space<hbm>>) dst(%arg6 : memref<400x128xf32, #tpu.memory_space<vmem>>)
    "tpu.region"() ({
      %run_scoped3A = tpu.sem_alloc : memref<!tpu.dma_semaphore, #tpu.memory_space<semaphore_mem>>
      %dma_start3A_201 = arith.constant 0 : i32
      %dma_start3A_202 = tpu.memref_slice %arg4[%add3A_186, %dma_start3A_201] : memref<320000x128xf32, #tpu.memory_space<hbm>> -> memref<400x128xf32, #tpu.memory_space<hbm>>
      %dma_start3A_203 = arith.constant 0 : i32
      %dma_start3A_204 = tpu.memref_slice %arg4[%add3A_186, %dma_start3A_203] : memref<320000x128xf32, #tpu.memory_space<hbm>> -> memref<400x128xf32, #tpu.memory_space<hbm>>
      tpu.enqueue_dma source(%arg6 : memref<400x128xf32, #tpu.memory_space<vmem>>) target(%dma_start3A_204 : memref<400x128xf32, #tpu.memory_space<hbm>>) target_semaphore(%run_scoped3A : memref<!tpu.dma_semaphore, #tpu.memory_space<semaphore_mem>>)
      %dma_wait3A_205 = arith.constant 0 : i32
      %dma_wait3A_206 = tpu.memref_slice %arg4[%add3A_186, %dma_wait3A_205] : memref<320000x128xf32, #tpu.memory_space<hbm>> -> memref<400x128xf32, #tpu.memory_space<hbm>>
      %dma_wait3A_207 = arith.constant 0 : i32
      %dma_wait3A_208 = tpu.memref_slice %arg4[%add3A_186, %dma_wait3A_207] : memref<320000x128xf32, #tpu.memory_space<hbm>> -> memref<400x128xf32, #tpu.memory_space<hbm>>
      tpu.wait_dma2 semaphore(%run_scoped3A : memref<!tpu.dma_semaphore, #tpu.memory_space<semaphore_mem>>) src(%arg6 : memref<400x128xf32, #tpu.memory_space<vmem>>) dst(%dma_wait3A_208 : memref<400x128xf32, #tpu.memory_space<hbm>>)
      tpu.yield
    }) : () -> ()
    %add3A_193 = arith.constant 9600 : i32
    %add3A_194 = arith.addi %mul3A_2, %add3A_193 : i32
    "tpu.region"() ({
      %run_scoped3A = tpu.sem_alloc : memref<!tpu.dma_semaphore, #tpu.memory_space<semaphore_mem>>
      %dma_start3A_201 = tpu.memref_slice %arg3[%add3A_194] : memref<320000xi32, #tpu.memory_space<hbm>> -> memref<400xi32, #tpu.memory_space<hbm>>
      %dma_start3A_202 = tpu.memref_slice %arg3[%add3A_194] : memref<320000xi32, #tpu.memory_space<hbm>> -> memref<400xi32, #tpu.memory_space<hbm>>
      tpu.enqueue_dma source(%dma_start3A_202 : memref<400xi32, #tpu.memory_space<hbm>>) target(%arg5 : memref<400xi32, #tpu.memory_space<vmem>>) target_semaphore(%run_scoped3A : memref<!tpu.dma_semaphore, #tpu.memory_space<semaphore_mem>>)
      %dma_wait3A_203 = tpu.memref_slice %arg3[%add3A_194] : memref<320000xi32, #tpu.memory_space<hbm>> -> memref<400xi32, #tpu.memory_space<hbm>>
      %dma_wait3A_204 = tpu.memref_slice %arg3[%add3A_194] : memref<320000xi32, #tpu.memory_space<hbm>> -> memref<400xi32, #tpu.memory_space<hbm>>
      tpu.wait_dma2 semaphore(%run_scoped3A : memref<!tpu.dma_semaphore, #tpu.memory_space<semaphore_mem>>) src(%dma_wait3A_204 : memref<400xi32, #tpu.memory_space<hbm>>) dst(%arg5 : memref<400xi32, #tpu.memory_space<vmem>>)
      tpu.yield
    }) : () -> ()
    %dma_start3A_195 = arith.constant 0 : i32
    %dma_start3A_196 = arith.constant 0 : i32
    %dma_start3A_197 = tpu.memref_slice %arg2[%dma_start3A_195, %dma_start3A_196] : memref<10000x128xf32, #tpu.memory_space<hbm>> -> memref<10000x128xf32, #tpu.memory_space<hbm>>
    tpu.enqueue_indirect_dma source(%dma_start3A_197 : memref<10000x128xf32, #tpu.memory_space<hbm>>) target(%arg6 : memref<400x128xf32, #tpu.memory_space<vmem>>) offsets(%arg5 : memref<400xi32, #tpu.memory_space<vmem>>) semaphore(%arg7 : memref<!tpu.dma_semaphore, #tpu.memory_space<semaphore_mem>>)
    %dma_wait3A_198 = arith.constant 0 : i32
    %dma_wait3A_199 = arith.constant 0 : i32
    %dma_wait3A_200 = tpu.memref_slice %arg2[%dma_wait3A_198, %dma_wait3A_199] : memref<10000x128xf32, #tpu.memory_space<hbm>> -> memref<10000x128xf32, #tpu.memory_space<hbm>>
    tpu.wait_indirect_dma semaphore(%arg7 : memref<!tpu.dma_semaphore, #tpu.memory_space<semaphore_mem>>) src(%dma_wait3A_200 : memref<10000x128xf32, #tpu.memory_space<hbm>>) dst(%arg6 : memref<400x128xf32, #tpu.memory_space<vmem>>)
    "tpu.region"() ({
      %run_scoped3A = tpu.sem_alloc : memref<!tpu.dma_semaphore, #tpu.memory_space<semaphore_mem>>
      %dma_start3A_201 = arith.constant 0 : i32
      %dma_start3A_202 = tpu.memref_slice %arg4[%add3A_194, %dma_start3A_201] : memref<320000x128xf32, #tpu.memory_space<hbm>> -> memref<400x128xf32, #tpu.memory_space<hbm>>
      %dma_start3A_203 = arith.constant 0 : i32
      %dma_start3A_204 = tpu.memref_slice %arg4[%add3A_194, %dma_start3A_203] : memref<320000x128xf32, #tpu.memory_space<hbm>> -> memref<400x128xf32, #tpu.memory_space<hbm>>
      tpu.enqueue_dma source(%arg6 : memref<400x128xf32, #tpu.memory_space<vmem>>) target(%dma_start3A_204 : memref<400x128xf32, #tpu.memory_space<hbm>>) target_semaphore(%run_scoped3A : memref<!tpu.dma_semaphore, #tpu.memory_space<semaphore_mem>>)
      %dma_wait3A_205 = arith.constant 0 : i32
      %dma_wait3A_206 = tpu.memref_slice %arg4[%add3A_194, %dma_wait3A_205] : memref<320000x128xf32, #tpu.memory_space<hbm>> -> memref<400x128xf32, #tpu.memory_space<hbm>>
      %dma_wait3A_207 = arith.constant 0 : i32
      %dma_wait3A_208 = tpu.memref_slice %arg4[%add3A_194, %dma_wait3A_207] : memref<320000x128xf32, #tpu.memory_space<hbm>> -> memref<400x128xf32, #tpu.memory_space<hbm>>
      tpu.wait_dma2 semaphore(%run_scoped3A : memref<!tpu.dma_semaphore, #tpu.memory_space<semaphore_mem>>) src(%arg6 : memref<400x128xf32, #tpu.memory_space<vmem>>) dst(%dma_wait3A_208 : memref<400x128xf32, #tpu.memory_space<hbm>>)
      tpu.yield
    }) : () -> ()
    return
  }
}

module attributes {stable_mosaic.version = 14 : i64} {
  func.func @_xa_kernel(%arg0: memref<10000x128xf32, #tpu.memory_space<vmem>>, %arg1: memref<128x128xf32, #tpu.memory_space<vmem>>, %arg2: memref<1x128xf32, #tpu.memory_space<vmem>>, %arg3: memref<10000x128xf32, #tpu.memory_space<vmem>>) attributes {dimension_semantics = [], scalar_prefetch = 0 : i64, scratch_operands = 0 : i64, tpu.core_type = #tpu.core_type<tc>} {
    %get3A = arith.constant 0 : index
    %get3A_0 = arith.constant 0 : index
    %get3A_1 = vector.load %arg0[%get3A, %get3A_0] : memref<10000x128xf32, #tpu.memory_space<vmem>>, vector<10000x128xf32>
    %get3A_2 = arith.constant 0 : index
    %get3A_3 = arith.constant 0 : index
    %get3A_4 = vector.load %arg1[%get3A_2, %get3A_3] : memref<128x128xf32, #tpu.memory_space<vmem>>, vector<128x128xf32>
    %dot_general3A = arith.constant dense<0.000000e+00> : vector<10000x128xf32>
    %dot_general3A_5 = tpu.matmul %get3A_1, %get3A_4, %dot_general3A {dimension_numbers = #tpu.dot_dimension_numbers<[1], [0], [0], [1], [0, 0, 1, 1], [], []>, transpose_lhs_hint = false} : vector<10000x128xf32>, vector<128x128xf32>, vector<10000x128xf32> -> vector<10000x128xf32>
    %get3A_6 = arith.constant 0 : index
    %get3A_7 = arith.constant 0 : index
    %get3A_8 = vector.load %arg2[%get3A_6, %get3A_7] : memref<1x128xf32, #tpu.memory_space<vmem>>, vector<1x128xf32>
    %add3A = vector.broadcast %get3A_8 : vector<1x128xf32> to vector<10000x128xf32>
    %add3A_9 = arith.addf %dot_general3A_5, %add3A : vector<10000x128xf32>
    %swap3A = arith.constant 0 : index
    %swap3A_10 = arith.constant 0 : index
    %swap3A_11 = vector.load %arg3[%swap3A, %swap3A_10] : memref<10000x128xf32, #tpu.memory_space<vmem>>, vector<10000x128xf32>
    tpu.vector_store %arg3[%swap3A, %swap3A_10], %add3A_9 {strides = array<i32>} : memref<10000x128xf32, #tpu.memory_space<vmem>>, vector<10000x128xf32>,
    return
  }
}

module attributes {stable_mosaic.version = 14 : i64} {
  func.func @_msg_kernel(%arg0: i32, %arg1: memref<2560x128xf32, #tpu.memory_space<vmem>>, %arg2: memref<2560x16xf32, #tpu.memory_space<vmem>>, %arg3: memref<16x128xf32, #tpu.memory_space<vmem>>, %arg4: memref<128x128xf32, #tpu.memory_space<vmem>>, %arg5: memref<1x128xf32, #tpu.memory_space<vmem>>, %arg6: memref<2560x128xf32, #tpu.memory_space<vmem>>, %arg7: memref<2560x128xbf16, #tpu.memory_space<vmem>>) attributes {dimension_semantics = [#tpu.dimension_semantics<arbitrary>], iteration_bounds = array<i64: 125>, scalar_prefetch = 0 : i64, scratch_operands = 0 : i64, tpu.core_type = #tpu.core_type<tc>, window_params = [{transform_indices = @transform_0, window_bounds = array<i64: 2560, 128>}, {transform_indices = @transform_1, window_bounds = array<i64: 2560, 16>}, {pipeline_mode = #tpu.pipeline_mode<synchronous>, transform_indices = @transform_2, window_bounds = array<i64: 16, 128>}, {pipeline_mode = #tpu.pipeline_mode<synchronous>, transform_indices = @transform_3, window_bounds = array<i64: 128, 128>}, {pipeline_mode = #tpu.pipeline_mode<synchronous>, transform_indices = @transform_4, window_bounds = array<i64: 1, 128>}, {transform_indices = @transform_5, window_bounds = array<i64: 2560, 128>}, {transform_indices = @transform_6, window_bounds = array<i64: 2560, 128>}]} {
    %get3A = arith.constant 0 : index
    %get3A_0 = arith.constant 0 : index
    %get3A_1 = vector.load %arg1[%get3A, %get3A_0] : memref<2560x128xf32, #tpu.memory_space<vmem>>, vector<2560x128xf32>
    %get3A_2 = arith.constant 0 : index
    %get3A_3 = arith.constant 0 : index
    %get3A_4 = vector.load %arg2[%get3A_2, %get3A_3] : memref<2560x16xf32, #tpu.memory_space<vmem>>, vector<2560x16xf32>
    %get3A_5 = arith.constant 0 : index
    %get3A_6 = arith.constant 0 : index
    %get3A_7 = vector.load %arg3[%get3A_5, %get3A_6] : memref<16x128xf32, #tpu.memory_space<vmem>>, vector<16x128xf32>
    %dot_general3A = arith.constant dense<0.000000e+00> : vector<2560x128xf32>
    %dot_general3A_8 = tpu.matmul %get3A_4, %get3A_7, %dot_general3A {dimension_numbers = #tpu.dot_dimension_numbers<[1], [0], [0], [1], [0, 0, 1, 1], [], []>, transpose_lhs_hint = false} : vector<2560x16xf32>, vector<16x128xf32>, vector<2560x128xf32> -> vector<2560x128xf32>
    %add3A = arith.addf %get3A_1, %dot_general3A_8 : vector<2560x128xf32>
    %max3A = arith.constant 0.000000e+00 : f32
    %max3A_9 = vector.broadcast %max3A : f32 to vector<2560x128xf32>
    %max3A_10 = arith.maximumf %add3A, %max3A_9 : vector<2560x128xf32>
    %get3A_11 = arith.constant 0 : index
    %get3A_12 = arith.constant 0 : index
    %get3A_13 = vector.load %arg4[%get3A_11, %get3A_12] : memref<128x128xf32, #tpu.memory_space<vmem>>, vector<128x128xf32>
    %dot_general3A_14 = arith.constant dense<0.000000e+00> : vector<2560x128xf32>
    %dot_general3A_15 = tpu.matmul %max3A_10, %get3A_13, %dot_general3A_14 {dimension_numbers = #tpu.dot_dimension_numbers<[1], [0], [0], [1], [0, 0, 1, 1], [], []>, transpose_lhs_hint = false} : vector<2560x128xf32>, vector<128x128xf32>, vector<2560x128xf32> -> vector<2560x128xf32>
    %get3A_16 = arith.constant 0 : index
    %get3A_17 = arith.constant 0 : index
    %get3A_18 = vector.load %arg5[%get3A_16, %get3A_17] : memref<1x128xf32, #tpu.memory_space<vmem>>, vector<1x128xf32>
    %add3A_19 = vector.broadcast %get3A_18 : vector<1x128xf32> to vector<2560x128xf32>
    %add3A_20 = arith.addf %dot_general3A_15, %add3A_19 : vector<2560x128xf32>
    %swap3A = arith.constant 0 : index
    %swap3A_21 = arith.constant 0 : index
    %swap3A_22 = vector.load %arg6[%swap3A, %swap3A_21] : memref<2560x128xf32, #tpu.memory_space<vmem>>, vector<2560x128xf32>
    tpu.vector_store %arg6[%swap3A, %swap3A_21], %add3A_20 {strides = array<i32>} : memref<2560x128xf32, #tpu.memory_space<vmem>>, vector<2560x128xf32>,
    %convert_element_type3A = arith.truncf %add3A_20 : vector<2560x128xf32> to vector<2560x128xbf16>
    %swap3A_23 = arith.constant 0 : index
    %swap3A_24 = arith.constant 0 : index
    %swap3A_25 = vector.load %arg7[%swap3A_23, %swap3A_24] : memref<2560x128xbf16, #tpu.memory_space<vmem>>, vector<2560x128xbf16>
    tpu.vector_store %arg7[%swap3A_23, %swap3A_24], %convert_element_type3A {strides = array<i32>} : memref<2560x128xbf16, #tpu.memory_space<vmem>>, vector<2560x128xbf16>,
    return
  }
  func.func @transform_0(%arg0: i32) -> (i32, i32) {
    %c0_i32 = arith.constant 0 : i32
    %c0_i32_0 = arith.constant 0 : i32
    return %arg0, %c0_i32 : i32, i32
  }
  func.func @transform_1(%arg0: i32) -> (i32, i32) {
    %c0_i32 = arith.constant 0 : i32
    %c0_i32_0 = arith.constant 0 : i32
    return %arg0, %c0_i32 : i32, i32
  }
  func.func @transform_2(%arg0: i32) -> (i32, i32) {
    %c0_i32 = arith.constant 0 : i32
    %c0_i32_0 = arith.constant 0 : i32
    %c0_i32_1 = arith.constant 0 : i32
    return %c0_i32, %c0_i32_0 : i32, i32
  }
  func.func @transform_3(%arg0: i32) -> (i32, i32) {
    %c0_i32 = arith.constant 0 : i32
    %c0_i32_0 = arith.constant 0 : i32
    %c0_i32_1 = arith.constant 0 : i32
    return %c0_i32, %c0_i32_0 : i32, i32
  }
  func.func @transform_4(%arg0: i32) -> (i32, i32) {
    %c0_i32 = arith.constant 0 : i32
    %c0_i32_0 = arith.constant 0 : i32
    %c0_i32_1 = arith.constant 0 : i32
    return %c0_i32, %c0_i32_0 : i32, i32
  }
  func.func @transform_5(%arg0: i32) -> (i32, i32) {
    %c0_i32 = arith.constant 0 : i32
    %c0_i32_0 = arith.constant 0 : i32
    return %arg0, %c0_i32 : i32, i32
  }
  func.func @transform_6(%arg0: i32) -> (i32, i32) {
    %c0_i32 = arith.constant 0 : i32
    %c0_i32_0 = arith.constant 0 : i32
    return %arg0, %c0_i32 : i32, i32
  }
}

module attributes {stable_mosaic.version = 14 : i64} {
  func.func @_combine_kernel(%arg0: memref<10000x128xf32, #tpu.memory_space<vmem>>, %arg1: memref<10000x128xf32, #tpu.memory_space<vmem>>, %arg2: memref<10000x1xf32, #tpu.memory_space<vmem>>, %arg3: memref<128x128xf32, #tpu.memory_space<vmem>>, %arg4: memref<128x128xf32, #tpu.memory_space<vmem>>, %arg5: memref<128x128xf32, #tpu.memory_space<vmem>>, %arg6: memref<1x128xf32, #tpu.memory_space<vmem>>, %arg7: memref<10000x128xf32, #tpu.memory_space<vmem>>) attributes {dimension_semantics = [], scalar_prefetch = 0 : i64, scratch_operands = 0 : i64, tpu.core_type = #tpu.core_type<tc>} {
    %get3A = arith.constant 0 : index
    %get3A_0 = arith.constant 0 : index
    %get3A_1 = vector.load %arg0[%get3A, %get3A_0] : memref<10000x128xf32, #tpu.memory_space<vmem>>, vector<10000x128xf32>
    %get3A_2 = arith.constant 0 : index
    %get3A_3 = arith.constant 0 : index
    %get3A_4 = vector.load %arg2[%get3A_2, %get3A_3] : memref<10000x1xf32, #tpu.memory_space<vmem>>, vector<10000x1xf32>
    %max3A = arith.constant 1.000000e+00 : f32
    %max3A_5 = vector.broadcast %max3A : f32 to vector<10000x1xf32>
    %max3A_6 = arith.maximumf %get3A_4, %max3A_5 : vector<10000x1xf32>
    %div3A = vector.broadcast %max3A_6 : vector<10000x1xf32> to vector<10000x128xf32>
    %div3A_7 = arith.divf %get3A_1, %div3A : vector<10000x128xf32>
    %gt3A = arith.constant 0.000000e+00 : f32
    %gt3A_8 = vector.broadcast %gt3A : f32 to vector<10000x1xf32>
    %gt3A_9 = arith.cmpf ogt, %get3A_4, %gt3A_8 : vector<10000x1xf32>
    %get3A_10 = arith.constant 0 : index
    %get3A_11 = arith.constant 0 : index
    %get3A_12 = vector.load %arg1[%get3A_10, %get3A_11] : memref<10000x128xf32, #tpu.memory_space<vmem>>, vector<10000x128xf32>
    %jit3A = arith.constant 0.000000e+00 : f32
    %broadcast_in_dim3A = vector.shape_cast %gt3A_9 : vector<10000x1xi1> to vector<10000x1xi1>
    %broadcast_in_dim3A_13 = vector.broadcast %broadcast_in_dim3A : vector<10000x1xi1> to vector<10000x128xi1>
    %broadcast_in_dim3A_14 = vector.broadcast %jit3A : f32 to vector<10000x128xf32>
    %select_n3A = arith.select %broadcast_in_dim3A_13, %get3A_12, %broadcast_in_dim3A_14 : vector<10000x128xi1>, vector<10000x128xf32>
    %get3A_15 = arith.constant 0 : index
    %get3A_16 = arith.constant 0 : index
    %get3A_17 = vector.load %arg3[%get3A_15, %get3A_16] : memref<128x128xf32, #tpu.memory_space<vmem>>, vector<128x128xf32>
    %dot_general3A = arith.constant dense<0.000000e+00> : vector<10000x128xf32>
    %dot_general3A_18 = tpu.matmul %div3A_7, %get3A_17, %dot_general3A {dimension_numbers = #tpu.dot_dimension_numbers<[1], [0], [0], [1], [0, 0, 1, 1], [], []>, transpose_lhs_hint = false} : vector<10000x128xf32>, vector<128x128xf32>, vector<10000x128xf32> -> vector<10000x128xf32>
    %get3A_19 = arith.constant 0 : index
    %get3A_20 = arith.constant 0 : index
    %get3A_21 = vector.load %arg4[%get3A_19, %get3A_20] : memref<128x128xf32, #tpu.memory_space<vmem>>, vector<128x128xf32>
    %dot_general3A_22 = arith.constant dense<0.000000e+00> : vector<10000x128xf32>
    %dot_general3A_23 = tpu.matmul %select_n3A, %get3A_21, %dot_general3A_22 {dimension_numbers = #tpu.dot_dimension_numbers<[1], [0], [0], [1], [0, 0, 1, 1], [], []>, transpose_lhs_hint = false} : vector<10000x128xf32>, vector<128x128xf32>, vector<10000x128xf32> -> vector<10000x128xf32>
    %add3A = arith.addf %dot_general3A_18, %dot_general3A_23 : vector<10000x128xf32>
    %get3A_24 = arith.constant 0 : index
    %get3A_25 = arith.constant 0 : index
    %get3A_26 = vector.load %arg5[%get3A_24, %get3A_25] : memref<128x128xf32, #tpu.memory_space<vmem>>, vector<128x128xf32>
    %dot_general3A_27 = arith.constant dense<0.000000e+00> : vector<10000x128xf32>
    %dot_general3A_28 = tpu.matmul %get3A_1, %get3A_26, %dot_general3A_27 {dimension_numbers = #tpu.dot_dimension_numbers<[1], [0], [0], [1], [0, 0, 1, 1], [], []>, transpose_lhs_hint = false} : vector<10000x128xf32>, vector<128x128xf32>, vector<10000x128xf32> -> vector<10000x128xf32>
    %add3A_29 = arith.addf %add3A, %dot_general3A_28 : vector<10000x128xf32>
    %get3A_30 = arith.constant 0 : index
    %get3A_31 = arith.constant 0 : index
    %get3A_32 = vector.load %arg6[%get3A_30, %get3A_31] : memref<1x128xf32, #tpu.memory_space<vmem>>, vector<1x128xf32>
    %add3A_33 = vector.broadcast %get3A_32 : vector<1x128xf32> to vector<10000x128xf32>
    %add3A_34 = arith.addf %add3A_29, %add3A_33 : vector<10000x128xf32>
    %swap3A = arith.constant 0 : index
    %swap3A_35 = arith.constant 0 : index
    %swap3A_36 = vector.load %arg7[%swap3A, %swap3A_35] : memref<10000x128xf32, #tpu.memory_space<vmem>>, vector<10000x128xf32>
    tpu.vector_store %arg7[%swap3A, %swap3A_35], %add3A_34 {strides = array<i32>} : memref<10000x128xf32, #tpu.memory_space<vmem>>, vector<10000x128xf32>,
    return
  }
}

</mosaic_0001>

<sc_bundles>
// kernel: gather_offload_async_start
scs
__scs_entry_jumppad:
0x0: {  	(pc) =	sbr.rel $0x88, $3  }
0x1: {  	(tag) =	ssettag $0x0;
	lr =	simm.s32 $0x1  }
0x2: {  	[smem:$0x3F94] =	sst lr;
	_ =	strace $0xD0000000  }
0x3: {  	_ = 	snop  }
0x4: {  	_ = 	snop  }
0x5: {  	_ = 	snop  }
0x6: {  	_ = 	snop  }
0x7: {  	_ = 	snop  }
__scs_overlays_trampoline_lowered:
0x8: {  	[smem:$0x3FA3] =	sst s0  }
0x9: {  	[smem:$0x3FA4] =	sst s1  }
0xa: {  	[smem:$0x3FA5] =	sst s2  }
0xb: {  	[smem:$0x3FA6] =	sst s3  }
0xc: {  	[smem:$0x3FA7] =	sst s4  }
0xd: {  	[smem:$0x3FA8] =	sst s5  }
0xe: {  	[smem:$0x3FA9] =	sst s6  }
0xf: {  	[smem:$0x3FAA] =	sst s7  }
0x10: {  	[smem:$0x3FAB] =	sst s8  }
0x11: {  	[smem:$0x3FAC] =	sst s9;
	s0 =	simm.s32 @!p0 $0x0  }
0x12: {  	s1 =	sld [smem:$0x3F92];
	s0 =	simm.s32 @p0 $0x1  }
0x13: {  	[smem:$0x3FAD] =	sst s0;
	s0 =	simm.s32 @!p1 $0x0  }
0x14: {  	s2 =	sld [smem:$0x3F91];
	s0 =	simm.s32 @p1 $0x1  }
0x15: {  	[smem:$0x3FAE] =	sst s0;
	s0 =	simm.s32 @!p2 $0x0  }
0x16: {  	s3 =	sld [smem:$0x3FDB];
	s0 =	simm.s32 @p2 $0x1  }
0x17: {  	s4 =	simm.s32 $0x1BF5;
	[smem:$0x3FB0] =	sst s0  }
0x18: {  	s0 =	sld [smem:$0x3F93];
	_ =	swait.ge [sflag:s4], $0x0  }
0x19: {  	s7 =	sld [smem:$0x3F94]  }
0x1a: {  	s8 =	sadd.s32 $0xFFFFE003, lr  }
0x1b: {  	s9 =	sadd.s32 $0xFFFFFEF7, lr;
	s5 =	simm.s32 $0xFFFFFFFF;
	p2 =	slt.u32 s8, $0xFFFFF086  }
0x1c: {  	p1 =	slt.u32 s9, $0xF7A;
	s5 =	simm.s32 @!p2 $0x0  }
0x1d: {  	s5 =	simm.s32 @p1 $0x1;
	p0 =	seq.s32 s7, s2  }
0x1e: {  	s7 =	smul.u32 @!p0 $0xF7A, s2;
	p2 =	seq.s32 @!p0 s5, $0x0  }
0x1f: {  	s9 =	smul.u32 $0xF7A, s1;
	s8 =	simm.s32 @!p0 $0x1BF5;
	p2 =	por !p2, p0  }
0x20: {  	[sflag:s8] =	ssyncset.s32 @!p0 $0xFFFFF086;
	s6 =	sadd.s32 @!p0 s3, s7;
	s7 =	simm.s32 @!p0 $0x108  }
0x21: {  	s3 =	sadd.s32 s3, s9;
	s6 =	sadd.s32 @!p0 $0x88, s6;
	s7 =	simm.s32 @p2 $0x1082  }
0x22: {  	[simem:s7], [sflag:s8] =	dma.local @!p0 [hbm:s6], $0xF7A  }
0x23: {  	s9 =	sor.u32 $0xD0000000, s2;
	s6 =	simm.s32 $0x108;
	_ =	swait.ge @!p0 [sflag:s8], $0x0  }
0x24: {  	s3 =	sadd.s32 $0x88, s3;
	s6 =	simm.s32 @!p1 $0x1082;
	[sflag:s4] =	ssyncset.s32 $0xFFFFF086  }
0x25: {  	[simem:s6], [sflag:s4] =	dma.local [hbm:s3], $0xF7A  }
0x26: {  	[smem:$0x3F94] =	sst s1;
	(tag) =	ssettag s2;
	_ =	strace s9  }
0x27: {  	s1 =	sld [smem:$0x3FA4]  }
0x28: {  	s2 =	sld [smem:$0x3FA5]  }
0x29: {  	s4 =	sld [smem:$0x3FA7]  }
0x2a: {  	p0 =	seq.s32 s5, $0x0;
	s5 =	sld [smem:$0x3FA8]  }
0x2b: {  	s6 =	sld [smem:$0x3FA9]  }
0x2c: {  	s7 =	sld [smem:$0x3FAA]  }
0x2d: {  	s3 =	simm.s32 $0x108;
	s8 =	sld [smem:$0x3FAB]  }
0x2e: {  	s3 =	simm.s32 @!p0 $0x1082;
	s9 =	sld [smem:$0x3FAC]  }
0x2f: {  	lr =	sadd.s32 s0, s3;
	s0 =	sld [smem:$0x3FA3]  }
0x30: {  	s3 =	sld [smem:$0x3FA6]  }
0x31: {  	[smem:$0x3FAF] =	sst s10  }
0x32: {  	s10 =	sld [smem:$0x3FAD];
	_ =	sdelay $0x3  }
0x33: {  	p0 =	seq.s32 s10, $0x1;
	s10 =	sld [smem:$0x3FAF];
	_ =	sdelay $0x3  }
0x34: {  	[smem:$0x3FAF] =	sst s10  }
0x35: {  	s10 =	sld [smem:$0x3FAE];
	_ =	sdelay $0x3  }
0x36: {  	p1 =	seq.s32 s10, $0x1;
	s10 =	sld [smem:$0x3FAF];
	_ =	sdelay $0x3  }
0x37: {  	[smem:$0x3FAF] =	sst s10  }
0x38: {  	s10 =	sld [smem:$0x3FB0]  }
0x39: {  	_ = 	snop;
	(pc) =	sbr.ind lr, $3  }
0x3a: {  	_ = 	snop  }
0x3b: {  	_ = 	snop  }
0x3c: {  	p2 =	seq.s32 s10, $0x1;
	s10 =	sld [smem:$0x3FAF]  }
0x3d: {  	_ =	shalt  }
0x3e: {  	_ =	shalt  }
0x3f: {  	_ =	shalt  }
0x40: {  	_ =	shalt  }
0x41: {  	_ =	shalt  }
0x42: {  	_ =	shalt  }
0x43: {  	_ =	shalt  }
0x44: {  	_ =	shalt  }
0x45: {  	_ =	shalt  }
0x46: {  	_ =	shalt  }
0x47: {  	_ =	shalt  }
0x48: {  	_ =	shalt  }
0x49: {  	_ =	shalt  }
0x4a: {  	_ =	shalt  }
0x4b: {  	_ =	shalt  }
0x4c: {  	_ =	shalt  }
0x4d: {  	_ =	shalt  }
0x4e: {  	_ =	shalt  }
0x4f: {  	_ =	shalt  }
0x50: {  	_ =	shalt  }
0x51: {  	_ =	shalt  }
0x52: {  	_ =	shalt  }
0x53: {  	_ =	shalt  }
0x54: {  	_ =	shalt  }
0x55: {  	_ =	shalt  }
0x56: {  	_ =	shalt  }
0x57: {  	_ =	shalt  }
0x58: {  	_ =	shalt  }
0x59: {  	_ =	shalt  }
0x5a: {  	_ =	shalt  }
0x5b: {  	_ =	shalt  }
0x5c: {  	_ =	shalt  }
0x5d: {  	_ =	shalt  }
0x5e: {  	_ =	shalt  }
0x5f: {  	_ =	shalt  }
0x60: {  	_ =	shalt  }
0x61: {  	_ =	shalt  }
0x62: {  	_ =	shalt  }
0x63: {  	_ =	shalt  }
0x64: {  	_ =	shalt  }
0x65: {  	_ =	shalt  }
0x66: {  	_ =	shalt  }
0x67: {  	_ =	shalt  }
0x68: {  	_ =	shalt  }
0x69: {  	_ =	shalt  }
0x6a: {  	_ =	shalt  }
0x6b: {  	_ =	shalt  }
0x6c: {  	_ =	shalt  }
0x6d: {  	_ =	shalt  }
0x6e: {  	_ =	shalt  }
0x6f: {  	_ =	shalt  }
0x70: {  	_ =	shalt  }
0x71: {  	_ =	shalt  }
0x72: {  	_ =	shalt  }
0x73: {  	_ =	shalt  }
0x74: {  	_ =	shalt  }
0x75: {  	_ =	shalt  }
0x76: {  	_ =	shalt  }
0x77: {  	_ =	shalt  }
0x78: {  	_ =	shalt  }
0x79: {  	_ =	shalt  }
0x7a: {  	_ =	shalt  }
0x7b: {  	_ =	shalt  }
0x7c: {  	_ =	shalt  }
0x7d: {  	_ =	shalt  }
0x7e: {  	_ =	shalt  }
0x7f: {  	_ =	shalt  }
0x80: {  	_ =	shalt  }
0x81: {  	_ =	shalt  }
0x82: {  	_ =	shalt  }
0x83: {  	_ =	shalt  }
0x84: {  	_ =	shalt  }
0x85: {  	_ =	shalt  }
0x86: {  	_ =	shalt  }
0x87: {  	_ =	shalt  }
.Lfunc_end0:
.L_simem_size_0:
called_computation.3_lowered:
.L_overlay_start_0:
0x88: {  	s2 =	sld [smem:$0x3FD9]  }
0x89: {  	s3 =	sld [smem:$0x3FFE];
	_ =	sdelay $0x1  }
0x8a: {  	s1 =	srdreg.scid  }
0x8b: {  	s0 =	sand.u32 $0x1, s1  }
0x8c: {  	s16 =	sshll.u32 s0, $0xA;
	s2 =	sadd.s32 s3, s2  }
0x8d: {  	s2 =	sadd.s32 s2, s16  }
0x8e: {  	[smem:$0x3FBB] =	sst s2  }
0x8f: {  	_ = 	snop  }
0x90: {  	(tm) =	ssettm $0x1  }
0x91: {  	s17 =	sld [smem:$0x3FFB];
	_ =	sdelay $0x3  }
0x92: {  	_ =	strace s17  }
0x93: {  	s2 =	sld [smem:$0x3FFC];
	_ =	sdelay $0x3  }
0x94: {  	_ =	strace s2  }
0x95: {  	s2 =	sld [smem:$0x3FFD];
	_ =	sdelay $0x3  }
0x96: {  	_ =	strace s2  }
0x97: {  	_ =	strace $0x8FFFFFFF  }
0x98: {  	s18 =	sld [smem:$0x3FDB];
	_ =	sdelay $0x1  }
0x99: {  	s19 =	simm.s32 $_scs_section_size  }
0x9a: {  	s4 =	simm.s32 $_size__tile_overlayer_lowered;
	s5 =	simm.s32 $_tile_overlayer_lowered  }
0x9b: {  	s22 =	simm.s32 $0x1BFF;
	s21 =	sshll.u32 s5, $0x1;
	s2 =	sadd.s32 s19, s18  }
0x9c: {  	s6 =	simm.s32 $0x0;
	s20 =	sshll.u32 s4, $0x1;
	s4 =	sadd.s32 s21, s2  }
0x9d: {  	[timem:s6], [sflag:s22] =	dma.local [hbm:s4], s20  }
0x9e: {  	_ =	swait.ge [sflag:s22], s20  }
0x9f: {  	s3 =	ssub.s32 $0x0, s20;
	[sflag:s22] =	ssyncset.done $0x0  }
0xa0: {  	[sflag:s22] =	ssyncadd.s32 s3;
	_ =	sdelay $0x1  }
0xa1: {  	s23 =	simm.s32 $0x1B8B  }
0xa2: {  	_ =	swait.ge [sflag:s23], $0x1  }
0xa3: {  	[sflag:s23] =	ssyncset.done $0x0  }
0xa4: {  	s25 =	simm.s32 $0x1B8E;
	s24 =	sld [smem:$0x3FFE];
	[sflag:s23] =	ssyncadd.s32 $0xFFFFFFFF  }
0xa5: {  	s26 =	simm.s32 $execute0_lowered;
	[smem:$0x3FD2] =	sst s25  }
0xa6: {  	s4 =	sshll.u32 s26, $0x1;
	_ =	strace $0x80000049;
	[dreg:$0x1] =	wrdreg $0xFFFFFFFF  }
0xa7: {  	s28 =	simm.s32 $_size_execute0_lowered;
	s2 =	sadd.s32 s2, s4;
	[dreg:$0x0] =	wrdreg $0x0  }
0xa8: {  	s4 =	sshll.u32 s28, $0x1;
	[dreg:$0x2] =	wrdreg s2  }
0xa9: {  	[dreg:$0x3] =	wrdreg s4  }
0xaa: {  	[dreg:$0x4] =	wrdreg $0xC0  }
0xab: {  	_ =	task [dreg:s6], $0x5FFFF  }
0xac: {  	[dreg:$0x1] =	wrdreg $0xFFFFFFFF  }
0xad: {  	[dreg:$0x0] =	wrdreg $0x60  }
0xae: {  	[dreg:$0x2] =	wrdreg s24  }
0xaf: {  	[dreg:$0x3] =	wrdreg $0xA  }
0xb0: {  	_ =	task.clear_ibuf [dreg:s6], $0x4FFFF;
	_ =	strace $0x90000049  }
0xb1: {  	s29 =	simm.s32 $0xA;
	_ =	strace $0x8000004B  }
0xb2: {  	_ =	swait.ge [sflag:s29], $0x1  }
0xb3: {  	[sflag:s29] =	ssyncadd.s32 $0xFFFFFFFF  }
0xb4: {  	_ =	strace $0x9000004B  }
0xb5: {  	_ =	sfence  }
0xb6: {  	s30 =	sld [smem:$0x0];
	_ =	sdelay $0x2  }
0xb7: {  	s31 =	sshll.u32 s1, $0xD;
	s1 =	sshrl.u32 s1, $0x2  }
0xb8: {  	s3 =	sand.u32 $0x4000, s31;
	s1 =	sadd.s32 s1, s30  }
0xb9: {  	s0 =	sor.u32 s3, s0;
	s1 =	sshll.u32 s1, $0x11  }
0xba: {  	s0 =	sor.u32 s1, s0  }
0xbb: {  	s0 =	sadd.s32 $0x8F2B, s0  }
0xbc: {  	[sflag:s0] =	ssyncadd.remote.s32 $0x1  }
0xbd: {  	_ =	sfence.sel $0xFFFF  }
0xbe: {  	[dreg:$0x0] =	wrdreg $0xFFFFFFFF;
	(pc) =	sbr.abs _section_cstart, $3  }
0xbf: {  	[dreg:$0x1] =	wrdreg $0xFFFFFFFF  }
0xc0: {  	_ =	task.clear_ibuf [dreg:s6], $0x2FFFF;
	_ =	strace $0x9FFFFFFF  }
0xc1: {  	(tm) =	ssettm $0x7FFFFFFF  }
tec
execute0_lowered:
.L_overlay_start_1:
0x0: {  	(tag) =	ssettag $0x1  }
0x1: {  	s0 =	srdreg.scid  }
0x2: {  	s1 =	sshll.u32 s0, $0x4  }
0x3: {  	s0 =	stileid.u32;
	s1 =	sand.u32 $0x10, s1  }
0x4: {  	s6 =	rddreg [dreg:$0x0];
	s7 =	simm.s32 $0x1;
	s1 =	sor.u32 s0, s1  }
0x5: {  	s8 =	simm.s32 $0x2;
	s10 =	simm.s32 $0x3;
	s2 =	smul.u32 $0x27, s1  }
0x6: {  	s17 =	simm.s32 $0x0;
	s11 =	simm.s32 $0xFFFF0000;
	s3 =	smin.u32 s1, $0x2  }
0x7: {  	p0 =	slt.u32 s1, $0x2;
	s2 =	sadd.s32 s3, s2;
	s3 =	simm.s32 $0x2800  }
0x8: {  	s12 =	simm.s32 $0xFFFFFFFF;
	s2 =	sshll.u32 s2, $0x8;
	s3 =	simm.s32 @!p0 $0x2700  }
0x9: {  	s13 =	simm.s32 $0x0;
	s14 =	simm.s32 $0x0;
	s3 =	sadd.s32 s3, s2  }
0xa: {  	s16 =	simm.s32 $0x0;
	s1 =	rddreg [dreg:$0x1];
	s3 =	smin.u32 s3, $0x4E200  }
.Ltmp0:
0xb: {  	_ =	strace $0x8000004A;
	s9 =	ssub.s32 s3, s2;
	(pc) =	sbr.rel .LBB2_1-.Ltmp0, $4  }
0xc: {  	vm0 =	vmmov $0xff;
	s4 =	sadd.s32 $0x9EC000, s6;
	[sflag:s7] =	ssyncpa.u1 $0x0;
	p0 =	sgt.s32 s9, $0x0  }
0xd: {  	vm1 =	vcmask $0x3F20;
	v0 =	vimm.s32 $0x4;
	v1 =	vimm.s32 $0x0;
	s5 =	sadd.s32 $0x9E2200, s6;
	[sflag:s8] =	ssyncpa.u1 $0x0;
	s9 =	simm.s32 @!p0 $0x0  }
0xe: {  	v2 =	vimm.s32 $0x1;
	v3 =	vimm.s32 $0x2;
	v4 =	vimm.s32 $0x3;
	s6 =	sadd.s32 $0xA600, s6;
	[sflag:s10] =	ssyncpa.u1 $0x0;
	s9 =	sshrl.u32 s9, $0x8  }
0xf: {  	v5 =	vimm.s32 $0x5;
	v6 =	vimm.s32 $0x6;
	v7 =	vimm.s32 $0x7;
	s15 =	smov.u32 s2;
	p0 =	por $0x0, $0x0;
	s10 =	sadd.s32 $0x2, s9  }
.LBB2_11:
0x10: {  	p1 =	slt.u32 s16, $0x3  }
0x11: {  	s17 =	simm.s32 @!p1 $0x3  }
0x12: {  	_ =	swait.ge @!p1 [sflag:s17], $0x4000  }
0x13: {  	[sflag:s17] =	ssyncset.done @!p1 $0x0  }
0x14: {  	[sflag:s17] =	ssyncadd.s32 @!p1 $0xFFFFC000;
	p1 =	sne.s32 s16, s10  }
.Ltmp1:
0x15: {  	s18 =	sadd.s32 $0x100, s15;
	(pc) =	sbr.rel @!p1 .LBB2_12-.Ltmp1, $4  }
0x16: {  	s19 =	smov.u32 s2;
	s31 =	sadd.s32 $0x1, s16;
	s11 =	sadd.s32 $0x10000, s11  }
0x17: {  	s13 =	sadd.s32 $0x100, s13;
	s12 =	sadd.s32 $0x1, s12;
	p2 =	slt.s32 s18, s3  }
0x18: {  	p0 =	por !p0, !p0;
	s19 =	smov.u32 @p2 s18;
	s17 =	smov.u32 s14  }
0x19: {  	s14 =	smov.u32 s15;
	s15 =	smov.u32 s19;
	s16 =	smov.u32 s31  }
.LBB2_1:
0x1a: {  	p1 =	sge.u32 s16, s9  }
0x1b: {  	s18 =	smulhi.u32 @!p1 $0xAAAAAAAB, s16;
	_ =	sdelay $0x1  }
0x1c: {  	s18 =	sshrl.u32 @!p1 s18, $0x1  }
0x1d: {  	s18 =	smul.u32 @!p1 $0x3, s18;
	_ =	sdelay $0x1  }
0x1e: {  	s31 =	sadd.s32 $0xFFFFFFFF, s16;
	s19 =	sshrl.u32 @!p1 s15, $0x3;
	s18 =	ssub.s32 @!p1 s16, s18  }
0x1f: {  	s20 =	sand.u32 @!p1 $0x7, s15;
	s19 =	sadd.s32 @!p1 s5, s19;
	s18 =	sshll.u32 @!p1 s18, $0x8  }
0x20: {  	[tilespmem:s18], [sflag:$0x1] =	stream.linear.gather @!p1 [hbm4b:s19+s20], $0x100, $0x38;
	[tilespmem:$0x18300] =	vst v63  }
0x21: {  	p1 =	sge.u32 s31, s9  }
.Ltmp2:
0x22: {  	_ = 	snop;
	(pc) =	sbr.rel @p1 .LBB2_5-.Ltmp2, $1  }
0x23: {  	_ =	sdelay $0x3  }
0x24: {  	s18 =	smulhi.u32 $0xAAAAAAAB, s12;
	_ =	sdelay $0x1  }
0x25: {  	s18 =	sshrl.u32 s18, $0x1  }
0x26: {  	s18 =	smul.u32 $0xFFFFF400, s18;
	_ =	sdelay $0x1  }
0x27: {  	_ =	swait.ge [sflag:s7], $0x100;
	s18 =	sshra.s32 s18, $0x2  }
0x28: {  	[sflag:s7] =	ssyncset.done $0x0;
	s18 =	sadd.s32 s18, s13  }
0x29: {  	[sflag:s7] =	ssyncadd.s32 $0xFFFFFF00;
	s19 =	sadd.s32 $0xFFFFFF00, s18  }
0x2a: {  	v8 =	vld.msk [tilespmem:s19+$0x0 ss:$0x1], $0xffff;
	_ =	sdelay $0x4  }
0x2b: {  	vm2 =	vgt.s32 v8, $0x0  }
0x2c: {  	v8 =	vnsel vm2, $0x0, v8  }
0x2d: {  	v9 =	vmin.u32 v8, $0x4E1FF  }
0x2e: {  	v8 =	vmov s18;
	v10 =	vshll.u32 v9, $0x3  }
0x2f: {  	v10 =	vand.u32 $0x3FFFF0, v10  }
0x30: {  	s30 =	sshrl.u32 s11, $0x1  }
0x31: {  	s19 =	sand.u32 $0x8000, s30  }
0x32: {  	s20 =	simm.s32 $0xFFFFFF00;
	s19 =	sor.u32 $0x700, s19;
	v9 =	vand.u32 $0x1, v9  }
0x33: {  	s21 =	sadd.s32 $0xFFFFFC00, s19;
	[tilespmem:v8+s20+$0x0 ss:$0x1] =	vst.idx.msk $0xffff, v9  }
0x34: {  	[tilespmem:s21], [sflag:$0x2] =	stream.indirect_vreg.gather [hbm:s4], $0x80, v10, vm0, $0x38;
	[tilespmem:$0x18300] =	vst v63  }
0x35: {  	s31 =	sadd.s32 $0xFFFFFF10, s18  }
0x36: {  	[tilespmem:s19], [sflag:$0x2] =	stream.indirect_vreg.gather [hbm:s4], $0x80, v10, vm1, $0x38;
	[tilespmem:$0x18300] =	vst v63  }
0x37: {  	s20 =	simm.s32 $0xFFFFFF10;
	s21 =	simm.s32 $0xFFFFFC80;
	v9 =	vld.msk [tilespmem:s31+$0x0 ss:$0x1], $0xffff  }
.LBB2_3:
0x38: {  	p1 =	sne.s32 s21, $0xFFFFFFC0;
	_ =	sdelay $0x4  }
0x39: {  	vm2 =	vgt.s32 v9, $0x0  }
0x3a: {  	v9 =	vnsel vm2, $0x0, v9  }
0x3b: {  	v9 =	vmin.u32 v9, $0x4E1FF  }
0x3c: {  	v10 =	vshll.u32 v9, $0x3  }
0x3d: {  	v10 =	vand.u32 $0x3FFFF0, v10;
	_ =	sdelay $0x2  }
0x3e: {  	s19 =	sadd.s32 $0x800, s19  }
.Ltmp3:
0x3f: {  	s22 =	sshra.s32 s21, $0x2;
	s23 =	sadd.s32 $0xFFFFFC00, s19;
	v9 =	vand.u32 $0x1, v9;
	(pc) =	sbr.rel @p1 .LBB2_3-.Ltmp3, $4  }
0x40: {  	[tilespmem:v8+s20+$0x0 ss:$0x1] =	vst.idx.msk $0xffff, v9;
	[tilespmem:s23], [sflag:$0x2] =	stream.indirect_vreg.gather [hbm:s4], $0x80, v10, vm0, $0x38  }
0x41: {  	s23 =	sadd.s32 s22, s18;
	s20 =	smov.u32 s22  }
0x42: {  	[tilespmem:s19], [sflag:$0x2] =	stream.indirect_vreg.gather [hbm:s4], $0x80, v10, vm1, $0x38;
	[tilespmem:$0x18300] =	vst v63  }
0x43: {  	s21 =	sadd.s32 $0x40, s21;
	v9 =	vld.msk [tilespmem:s23+$0x0 ss:$0x1], $0xffff  }
0x44: {  	_ =	sdelay $0x3  }
0x45: {  	vm2 =	vgt.s32 v9, $0x0  }
0x46: {  	v9 =	vnsel vm2, $0x0, v9  }
0x47: {  	v9 =	vmin.u32 v9, $0x4E1FF  }
0x48: {  	v10 =	vshll.u32 v9, $0x3  }
0x49: {  	v10 =	vand.u32 $0x3FFFF0, v10;
	_ =	sdelay $0x2  }
0x4a: {  	s18 =	sadd.s32 $0x800, s19;
	v9 =	vand.u32 $0x1, v9  }
0x4b: {  	s19 =	sadd.s32 $0xFFFFFC00, s18;
	[tilespmem:v8+s20+$0x0 ss:$0x1] =	vst.idx.msk $0xffff, v9  }
0x4c: {  	[tilespmem:s19], [sflag:$0x2] =	stream.indirect_vreg.gather [hbm:s4], $0x80, v10, vm0, $0x38;
	[tilespmem:$0x18300] =	vst v63  }
0x4d: {  	_ = 	snop  }
0x4e: {  	[tilespmem:s18], [sflag:$0x2] =	stream.indirect_vreg.gather [hbm:s4], $0x80, v10, vm1, $0x38;
	[tilespmem:$0x18300] =	vst v63  }
.LBB2_5:
0x4f: {  	p1 =	slt.u32 s16, $0x2  }
0x50: {  	p2 =	sge.u32 @!p1 s16, s10  }
0x51: {  	p1 =	por p1, p2  }
.Ltmp4:
0x52: {  	_ = 	snop;
	(pc) =	sbr.rel @p1 .LBB2_11-.Ltmp4, $1  }
0x53: {  	_ =	sdelay $0x3  }
0x54: {  	s19 =	sadd.s32 $0xFFFFFFFE, s16  }
0x55: {  	s18 =	smulhi.u32 $0xAAAAAAAB, s19  }
0x56: {  	s20 =	simm.s32 $0x1;
	s30 =	sand.u32 $0x1, s16  }
0x57: {  	_ =	swait.ge [sflag:s8], $0x8000;
	s20 =	simm.s32 @!p0 $0x0;
	s18 =	sshrl.u32 s18, $0x1  }
0x58: {  	s31 =	sshll.u32 s30, $0xF;
	[sflag:s8] =	ssyncset.done $0x0;
	s21 =	smul.u32 $0x3, s18  }
0x59: {  	s29 =	sshll.u32 s20, $0xE;
	s20 =	sshll.u32 s30, $0xE;
	[sflag:s8] =	ssyncadd.s32 $0xFFFF8000  }
0x5a: {  	s22 =	sor.u32 $0x10300, s20;
	s19 =	ssub.s32 s19, s21;
	s21 =	sor.u32 $0x300, s31  }
0x5b: {  	s20 =	simm.s32 $0x0;
	s18 =	sor.u32 $0x10300, s29;
	v9 =	vmov s22;
	s19 =	sshll.u32 s19, $0x8;
	v8 =	vmov s21  }
.LBB2_7:
0x5c: {  	s21 =	sshll.u32 s20, $0x3  }
0x5d: {  	s21 =	sand.u32 $0x3FFFFFF8, s21  }
0x5e: {  	s21 =	sadd.s32 s21, s19  }
0x5f: {  	v10 =	vld.msk [tilespmem:s21+$0x0 ss:$0x1], $0xff  }
0x60: {  	s26 =	sshll.u32 s20, $0xA  }
0x61: {  	s23 =	sand.u32 $0x3FFFFC00, s26  }
0x62: {  	v11 =	vld.idx.msk [tilespmem:v8+s23+$0x0 ss:$0x1], $0xffff  }
0x63: {  	v12 =	vld.idx.msk [tilespmem:v8+s23+$0x80 ss:$0x1], $0xffff  }
0x64: {  	v10 =	vshll.u32 v10, $0x4  }
0x65: {  	v13 =	vperm.xlane v10, v2  }
0x66: {  	v15 =	vperm.xlane v10, v1  }
0x67: {  	v20 =	vsub.s32 $0x10, v13  }
0x68: {  	v11 =	vshrl.u32 v11, v15;
	v12 =	vshll.u32 v12, v20  }
0x69: {  	s28 =	sshll.u32 s20, $0x9;
	v14 =	vld.idx.msk [tilespmem:v8+s23+$0x10 ss:$0x1], $0xffff;
	v11 =	vand.u32 $0xFFFF, v11;
	v12 =	vand.u32 $0xFFFF0000, v12  }
0x6a: {  	v17 =	vld.idx.msk [tilespmem:v8+s23+$0x90 ss:$0x1], $0xffff;
	s21 =	sand.u32 $0x3FFFFE00, s28;
	v11 =	vor.u32 v11, v12  }
0x6b: {  	v63 =	vld.idx.msk [tilespmem:v8+s23+$0x20 ss:$0x1], $0xffff;
	[tilespmem:v9+s21+$0x0 ss:$0x1] =	vst.idx.msk $0xffff, v11  }
0x6c: {  	v59 =	vld.idx.msk [tilespmem:v8+s23+$0x100 ss:$0x1], $0xffff  }
0x6d: {  	v60 =	vld.idx.msk [tilespmem:v8+s23+$0x180 ss:$0x1], $0xffff  }
0x6e: {  	v25 =	vld.idx.msk [tilespmem:v8+s23+$0xA0 ss:$0x1], $0xffff  }
0x6f: {  	v23 =	vld.idx.msk [tilespmem:v8+s23+$0x30 ss:$0x1], $0xffff;
	v16 =	vperm.xlane v10, v4  }
0x70: {  	v33 =	vld.idx.msk [tilespmem:v8+s23+$0x40 ss:$0x1], $0xffff;
	v11 =	vperm.xlane v10, v3  }
0x71: {  	v38 =	vld.idx.msk [tilespmem:v8+s23+$0x50 ss:$0x1], $0xffff;
	v19 =	vsub.s32 $0x10, v16  }
0x72: {  	v53 =	vld.idx.msk [tilespmem:v8+s23+$0x60 ss:$0x1], $0xffff;
	v61 =	vshrl.u32 v14, v15;
	v12 =	vshrl.u32 v59, v11;
	v13 =	vshll.u32 v60, v19  }
0x73: {  	v54 =	vld.idx.msk [tilespmem:v8+s23+$0xE0 ss:$0x1], $0xffff;
	v62 =	vshll.u32 v17, v20;
	v12 =	vand.u32 $0xFFFF, v12;
	v13 =	vand.u32 $0xFFFF0000, v13  }
0x74: {  	v56 =	vld.idx.msk [tilespmem:v8+s23+$0x70 ss:$0x1], $0xffff;
	v18 =	vand.u32 $0xFFFF, v61;
	v24 =	vand.u32 $0xFFFF0000, v62;
	v12 =	vor.u32 v12, v13  }
0x75: {  	[tilespmem:v9+s21+$0x80 ss:$0x1] =	vst.idx.msk $0xffff, v12;
	v12 =	vor.u32 v18, v24;
	v24 =	vld.idx.msk [tilespmem:v8+s23+$0xB0 ss:$0x1], $0xffff  }
0x76: {  	v21 =	vld.idx.msk [tilespmem:v8+s23+$0x200 ss:$0x1], $0xffff  }
0x77: {  	v16 =	vshrl.u32 v63, v15;
	v14 =	vshll.u32 v25, v20;
	v26 =	vld.idx.msk [tilespmem:v8+s23+$0x280 ss:$0x1], $0xffff  }
0x78: {  	v57 =	vld.idx.msk [tilespmem:v8+s23+$0xF0 ss:$0x1], $0xffff;
	v16 =	vand.u32 $0xFFFF, v16;
	v14 =	vand.u32 $0xFFFF0000, v14;
	[tilespmem:v9+s21+$0x10 ss:$0x1] =	vst.idx.msk $0xffff, v12  }
0x79: {  	v14 =	vor.u32 v16, v14;
	v18 =	vperm.xlane v10, v5;
	v12 =	vld.idx.msk [tilespmem:v8+s23+$0x110 ss:$0x1], $0xffff  }
0x7a: {  	v36 =	vshrl.u32 v23, v15;
	v17 =	vperm.xlane v10, v0;
	[tilespmem:v9+s21+$0x20 ss:$0x1] =	vst.idx.msk $0xffff, v14;
	v22 =	vld.idx.msk [tilespmem:v8+s23+$0x190 ss:$0x1], $0xffff  }
0x7b: {  	v46 =	vshrl.u32 v38, v15;
	v39 =	vand.u32 $0xFFFF, v36;
	v29 =	vld.idx.msk [tilespmem:v8+s23+$0x120 ss:$0x1], $0xffff;
	v18 =	vsub.s32 $0x10, v18  }
0x7c: {  	s22 =	sor.u32 $0x1, s20;
	v31 =	vld.idx.msk [tilespmem:v8+s23+$0x1A0 ss:$0x1], $0xffff;
	v37 =	vshll.u32 v24, v20;
	v21 =	vshrl.u32 v21, v17;
	v13 =	vshll.u32 v26, v18  }
0x7d: {  	s29 =	sshll.u32 s22, $0xA;
	v25 =	vld.idx.msk [tilespmem:v8+s23+$0xC0 ss:$0x1], $0xffff;
	v23 =	vand.u32 $0xFFFF0000, v37;
	v27 =	vand.u32 $0xFFFF, v21;
	v13 =	vand.u32 $0xFFFF0000, v13  }
0x7e: {  	s25 =	sand.u32 $0x3FFFFC00, s29;
	v12 =	vshrl.u32 v12, v11;
	v23 =	vor.u32 v39, v23;
	v13 =	vor.u32 v27, v13;
	v27 =	vld.idx.msk [tilespmem:v8+s23+$0xD0 ss:$0x1], $0xffff  }
0x7f: {  	v28 =	vshll.u32 v22, v19;
	[tilespmem:v9+s21+$0x30 ss:$0x1] =	vst.idx.msk $0xffff, v23;
	v23 =	vand.u32 $0xFFFF, v46;
	v46 =	vld.idx.msk [tilespmem:v8+s25+$0x10 ss:$0x1], $0xffff  }
0x80: {  	v16 =	vshrl.u32 v29, v11;
	v30 =	vand.u32 $0xFFFF, v12;
	v14 =	vand.u32 $0xFFFF0000, v28;
	v28 =	vld.idx.msk [tilespmem:v8+s23+$0x130 ss:$0x1], $0xffff  }
0x81: {  	v21 =	vshll.u32 v31, v19;
	[tilespmem:v9+s21+$0x100 ss:$0x1] =	vst.idx.msk $0xffff, v13;
	v14 =	vor.u32 v30, v14;
	v43 =	vld.idx.msk [tilespmem:v8+s23+$0x1B0 ss:$0x1], $0xffff  }
0x82: {  	v16 =	vand.u32 $0xFFFF, v16;
	v21 =	vand.u32 $0xFFFF0000, v21;
	v12 =	vld.idx.msk [tilespmem:v8+s23+$0x300 ss:$0x1], $0xffff;
	[tilespmem:v9+s21+$0x90 ss:$0x1] =	vst.idx.msk $0xffff, v14  }
0x83: {  	v16 =	vor.u32 v16, v21;
	v14 =	vld.idx.msk [tilespmem:v8+s23+$0x210 ss:$0x1], $0xffff  }
0x84: {  	v25 =	vshll.u32 v25, v20;
	v21 =	vshrl.u32 v33, v15;
	[tilespmem:v9+s21+$0xA0 ss:$0x1] =	vst.idx.msk $0xffff, v16;
	v32 =	vld.idx.msk [tilespmem:v8+s23+$0x290 ss:$0x1], $0xffff  }
0x85: {  	v40 =	vand.u32 $0xFFFF0000, v25;
	v21 =	vand.u32 $0xFFFF, v21;
	v35 =	vld.idx.msk [tilespmem:v8+s23+$0x220 ss:$0x1], $0xffff  }
0x86: {  	v26 =	vld.idx.msk [tilespmem:v8+s23+$0x2A0 ss:$0x1], $0xffff;
	v21 =	vor.u32 v21, v40  }
0x87: {  	s24 =	sshll.u32 s22, $0x3;
	v13 =	vld.idx.msk [tilespmem:v8+s23+$0x380 ss:$0x1], $0xffff;
	[tilespmem:v9+s21+$0x40 ss:$0x1] =	vst.idx.msk $0xffff, v21;
	v47 =	vshll.u32 v27, v20  }
0x88: {  	s24 =	sand.u32 $0x3FFFFFF8, s24;
	v45 =	vld.idx.msk [tilespmem:v8+s23+$0x140 ss:$0x1], $0xffff;
	v24 =	vand.u32 $0xFFFF0000, v47  }
0x89: {  	s24 =	sadd.s32 s24, s19;
	v48 =	vld.idx.msk [tilespmem:v8+s23+$0x1C0 ss:$0x1], $0xffff;
	v50 =	vshll.u32 v43, v19;
	v23 =	vor.u32 v23, v24  }
0x8a: {  	v49 =	vshrl.u32 v28, v11;
	v43 =	vld.msk [tilespmem:s24+$0x0 ss:$0x1], $0xff;
	v24 =	vand.u32 $0xFFFF0000, v50;
	v14 =	vshrl.u32 v14, v17;
	[tilespmem:v9+s21+$0x50 ss:$0x1] =	vst.idx.msk $0xffff, v23  }
0x8b: {  	v34 =	vshll.u32 v32, v18;
	v22 =	vshrl.u32 v35, v17;
	v41 =	vshll.u32 v26, v18;
	v51 =	vld.idx.msk [tilespmem:v8+s23+$0x150 ss:$0x1], $0xffff  }
0x8c: {  	v23 =	vand.u32 $0xFFFF, v49;
	v22 =	vand.u32 $0xFFFF, v22;
	v42 =	vand.u32 $0xFFFF0000, v41;
	v52 =	vld.idx.msk [tilespmem:v8+s23+$0x1D0 ss:$0x1], $0xffff  }
0x8d: {  	v23 =	vor.u32 v23, v24;
	v44 =	vor.u32 v22, v42;
	v22 =	vshrl.u32 v45, v11;
	v45 =	vld.idx.msk [tilespmem:v8+s25+$0x80 ss:$0x1], $0xffff  }
0x8e: {  	v14 =	vand.u32 $0xFFFF, v14;
	v16 =	vand.u32 $0xFFFF0000, v34;
	v21 =	vshll.u32 v48, v19;
	[tilespmem:v9+s21+$0xB0 ss:$0x1] =	vst.idx.msk $0xffff, v23;
	v48 =	vld.idx.msk [tilespmem:v8+s25+$0x90 ss:$0x1], $0xffff  }
0x8f: {  	v14 =	vor.u32 v14, v16;
	v29 =	vld.idx.msk [tilespmem:v8+s23+$0x230 ss:$0x1], $0xffff  }
0x90: {  	[tilespmem:v9+s21+$0x110 ss:$0x1] =	vst.idx.msk $0xffff, v14;
	v55 =	vld.idx.msk [tilespmem:v8+s23+$0x2B0 ss:$0x1], $0xffff  }
0x91: {  	[tilespmem:v9+s21+$0x120 ss:$0x1] =	vst.idx.msk $0xffff, v44;
	v44 =	vld.idx.msk [tilespmem:v8+s25+$0x0 ss:$0x1], $0xffff  }
0x92: {  	v16 =	vld.idx.msk [tilespmem:v8+s23+$0x310 ss:$0x1], $0xffff  }
0x93: {  	v22 =	vand.u32 $0xFFFF, v22;
	v21 =	vand.u32 $0xFFFF0000, v21;
	v14 =	vld.idx.msk [tilespmem:v8+s23+$0x390 ss:$0x1], $0xffff  }
0x94: {  	v24 =	vshrl.u32 v53, v15;
	v23 =	vshll.u32 v54, v20;
	v27 =	vld.idx.msk [tilespmem:v8+s23+$0x320 ss:$0x1], $0xffff;
	v21 =	vor.u32 v22, v21  }
0x95: {  	v24 =	vand.u32 $0xFFFF, v24;
	v23 =	vand.u32 $0xFFFF0000, v23;
	v26 =	vld.idx.msk [tilespmem:v8+s23+$0x3A0 ss:$0x1], $0xffff;
	[tilespmem:v9+s21+$0xC0 ss:$0x1] =	vst.idx.msk $0xffff, v21  }
0x96: {  	v15 =	vshrl.u32 v56, v15;
	v20 =	vshll.u32 v57, v20;
	v23 =	vor.u32 v24, v23;
	v21 =	vld.idx.msk [tilespmem:v8+s23+$0x240 ss:$0x1], $0xffff  }
0x97: {  	v15 =	vand.u32 $0xFFFF, v15;
	v20 =	vand.u32 $0xFFFF0000, v20;
	[tilespmem:v9+s21+$0x60 ss:$0x1] =	vst.idx.msk $0xffff, v23;
	v30 =	vld.idx.msk [tilespmem:v8+s23+$0x2C0 ss:$0x1], $0xffff  }
0x98: {  	v15 =	vor.u32 v15, v20;
	v61 =	vld.idx.msk [tilespmem:v8+s23+$0x160 ss:$0x1], $0xffff  }
0x99: {  	[tilespmem:v9+s21+$0x70 ss:$0x1] =	vst.idx.msk $0xffff, v15;
	v25 =	vshrl.u32 v51, v11;
	v28 =	vshll.u32 v52, v19;
	v63 =	vld.idx.msk [tilespmem:v8+s23+$0x1E0 ss:$0x1], $0xffff  }
0x9a: {  	v39 =	vld.idx.msk [tilespmem:v8+s23+$0x170 ss:$0x1], $0xffff;
	v25 =	vand.u32 $0xFFFF, v25;
	v28 =	vand.u32 $0xFFFF0000, v28  }
0x9b: {  	v42 =	vld.idx.msk [tilespmem:v8+s23+$0x1F0 ss:$0x1], $0xffff;
	v25 =	vor.u32 v25, v28;
	v29 =	vshrl.u32 v29, v17;
	v22 =	vshll.u32 v55, v18  }
0x9c: {  	v51 =	vld.idx.msk [tilespmem:v8+s25+$0x20 ss:$0x1], $0xffff;
	[tilespmem:v9+s21+$0xD0 ss:$0x1] =	vst.idx.msk $0xffff, v25;
	v58 =	vand.u32 $0xFFFF, v29;
	v22 =	vand.u32 $0xFFFF0000, v22  }
0x9d: {  	v31 =	vld.idx.msk [tilespmem:v8+s23+$0x250 ss:$0x1], $0xffff;
	v22 =	vor.u32 v58, v22;
	v21 =	vshrl.u32 v21, v17;
	v60 =	vshll.u32 v30, v18  }
0x9e: {  	v59 =	vld.idx.msk [tilespmem:v8+s23+$0x2D0 ss:$0x1], $0xffff;
	[tilespmem:v9+s21+$0x130 ss:$0x1] =	vst.idx.msk $0xffff, v22;
	v21 =	vand.u32 $0xFFFF, v21;
	v62 =	vand.u32 $0xFFFF0000, v60  }
0x9f: {  	v37 =	vshrl.u32 v61, v11;
	v38 =	vshll.u32 v63, v19;
	v33 =	vld.idx.msk [tilespmem:v8+s23+$0x330 ss:$0x1], $0xffff;
	v21 =	vor.u32 v21, v62  }
0xa0: {  	v32 =	vld.idx.msk [tilespmem:v8+s23+$0x3B0 ss:$0x1], $0xffff;
	v40 =	vand.u32 $0xFFFF, v37;
	v41 =	vand.u32 $0xFFFF0000, v38;
	[tilespmem:v9+s21+$0x140 ss:$0x1] =	vst.idx.msk $0xffff, v21  }
0xa1: {  	v11 =	vshrl.u32 v39, v11;
	v19 =	vshll.u32 v42, v19;
	v20 =	vor.u32 v40, v41;
	v30 =	vld.idx.msk [tilespmem:v8+s23+$0x340 ss:$0x1], $0xffff  }
0xa2: {  	v23 =	vand.u32 $0xFFFF, v11;
	v19 =	vand.u32 $0xFFFF0000, v19;
	v11 =	vshll.u32 v43, $0x4;
	[tilespmem:v9+s21+$0xE0 ss:$0x1] =	vst.idx.msk $0xffff, v20;
	v28 =	vld.idx.msk [tilespmem:v8+s23+$0x3C0 ss:$0x1], $0xffff  }
0xa3: {  	v19 =	vor.u32 v23, v19;
	v47 =	vperm.xlane v11, v2;
	v39 =	vperm.xlane v11, v1;
	v20 =	vld.idx.msk [tilespmem:v8+s23+$0x260 ss:$0x1], $0xffff  }
0xa4: {  	[tilespmem:v9+s21+$0xF0 ss:$0x1] =	vst.idx.msk $0xffff, v19;
	v25 =	vshrl.u32 v31, v17;
	v35 =	vshll.u32 v59, v18;
	v49 =	vld.idx.msk [tilespmem:v8+s23+$0x2E0 ss:$0x1], $0xffff  }
0xa5: {  	v19 =	vld.idx.msk [tilespmem:v8+s23+$0x270 ss:$0x1], $0xffff;
	v40 =	vsub.s32 $0x10, v47;
	v34 =	vand.u32 $0xFFFF, v25;
	v36 =	vand.u32 $0xFFFF0000, v35  }
0xa6: {  	v50 =	vshrl.u32 v44, v39;
	v54 =	vld.idx.msk [tilespmem:v8+s23+$0x2F0 ss:$0x1], $0xffff;
	v22 =	vshll.u32 v45, v40;
	v15 =	vor.u32 v34, v36  }
0xa7: {  	s22 =	sshll.u32 s22, $0x9;
	v23 =	vand.u32 $0xFFFF, v50;
	v22 =	vand.u32 $0xFFFF0000, v22;
	v34 =	vld.idx.msk [tilespmem:v8+s25+$0xA0 ss:$0x1], $0xffff;
	[tilespmem:v9+s21+$0x150 ss:$0x1] =	vst.idx.msk $0xffff, v15  }
0xa8: {  	s22 =	sand.u32 $0x3FFFFE00, s22;
	v21 =	vshrl.u32 v46, v39;
	v52 =	vshll.u32 v48, v40;
	v22 =	vor.u32 v23, v22;
	v15 =	vld.idx.msk [tilespmem:v8+s23+$0x350 ss:$0x1], $0xffff  }
0xa9: {  	v21 =	vand.u32 $0xFFFF, v21;
	v55 =	vand.u32 $0xFFFF0000, v52;
	v25 =	vld.idx.msk [tilespmem:v8+s23+$0x3D0 ss:$0x1], $0xffff;
	[tilespmem:v9+s22+$0x0 ss:$0x1] =	vst.idx.msk $0xffff, v22  }
0xaa: {  	v21 =	vor.u32 v21, v55;
	v57 =	vld.idx.msk [tilespmem:v8+s25+$0x100 ss:$0x1], $0xffff  }
0xab: {  	[tilespmem:v9+s22+$0x10 ss:$0x1] =	vst.idx.msk $0xffff, v21;
	v58 =	vld.idx.msk [tilespmem:v8+s25+$0x180 ss:$0x1], $0xffff  }
0xac: {  	v35 =	vld.idx.msk [tilespmem:v8+s25+$0x110 ss:$0x1], $0xffff  }
0xad: {  	v62 =	vperm.xlane v11, v4;
	v20 =	vshrl.u32 v20, v17;
	v53 =	vshll.u32 v49, v18;
	v63 =	vld.idx.msk [tilespmem:v8+s25+$0x190 ss:$0x1], $0xffff  }
0xae: {  	v18 =	vshll.u32 v54, v18;
	v54 =	vld.idx.msk [tilespmem:v8+s25+$0xB0 ss:$0x1], $0xffff;
	v20 =	vand.u32 $0xFFFF, v20;
	v56 =	vand.u32 $0xFFFF0000, v53  }
0xaf: {  	v60 =	vshrl.u32 v51, v39;
	v59 =	vshrl.u32 v19, v17;
	v53 =	vld.idx.msk [tilespmem:v8+s25+$0x30 ss:$0x1], $0xffff;
	v20 =	vor.u32 v20, v56  }
0xb0: {  	v21 =	vand.u32 $0xFFFF, v59;
	v18 =	vand.u32 $0xFFFF0000, v18;
	v61 =	vshll.u32 v34, v40;
	v56 =	vld.idx.msk [tilespmem:v8+s25+$0x40 ss:$0x1], $0xffff;
	[tilespmem:v9+s21+$0x160 ss:$0x1] =	vst.idx.msk $0xffff, v20  }
0xb1: {  	v34 =	vand.u32 $0xFFFF, v60;
	v18 =	vor.u32 v21, v18;
	v19 =	vand.u32 $0xFFFF0000, v61;
	v17 =	vld.idx.msk [tilespmem:v8+s23+$0x360 ss:$0x1], $0xffff  }
0xb2: {  	v37 =	vperm.xlane v11, v3;
	[tilespmem:v9+s21+$0x170 ss:$0x1] =	vst.idx.msk $0xffff, v18;
	v23 =	vor.u32 v34, v19;
	v19 =	vld.idx.msk [tilespmem:v8+s23+$0x3E0 ss:$0x1], $0xffff  }
0xb3: {  	v38 =	vsub.s32 $0x10, v62;
	v24 =	vld.idx.msk [tilespmem:v8+s23+$0x3F0 ss:$0x1], $0xffff  }
0xb4: {  	[tilespmem:v9+s22+$0x20 ss:$0x1] =	vst.idx.msk $0xffff, v23;
	v36 =	vshrl.u32 v57, v37;
	v41 =	vshll.u32 v58, v38;
	v23 =	vld.idx.msk [tilespmem:v8+s23+$0x370 ss:$0x1], $0xffff  }
0xb5: {  	v42 =	vld.idx.msk [tilespmem:v8+s25+$0x120 ss:$0x1], $0xffff;
	v43 =	vand.u32 $0xFFFF, v36;
	v44 =	vand.u32 $0xFFFF0000, v41  }
0xb6: {  	v46 =	vshrl.u32 v35, v37;
	v47 =	vshll.u32 v63, v38;
	v45 =	vld.idx.msk [tilespmem:v8+s25+$0x1A0 ss:$0x1], $0xffff;
	v18 =	vor.u32 v43, v44  }
0xb7: {  	v48 =	vand.u32 $0xFFFF, v46;
	v49 =	vand.u32 $0xFFFF0000, v47;
	v43 =	vld.idx.msk [tilespmem:v8+s25+$0xC0 ss:$0x1], $0xffff;
	[tilespmem:v9+s22+$0x80 ss:$0x1] =	vst.idx.msk $0xffff, v18  }
0xb8: {  	v18 =	vor.u32 v48, v49;
	v50 =	vld.idx.msk [tilespmem:v8+s25+$0x200 ss:$0x1], $0xffff  }
0xb9: {  	v52 =	vperm.xlane v11, v5;
	v51 =	vld.idx.msk [tilespmem:v8+s25+$0x280 ss:$0x1], $0xffff;
	[tilespmem:v9+s22+$0x90 ss:$0x1] =	vst.idx.msk $0xffff, v18  }
0xba: {  	v34 =	vperm.xlane v11, v0;
	v18 =	vld.idx.msk [tilespmem:v8+s25+$0x210 ss:$0x1], $0xffff  }
0xbb: {  	v35 =	vsub.s32 $0x10, v52;
	v63 =	vperm.xlane v10, v7;
	v10 =	vperm.xlane v10, v6;
	v36 =	vld.idx.msk [tilespmem:v8+s25+$0x290 ss:$0x1], $0xffff  }
0xbc: {  	v58 =	vshrl.u32 v53, v39;
	v47 =	vld.idx.msk [tilespmem:v8+s25+$0x70 ss:$0x1], $0xffff;
	v22 =	vshrl.u32 v42, v37;
	v21 =	vshll.u32 v45, v38  }
0xbd: {  	v59 =	vand.u32 $0xFFFF, v58;
	v58 =	vld.idx.msk [tilespmem:v8+s25+$0x60 ss:$0x1], $0xffff;
	v22 =	vand.u32 $0xFFFF, v22;
	v21 =	vand.u32 $0xFFFF0000, v21  }
0xbe: {  	v45 =	vld.idx.msk [tilespmem:v8+s25+$0xD0 ss:$0x1], $0xffff;
	v21 =	vor.u32 v22, v21;
	v29 =	vshrl.u32 v50, v34;
	v20 =	vshll.u32 v51, v35  }
0xbf: {  	[tilespmem:v9+s22+$0xA0 ss:$0x1] =	vst.idx.msk $0xffff, v21;
	v50 =	vshrl.u32 v56, v39;
	v51 =	vshll.u32 v43, v40;
	v29 =	vand.u32 $0xFFFF, v29  }
0xc0: {  	v41 =	vld.idx.msk [tilespmem:v8+s25+$0x220 ss:$0x1], $0xffff;
	v20 =	vand.u32 $0xFFFF0000, v20;
	v18 =	vshrl.u32 v18, v34;
	v55 =	vshll.u32 v36, v35  }
0xc1: {  	v42 =	vld.idx.msk [tilespmem:v8+s25+$0x2A0 ss:$0x1], $0xffff;
	v20 =	vor.u32 v29, v20;
	v18 =	vand.u32 $0xFFFF, v18;
	v57 =	vand.u32 $0xFFFF0000, v55  }
0xc2: {  	v53 =	vand.u32 $0xFFFF, v50;
	v44 =	vand.u32 $0xFFFF0000, v51;
	[tilespmem:v9+s22+$0x100 ss:$0x1] =	vst.idx.msk $0xffff, v20;
	v18 =	vor.u32 v18, v57;
	v57 =	vld.idx.msk [tilespmem:v8+s25+$0x50 ss:$0x1], $0xffff  }
0xc3: {  	s30 =	sor.u32 $0x2, s20;
	v12 =	vshrl.u32 v12, v10;
	v21 =	vshll.u32 v54, v40;
	v54 =	vor.u32 v53, v44;
	v31 =	vld.idx.msk [tilespmem:v8+s25+$0x300 ss:$0x1], $0xffff  }
0xc4: {  	s31 =	sshll.u32 s30, $0x3;
	v27 =	vshrl.u32 v27, v10;
	v36 =	vsub.s32 $0x10, v63;
	[tilespmem:v9+s22+$0x40 ss:$0x1] =	vst.idx.msk $0xffff, v54;
	v29 =	vld.idx.msk [tilespmem:v8+s25+$0x380 ss:$0x1], $0xffff  }
0xc5: {  	s24 =	sand.u32 $0x3FFFFFF8, s31;
	v60 =	vand.u32 $0xFFFF0000, v21;
	v13 =	vshll.u32 v13, v36;
	v55 =	vshrl.u32 v16, v10;
	v56 =	vld.idx.msk [tilespmem:v8+s25+$0x1C0 ss:$0x1], $0xffff  }
0xc6: {  	s24 =	sadd.s32 s24, s19;
	v12 =	vand.u32 $0xFFFF, v12;
	v13 =	vand.u32 $0xFFFF0000, v13;
	[tilespmem:v9+s22+$0x110 ss:$0x1] =	vst.idx.msk $0xffff, v18;
	v18 =	vor.u32 v59, v60;
	v60 =	vld.idx.msk [tilespmem:v8+s25+$0xE0 ss:$0x1], $0xffff  }
0xc7: {  	v33 =	vshrl.u32 v33, v10;
	v12 =	vor.u32 v12, v13;
	v13 =	vand.u32 $0xFFFF, v55;
	v55 =	vld.msk [tilespmem:s24+$0x0 ss:$0x1], $0xff  }
0xc8: {  	v30 =	vshrl.u32 v30, v10;
	v15 =	vshrl.u32 v15, v10;
	v22 =	vld.idx.msk [tilespmem:v8+s25+$0x310 ss:$0x1], $0xffff;
	[tilespmem:v9+s22+$0x30 ss:$0x1] =	vst.idx.msk $0xffff, v18  }
0xc9: {  	v33 =	vand.u32 $0xFFFF, v33;
	v30 =	vand.u32 $0xFFFF, v30;
	v17 =	vshrl.u32 v17, v10;
	v49 =	vld.idx.msk [tilespmem:v8+s25+$0x130 ss:$0x1], $0xffff  }
0xca: {  	v14 =	vshll.u32 v14, v36;
	v26 =	vshll.u32 v26, v36;
	v45 =	vshll.u32 v45, v40;
	v52 =	vld.idx.msk [tilespmem:v8+s25+$0x1B0 ss:$0x1], $0xffff  }
0xcb: {  	s26 =	sshll.u32 s30, $0xA;
	v14 =	vand.u32 $0xFFFF0000, v14;
	v20 =	vld.idx.msk [tilespmem:v8+s25+$0x390 ss:$0x1], $0xffff;
	v61 =	vshrl.u32 v41, v34;
	v62 =	vshll.u32 v42, v35  }
0xcc: {  	s24 =	sand.u32 $0x3FFFFC00, s26;
	v46 =	vor.u32 v13, v14;
	v42 =	vld.idx.msk [tilespmem:v8+s25+$0x140 ss:$0x1], $0xffff;
	v21 =	vand.u32 $0xFFFF, v61;
	v41 =	vand.u32 $0xFFFF0000, v62  }
0xcd: {  	[tilespmem:v9+s21+$0x190 ss:$0x1] =	vst.idx.msk $0xffff, v46;
	v46 =	vld.idx.msk [tilespmem:v8+s24+$0xD0 ss:$0x1], $0xffff;
	v48 =	vor.u32 v21, v41;
	v44 =	vshrl.u32 v57, v39  }
0xce: {  	v32 =	vshll.u32 v32, v36;
	v45 =	vand.u32 $0xFFFF0000, v45;
	[tilespmem:v9+s22+$0x120 ss:$0x1] =	vst.idx.msk $0xffff, v48;
	v44 =	vand.u32 $0xFFFF, v44;
	v48 =	vld.idx.msk [tilespmem:v8+s25+$0xF0 ss:$0x1], $0xffff  }
0xcf: {  	v21 =	vld.idx.msk [tilespmem:v8+s25+$0x320 ss:$0x1], $0xffff;
	v13 =	vor.u32 v44, v45;
	v41 =	vshrl.u32 v49, v37;
	v43 =	vshll.u32 v52, v38  }
0xd0: {  	v26 =	vand.u32 $0xFFFF0000, v26;
	v18 =	vld.idx.msk [tilespmem:v8+s25+$0x3A0 ss:$0x1], $0xffff;
	[tilespmem:v9+s22+$0x50 ss:$0x1] =	vst.idx.msk $0xffff, v13;
	v41 =	vand.u32 $0xFFFF, v41;
	v43 =	vand.u32 $0xFFFF0000, v43  }
0xd1: {  	v16 =	vshll.u32 v56, v38;
	v62 =	vshrl.u32 v42, v37;
	v51 =	vld.idx.msk [tilespmem:v8+s25+$0x150 ss:$0x1], $0xffff;
	v41 =	vor.u32 v41, v43  }
0xd2: {  	v59 =	vand.u32 $0xFFFF, v27;
	v16 =	vand.u32 $0xFFFF0000, v16;
	v52 =	vld.idx.msk [tilespmem:v8+s25+$0x1D0 ss:$0x1], $0xffff;
	[tilespmem:v9+s22+$0xB0 ss:$0x1] =	vst.idx.msk $0xffff, v41;
	v41 =	vand.u32 $0xFFFF, v62  }
0xd3: {  	v14 =	vshll.u32 v60, v40;
	v43 =	vshrl.u32 v58, v39;
	v61 =	vld.idx.msk [tilespmem:v8+s25+$0x230 ss:$0x1], $0xffff;
	v16 =	vor.u32 v41, v16  }
0xd4: {  	v14 =	vand.u32 $0xFFFF0000, v14;
	v39 =	vshrl.u32 v47, v39;
	v43 =	vand.u32 $0xFFFF, v43;
	v63 =	vld.idx.msk [tilespmem:v8+s25+$0x2B0 ss:$0x1], $0xffff;
	[tilespmem:v9+s22+$0xC0 ss:$0x1] =	vst.idx.msk $0xffff, v16  }
0xd5: {  	v41 =	vor.u32 v59, v26;
	v14 =	vor.u32 v43, v14;
	v26 =	vshll.u32 v48, v40;
	v49 =	vld.idx.msk [tilespmem:v8+s25+$0x240 ss:$0x1], $0xffff  }
0xd6: {  	v28 =	vshll.u32 v28, v36;
	v39 =	vand.u32 $0xFFFF, v39;
	[tilespmem:v9+s22+$0x60 ss:$0x1] =	vst.idx.msk $0xffff, v14;
	v40 =	vand.u32 $0xFFFF0000, v26;
	v50 =	vld.idx.msk [tilespmem:v8+s25+$0x2C0 ss:$0x1], $0xffff  }
0xd7: {  	v25 =	vshll.u32 v25, v36;
	v19 =	vshll.u32 v19, v36;
	v53 =	vld.idx.msk [tilespmem:v8+s25+$0x160 ss:$0x1], $0xffff;
	v40 =	vor.u32 v39, v40  }
0xd8: {  	v10 =	vshrl.u32 v23, v10;
	v32 =	vand.u32 $0xFFFF0000, v32;
	v28 =	vand.u32 $0xFFFF0000, v28;
	v54 =	vld.idx.msk [tilespmem:v8+s25+$0x1E0 ss:$0x1], $0xffff;
	[tilespmem:v9+s22+$0x70 ss:$0x1] =	vst.idx.msk $0xffff, v40  }
0xd9: {  	v57 =	vshrl.u32 v51, v37;
	v58 =	vld.idx.msk [tilespmem:v8+s25+$0x1F0 ss:$0x1], $0xffff;
	v27 =	vshrl.u32 v61, v34;
	v42 =	vshll.u32 v63, v35  }
0xda: {  	v14 =	vshll.u32 v52, v38;
	v40 =	vld.idx.msk [tilespmem:v8+s25+$0x170 ss:$0x1], $0xffff;
	v27 =	vand.u32 $0xFFFF, v27;
	v42 =	vand.u32 $0xFFFF0000, v42  }
0xdb: {  	v59 =	vld.idx.msk [tilespmem:v8+s24+$0x0 ss:$0x1], $0xffff;
	v14 =	vand.u32 $0xFFFF0000, v14;
	v27 =	vor.u32 v27, v42;
	v16 =	vshrl.u32 v49, v34  }
0xdc: {  	v63 =	vld.idx.msk [tilespmem:v8+s24+$0x80 ss:$0x1], $0xffff;
	v13 =	vshll.u32 v50, v35;
	v42 =	vshrl.u32 v53, v37;
	[tilespmem:v9+s22+$0x130 ss:$0x1] =	vst.idx.msk $0xffff, v27  }
0xdd: {  	v56 =	vand.u32 $0xFFFF, v16;
	v16 =	vand.u32 $0xFFFF, v57;
	v27 =	vshll.u32 v54, v38;
	v26 =	vld.idx.msk [tilespmem:v8+s25+$0x330 ss:$0x1], $0xffff  }
0xde: {  	v60 =	vor.u32 v16, v14;
	v62 =	vand.u32 $0xFFFF0000, v27;
	v27 =	vld.idx.msk [tilespmem:v8+s25+$0x3B0 ss:$0x1], $0xffff;
	v53 =	vshll.u32 v58, v38  }
0xdf: {  	v13 =	vand.u32 $0xFFFF0000, v13;
	v52 =	vshrl.u32 v40, v37;
	[tilespmem:v9+s22+$0xD0 ss:$0x1] =	vst.idx.msk $0xffff, v60;
	v37 =	vand.u32 $0xFFFF0000, v53;
	v53 =	vld.idx.msk [tilespmem:v8+s24+$0x10 ss:$0x1], $0xffff  }
0xe0: {  	v39 =	vor.u32 v33, v32;
	v61 =	vand.u32 $0xFFFF, v42;
	v48 =	vor.u32 v56, v13;
	v49 =	vld.idx.msk [tilespmem:v8+s25+$0x250 ss:$0x1], $0xffff  }
0xe1: {  	v16 =	vshll.u32 v55, $0x4;
	v47 =	vor.u32 v61, v62;
	[tilespmem:v9+s22+$0x140 ss:$0x1] =	vst.idx.msk $0xffff, v48;
	v33 =	vand.u32 $0xFFFF, v52;
	v51 =	vld.idx.msk [tilespmem:v8+s25+$0x2D0 ss:$0x1], $0xffff  }
0xe2: {  	v50 =	vperm.xlane v16, v2;
	[tilespmem:v9+s22+$0xE0 ss:$0x1] =	vst.idx.msk $0xffff, v47;
	v37 =	vor.u32 v33, v37;
	v33 =	vld.idx.msk [tilespmem:v8+s25+$0x340 ss:$0x1], $0xffff  }
0xe3: {  	v25 =	vand.u32 $0xFFFF0000, v25;
	v19 =	vand.u32 $0xFFFF0000, v19;
	v13 =	vperm.xlane v16, v1;
	v54 =	vld.idx.msk [tilespmem:v8+s25+$0x260 ss:$0x1], $0xffff  }
0xe4: {  	v10 =	vand.u32 $0xFFFF, v10;
	v61 =	vand.u32 $0xFFFF, v15;
	v14 =	vsub.s32 $0x10, v50;
	v55 =	vld.idx.msk [tilespmem:v8+s25+$0x2E0 ss:$0x1], $0xffff;
	[tilespmem:v9+s22+$0xF0 ss:$0x1] =	vst.idx.msk $0xffff, v37  }
0xe5: {  	v40 =	vor.u32 v61, v25;
	v56 =	vshrl.u32 v59, v13;
	v42 =	vshll.u32 v63, v14;
	v59 =	vld.idx.msk [tilespmem:v8+s25+$0x270 ss:$0x1], $0xffff  }
0xe6: {  	s23 =	sshll.u32 s30, $0x9;
	v57 =	vand.u32 $0xFFFF, v56;
	v63 =	vld.idx.msk [tilespmem:v8+s25+$0x2F0 ss:$0x1], $0xffff;
	v58 =	vand.u32 $0xFFFF0000, v42;
	v42 =	vor.u32 v30, v28  }
0xe7: {  	s23 =	sand.u32 $0x3FFFFE00, s23;
	v56 =	vld.idx.msk [tilespmem:v8+s24+$0x90 ss:$0x1], $0xffff;
	v60 =	vor.u32 v57, v58;
	[tilespmem:v9+s21+$0x1C0 ss:$0x1] =	vst.idx.msk $0xffff, v42;
	v42 =	vshll.u32 v46, v14  }
0xe8: {  	v62 =	vshrl.u32 v49, v34;
	[tilespmem:v9+s23+$0x0 ss:$0x1] =	vst.idx.msk $0xffff, v60;
	v48 =	vshll.u32 v51, v35;
	v42 =	vand.u32 $0xFFFF0000, v42  }
0xe9: {  	[tilespmem:v9+s21+$0x180 ss:$0x1] =	vst.idx.msk $0xffff, v12;
	v15 =	vand.u32 $0xFFFF, v62;
	v49 =	vld.idx.msk [tilespmem:v8+s24+$0x100 ss:$0x1], $0xffff;
	v30 =	vand.u32 $0xFFFF0000, v48;
	v50 =	vshrl.u32 v54, v34  }
0xea: {  	v12 =	vshll.u32 v55, v35;
	v51 =	vld.idx.msk [tilespmem:v8+s24+$0x180 ss:$0x1], $0xffff;
	v55 =	vperm.xlane v16, v4;
	v48 =	vand.u32 $0xFFFF, v17  }
0xeb: {  	v37 =	vld.idx.msk [tilespmem:v8+s25+$0x3C0 ss:$0x1], $0xffff;
	v17 =	vperm.xlane v11, v6;
	v15 =	vor.u32 v15, v30;
	v52 =	vand.u32 $0xFFFF, v50  }
0xec: {  	v12 =	vand.u32 $0xFFFF0000, v12;
	v28 =	vshrl.u32 v59, v34;
	v32 =	vshll.u32 v63, v35;
	[tilespmem:v9+s22+$0x150 ss:$0x1] =	vst.idx.msk $0xffff, v15  }
0xed: {  	v54 =	vor.u32 v52, v12;
	v12 =	vperm.xlane v16, v3;
	v15 =	vsub.s32 $0x10, v55;
	v55 =	vld.idx.msk [tilespmem:v8+s24+$0xA0 ss:$0x1], $0xffff  }
0xee: {  	v59 =	vshrl.u32 v53, v13;
	v60 =	vshll.u32 v56, v14;
	v28 =	vand.u32 $0xFFFF, v28;
	v34 =	vld.idx.msk [tilespmem:v8+s25+$0x350 ss:$0x1], $0xffff  }
0xef: {  	v35 =	vand.u32 $0xFFFF0000, v32;
	v32 =	vld.idx.msk [tilespmem:v8+s25+$0x3D0 ss:$0x1], $0xffff;
	v58 =	vshrl.u32 v49, v12;
	v38 =	vshll.u32 v51, v15  }
0xf0: {  	[tilespmem:v9+s22+$0x160 ss:$0x1] =	vst.idx.msk $0xffff, v54;
	v57 =	vor.u32 v28, v35;
	v54 =	vld.idx.msk [tilespmem:v8+s24+$0x20 ss:$0x1], $0xffff;
	v35 =	vand.u32 $0xFFFF, v58;
	v38 =	vand.u32 $0xFFFF0000, v38  }
0xf1: {  	v61 =	vand.u32 $0xFFFF, v59;
	v62 =	vand.u32 $0xFFFF0000, v60;
	v58 =	vld.idx.msk [tilespmem:v8+s24+$0x30 ss:$0x1], $0xffff;
	v35 =	vor.u32 v35, v38  }
0xf2: {  	v50 =	vshll.u32 v24, v36;
	[tilespmem:v9+s23+$0x80 ss:$0x1] =	vst.idx.msk $0xffff, v35;
	v35 =	vor.u32 v61, v62;
	v61 =	vld.idx.msk [tilespmem:v8+s24+$0xB0 ss:$0x1], $0xffff  }
0xf3: {  	v11 =	vperm.xlane v11, v7;
	v19 =	vor.u32 v48, v19;
	v23 =	vand.u32 $0xFFFF0000, v50;
	v62 =	vld.idx.msk [tilespmem:v8+s24+$0x40 ss:$0x1], $0xffff  }
0xf4: {  	v52 =	vperm.xlane v16, v5;
	v31 =	vshrl.u32 v31, v17;
	v22 =	vshrl.u32 v22, v17;
	v63 =	vld.idx.msk [tilespmem:v8+s24+$0x200 ss:$0x1], $0xffff  }
0xf5: {  	v21 =	vshrl.u32 v21, v17;
	v26 =	vshrl.u32 v26, v17;
	v49 =	vld.idx.msk [tilespmem:v8+s24+$0x280 ss:$0x1], $0xffff;
	[tilespmem:v9+s23+$0x10 ss:$0x1] =	vst.idx.msk $0xffff, v35  }
0xf6: {  	[tilespmem:v9+s21+$0x1A0 ss:$0x1] =	vst.idx.msk $0xffff, v41;
	v31 =	vand.u32 $0xFFFF, v31;
	v22 =	vand.u32 $0xFFFF, v22;
	v38 =	vor.u32 v10, v23;
	v51 =	vld.idx.msk [tilespmem:v8+s24+$0x110 ss:$0x1], $0xffff  }
0xf7: {  	[tilespmem:v9+s22+$0x170 ss:$0x1] =	vst.idx.msk $0xffff, v57;
	v10 =	vperm.xlane v16, v0;
	v23 =	vsub.s32 $0x10, v11;
	v11 =	vsub.s32 $0x10, v52;
	v53 =	vld.idx.msk [tilespmem:v8+s24+$0x190 ss:$0x1], $0xffff  }
0xf8: {  	v28 =	vld.idx.msk [tilespmem:v8+s25+$0x360 ss:$0x1], $0xffff;
	v29 =	vshll.u32 v29, v23;
	v50 =	vshrl.u32 v54, v13;
	v44 =	vshrl.u32 v58, v13  }
0xf9: {  	v30 =	vld.idx.msk [tilespmem:v8+s25+$0x3E0 ss:$0x1], $0xffff;
	v44 =	vand.u32 $0xFFFF, v44;
	v43 =	vshll.u32 v61, v14;
	v41 =	vshrl.u32 v62, v13  }
0xfa: {  	v25 =	vld.idx.msk [tilespmem:v8+s25+$0x370 ss:$0x1], $0xffff;
	v56 =	vshrl.u32 v63, v10;
	v57 =	vshll.u32 v49, v11;
	v63 =	vand.u32 $0xFFFF0000, v29  }
0xfb: {  	[tilespmem:v9+s21+$0x1B0 ss:$0x1] =	vst.idx.msk $0xffff, v39;
	v62 =	vld.idx.msk [tilespmem:v8+s24+$0x50 ss:$0x1], $0xffff;
	v43 =	vand.u32 $0xFFFF0000, v43;
	v59 =	vand.u32 $0xFFFF, v56;
	v60 =	vand.u32 $0xFFFF0000, v57  }
0xfc: {  	v49 =	vld.idx.msk [tilespmem:v8+s24+$0xC0 ss:$0x1], $0xffff;
	v24 =	vshrl.u32 v51, v12;
	v36 =	vshll.u32 v53, v15;
	v43 =	vor.u32 v44, v43  }
0xfd: {  	v29 =	vld.idx.msk [tilespmem:v8+s25+$0x3F0 ss:$0x1], $0xffff;
	v39 =	vor.u32 v59, v60;
	v24 =	vand.u32 $0xFFFF, v24;
	v48 =	vand.u32 $0xFFFF0000, v36;
	[tilespmem:v9+s23+$0x30 ss:$0x1] =	vst.idx.msk $0xffff, v43  }
0xfe: {  	v35 =	vshll.u32 v55, v14;
	[tilespmem:v9+s23+$0x100 ss:$0x1] =	vst.idx.msk $0xffff, v39;
	v24 =	vor.u32 v24, v48;
	v55 =	vld.idx.msk [tilespmem:v8+s24+$0x130 ss:$0x1], $0xffff  }
0xff: {  	v21 =	vand.u32 $0xFFFF, v21;
	v35 =	vand.u32 $0xFFFF0000, v35;
	v39 =	vand.u32 $0xFFFF, v50;
	v56 =	vld.idx.msk [tilespmem:v8+s24+$0x1B0 ss:$0x1], $0xffff;
	[tilespmem:v9+s23+$0x90 ss:$0x1] =	vst.idx.msk $0xffff, v24  }
0x100: {  	v20 =	vshll.u32 v20, v23;
	v18 =	vshll.u32 v18, v23;
	v35 =	vor.u32 v39, v35;
	v51 =	vld.idx.msk [tilespmem:v8+s24+$0x210 ss:$0x1], $0xffff  }
0x101: {  	v27 =	vshll.u32 v27, v23;
	v20 =	vand.u32 $0xFFFF0000, v20;
	v18 =	vand.u32 $0xFFFF0000, v18;
	[tilespmem:v9+s23+$0x20 ss:$0x1] =	vst.idx.msk $0xffff, v35;
	v52 =	vld.idx.msk [tilespmem:v8+s24+$0x290 ss:$0x1], $0xffff  }
0x102: {  	v20 =	vor.u32 v22, v20;
	v18 =	vor.u32 v21, v18;
	v36 =	vshll.u32 v49, v14;
	v53 =	vld.idx.msk [tilespmem:v8+s24+$0x120 ss:$0x1], $0xffff  }
0x103: {  	v41 =	vand.u32 $0xFFFF, v41;
	v31 =	vor.u32 v31, v63;
	v54 =	vld.idx.msk [tilespmem:v8+s24+$0x1A0 ss:$0x1], $0xffff;
	v36 =	vand.u32 $0xFFFF0000, v36  }
0x104: {  	v44 =	vld.idx.msk [tilespmem:v8+s24+$0xE0 ss:$0x1], $0xffff;
	v36 =	vor.u32 v41, v36;
	v41 =	vshrl.u32 v55, v12;
	v22 =	vshll.u32 v56, v15  }
0x105: {  	v24 =	vld.idx.msk [tilespmem:v8+s24+$0x300 ss:$0x1], $0xffff;
	[tilespmem:v9+s23+$0x40 ss:$0x1] =	vst.idx.msk $0xffff, v36;
	v47 =	vand.u32 $0xFFFF, v41;
	v22 =	vand.u32 $0xFFFF0000, v22;
	v57 =	vshrl.u32 v51, v10  }
0x106: {  	v58 =	vld.idx.msk [tilespmem:v8+s24+$0x140 ss:$0x1], $0xffff;
	v35 =	vshll.u32 v52, v11;
	v21 =	vor.u32 v47, v22;
	v51 =	vshrl.u32 v62, v13  }
0x107: {  	v59 =	vld.idx.msk [tilespmem:v8+s24+$0x1C0 ss:$0x1], $0xffff;
	v36 =	vand.u32 $0xFFFF, v57;
	v35 =	vand.u32 $0xFFFF0000, v35;
	v60 =	vshrl.u32 v53, v12  }
0x108: {  	v61 =	vshll.u32 v54, v15;
	[tilespmem:v9+s23+$0xB0 ss:$0x1] =	vst.idx.msk $0xffff, v21;
	v35 =	vor.u32 v36, v35;
	v36 =	vld.idx.msk [tilespmem:v8+s24+$0x380 ss:$0x1], $0xffff  }
0x109: {  	v41 =	vand.u32 $0xFFFF, v51;
	v53 =	vand.u32 $0xFFFF, v26;
	v54 =	vand.u32 $0xFFFF0000, v27;
	v50 =	vld.idx.msk [tilespmem:v8+s24+$0x230 ss:$0x1], $0xffff  }
0x10a: {  	[tilespmem:v9+s21+$0x1D0 ss:$0x1] =	vst.idx.msk $0xffff, v40;
	v63 =	vand.u32 $0xFFFF, v60;
	v45 =	vand.u32 $0xFFFF0000, v61;
	v52 =	vld.idx.msk [tilespmem:v8+s24+$0x2B0 ss:$0x1], $0xffff;
	v55 =	vor.u32 v41, v42  }
0x10b: {  	v42 =	vor.u32 v53, v54;
	v53 =	vshll.u32 v44, v14;
	v44 =	vld.idx.msk [tilespmem:v8+s24+$0x70 ss:$0x1], $0xffff;
	[tilespmem:v9+s23+$0x110 ss:$0x1] =	vst.idx.msk $0xffff, v35  }
0x10c: {  	v34 =	vshrl.u32 v34, v17;
	v35 =	vor.u32 v63, v45;
	[tilespmem:v9+s23+$0x50 ss:$0x1] =	vst.idx.msk $0xffff, v55;
	v63 =	vld.idx.msk [tilespmem:v8+s24+$0x60 ss:$0x1], $0xffff  }
0x10d: {  	v28 =	vshrl.u32 v28, v17;
	v30 =	vshll.u32 v30, v23;
	[tilespmem:v9+s23+$0xA0 ss:$0x1] =	vst.idx.msk $0xffff, v35;
	v27 =	vld.idx.msk [tilespmem:v8+s24+$0x150 ss:$0x1], $0xffff  }
0x10e: {  	[tilespmem:v9+s21+$0x1E0 ss:$0x1] =	vst.idx.msk $0xffff, v19;
	v32 =	vshll.u32 v32, v23;
	v28 =	vand.u32 $0xFFFF, v28;
	v30 =	vand.u32 $0xFFFF0000, v30;
	v48 =	vld.idx.msk [tilespmem:v8+s24+$0x220 ss:$0x1], $0xffff  }
0x10f: {  	v28 =	vor.u32 v28, v30;
	v39 =	vshrl.u32 v58, v12;
	v40 =	vshll.u32 v59, v15;
	v49 =	vld.idx.msk [tilespmem:v8+s24+$0x2A0 ss:$0x1], $0xffff  }
0x110: {  	[tilespmem:v9+s21+$0x1F0 ss:$0x1] =	vst.idx.msk $0xffff, v38;
	v57 =	vshrl.u32 v33, v17;
	v35 =	vld.idx.msk [tilespmem:v8+s24+$0x310 ss:$0x1], $0xffff;
	v39 =	vand.u32 $0xFFFF, v39;
	v40 =	vand.u32 $0xFFFF0000, v40  }
0x111: {  	s28 =	sor.u32 $0x3, s20;
	v17 =	vshrl.u32 v25, v17;
	v59 =	vshll.u32 v37, v23;
	v60 =	vld.idx.msk [tilespmem:v8+s24+$0x1D0 ss:$0x1], $0xffff;
	v39 =	vor.u32 v39, v40  }
0x112: {  	s29 =	sshll.u32 s28, $0x3;
	v37 =	vand.u32 $0xFFFF0000, v53;
	[tilespmem:v9+s23+$0xC0 ss:$0x1] =	vst.idx.msk $0xffff, v39;
	v61 =	vshrl.u32 v50, v10;
	v62 =	vshll.u32 v52, v11  }
0x113: {  	s21 =	sand.u32 $0x3FFFFFF8, s29;
	v56 =	vld.idx.msk [tilespmem:v8+s24+$0x240 ss:$0x1], $0xffff;
	v43 =	vand.u32 $0xFFFF0000, v62;
	v52 =	vshrl.u32 v63, v13;
	v22 =	vshrl.u32 v48, v10  }
0x114: {  	s30 =	sshll.u32 s28, $0xA;
	s21 =	sadd.s32 s21, s19;
	v58 =	vld.idx.msk [tilespmem:v8+s24+$0x2C0 ss:$0x1], $0xffff;
	v21 =	vshll.u32 v49, v11;
	v48 =	vshrl.u32 v27, v12;
	v27 =	vand.u32 $0xFFFF, v52  }
0x115: {  	[tilespmem:v9+s22+$0x1A0 ss:$0x1] =	vst.idx.msk $0xffff, v18;
	v62 =	vld.msk [tilespmem:s21+$0x0 ss:$0x1], $0xff;
	s21 =	sand.u32 $0x3FFFFC00, s30;
	v22 =	vand.u32 $0xFFFF, v22;
	v21 =	vand.u32 $0xFFFF0000, v21;
	v27 =	vor.u32 v27, v37  }
0x116: {  	v40 =	vand.u32 $0xFFFF, v61;
	v50 =	vand.u32 $0xFFFF, v48;
	v48 =	vld.idx.msk [tilespmem:v8+s21+$0x80 ss:$0x1], $0xffff;
	v21 =	vor.u32 v22, v21;
	[tilespmem:v9+s23+$0x60 ss:$0x1] =	vst.idx.msk $0xffff, v27  }
0x117: {  	v32 =	vand.u32 $0xFFFF0000, v32;
	v19 =	vand.u32 $0xFFFF, v57;
	[tilespmem:v9+s23+$0x120 ss:$0x1] =	vst.idx.msk $0xffff, v21;
	v21 =	vor.u32 v40, v43;
	v40 =	vld.idx.msk [tilespmem:v8+s24+$0x390 ss:$0x1], $0xffff  }
0x118: {  	[tilespmem:v9+s22+$0x180 ss:$0x1] =	vst.idx.msk $0xffff, v31;
	v54 =	vand.u32 $0xFFFF, v34;
	v33 =	vand.u32 $0xFFFF0000, v59;
	v59 =	vperm.xlane v16, v7;
	v57 =	vld.idx.msk [tilespmem:v8+s24+$0x160 ss:$0x1], $0xffff  }
0x119: {  	v31 =	vor.u32 v54, v32;
	[tilespmem:v9+s22+$0x1B0 ss:$0x1] =	vst.idx.msk $0xffff, v42;
	v49 =	vshll.u32 v60, v15;
	v60 =	vld.idx.msk [tilespmem:v8+s24+$0x1E0 ss:$0x1], $0xffff  }
0x11a: {  	v33 =	vor.u32 v19, v33;
	v18 =	vsub.s32 $0x10, v59;
	v26 =	vshll.u32 v58, v11;
	v41 =	vld.idx.msk [tilespmem:v8+s24+$0x320 ss:$0x1], $0xffff  }
0x11b: {  	v34 =	vshrl.u32 v44, v13;
	v45 =	vshrl.u32 v56, v10;
	v47 =	vand.u32 $0xFFFF0000, v26;
	v26 =	vld.idx.msk [tilespmem:v8+s24+$0x3A0 ss:$0x1], $0xffff  }
0x11c: {  	v61 =	vand.u32 $0xFFFF, v17;
	v17 =	vperm.xlane v16, v6;
	[tilespmem:v9+s23+$0x130 ss:$0x1] =	vst.idx.msk $0xffff, v21;
	v46 =	vand.u32 $0xFFFF, v45;
	v45 =	vld.idx.msk [tilespmem:v8+s24+$0xF0 ss:$0x1], $0xffff  }
0x11d: {  	v42 =	vshll.u32 v36, v18;
	v51 =	vand.u32 $0xFFFF0000, v49;
	v19 =	vor.u32 v46, v47;
	v22 =	vld.idx.msk [tilespmem:v8+s24+$0x330 ss:$0x1], $0xffff  }
0x11e: {  	v34 =	vand.u32 $0xFFFF, v34;
	v21 =	vld.idx.msk [tilespmem:v8+s24+$0x3B0 ss:$0x1], $0xffff;
	[tilespmem:v9+s23+$0x140 ss:$0x1] =	vst.idx.msk $0xffff, v19;
	v19 =	vor.u32 v50, v51  }
0x11f: {  	v63 =	vshrl.u32 v24, v17;
	v35 =	vshrl.u32 v35, v17;
	v46 =	vld.idx.msk [tilespmem:v8+s21+$0x0 ss:$0x1], $0xffff;
	[tilespmem:v9+s23+$0xD0 ss:$0x1] =	vst.idx.msk $0xffff, v19  }
0x120: {  	v52 =	vand.u32 $0xFFFF0000, v42;
	v55 =	vld.idx.msk [tilespmem:v8+s24+$0x250 ss:$0x1], $0xffff;
	v32 =	vshrl.u32 v57, v12;
	v25 =	vshll.u32 v60, v15  }
0x121: {  	[tilespmem:v9+s22+$0x190 ss:$0x1] =	vst.idx.msk $0xffff, v20;
	v58 =	vshll.u32 v29, v23;
	v56 =	vld.idx.msk [tilespmem:v8+s24+$0x2D0 ss:$0x1], $0xffff;
	v47 =	vand.u32 $0xFFFF, v32;
	v25 =	vand.u32 $0xFFFF0000, v25  }
0x122: {  	[tilespmem:v9+s22+$0x1E0 ss:$0x1] =	vst.idx.msk $0xffff, v28;
	v16 =	vshll.u32 v62, $0x4;
	v29 =	vand.u32 $0xFFFF0000, v58;
	v51 =	vld.idx.msk [tilespmem:v8+s21+$0x10 ss:$0x1], $0xffff;
	v50 =	vor.u32 v47, v25  }
0x123: {  	v54 =	vperm.xlane v16, v2;
	v19 =	vld.idx.msk [tilespmem:v8+s24+$0x340 ss:$0x1], $0xffff;
	v14 =	vshll.u32 v45, v14;
	[tilespmem:v9+s23+$0xE0 ss:$0x1] =	vst.idx.msk $0xffff, v50  }
0x124: {  	v13 =	vperm.xlane v16, v1;
	v29 =	vor.u32 v61, v29;
	v36 =	vand.u32 $0xFFFF0000, v14;
	v58 =	vld.idx.msk [tilespmem:v8+s24+$0x2E0 ss:$0x1], $0xffff  }
0x125: {  	v60 =	vshll.u32 v40, v18;
	v57 =	vor.u32 v34, v36;
	v43 =	vshrl.u32 v55, v10;
	v55 =	vld.idx.msk [tilespmem:v8+s21+$0x90 ss:$0x1], $0xffff  }
0x126: {  	v49 =	vand.u32 $0xFFFF, v63;
	v14 =	vsub.s32 $0x10, v54;
	[tilespmem:v9+s23+$0x70 ss:$0x1] =	vst.idx.msk $0xffff, v57;
	v27 =	vshll.u32 v56, v11;
	v56 =	vld.idx.msk [tilespmem:v8+s24+$0x260 ss:$0x1], $0xffff  }
0x127: {  	v59 =	vshrl.u32 v46, v13;
	v46 =	vperm.xlane v16, v4;
	v32 =	vshll.u32 v48, v14;
	v61 =	vld.idx.msk [tilespmem:v8+s24+$0x170 ss:$0x1], $0xffff  }
0x128: {  	s25 =	sshll.u32 s28, $0x9;
	[tilespmem:v9+s22+$0x1D0 ss:$0x1] =	vst.idx.msk $0xffff, v31;
	v36 =	vand.u32 $0xFFFF, v59;
	v25 =	vshrl.u32 v51, v13;
	v32 =	vand.u32 $0xFFFF0000, v32;
	v62 =	vld.idx.msk [tilespmem:v8+s24+$0x1F0 ss:$0x1], $0xffff  }
0x129: {  	s25 =	sand.u32 $0x3FFFFE00, s25;
	[tilespmem:v9+s22+$0x1C0 ss:$0x1] =	vst.idx.msk $0xffff, v33;
	v20 =	vld.idx.msk [tilespmem:v8+s24+$0x3C0 ss:$0x1], $0xffff;
	v32 =	vor.u32 v36, v32;
	v30 =	vand.u32 $0xFFFF, v43;
	v27 =	vand.u32 $0xFFFF0000, v27  }
0x12a: {  	v53 =	vand.u32 $0xFFFF, v35;
	v48 =	vld.idx.msk [tilespmem:v8+s21+$0x20 ss:$0x1], $0xffff;
	v25 =	vand.u32 $0xFFFF, v25;
	[tilespmem:v9+s25+$0x0 ss:$0x1] =	vst.idx.msk $0xffff, v32;
	v27 =	vor.u32 v30, v27  }
0x12b: {  	v63 =	vld.idx.msk [tilespmem:v8+s21+$0x100 ss:$0x1], $0xffff;
	[tilespmem:v9+s23+$0x150 ss:$0x1] =	vst.idx.msk $0xffff, v27;
	v27 =	vor.u32 v49, v52;
	v34 =	vshll.u32 v58, v11  }
0x12c: {  	v40 =	vld.idx.msk [tilespmem:v8+s21+$0x180 ss:$0x1], $0xffff;
	v35 =	vshll.u32 v55, v14;
	v31 =	vshrl.u32 v56, v10;
	v44 =	vand.u32 $0xFFFF0000, v34  }
0x12d: {  	v51 =	vld.idx.msk [tilespmem:v8+s21+$0xA0 ss:$0x1], $0xffff;
	v36 =	vshrl.u32 v61, v12;
	v15 =	vshll.u32 v62, v15;
	v35 =	vand.u32 $0xFFFF0000, v35  }
0x12e: {  	v23 =	vld.idx.msk [tilespmem:v8+s24+$0x350 ss:$0x1], $0xffff;
	v12 =	vperm.xlane v16, v3;
	v43 =	vand.u32 $0xFFFF, v31;
	v25 =	vor.u32 v25, v35  }
0x12f: {  	v24 =	vld.idx.msk [tilespmem:v8+s24+$0x3D0 ss:$0x1], $0xffff;
	v49 =	vand.u32 $0xFFFF, v36;
	v50 =	vand.u32 $0xFFFF0000, v15;
	v28 =	vor.u32 v43, v44;
	[tilespmem:v9+s25+$0x10 ss:$0x1] =	vst.idx.msk $0xffff, v25  }
0x130: {  	v15 =	vsub.s32 $0x10, v46;
	[tilespmem:v9+s23+$0x160 ss:$0x1] =	vst.idx.msk $0xffff, v28;
	v28 =	vor.u32 v49, v50;
	v50 =	vld.idx.msk [tilespmem:v8+s21+$0xB0 ss:$0x1], $0xffff  }
0x131: {  	v37 =	vand.u32 $0xFFFF0000, v60;
	v33 =	vshrl.u32 v63, v12;
	v35 =	vshll.u32 v40, v15;
	v45 =	vld.idx.msk [tilespmem:v8+s21+$0x110 ss:$0x1], $0xffff  }
0x132: {  	v30 =	vor.u32 v53, v37;
	v52 =	vand.u32 $0xFFFF, v33;
	v53 =	vand.u32 $0xFFFF0000, v35;
	v47 =	vld.idx.msk [tilespmem:v8+s21+$0x190 ss:$0x1], $0xffff;
	[tilespmem:v9+s23+$0xF0 ss:$0x1] =	vst.idx.msk $0xffff, v28  }
0x133: {  	v28 =	vor.u32 v52, v53;
	v57 =	vld.idx.msk [tilespmem:v8+s24+$0x2F0 ss:$0x1], $0xffff  }
0x134: {  	v38 =	vld.idx.msk [tilespmem:v8+s24+$0x360 ss:$0x1], $0xffff;
	[tilespmem:v9+s25+$0x80 ss:$0x1] =	vst.idx.msk $0xffff, v28  }
0x135: {  	v42 =	vshrl.u32 v41, v17;
	v26 =	vshll.u32 v26, v18;
	v32 =	vshrl.u32 v48, v13;
	v61 =	vld.idx.msk [tilespmem:v8+s21+$0x280 ss:$0x1], $0xffff  }
0x136: {  	v22 =	vshrl.u32 v22, v17;
	v62 =	vand.u32 $0xFFFF, v32;
	v31 =	vshll.u32 v51, v14;
	v54 =	vld.idx.msk [tilespmem:v8+s24+$0x270 ss:$0x1], $0xffff  }
0x137: {  	v40 =	vperm.xlane v16, v5;
	v36 =	vld.idx.msk [tilespmem:v8+s24+$0x3E0 ss:$0x1], $0xffff;
	v55 =	vshrl.u32 v45, v12;
	v56 =	vshll.u32 v47, v15  }
0x138: {  	v60 =	vld.idx.msk [tilespmem:v8+s21+$0x200 ss:$0x1], $0xffff;
	v58 =	vand.u32 $0xFFFF, v55;
	v59 =	vand.u32 $0xFFFF0000, v56;
	v11 =	vshll.u32 v57, v11  }
0x139: {  	v47 =	vld.idx.msk [tilespmem:v8+s21+$0x30 ss:$0x1], $0xffff;
	v28 =	vor.u32 v58, v59;
	v44 =	vand.u32 $0xFFFF0000, v11;
	v11 =	vsub.s32 $0x10, v40  }
0x13a: {  	v31 =	vand.u32 $0xFFFF0000, v31;
	v25 =	vand.u32 $0xFFFF, v42;
	[tilespmem:v9+s25+$0x90 ss:$0x1] =	vst.idx.msk $0xffff, v28;
	v33 =	vshll.u32 v61, v11;
	v61 =	vld.idx.msk [tilespmem:v8+s21+$0x40 ss:$0x1], $0xffff  }
0x13b: {  	v42 =	vshrl.u32 v54, v10;
	v10 =	vperm.xlane v16, v0;
	v28 =	vor.u32 v62, v31;
	v63 =	vld.idx.msk [tilespmem:v8+s21+$0x210 ss:$0x1], $0xffff  }
0x13c: {  	v21 =	vshll.u32 v21, v18;
	v22 =	vand.u32 $0xFFFF, v22;
	v41 =	vld.idx.msk [tilespmem:v8+s21+$0x290 ss:$0x1], $0xffff;
	[tilespmem:v9+s25+$0x20 ss:$0x1] =	vst.idx.msk $0xffff, v28  }
0x13d: {  	v21 =	vand.u32 $0xFFFF0000, v21;
	v46 =	vshrl.u32 v60, v10;
	v28 =	vand.u32 $0xFFFF, v42;
	v43 =	vld.idx.msk [tilespmem:v8+s21+$0x120 ss:$0x1], $0xffff  }
0x13e: {  	v48 =	vand.u32 $0xFFFF, v46;
	v49 =	vand.u32 $0xFFFF0000, v33;
	v45 =	vld.idx.msk [tilespmem:v8+s21+$0x1A0 ss:$0x1], $0xffff;
	v28 =	vor.u32 v28, v44  }
0x13f: {  	v20 =	vshll.u32 v20, v18;
	[tilespmem:v9+s23+$0x170 ss:$0x1] =	vst.idx.msk $0xffff, v28;
	v28 =	vor.u32 v48, v49;
	v48 =	vld.idx.msk [tilespmem:v8+s21+$0xD0 ss:$0x1], $0xffff  }
0x140: {  	[tilespmem:v9+s22+$0x1F0 ss:$0x1] =	vst.idx.msk $0xffff, v29;
	v26 =	vand.u32 $0xFFFF0000, v26;
	v21 =	vor.u32 v22, v21;
	v20 =	vand.u32 $0xFFFF0000, v20;
	v49 =	vld.idx.msk [tilespmem:v8+s21+$0x60 ss:$0x1], $0xffff  }
0x141: {  	[tilespmem:v9+s23+$0x1B0 ss:$0x1] =	vst.idx.msk $0xffff, v21;
	v33 =	vshll.u32 v50, v14;
	v34 =	vshrl.u32 v47, v13;
	v51 =	vld.idx.msk [tilespmem:v8+s24+$0x370 ss:$0x1], $0xffff  }
0x142: {  	[tilespmem:v9+s23+$0x190 ss:$0x1] =	vst.idx.msk $0xffff, v30;
	v25 =	vor.u32 v25, v26;
	v60 =	vand.u32 $0xFFFF0000, v33;
	v59 =	vand.u32 $0xFFFF, v34;
	v53 =	vld.idx.msk [tilespmem:v8+s24+$0x3F0 ss:$0x1], $0xffff  }
0x143: {  	v23 =	vshrl.u32 v23, v17;
	[tilespmem:v9+s25+$0x100 ss:$0x1] =	vst.idx.msk $0xffff, v28;
	v62 =	vor.u32 v59, v60;
	v59 =	vld.idx.msk [tilespmem:v8+s21+$0x70 ss:$0x1], $0xffff  }
0x144: {  	v56 =	vshrl.u32 v19, v17;
	v40 =	vand.u32 $0xFFFF, v23;
	v44 =	vshll.u32 v36, v18;
	v29 =	vld.idx.msk [tilespmem:v8+s21+$0x300 ss:$0x1], $0xffff  }
0x145: {  	[tilespmem:v9+s23+$0x180 ss:$0x1] =	vst.idx.msk $0xffff, v27;
	v47 =	vand.u32 $0xFFFF0000, v44;
	v28 =	vand.u32 $0xFFFF, v56;
	v33 =	vshrl.u32 v61, v13;
	v61 =	vld.idx.msk [tilespmem:v8+s21+$0xF0 ss:$0x1], $0xffff  }
0x146: {  	[tilespmem:v9+s25+$0x30 ss:$0x1] =	vst.idx.msk $0xffff, v62;
	v20 =	vor.u32 v28, v20;
	v26 =	vshrl.u32 v63, v10;
	v63 =	vld.idx.msk [tilespmem:v8+s21+$0xC0 ss:$0x1], $0xffff  }
0x147: {  	v52 =	vshll.u32 v41, v11;
	v41 =	vshll.u32 v24, v18;
	v42 =	vld.idx.msk [tilespmem:v8+s21+$0x130 ss:$0x1], $0xffff;
	v50 =	vand.u32 $0xFFFF, v33  }
0x148: {  	[tilespmem:v9+s23+$0x1A0 ss:$0x1] =	vst.idx.msk $0xffff, v25;
	v54 =	vand.u32 $0xFFFF, v26;
	v55 =	vand.u32 $0xFFFF0000, v52;
	v58 =	vshrl.u32 v43, v12;
	v26 =	vld.idx.msk [tilespmem:v8+s21+$0x380 ss:$0x1], $0xffff  }
0x149: {  	v31 =	vshll.u32 v45, v15;
	v23 =	vand.u32 $0xFFFF0000, v41;
	v43 =	vshrl.u32 v38, v17;
	v45 =	vld.idx.msk [tilespmem:v8+s21+$0x50 ss:$0x1], $0xffff  }
0x14a: {  	v57 =	vor.u32 v54, v55;
	v22 =	vand.u32 $0xFFFF, v58;
	v17 =	vshrl.u32 v51, v17;
	v51 =	vld.idx.msk [tilespmem:v8+s21+$0xE0 ss:$0x1], $0xffff  }
0x14b: {  	v31 =	vand.u32 $0xFFFF0000, v31;
	v46 =	vand.u32 $0xFFFF, v43;
	[tilespmem:v9+s25+$0x110 ss:$0x1] =	vst.idx.msk $0xffff, v57;
	v18 =	vshll.u32 v53, v18;
	v53 =	vld.idx.msk [tilespmem:v8+s21+$0x1B0 ss:$0x1], $0xffff  }
0x14c: {  	v30 =	vshll.u32 v48, v14;
	v60 =	vshrl.u32 v49, v13;
	v22 =	vor.u32 v22, v31;
	v19 =	vld.idx.msk [tilespmem:v8+s21+$0x310 ss:$0x1], $0xffff  }
0x14d: {  	[tilespmem:v9+s25+$0xA0 ss:$0x1] =	vst.idx.msk $0xffff, v22;
	v22 =	vor.u32 v40, v23;
	v17 =	vand.u32 $0xFFFF, v17;
	v27 =	vshll.u32 v63, v14  }
0x14e: {  	[tilespmem:v9+s23+$0x1C0 ss:$0x1] =	vst.idx.msk $0xffff, v20;
	v18 =	vand.u32 $0xFFFF0000, v18;
	v23 =	vor.u32 v46, v47;
	v41 =	vld.idx.msk [tilespmem:v8+s21+$0x390 ss:$0x1], $0xffff;
	v27 =	vand.u32 $0xFFFF0000, v27  }
0x14f: {  	v39 =	vld.idx.msk [tilespmem:v8+s21+$0x220 ss:$0x1], $0xffff;
	[tilespmem:v9+s23+$0x1D0 ss:$0x1] =	vst.idx.msk $0xffff, v22;
	v55 =	vshrl.u32 v45, v13;
	v52 =	vor.u32 v50, v27  }
0x150: {  	v58 =	vand.u32 $0xFFFF0000, v30;
	v18 =	vor.u32 v17, v18;
	v54 =	vld.idx.msk [tilespmem:v8+s21+$0x2A0 ss:$0x1], $0xffff;
	v57 =	vand.u32 $0xFFFF, v55;
	[tilespmem:v9+s25+$0x40 ss:$0x1] =	vst.idx.msk $0xffff, v52  }
0x151: {  	[tilespmem:v9+s23+$0x1E0 ss:$0x1] =	vst.idx.msk $0xffff, v23;
	v24 =	vor.u32 v57, v58;
	v32 =	vshll.u32 v51, v14;
	v21 =	vld.idx.msk [tilespmem:v8+s21+$0x140 ss:$0x1], $0xffff  }
0x152: {  	v28 =	vand.u32 $0xFFFF, v60;
	v56 =	vshrl.u32 v42, v12;
	[tilespmem:v9+s25+$0x50 ss:$0x1] =	vst.idx.msk $0xffff, v24;
	v62 =	vld.idx.msk [tilespmem:v8+s21+$0x1C0 ss:$0x1], $0xffff;
	v32 =	vand.u32 $0xFFFF0000, v32  }
0x153: {  	[tilespmem:v9+s23+$0x1F0 ss:$0x1] =	vst.idx.msk $0xffff, v18;
	v25 =	vshll.u32 v53, v15;
	v34 =	vor.u32 v28, v32;
	v35 =	vld.idx.msk [tilespmem:v8+s21+$0x150 ss:$0x1], $0xffff  }
0x154: {  	v20 =	vand.u32 $0xFFFF, v56;
	v13 =	vshrl.u32 v59, v13;
	v63 =	vand.u32 $0xFFFF0000, v25;
	v36 =	vld.idx.msk [tilespmem:v8+s21+$0x1D0 ss:$0x1], $0xffff;
	[tilespmem:v9+s25+$0x60 ss:$0x1] =	vst.idx.msk $0xffff, v34  }
0x155: {  	v14 =	vshll.u32 v61, v14;
	v20 =	vor.u32 v20, v63;
	v38 =	vshrl.u32 v39, v10;
	v39 =	vld.idx.msk [tilespmem:v8+s21+$0x160 ss:$0x1], $0xffff  }
0x156: {  	v13 =	vand.u32 $0xFFFF, v13;
	v14 =	vand.u32 $0xFFFF0000, v14;
	[tilespmem:v9+s25+$0xB0 ss:$0x1] =	vst.idx.msk $0xffff, v20;
	v40 =	vld.idx.msk [tilespmem:v8+s21+$0x1E0 ss:$0x1], $0xffff  }
0x157: {  	v13 =	vor.u32 v13, v14;
	v42 =	vld.idx.msk [tilespmem:v8+s21+$0x230 ss:$0x1], $0xffff;
	v21 =	vshrl.u32 v21, v12;
	v24 =	vshll.u32 v62, v15  }
0x158: {  	v17 =	vperm.xlane v16, v6;
	[tilespmem:v9+s25+$0x70 ss:$0x1] =	vst.idx.msk $0xffff, v13;
	v44 =	vld.idx.msk [tilespmem:v8+s21+$0x2B0 ss:$0x1], $0xffff;
	v21 =	vand.u32 $0xFFFF, v21;
	v43 =	vand.u32 $0xFFFF0000, v24  }
0x159: {  	v48 =	vld.idx.msk [tilespmem:v8+s21+$0x170 ss:$0x1], $0xffff;
	v45 =	vshrl.u32 v35, v12;
	v47 =	vshll.u32 v36, v15;
	v21 =	vor.u32 v21, v43  }
0x15a: {  	v16 =	vperm.xlane v16, v7;
	v51 =	vld.idx.msk [tilespmem:v8+s21+$0x1F0 ss:$0x1], $0xffff;
	v46 =	vand.u32 $0xFFFF, v45;
	[tilespmem:v9+s25+$0xC0 ss:$0x1] =	vst.idx.msk $0xffff, v21;
	v21 =	vand.u32 $0xFFFF0000, v47  }
0x15b: {  	v49 =	vshrl.u32 v39, v12;
	v50 =	vshll.u32 v40, v15;
	v13 =	vor.u32 v46, v21;
	v52 =	vld.idx.msk [tilespmem:v8+s21+$0x240 ss:$0x1], $0xffff  }
0x15c: {  	v27 =	vshll.u32 v54, v11;
	v53 =	vand.u32 $0xFFFF, v49;
	v54 =	vand.u32 $0xFFFF0000, v50;
	v56 =	vld.idx.msk [tilespmem:v8+s21+$0x2C0 ss:$0x1], $0xffff;
	[tilespmem:v9+s25+$0xD0 ss:$0x1] =	vst.idx.msk $0xffff, v13  }
0x15d: {  	v37 =	vshrl.u32 v29, v17;
	v16 =	vsub.s32 $0x10, v16;
	v21 =	vor.u32 v53, v54;
	v57 =	vld.idx.msk [tilespmem:v8+s21+$0x250 ss:$0x1], $0xffff  }
0x15e: {  	v26 =	vshll.u32 v26, v16;
	v55 =	vand.u32 $0xFFFF, v38;
	v27 =	vand.u32 $0xFFFF0000, v27;
	[tilespmem:v9+s25+$0xE0 ss:$0x1] =	vst.idx.msk $0xffff, v21;
	v58 =	vld.idx.msk [tilespmem:v8+s21+$0x2D0 ss:$0x1], $0xffff  }
0x15f: {  	v12 =	vshrl.u32 v48, v12;
	v15 =	vshll.u32 v51, v15;
	v13 =	vor.u32 v55, v27;
	v59 =	vld.idx.msk [tilespmem:v8+s21+$0x260 ss:$0x1], $0xffff  }
0x160: {  	v25 =	vand.u32 $0xFFFF, v37;
	v12 =	vand.u32 $0xFFFF, v12;
	v15 =	vand.u32 $0xFFFF0000, v15;
	[tilespmem:v9+s25+$0x120 ss:$0x1] =	vst.idx.msk $0xffff, v13;
	v61 =	vld.idx.msk [tilespmem:v8+s21+$0x2E0 ss:$0x1], $0xffff  }
0x161: {  	v14 =	vshrl.u32 v42, v10;
	v23 =	vshll.u32 v44, v11;
	v12 =	vor.u32 v12, v15;
	v62 =	vld.idx.msk [tilespmem:v8+s21+$0x320 ss:$0x1], $0xffff  }
0x162: {  	v26 =	vand.u32 $0xFFFF0000, v26;
	v14 =	vand.u32 $0xFFFF, v14;
	v60 =	vand.u32 $0xFFFF0000, v23;
	[tilespmem:v9+s25+$0xF0 ss:$0x1] =	vst.idx.msk $0xffff, v12;
	v63 =	vld.idx.msk [tilespmem:v8+s21+$0x3A0 ss:$0x1], $0xffff  }
0x163: {  	v13 =	vor.u32 v14, v60;
	v31 =	vld.idx.msk [tilespmem:v8+s21+$0x270 ss:$0x1], $0xffff;
	v18 =	vshrl.u32 v52, v10;
	v24 =	vshll.u32 v56, v11  }
0x164: {  	v19 =	vshrl.u32 v19, v17;
	[tilespmem:v9+s25+$0x130 ss:$0x1] =	vst.idx.msk $0xffff, v13;
	v34 =	vld.idx.msk [tilespmem:v8+s21+$0x2F0 ss:$0x1], $0xffff;
	v28 =	vand.u32 $0xFFFF, v18;
	v29 =	vand.u32 $0xFFFF0000, v24  }
0x165: {  	v35 =	vld.idx.msk [tilespmem:v8+s21+$0x330 ss:$0x1], $0xffff;
	v30 =	vshrl.u32 v57, v10;
	v12 =	vor.u32 v28, v29;
	v33 =	vshll.u32 v58, v11  }
0x166: {  	v19 =	vand.u32 $0xFFFF, v19;
	v37 =	vld.idx.msk [tilespmem:v8+s21+$0x3B0 ss:$0x1], $0xffff;
	v32 =	vand.u32 $0xFFFF, v30;
	v18 =	vand.u32 $0xFFFF0000, v33;
	[tilespmem:v9+s25+$0x140 ss:$0x1] =	vst.idx.msk $0xffff, v12  }
0x167: {  	v27 =	vshrl.u32 v59, v10;
	v23 =	vshll.u32 v61, v11;
	v36 =	vor.u32 v32, v18;
	v40 =	vld.idx.msk [tilespmem:v8+s21+$0x340 ss:$0x1], $0xffff  }
0x168: {  	v20 =	vshll.u32 v41, v16;
	v38 =	vand.u32 $0xFFFF, v27;
	v23 =	vand.u32 $0xFFFF0000, v23;
	v41 =	vld.idx.msk [tilespmem:v8+s21+$0x3C0 ss:$0x1], $0xffff;
	[tilespmem:v9+s25+$0x150 ss:$0x1] =	vst.idx.msk $0xffff, v36  }
0x169: {  	v10 =	vshrl.u32 v31, v10;
	v11 =	vshll.u32 v34, v11;
	v39 =	vor.u32 v38, v23;
	v42 =	vld.idx.msk [tilespmem:v8+s21+$0x350 ss:$0x1], $0xffff  }
0x16a: {  	v20 =	vand.u32 $0xFFFF0000, v20;
	v10 =	vand.u32 $0xFFFF, v10;
	v11 =	vand.u32 $0xFFFF0000, v11;
	v43 =	vld.idx.msk [tilespmem:v8+s21+$0x3D0 ss:$0x1], $0xffff;
	[tilespmem:v9+s25+$0x160 ss:$0x1] =	vst.idx.msk $0xffff, v39  }
0x16b: {  	v25 =	vor.u32 v25, v26;
	v19 =	vor.u32 v19, v20;
	v10 =	vor.u32 v10, v11;
	v46 =	vld.idx.msk [tilespmem:v8+s21+$0x360 ss:$0x1], $0xffff  }
0x16c: {  	v44 =	vshrl.u32 v62, v17;
	v45 =	vshll.u32 v63, v16;
	[tilespmem:v9+s25+$0x170 ss:$0x1] =	vst.idx.msk $0xffff, v10;
	v49 =	vld.idx.msk [tilespmem:v8+s21+$0x3E0 ss:$0x1], $0xffff  }
0x16d: {  	[tilespmem:v9+s25+$0x180 ss:$0x1] =	vst.idx.msk $0xffff, v25;
	v47 =	vand.u32 $0xFFFF0000, v45;
	v50 =	vshll.u32 v37, v16;
	v11 =	vand.u32 $0xFFFF, v44;
	v51 =	vld.idx.msk [tilespmem:v8+s21+$0x370 ss:$0x1], $0xffff  }
0x16e: {  	v48 =	vshrl.u32 v35, v17;
	v12 =	vand.u32 $0xFFFF0000, v50;
	v10 =	vor.u32 v11, v47;
	v54 =	vld.idx.msk [tilespmem:v8+s21+$0x3F0 ss:$0x1], $0xffff  }
0x16f: {  	[tilespmem:v9+s25+$0x190 ss:$0x1] =	vst.idx.msk $0xffff, v19;
	v11 =	vand.u32 $0xFFFF, v48;
	v52 =	vshrl.u32 v40, v17;
	v53 =	vshll.u32 v41, v16  }
0x170: {  	v11 =	vor.u32 v11, v12;
	[tilespmem:v9+s25+$0x1A0 ss:$0x1] =	vst.idx.msk $0xffff, v10;
	v55 =	vand.u32 $0xFFFF, v52;
	v56 =	vand.u32 $0xFFFF0000, v53  }
0x171: {  	v12 =	vor.u32 v55, v56;
	v57 =	vshrl.u32 v42, v17;
	v58 =	vshll.u32 v43, v16  }
0x172: {  	p1 =	slt.u32 s20, $0x1C;
	[tilespmem:v9+s25+$0x1B0 ss:$0x1] =	vst.idx.msk $0xffff, v11;
	v10 =	vand.u32 $0xFFFF, v57;
	v59 =	vand.u32 $0xFFFF0000, v58;
	v15 =	vshrl.u32 v46, v17  }
.Ltmp5:
0x173: {  	v60 =	vshll.u32 v49, v16;
	v13 =	vshrl.u32 v51, v17;
	v62 =	vshll.u32 v54, v16;
	(pc) =	sbr.rel @p1 .LBB2_7-.Ltmp5, $4  }
0x174: {  	[tilespmem:v9+s25+$0x1C0 ss:$0x1] =	vst.idx.msk $0xffff, v12;
	v10 =	vor.u32 v10, v59;
	v11 =	vand.u32 $0xFFFF, v15;
	v61 =	vand.u32 $0xFFFF0000, v60  }
0x175: {  	v63 =	vand.u32 $0xFFFF0000, v62;
	[tilespmem:v9+s25+$0x1D0 ss:$0x1] =	vst.idx.msk $0xffff, v10;
	v10 =	vor.u32 v11, v61;
	v11 =	vand.u32 $0xFFFF, v13  }
0x176: {  	s31 =	sadd.s32 $0x4, s20;
	[tilespmem:v9+s25+$0x1E0 ss:$0x1] =	vst.idx.msk $0xffff, v10;
	v10 =	vor.u32 v11, v63  }
0x177: {  	s20 =	smov.u32 s31;
	[tilespmem:v9+s25+$0x1F0 ss:$0x1] =	vst.idx.msk $0xffff, v10  }
0x178: {  	s17 =	sshll.u32 s17, $0x3  }
0x179: {  	s17 =	sadd.s32 s17, s6  }
0x17a: {  	s19 =	simm.s32 $0x40;
	s20 =	sadd.s32 $0x200, s18;
	s21 =	sadd.s32 $0x0, s17  }
.LBB2_9:
0x17b: {  	[hbm:s21] =	stream.linear.scatter [tilespmem:s18], [sflag:$0x3], $0x200, $0x38;
	[tilespmem:$0x18300] =	vst v63  }
0x17c: {  	s21 =	smov.u32 s19;
	s18 =	smov.u32 s20;
	p1 =	sne.s32 s19, $0x7C0  }
.Ltmp6:
0x17d: {  	s19 =	sadd.s32 $0x40, s19;
	(pc) =	sbr.rel @p1 .LBB2_9-.Ltmp6, $2  }
0x17e: {  	_ =	sdelay $0x2  }
0x17f: {  	s20 =	sadd.s32 $0x200, s20;
	s21 =	sadd.s32 s21, s17  }
.Ltmp7:
0x180: {  	(pc) =	sbr.rel .LBB2_11-.Ltmp7, $2  }
0x181: {  	_ =	sdelay $0x2  }
0x182: {  	[hbm:s21] =	stream.linear.scatter [tilespmem:s18], [sflag:$0x3], $0x200, $0x38;
	[tilespmem:$0x18300] =	vst v63  }
.LBB2_12:
0x183: {  	_ =	sfence.sel $0x180000  }
0x184: {  	s2 =	simm.s32 $0x1;
	[bflag:$0x0] =	sbarrier.arrive $0xFFFF  }
0x185: {  	s30 =	simm.s32 $0x2;
	[sflag:s2] =	ssyncpa.u1 $0x1  }
0x186: {  	s31 =	simm.s32 $0x3;
	[sflag:s30] =	ssyncpa.u1 $0x1  }
0x187: {  	[sflag:s31] =	ssyncpa.u1 $0x1  }
0x188: {  	p0 =	sne.s32 s0, $0x0;
	_ =	strace $0x9000004A  }
0x189: {  	s0 =	sadd.s32 @!p0 $0x100000, s1;
	[bflag:$0x2] =	sbarrier.arrive $0xFFFF  }
0x18a: {  	[sflag:s0] =	ssyncadd.tile.s32 @!p0 $0x1;
	_ =	shalt  }
.Lfunc_end2:
_tile_overlayer_lowered:
.L_overlay_start_2:
0x18b: {  	(tag) =	ssettag $0x2  }
0x18c: {  	s0 =	rddreg [dreg:$0x0];
	s2 =	stileid.u32  }
0x18d: {  	s1 =	rddreg [dreg:$0x1];
	p0 =	sne.s32 s2, $0x0  }
0x18e: {  	s3 =	rddreg [dreg:$0x2];
	[bflag:$0x3] =	sbarrier.arrive $0xFFFF;
	s2 =	simm.s32 @!p0 $0x1C01  }
0x18f: {  	[timem:s3], [sflag:s2] =	dma.local @!p0 [hbm:s0], s1  }
0x190: {  	s0 =	simm.s32 @!p0 $0x1  }
0x191: {  	_ =	swait.ge @!p0 [sflag:s0], s1  }
0x192: {  	s1 =	ssub.s32 @!p0 $0x0, s1;
	[sflag:s0] =	ssyncset.done @!p0 $0x0  }
0x193: {  	[sflag:s0] =	ssyncadd.s32 @!p0 s1  }
0x194: {  	[bflag:$0x3] =	sbarrier.arrive $0xFFFF  }
0x195: {  	_ =	shalt  }

// kernel: kernel.6.cloned.1.call-start
scs
__scs_entry_jumppad:
0x0: {  	(pc) =	sbr.rel $0x88, $3  }
0x1: {  	(tag) =	ssettag $0x0;
	lr =	simm.s32 $0x1  }
0x2: {  	[smem:$0x3F94] =	sst lr;
	_ =	strace $0xD0000000  }
0x3: {  	_ = 	snop  }
0x4: {  	_ = 	snop  }
0x5: {  	_ = 	snop  }
0x6: {  	_ = 	snop  }
0x7: {  	_ = 	snop  }
__scs_overlays_trampoline_lowered:
0x8: {  	[smem:$0x3FA3] =	sst s0  }
0x9: {  	[smem:$0x3FA4] =	sst s1  }
0xa: {  	[smem:$0x3FA5] =	sst s2  }
0xb: {  	[smem:$0x3FA6] =	sst s3  }
0xc: {  	[smem:$0x3FA7] =	sst s4  }
0xd: {  	[smem:$0x3FA8] =	sst s5  }
0xe: {  	[smem:$0x3FA9] =	sst s6  }
0xf: {  	[smem:$0x3FAA] =	sst s7  }
0x10: {  	[smem:$0x3FAB] =	sst s8  }
0x11: {  	[smem:$0x3FAC] =	sst s9;
	s0 =	simm.s32 @!p0 $0x0  }
0x12: {  	s1 =	sld [smem:$0x3F92];
	s0 =	simm.s32 @p0 $0x1  }
0x13: {  	[smem:$0x3FAD] =	sst s0;
	s0 =	simm.s32 @!p1 $0x0  }
0x14: {  	s2 =	sld [smem:$0x3F91];
	s0 =	simm.s32 @p1 $0x1  }
0x15: {  	[smem:$0x3FAE] =	sst s0;
	s0 =	simm.s32 @!p2 $0x0  }
0x16: {  	s3 =	sld [smem:$0x3FDB];
	s0 =	simm.s32 @p2 $0x1  }
0x17: {  	s4 =	simm.s32 $0x1BF5;
	[smem:$0x3FB0] =	sst s0  }
0x18: {  	s0 =	sld [smem:$0x3F93];
	_ =	swait.ge [sflag:s4], $0x0  }
0x19: {  	s7 =	sld [smem:$0x3F94]  }
0x1a: {  	s8 =	sadd.s32 $0xFFFFE003, lr  }
0x1b: {  	s9 =	sadd.s32 $0xFFFFFEF7, lr;
	s5 =	simm.s32 $0xFFFFFFFF;
	p2 =	slt.u32 s8, $0xFFFFF086  }
0x1c: {  	p1 =	slt.u32 s9, $0xF7A;
	s5 =	simm.s32 @!p2 $0x0  }
0x1d: {  	s5 =	simm.s32 @p1 $0x1;
	p0 =	seq.s32 s7, s2  }
0x1e: {  	s7 =	smul.u32 @!p0 $0xF7A, s2;
	p2 =	seq.s32 @!p0 s5, $0x0  }
0x1f: {  	s9 =	smul.u32 $0xF7A, s1;
	s8 =	simm.s32 @!p0 $0x1BF5;
	p2 =	por !p2, p0  }
0x20: {  	[sflag:s8] =	ssyncset.s32 @!p0 $0xFFFFF086;
	s6 =	sadd.s32 @!p0 s3, s7;
	s7 =	simm.s32 @!p0 $0x108  }
0x21: {  	s3 =	sadd.s32 s3, s9;
	s6 =	sadd.s32 @!p0 $0x88, s6;
	s7 =	simm.s32 @p2 $0x1082  }
0x22: {  	[simem:s7], [sflag:s8] =	dma.local @!p0 [hbm:s6], $0xF7A  }
0x23: {  	s9 =	sor.u32 $0xD0000000, s2;
	s6 =	simm.s32 $0x108;
	_ =	swait.ge @!p0 [sflag:s8], $0x0  }
0x24: {  	s3 =	sadd.s32 $0x88, s3;
	s6 =	simm.s32 @!p1 $0x1082;
	[sflag:s4] =	ssyncset.s32 $0xFFFFF086  }
0x25: {  	[simem:s6], [sflag:s4] =	dma.local [hbm:s3], $0xF7A  }
0x26: {  	[smem:$0x3F94] =	sst s1;
	(tag) =	ssettag s2;
	_ =	strace s9  }
0x27: {  	s1 =	sld [smem:$0x3FA4]  }
0x28: {  	s2 =	sld [smem:$0x3FA5]  }
0x29: {  	s4 =	sld [smem:$0x3FA7]  }
0x2a: {  	p0 =	seq.s32 s5, $0x0;
	s5 =	sld [smem:$0x3FA8]  }
0x2b: {  	s6 =	sld [smem:$0x3FA9]  }
0x2c: {  	s7 =	sld [smem:$0x3FAA]  }
0x2d: {  	s3 =	simm.s32 $0x108;
	s8 =	sld [smem:$0x3FAB]  }
0x2e: {  	s3 =	simm.s32 @!p0 $0x1082;
	s9 =	sld [smem:$0x3FAC]  }
0x2f: {  	lr =	sadd.s32 s0, s3;
	s0 =	sld [smem:$0x3FA3]  }
0x30: {  	s3 =	sld [smem:$0x3FA6]  }
0x31: {  	[smem:$0x3FAF] =	sst s10  }
0x32: {  	s10 =	sld [smem:$0x3FAD];
	_ =	sdelay $0x3  }
0x33: {  	p0 =	seq.s32 s10, $0x1;
	s10 =	sld [smem:$0x3FAF];
	_ =	sdelay $0x3  }
0x34: {  	[smem:$0x3FAF] =	sst s10  }
0x35: {  	s10 =	sld [smem:$0x3FAE];
	_ =	sdelay $0x3  }
0x36: {  	p1 =	seq.s32 s10, $0x1;
	s10 =	sld [smem:$0x3FAF];
	_ =	sdelay $0x3  }
0x37: {  	[smem:$0x3FAF] =	sst s10  }
0x38: {  	s10 =	sld [smem:$0x3FB0]  }
0x39: {  	_ = 	snop;
	(pc) =	sbr.ind lr, $3  }
0x3a: {  	_ = 	snop  }
0x3b: {  	_ = 	snop  }
0x3c: {  	p2 =	seq.s32 s10, $0x1;
	s10 =	sld [smem:$0x3FAF]  }
0x3d: {  	_ =	shalt  }
0x3e: {  	_ =	shalt  }
0x3f: {  	_ =	shalt  }
0x40: {  	_ =	shalt  }
0x41: {  	_ =	shalt  }
0x42: {  	_ =	shalt  }
0x43: {  	_ =	shalt  }
0x44: {  	_ =	shalt  }
0x45: {  	_ =	shalt  }
0x46: {  	_ =	shalt  }
0x47: {  	_ =	shalt  }
0x48: {  	_ =	shalt  }
0x49: {  	_ =	shalt  }
0x4a: {  	_ =	shalt  }
0x4b: {  	_ =	shalt  }
0x4c: {  	_ =	shalt  }
0x4d: {  	_ =	shalt  }
0x4e: {  	_ =	shalt  }
0x4f: {  	_ =	shalt  }
0x50: {  	_ =	shalt  }
0x51: {  	_ =	shalt  }
0x52: {  	_ =	shalt  }
0x53: {  	_ =	shalt  }
0x54: {  	_ =	shalt  }
0x55: {  	_ =	shalt  }
0x56: {  	_ =	shalt  }
0x57: {  	_ =	shalt  }
0x58: {  	_ =	shalt  }
0x59: {  	_ =	shalt  }
0x5a: {  	_ =	shalt  }
0x5b: {  	_ =	shalt  }
0x5c: {  	_ =	shalt  }
0x5d: {  	_ =	shalt  }
0x5e: {  	_ =	shalt  }
0x5f: {  	_ =	shalt  }
0x60: {  	_ =	shalt  }
0x61: {  	_ =	shalt  }
0x62: {  	_ =	shalt  }
0x63: {  	_ =	shalt  }
0x64: {  	_ =	shalt  }
0x65: {  	_ =	shalt  }
0x66: {  	_ =	shalt  }
0x67: {  	_ =	shalt  }
0x68: {  	_ =	shalt  }
0x69: {  	_ =	shalt  }
0x6a: {  	_ =	shalt  }
0x6b: {  	_ =	shalt  }
0x6c: {  	_ =	shalt  }
0x6d: {  	_ =	shalt  }
0x6e: {  	_ =	shalt  }
0x6f: {  	_ =	shalt  }
0x70: {  	_ =	shalt  }
0x71: {  	_ =	shalt  }
0x72: {  	_ =	shalt  }
0x73: {  	_ =	shalt  }
0x74: {  	_ =	shalt  }
0x75: {  	_ =	shalt  }
0x76: {  	_ =	shalt  }
0x77: {  	_ =	shalt  }
0x78: {  	_ =	shalt  }
0x79: {  	_ =	shalt  }
0x7a: {  	_ =	shalt  }
0x7b: {  	_ =	shalt  }
0x7c: {  	_ =	shalt  }
0x7d: {  	_ =	shalt  }
0x7e: {  	_ =	shalt  }
0x7f: {  	_ =	shalt  }
0x80: {  	_ =	shalt  }
0x81: {  	_ =	shalt  }
0x82: {  	_ =	shalt  }
0x83: {  	_ =	shalt  }
0x84: {  	_ =	shalt  }
0x85: {  	_ =	shalt  }
0x86: {  	_ =	shalt  }
0x87: {  	_ =	shalt  }
.Lfunc_end0:
.L_simem_size_0:
called_computation.4_lowered:
.L_overlay_start_0:
0x88: {  	s2 =	sld [smem:$0x3FD9]  }
0x89: {  	s3 =	sld [smem:$0x3FFE];
	_ =	sdelay $0x1  }
0x8a: {  	s1 =	srdreg.scid  }
0x8b: {  	s0 =	sand.u32 $0x1, s1  }
0x8c: {  	s17 =	sshll.u32 s0, $0xA;
	s2 =	sadd.s32 s3, s2  }
0x8d: {  	s2 =	sadd.s32 s2, s17  }
0x8e: {  	[smem:$0x3FBB] =	sst s2  }
0x8f: {  	_ = 	snop  }
0x90: {  	s2 =	sld [smem:$0x3FD0];
	(tm) =	ssettm $0x1  }
0x91: {  	s18 =	sld [smem:$0x3FFB];
	_ =	sdelay $0x3  }
0x92: {  	_ =	strace s18  }
0x93: {  	s3 =	sld [smem:$0x3FFC];
	_ =	sdelay $0x3  }
0x94: {  	_ =	strace s3  }
0x95: {  	s3 =	sld [smem:$0x3FFD];
	_ =	sdelay $0x3  }
0x96: {  	_ =	strace s3  }
0x97: {  	_ =	strace $0x8FFFFFFF  }
0x98: {  	s19 =	sld [smem:$0x3FDB];
	_ =	sdelay $0x1  }
0x99: {  	s4 =	simm.s32 $_scs_section_size  }
0x9a: {  	s5 =	simm.s32 $_size__tile_overlayer_lowered;
	s6 =	simm.s32 $_tile_overlayer_lowered  }
0x9b: {  	s22 =	simm.s32 $0x1BFF;
	s21 =	sshll.u32 s6, $0x1;
	s3 =	sadd.s32 s4, s19  }
0x9c: {  	s7 =	simm.s32 $0x0;
	s20 =	sshll.u32 s5, $0x1;
	s5 =	sadd.s32 s21, s3  }
0x9d: {  	[timem:s7], [sflag:s22] =	dma.local [hbm:s5], s20  }
0x9e: {  	_ =	swait.ge [sflag:s22], s20  }
0x9f: {  	s4 =	ssub.s32 $0x0, s20;
	[sflag:s22] =	ssyncset.done $0x0  }
0xa0: {  	[sflag:s22] =	ssyncadd.s32 s4;
	_ =	sdelay $0x1  }
0xa1: {  	s23 =	simm.s32 $0x1B8B  }
0xa2: {  	_ =	swait.ge [sflag:s23], $0x1  }
0xa3: {  	[sflag:s23] =	ssyncset.done $0x0  }
0xa4: {  	s25 =	simm.s32 $0x1B8E;
	s24 =	sld [smem:$0x3FFE];
	[sflag:s23] =	ssyncadd.s32 $0xFFFFFFFF  }
0xa5: {  	s26 =	simm.s32 $execute0_lowered;
	[smem:$0x3FD2] =	sst s25  }
0xa6: {  	s5 =	sshll.u32 s26, $0x1;
	_ =	strace $0x80000046;
	[dreg:$0x1] =	wrdreg $0xFFFFFFFF  }
0xa7: {  	s28 =	simm.s32 $_size_execute0_lowered;
	s3 =	sadd.s32 s3, s5;
	[dreg:$0x0] =	wrdreg $0x0  }
0xa8: {  	s5 =	sshll.u32 s28, $0x1;
	[dreg:$0x2] =	wrdreg s3  }
0xa9: {  	[dreg:$0x3] =	wrdreg s5  }
0xaa: {  	[dreg:$0x4] =	wrdreg $0xC0  }
0xab: {  	_ =	task [dreg:s7], $0x5FFFF  }
0xac: {  	[dreg:$0x1] =	wrdreg $0xFFFFFFFF  }
0xad: {  	[dreg:$0x0] =	wrdreg $0x60  }
0xae: {  	[dreg:$0x2] =	wrdreg s2  }
0xaf: {  	[dreg:$0x3] =	wrdreg s24  }
0xb0: {  	[dreg:$0x4] =	wrdreg $0x9  }
0xb1: {  	_ =	task.clear_ibuf [dreg:s7], $0x5FFFF;
	_ =	strace $0x90000046  }
0xb2: {  	s29 =	simm.s32 $0x9;
	_ =	strace $0x80000048  }
0xb3: {  	_ =	swait.ge [sflag:s29], $0x1  }
0xb4: {  	[sflag:s29] =	ssyncadd.s32 $0xFFFFFFFF  }
0xb5: {  	_ =	strace $0x90000048  }
0xb6: {  	_ =	sfence  }
0xb7: {  	s30 =	sld [smem:$0x0];
	_ =	sdelay $0x2  }
0xb8: {  	s31 =	sshll.u32 s1, $0xD;
	s1 =	sshrl.u32 s1, $0x2  }
0xb9: {  	s3 =	sand.u32 $0x4000, s31;
	s1 =	sadd.s32 s1, s30  }
0xba: {  	s0 =	sor.u32 s3, s0;
	s1 =	sshll.u32 s1, $0x11  }
0xbb: {  	s0 =	sor.u32 s1, s0  }
0xbc: {  	s0 =	sadd.s32 $0x8F2B, s0  }
0xbd: {  	[sflag:s0] =	ssyncadd.remote.s32 $0x1  }
0xbe: {  	_ =	sfence.sel $0xFFFF  }
0xbf: {  	[dreg:$0x0] =	wrdreg $0xFFFFFFFF;
	(pc) =	sbr.abs _section_cstart, $3  }
0xc0: {  	[dreg:$0x1] =	wrdreg $0xFFFFFFFF  }
0xc1: {  	_ =	task.clear_ibuf [dreg:s7], $0x2FFFF;
	_ =	strace $0x9FFFFFFF  }
0xc2: {  	(tm) =	ssettm $0x7FFFFFFF  }
0xc3: {  	_ =	shalt  }
tec
execute0_lowered:
.L_overlay_start_1:
0x0: {  	(tag) =	ssettag $0x1  }
0x1: {  	s0 =	srdreg.scid;
	s1 =	stileid.u32  }
0x2: {  	s31 =	sand.u32 $0x1, s0;
	s9 =	sshll.u32 s1, $0x1  }
0x3: {  	s2 =	rddreg [dreg:$0x0];
	s5 =	sor.u32 s31, s9  }
0x4: {  	s4 =	rddreg [dreg:$0x1];
	s3 =	simm.s32 $0x0;
	s0 =	smul.u32 $0x2710, s5  }
0x5: {  	[smem:$0x7FF] =	sst s3;
	s30 =	sadd.s32 $0x800, s4;
	s5 =	smul.u32 $0x27100, s5  }
0x6: {  	s1 =	sadd.s32 $0xA600, s4;
	_ =	strace $0x80000047;
	s6 =	sshrl.u32 s0, $0x3  }
0x7: {  	s11 =	sadd.s32 s1, s5;
	s12 =	sadd.s32 $0x190, s0;
	s14 =	sadd.s32 $0x320, s0  }
0x8: {  	s20 =	sadd.s32 $0x4B0, s0;
	s22 =	sadd.s32 $0x640, s0;
	s8 =	sadd.s32 $0x960, s0  }
0x9: {  	s10 =	sadd.s32 s30, s6;
	[dreg:$0x4] =	wrdreg s11;
	s13 =	sshrl.u32 s12, $0x3  }
0xa: {  	s5 =	sshll.u32 s12, $0x4;
	s16 =	sshrl.u32 s14, $0x3;
	s18 =	sshll.u32 s14, $0x4  }
0xb: {  	s21 =	sshrl.u32 s20, $0x3;
	s24 =	sshrl.u32 s22, $0x3;
	s26 =	sshll.u32 s22, $0x4  }
0xc: {  	s6 =	sadd.s32 $0x7D0, s0;
	[dreg:$0x3] =	wrdreg s10;
	s4 =	sadd.s32 s30, s13  }
0xd: {  	s12 =	sshll.u32 s8, $0x4;
	s15 =	sadd.s32 s1, s5;
	[dreg:$0x5] =	wrdreg s4  }
0xe: {  	s14 =	sadd.s32 $0xAF0, s0;
	s17 =	sadd.s32 s30, s16;
	[dreg:$0x6] =	wrdreg s15  }
0xf: {  	s22 =	sadd.s32 $0xE10, s0;
	s19 =	sadd.s32 s1, s18;
	[dreg:$0x7] =	wrdreg s17  }
0x10: {  	s5 =	sshll.u32 s20, $0x4;
	s25 =	sadd.s32 s30, s24;
	[dreg:$0x8] =	wrdreg s19  }
0x11: {  	s7 =	sshrl.u32 s6, $0x3;
	s13 =	sadd.s32 s1, s12;
	[dreg:$0xb] =	wrdreg s25  }
0x12: {  	s16 =	sadd.s32 $0xC80, s0;
	s4 =	sadd.s32 s30, s21;
	[dreg:$0x10] =	wrdreg s13  }
0x13: {  	s18 =	sshrl.u32 s16, $0x3;
	s20 =	sshll.u32 s16, $0x4;
	s16 =	rddreg [dreg:$0x3]  }
0x14: {  	s10 =	sshrl.u32 s8, $0x3;
	s23 =	sadd.s32 s1, s5;
	[dreg:$0x9] =	wrdreg s4  }
0x15: {  	s24 =	sadd.s32 $0xFA0, s0;
	s5 =	sadd.s32 s1, s26;
	[dreg:$0xa] =	wrdreg s23  }
0x16: {  	s8 =	sadd.s32 $0x1130, s0;
	s11 =	sadd.s32 s30, s10;
	[dreg:$0xc] =	wrdreg s5  }
0x17: {  	s15 =	sshrl.u32 s14, $0x3;
	s4 =	sadd.s32 s30, s7;
	[dreg:$0xf] =	wrdreg s11  }
0x18: {  	[tilespmem:s3], [sflag:$0x2] =	stream.linear.gather [hbm4b:s16+s3], $0x190, $0x38;
	[tilespmem:$0xCA00] =	vst v63  }
0x19: {  	s26 =	sshrl.u32 s24, $0x3;
	s19 =	sadd.s32 s30, s18;
	[dreg:$0xd] =	wrdreg s4  }
0x1a: {  	s5 =	sshll.u32 s6, $0x4;
	s21 =	sadd.s32 s1, s20;
	[dreg:$0x13] =	wrdreg s19  }
0x1b: {  	s10 =	sadd.s32 $0x12C0, s0;
	s9 =	sadd.s32 s1, s5;
	[dreg:$0x14] =	wrdreg s21  }
0x1c: {  	s6 =	sshll.u32 s24, $0x4;
	s4 =	sadd.s32 s30, s15;
	[dreg:$0xe] =	wrdreg s9  }
0x1d: {  	s12 =	sshrl.u32 s10, $0x3;
	s7 =	sadd.s32 s1, s6;
	[dreg:$0x11] =	wrdreg s4  }
0x1e: {  	s5 =	sshll.u32 s14, $0x4;
	s13 =	sadd.s32 s30, s12;
	[dreg:$0x18] =	wrdreg s7  }
0x1f: {  	s23 =	sshrl.u32 s22, $0x3;
	s17 =	sadd.s32 s1, s5;
	[dreg:$0x1b] =	wrdreg s13  }
0x20: {  	s4 =	sadd.s32 s30, s23;
	s5 =	sshll.u32 s22, $0x4;
	[dreg:$0x12] =	wrdreg s17  }
0x21: {  	s14 =	sshll.u32 s10, $0x4;
	[dreg:$0x15] =	wrdreg s4;
	s25 =	sadd.s32 s1, s5  }
0x22: {  	s9 =	sshrl.u32 s8, $0x3;
	s5 =	sadd.s32 s30, s26;
	[dreg:$0x16] =	wrdreg s25  }
0x23: {  	s4 =	sadd.s32 s30, s9;
	[dreg:$0x17] =	wrdreg s5;
	s5 =	sshll.u32 s8, $0x4  }
0x24: {  	[dreg:$0x19] =	wrdreg s4;
	s8 =	sadd.s32 $0x1450, s0;
	s4 =	sadd.s32 s1, s14  }
0x25: {  	s11 =	sadd.s32 s1, s5;
	s15 =	sshrl.u32 s8, $0x3;
	[dreg:$0x1c] =	wrdreg s4  }
0x26: {  	[dreg:$0x1a] =	wrdreg s11;
	s17 =	sadd.s32 s30, s15  }
0x27: {  	s4 =	simm.s32 $0x2;
	[dreg:$0x1d] =	wrdreg s17  }
0x28: {  	_ =	swait.ge [sflag:s4], $0x190  }
0x29: {  	s6 =	simm.s32 $0x200;
	[sflag:s4] =	ssyncset.done $0x0  }
0x2a: {  	s7 =	simm.s32 $0x1;
	s5 =	simm.s32 $0x190;
	[sflag:s4] =	ssyncadd.s32 $0xFFFFFE70  }
0x2b: {  	[tilespmem:s6], [sflag:$0x1] =	stream.indirect.gather [hbm4b:s2+s5], $0x80, s3, s5, $0xb8;
	[tilespmem:$0xCA00] =	vst v63  }
0x2c: {  	_ =	swait.ge [sflag:s7], $0xC800  }
0x2d: {  	[sflag:s7] =	ssyncset.done $0x0  }
0x2e: {  	s9 =	rddreg [dreg:$0x4];
	[sflag:s7] =	ssyncadd.s32 $0xFFFF3800  }
0x2f: {  	[hbm4b:s9+s3] =	stream.linear.scatter [tilespmem:s6], [sflag:$0x2], $0xC800, $0x38;
	[tilespmem:$0xCA00] =	vst v63  }
0x30: {  	_ =	swait.ge [sflag:s4], $0xC800  }
0x31: {  	[sflag:s4] =	ssyncset.done $0x0  }
0x32: {  	s18 =	rddreg [dreg:$0x5];
	[sflag:s4] =	ssyncadd.s32 $0xFFFF3800  }
0x33: {  	[tilespmem:s3], [sflag:$0x2] =	stream.linear.gather [hbm4b:s18+s3], $0x190, $0x38;
	[tilespmem:$0xCA00] =	vst v63  }
0x34: {  	_ =	swait.ge [sflag:s4], $0x190  }
0x35: {  	[sflag:s4] =	ssyncset.done $0x0  }
0x36: {  	[sflag:s4] =	ssyncadd.s32 $0xFFFFFE70  }
0x37: {  	[tilespmem:s6], [sflag:$0x1] =	stream.indirect.gather [hbm4b:s2+s5], $0x80, s3, s5, $0xb8;
	[tilespmem:$0xCA00] =	vst v63  }
0x38: {  	_ =	swait.ge [sflag:s7], $0xC800  }
0x39: {  	[sflag:s7] =	ssyncset.done $0x0  }
0x3a: {  	s19 =	rddreg [dreg:$0x6];
	[sflag:s7] =	ssyncadd.s32 $0xFFFF3800  }
0x3b: {  	[hbm4b:s19+s3] =	stream.linear.scatter [tilespmem:s6], [sflag:$0x2], $0xC800, $0x38;
	[tilespmem:$0xCA00] =	vst v63  }
0x3c: {  	_ =	swait.ge [sflag:s4], $0xC800  }
0x3d: {  	[sflag:s4] =	ssyncset.done $0x0  }
0x3e: {  	s20 =	rddreg [dreg:$0x7];
	[sflag:s4] =	ssyncadd.s32 $0xFFFF3800  }
0x3f: {  	[tilespmem:s3], [sflag:$0x2] =	stream.linear.gather [hbm4b:s20+s3], $0x190, $0x38;
	[tilespmem:$0xCA00] =	vst v63  }
0x40: {  	_ =	swait.ge [sflag:s4], $0x190  }
0x41: {  	[sflag:s4] =	ssyncset.done $0x0  }
0x42: {  	[sflag:s4] =	ssyncadd.s32 $0xFFFFFE70  }
0x43: {  	[tilespmem:s6], [sflag:$0x1] =	stream.indirect.gather [hbm4b:s2+s5], $0x80, s3, s5, $0xb8;
	[tilespmem:$0xCA00] =	vst v63  }
0x44: {  	_ =	swait.ge [sflag:s7], $0xC800  }
0x45: {  	[sflag:s7] =	ssyncset.done $0x0  }
0x46: {  	s21 =	rddreg [dreg:$0x8];
	[sflag:s7] =	ssyncadd.s32 $0xFFFF3800  }
0x47: {  	[hbm4b:s21+s3] =	stream.linear.scatter [tilespmem:s6], [sflag:$0x2], $0xC800, $0x38;
	[tilespmem:$0xCA00] =	vst v63  }
0x48: {  	_ =	swait.ge [sflag:s4], $0xC800  }
0x49: {  	[sflag:s4] =	ssyncset.done $0x0  }
0x4a: {  	s22 =	rddreg [dreg:$0x9];
	[sflag:s4] =	ssyncadd.s32 $0xFFFF3800  }
0x4b: {  	[tilespmem:s3], [sflag:$0x2] =	stream.linear.gather [hbm4b:s22+s3], $0x190, $0x38;
	[tilespmem:$0xCA00] =	vst v63  }
0x4c: {  	_ =	swait.ge [sflag:s4], $0x190  }
0x4d: {  	[sflag:s4] =	ssyncset.done $0x0  }
0x4e: {  	[sflag:s4] =	ssyncadd.s32 $0xFFFFFE70  }
0x4f: {  	[tilespmem:s6], [sflag:$0x1] =	stream.indirect.gather [hbm4b:s2+s5], $0x80, s3, s5, $0xb8;
	[tilespmem:$0xCA00] =	vst v63  }
0x50: {  	_ =	swait.ge [sflag:s7], $0xC800  }
0x51: {  	[sflag:s7] =	ssyncset.done $0x0  }
0x52: {  	s23 =	rddreg [dreg:$0xa];
	[sflag:s7] =	ssyncadd.s32 $0xFFFF3800  }
0x53: {  	[hbm4b:s23+s3] =	stream.linear.scatter [tilespmem:s6], [sflag:$0x2], $0xC800, $0x38;
	[tilespmem:$0xCA00] =	vst v63  }
0x54: {  	_ =	swait.ge [sflag:s4], $0xC800  }
0x55: {  	[sflag:s4] =	ssyncset.done $0x0  }
0x56: {  	s24 =	rddreg [dreg:$0xb];
	[sflag:s4] =	ssyncadd.s32 $0xFFFF3800  }
0x57: {  	[tilespmem:s3], [sflag:$0x2] =	stream.linear.gather [hbm4b:s24+s3], $0x190, $0x38;
	[tilespmem:$0xCA00] =	vst v63  }
0x58: {  	_ =	swait.ge [sflag:s4], $0x190  }
0x59: {  	[sflag:s4] =	ssyncset.done $0x0  }
0x5a: {  	[sflag:s4] =	ssyncadd.s32 $0xFFFFFE70  }
0x5b: {  	[tilespmem:s6], [sflag:$0x1] =	stream.indirect.gather [hbm4b:s2+s5], $0x80, s3, s5, $0xb8;
	[tilespmem:$0xCA00] =	vst v63  }
0x5c: {  	_ =	swait.ge [sflag:s7], $0xC800  }
0x5d: {  	[sflag:s7] =	ssyncset.done $0x0  }
0x5e: {  	s25 =	rddreg [dreg:$0xc];
	[sflag:s7] =	ssyncadd.s32 $0xFFFF3800  }
0x5f: {  	[hbm4b:s25+s3] =	stream.linear.scatter [tilespmem:s6], [sflag:$0x2], $0xC800, $0x38;
	[tilespmem:$0xCA00] =	vst v63  }
0x60: {  	_ =	swait.ge [sflag:s4], $0xC800  }
0x61: {  	[sflag:s4] =	ssyncset.done $0x0  }
0x62: {  	s26 =	rddreg [dreg:$0xd];
	[sflag:s4] =	ssyncadd.s32 $0xFFFF3800  }
0x63: {  	[tilespmem:s3], [sflag:$0x2] =	stream.linear.gather [hbm4b:s26+s3], $0x190, $0x38;
	[tilespmem:$0xCA00] =	vst v63  }
0x64: {  	_ =	swait.ge [sflag:s4], $0x190  }
0x65: {  	[sflag:s4] =	ssyncset.done $0x0  }
0x66: {  	[sflag:s4] =	ssyncadd.s32 $0xFFFFFE70  }
0x67: {  	[tilespmem:s6], [sflag:$0x1] =	stream.indirect.gather [hbm4b:s2+s5], $0x80, s3, s5, $0xb8;
	[tilespmem:$0xCA00] =	vst v63  }
0x68: {  	_ =	swait.ge [sflag:s7], $0xC800  }
0x69: {  	[sflag:s7] =	ssyncset.done $0x0  }
0x6a: {  	s10 =	rddreg [dreg:$0xe];
	[sflag:s7] =	ssyncadd.s32 $0xFFFF3800  }
0x6b: {  	[hbm4b:s10+s3] =	stream.linear.scatter [tilespmem:s6], [sflag:$0x2], $0xC800, $0x38;
	[tilespmem:$0xCA00] =	vst v63  }
0x6c: {  	_ =	swait.ge [sflag:s4], $0xC800  }
0x6d: {  	[sflag:s4] =	ssyncset.done $0x0  }
0x6e: {  	s11 =	rddreg [dreg:$0xf];
	[sflag:s4] =	ssyncadd.s32 $0xFFFF3800  }
0x6f: {  	[tilespmem:s3], [sflag:$0x2] =	stream.linear.gather [hbm4b:s11+s3], $0x190, $0x38;
	[tilespmem:$0xCA00] =	vst v63  }
0x70: {  	_ =	swait.ge [sflag:s4], $0x190  }
0x71: {  	[sflag:s4] =	ssyncset.done $0x0  }
0x72: {  	[sflag:s4] =	ssyncadd.s32 $0xFFFFFE70  }
0x73: {  	[tilespmem:s6], [sflag:$0x1] =	stream.indirect.gather [hbm4b:s2+s5], $0x80, s3, s5, $0xb8;
	[tilespmem:$0xCA00] =	vst v63  }
0x74: {  	_ =	swait.ge [sflag:s7], $0xC800  }
0x75: {  	[sflag:s7] =	ssyncset.done $0x0  }
0x76: {  	s12 =	rddreg [dreg:$0x10];
	[sflag:s7] =	ssyncadd.s32 $0xFFFF3800  }
0x77: {  	[hbm4b:s12+s3] =	stream.linear.scatter [tilespmem:s6], [sflag:$0x2], $0xC800, $0x38;
	[tilespmem:$0xCA00] =	vst v63  }
0x78: {  	_ =	swait.ge [sflag:s4], $0xC800  }
0x79: {  	[sflag:s4] =	ssyncset.done $0x0  }
0x7a: {  	s13 =	rddreg [dreg:$0x11];
	[sflag:s4] =	ssyncadd.s32 $0xFFFF3800  }
0x7b: {  	[tilespmem:s3], [sflag:$0x2] =	stream.linear.gather [hbm4b:s13+s3], $0x190, $0x38;
	[tilespmem:$0xCA00] =	vst v63  }
0x7c: {  	_ =	swait.ge [sflag:s4], $0x190  }
0x7d: {  	[sflag:s4] =	ssyncset.done $0x0  }
0x7e: {  	[sflag:s4] =	ssyncadd.s32 $0xFFFFFE70  }
0x7f: {  	[tilespmem:s6], [sflag:$0x1] =	stream.indirect.gather [hbm4b:s2+s5], $0x80, s3, s5, $0xb8;
	[tilespmem:$0xCA00] =	vst v63  }
0x80: {  	_ =	swait.ge [sflag:s7], $0xC800  }
0x81: {  	[sflag:s7] =	ssyncset.done $0x0  }
0x82: {  	s14 =	rddreg [dreg:$0x12];
	[sflag:s7] =	ssyncadd.s32 $0xFFFF3800  }
0x83: {  	[hbm4b:s14+s3] =	stream.linear.scatter [tilespmem:s6], [sflag:$0x2], $0xC800, $0x38;
	[tilespmem:$0xCA00] =	vst v63  }
0x84: {  	_ =	swait.ge [sflag:s4], $0xC800  }
0x85: {  	[sflag:s4] =	ssyncset.done $0x0  }
0x86: {  	s15 =	rddreg [dreg:$0x13];
	[sflag:s4] =	ssyncadd.s32 $0xFFFF3800  }
0x87: {  	[tilespmem:s3], [sflag:$0x2] =	stream.linear.gather [hbm4b:s15+s3], $0x190, $0x38;
	[tilespmem:$0xCA00] =	vst v63  }
0x88: {  	_ =	swait.ge [sflag:s4], $0x190  }
0x89: {  	[sflag:s4] =	ssyncset.done $0x0  }
0x8a: {  	[sflag:s4] =	ssyncadd.s32 $0xFFFFFE70  }
0x8b: {  	[tilespmem:s6], [sflag:$0x1] =	stream.indirect.gather [hbm4b:s2+s5], $0x80, s3, s5, $0xb8;
	[tilespmem:$0xCA00] =	vst v63  }
0x8c: {  	_ =	swait.ge [sflag:s7], $0xC800  }
0x8d: {  	[sflag:s7] =	ssyncset.done $0x0  }
0x8e: {  	s16 =	rddreg [dreg:$0x14];
	[sflag:s7] =	ssyncadd.s32 $0xFFFF3800  }
0x8f: {  	[hbm4b:s16+s3] =	stream.linear.scatter [tilespmem:s6], [sflag:$0x2], $0xC800, $0x38;
	[tilespmem:$0xCA00] =	vst v63  }
0x90: {  	_ =	swait.ge [sflag:s4], $0xC800  }
0x91: {  	[sflag:s4] =	ssyncset.done $0x0  }
0x92: {  	s17 =	rddreg [dreg:$0x15];
	[sflag:s4] =	ssyncadd.s32 $0xFFFF3800  }
0x93: {  	[tilespmem:s3], [sflag:$0x2] =	stream.linear.gather [hbm4b:s17+s3], $0x190, $0x38;
	[tilespmem:$0xCA00] =	vst v63  }
0x94: {  	_ =	swait.ge [sflag:s4], $0x190  }
0x95: {  	[sflag:s4] =	ssyncset.done $0x0  }
0x96: {  	[sflag:s4] =	ssyncadd.s32 $0xFFFFFE70  }
0x97: {  	[tilespmem:s6], [sflag:$0x1] =	stream.indirect.gather [hbm4b:s2+s5], $0x80, s3, s5, $0xb8;
	[tilespmem:$0xCA00] =	vst v63  }
0x98: {  	_ =	swait.ge [sflag:s7], $0xC800  }
0x99: {  	[sflag:s7] =	ssyncset.done $0x0  }
0x9a: {  	s18 =	rddreg [dreg:$0x16];
	[sflag:s7] =	ssyncadd.s32 $0xFFFF3800  }
0x9b: {  	[hbm4b:s18+s3] =	stream.linear.scatter [tilespmem:s6], [sflag:$0x2], $0xC800, $0x38;
	[tilespmem:$0xCA00] =	vst v63  }
0x9c: {  	_ =	swait.ge [sflag:s4], $0xC800  }
0x9d: {  	[sflag:s4] =	ssyncset.done $0x0  }
0x9e: {  	s19 =	rddreg [dreg:$0x17];
	[sflag:s4] =	ssyncadd.s32 $0xFFFF3800  }
0x9f: {  	[tilespmem:s3], [sflag:$0x2] =	stream.linear.gather [hbm4b:s19+s3], $0x190, $0x38;
	[tilespmem:$0xCA00] =	vst v63  }
0xa0: {  	_ =	swait.ge [sflag:s4], $0x190  }
0xa1: {  	[sflag:s4] =	ssyncset.done $0x0  }
0xa2: {  	[sflag:s4] =	ssyncadd.s32 $0xFFFFFE70  }
0xa3: {  	[tilespmem:s6], [sflag:$0x1] =	stream.indirect.gather [hbm4b:s2+s5], $0x80, s3, s5, $0xb8;
	[tilespmem:$0xCA00] =	vst v63  }
0xa4: {  	_ =	swait.ge [sflag:s7], $0xC800  }
0xa5: {  	[sflag:s7] =	ssyncset.done $0x0  }
0xa6: {  	s20 =	rddreg [dreg:$0x18];
	[sflag:s7] =	ssyncadd.s32 $0xFFFF3800  }
0xa7: {  	[hbm4b:s20+s3] =	stream.linear.scatter [tilespmem:s6], [sflag:$0x2], $0xC800, $0x38;
	[tilespmem:$0xCA00] =	vst v63  }
0xa8: {  	_ =	swait.ge [sflag:s4], $0xC800  }
0xa9: {  	[sflag:s4] =	ssyncset.done $0x0  }
0xaa: {  	s21 =	rddreg [dreg:$0x19];
	[sflag:s4] =	ssyncadd.s32 $0xFFFF3800  }
0xab: {  	[tilespmem:s3], [sflag:$0x2] =	stream.linear.gather [hbm4b:s21+s3], $0x190, $0x38;
	[tilespmem:$0xCA00] =	vst v63  }
0xac: {  	_ =	swait.ge [sflag:s4], $0x190  }
0xad: {  	[sflag:s4] =	ssyncset.done $0x0  }
0xae: {  	[sflag:s4] =	ssyncadd.s32 $0xFFFFFE70  }
0xaf: {  	[tilespmem:s6], [sflag:$0x1] =	stream.indirect.gather [hbm4b:s2+s5], $0x80, s3, s5, $0xb8;
	[tilespmem:$0xCA00] =	vst v63  }
0xb0: {  	_ =	swait.ge [sflag:s7], $0xC800  }
0xb1: {  	[sflag:s7] =	ssyncset.done $0x0  }
0xb2: {  	s22 =	rddreg [dreg:$0x1a];
	[sflag:s7] =	ssyncadd.s32 $0xFFFF3800  }
0xb3: {  	[hbm4b:s22+s3] =	stream.linear.scatter [tilespmem:s6], [sflag:$0x2], $0xC800, $0x38;
	[tilespmem:$0xCA00] =	vst v63  }
0xb4: {  	_ =	swait.ge [sflag:s4], $0xC800  }
0xb5: {  	[sflag:s4] =	ssyncset.done $0x0  }
0xb6: {  	s23 =	rddreg [dreg:$0x1b];
	[sflag:s4] =	ssyncadd.s32 $0xFFFF3800  }
0xb7: {  	[tilespmem:s3], [sflag:$0x2] =	stream.linear.gather [hbm4b:s23+s3], $0x190, $0x38;
	[tilespmem:$0xCA00] =	vst v63  }
0xb8: {  	_ =	swait.ge [sflag:s4], $0x190  }
0xb9: {  	[sflag:s4] =	ssyncset.done $0x0  }
0xba: {  	[sflag:s4] =	ssyncadd.s32 $0xFFFFFE70  }
0xbb: {  	[tilespmem:s6], [sflag:$0x1] =	stream.indirect.gather [hbm4b:s2+s5], $0x80, s3, s5, $0xb8;
	[tilespmem:$0xCA00] =	vst v63  }
0xbc: {  	_ =	swait.ge [sflag:s7], $0xC800  }
0xbd: {  	[sflag:s7] =	ssyncset.done $0x0  }
0xbe: {  	s24 =	rddreg [dreg:$0x1c];
	[sflag:s7] =	ssyncadd.s32 $0xFFFF3800  }
0xbf: {  	[hbm4b:s24+s3] =	stream.linear.scatter [tilespmem:s6], [sflag:$0x2], $0xC800, $0x38;
	[tilespmem:$0xCA00] =	vst v63  }
0xc0: {  	_ =	swait.ge [sflag:s4], $0xC800  }
0xc1: {  	[sflag:s4] =	ssyncset.done $0x0  }
0xc2: {  	s25 =	rddreg [dreg:$0x1d];
	[sflag:s4] =	ssyncadd.s32 $0xFFFF3800  }
0xc3: {  	[tilespmem:s3], [sflag:$0x2] =	stream.linear.gather [hbm4b:s25+s3], $0x190, $0x38;
	[tilespmem:$0xCA00] =	vst v63  }
0xc4: {  	_ =	swait.ge [sflag:s4], $0x190  }
0xc5: {  	[sflag:s4] =	ssyncset.done $0x0  }
0xc6: {  	[sflag:s4] =	ssyncadd.s32 $0xFFFFFE70  }
0xc7: {  	[tilespmem:s6], [sflag:$0x1] =	stream.indirect.gather [hbm4b:s2+s5], $0x80, s3, s5, $0xb8;
	[tilespmem:$0xCA00] =	vst v63  }
0xc8: {  	_ =	swait.ge [sflag:s7], $0xC800  }
0xc9: {  	s8 =	sshll.u32 s8, $0x4;
	[sflag:s7] =	ssyncset.done $0x0  }
0xca: {  	s8 =	sadd.s32 s1, s8;
	[sflag:s7] =	ssyncadd.s32 $0xFFFF3800  }
0xcb: {  	[hbm4b:s8+s3] =	stream.linear.scatter [tilespmem:s6], [sflag:$0x2], $0xC800, $0x38;
	[tilespmem:$0xCA00] =	vst v63  }
0xcc: {  	s10 =	sadd.s32 $0x15E0, s0;
	_ =	swait.ge [sflag:s4], $0xC800  }
0xcd: {  	s26 =	sshrl.u32 s10, $0x3;
	[sflag:s4] =	ssyncset.done $0x0  }
0xce: {  	s9 =	sadd.s32 s30, s26;
	[sflag:s4] =	ssyncadd.s32 $0xFFFF3800  }
0xcf: {  	[tilespmem:s3], [sflag:$0x2] =	stream.linear.gather [hbm4b:s9+s3], $0x190, $0x38;
	[tilespmem:$0xCA00] =	vst v63  }
0xd0: {  	_ =	swait.ge [sflag:s4], $0x190  }
0xd1: {  	[sflag:s4] =	ssyncset.done $0x0  }
0xd2: {  	[sflag:s4] =	ssyncadd.s32 $0xFFFFFE70  }
0xd3: {  	[tilespmem:s6], [sflag:$0x1] =	stream.indirect.gather [hbm4b:s2+s5], $0x80, s3, s5, $0xb8;
	[tilespmem:$0xCA00] =	vst v63  }
0xd4: {  	_ =	swait.ge [sflag:s7], $0xC800  }
0xd5: {  	s10 =	sshll.u32 s10, $0x4;
	[sflag:s7] =	ssyncset.done $0x0  }
0xd6: {  	s10 =	sadd.s32 s1, s10;
	[sflag:s7] =	ssyncadd.s32 $0xFFFF3800  }
0xd7: {  	[hbm4b:s10+s3] =	stream.linear.scatter [tilespmem:s6], [sflag:$0x2], $0xC800, $0x38;
	[tilespmem:$0xCA00] =	vst v63  }
0xd8: {  	s12 =	sadd.s32 $0x1770, s0;
	_ =	swait.ge [sflag:s4], $0xC800  }
0xd9: {  	s11 =	sshrl.u32 s12, $0x3;
	[sflag:s4] =	ssyncset.done $0x0  }
0xda: {  	s11 =	sadd.s32 s30, s11;
	[sflag:s4] =	ssyncadd.s32 $0xFFFF3800  }
0xdb: {  	[tilespmem:s3], [sflag:$0x2] =	stream.linear.gather [hbm4b:s11+s3], $0x190, $0x38;
	[tilespmem:$0xCA00] =	vst v63  }
0xdc: {  	_ =	swait.ge [sflag:s4], $0x190  }
0xdd: {  	[sflag:s4] =	ssyncset.done $0x0  }
0xde: {  	[sflag:s4] =	ssyncadd.s32 $0xFFFFFE70  }
0xdf: {  	[tilespmem:s6], [sflag:$0x1] =	stream.indirect.gather [hbm4b:s2+s5], $0x80, s3, s5, $0xb8;
	[tilespmem:$0xCA00] =	vst v63  }
0xe0: {  	_ =	swait.ge [sflag:s7], $0xC800  }
0xe1: {  	s12 =	sshll.u32 s12, $0x4;
	[sflag:s7] =	ssyncset.done $0x0  }
0xe2: {  	s12 =	sadd.s32 s1, s12;
	[sflag:s7] =	ssyncadd.s32 $0xFFFF3800  }
0xe3: {  	[hbm4b:s12+s3] =	stream.linear.scatter [tilespmem:s6], [sflag:$0x2], $0xC800, $0x38;
	[tilespmem:$0xCA00] =	vst v63  }
0xe4: {  	s14 =	sadd.s32 $0x1900, s0;
	_ =	swait.ge [sflag:s4], $0xC800  }
0xe5: {  	s13 =	sshrl.u32 s14, $0x3;
	[sflag:s4] =	ssyncset.done $0x0  }
0xe6: {  	s13 =	sadd.s32 s30, s13;
	[sflag:s4] =	ssyncadd.s32 $0xFFFF3800  }
0xe7: {  	[tilespmem:s3], [sflag:$0x2] =	stream.linear.gather [hbm4b:s13+s3], $0x190, $0x38;
	[tilespmem:$0xCA00] =	vst v63  }
0xe8: {  	_ =	swait.ge [sflag:s4], $0x190  }
0xe9: {  	[sflag:s4] =	ssyncset.done $0x0  }
0xea: {  	[sflag:s4] =	ssyncadd.s32 $0xFFFFFE70  }
0xeb: {  	[tilespmem:s6], [sflag:$0x1] =	stream.indirect.gather [hbm4b:s2+s5], $0x80, s3, s5, $0xb8;
	[tilespmem:$0xCA00] =	vst v63  }
0xec: {  	_ =	swait.ge [sflag:s7], $0xC800  }
0xed: {  	s14 =	sshll.u32 s14, $0x4;
	[sflag:s7] =	ssyncset.done $0x0  }
0xee: {  	s14 =	sadd.s32 s1, s14;
	[sflag:s7] =	ssyncadd.s32 $0xFFFF3800  }
0xef: {  	[hbm4b:s14+s3] =	stream.linear.scatter [tilespmem:s6], [sflag:$0x2], $0xC800, $0x38;
	[tilespmem:$0xCA00] =	vst v63  }
0xf0: {  	s16 =	sadd.s32 $0x1A90, s0;
	_ =	swait.ge [sflag:s4], $0xC800  }
0xf1: {  	s15 =	sshrl.u32 s16, $0x3;
	[sflag:s4] =	ssyncset.done $0x0  }
0xf2: {  	s15 =	sadd.s32 s30, s15;
	[sflag:s4] =	ssyncadd.s32 $0xFFFF3800  }
0xf3: {  	[tilespmem:s3], [sflag:$0x2] =	stream.linear.gather [hbm4b:s15+s3], $0x190, $0x38;
	[tilespmem:$0xCA00] =	vst v63  }
0xf4: {  	_ =	swait.ge [sflag:s4], $0x190  }
0xf5: {  	[sflag:s4] =	ssyncset.done $0x0  }
0xf6: {  	[sflag:s4] =	ssyncadd.s32 $0xFFFFFE70  }
0xf7: {  	[tilespmem:s6], [sflag:$0x1] =	stream.indirect.gather [hbm4b:s2+s5], $0x80, s3, s5, $0xb8;
	[tilespmem:$0xCA00] =	vst v63  }
0xf8: {  	_ =	swait.ge [sflag:s7], $0xC800  }
0xf9: {  	s16 =	sshll.u32 s16, $0x4;
	[sflag:s7] =	ssyncset.done $0x0  }
0xfa: {  	s16 =	sadd.s32 s1, s16;
	[sflag:s7] =	ssyncadd.s32 $0xFFFF3800  }
0xfb: {  	[hbm4b:s16+s3] =	stream.linear.scatter [tilespmem:s6], [sflag:$0x2], $0xC800, $0x38;
	[tilespmem:$0xCA00] =	vst v63  }
0xfc: {  	s18 =	sadd.s32 $0x1C20, s0;
	_ =	swait.ge [sflag:s4], $0xC800  }
0xfd: {  	s17 =	sshrl.u32 s18, $0x3;
	[sflag:s4] =	ssyncset.done $0x0  }
0xfe: {  	s17 =	sadd.s32 s30, s17;
	[sflag:s4] =	ssyncadd.s32 $0xFFFF3800  }
0xff: {  	[tilespmem:s3], [sflag:$0x2] =	stream.linear.gather [hbm4b:s17+s3], $0x190, $0x38;
	[tilespmem:$0xCA00] =	vst v63  }
0x100: {  	_ =	swait.ge [sflag:s4], $0x190  }
0x101: {  	[sflag:s4] =	ssyncset.done $0x0  }
0x102: {  	[sflag:s4] =	ssyncadd.s32 $0xFFFFFE70  }
0x103: {  	[tilespmem:s6], [sflag:$0x1] =	stream.indirect.gather [hbm4b:s2+s5], $0x80, s3, s5, $0xb8;
	[tilespmem:$0xCA00] =	vst v63  }
0x104: {  	_ =	swait.ge [sflag:s7], $0xC800  }
0x105: {  	s18 =	sshll.u32 s18, $0x4;
	[sflag:s7] =	ssyncset.done $0x0  }
0x106: {  	s18 =	sadd.s32 s1, s18;
	[sflag:s7] =	ssyncadd.s32 $0xFFFF3800  }
0x107: {  	[hbm4b:s18+s3] =	stream.linear.scatter [tilespmem:s6], [sflag:$0x2], $0xC800, $0x38;
	[tilespmem:$0xCA00] =	vst v63  }
0x108: {  	s20 =	sadd.s32 $0x1DB0, s0;
	_ =	swait.ge [sflag:s4], $0xC800  }
0x109: {  	s19 =	sshrl.u32 s20, $0x3;
	[sflag:s4] =	ssyncset.done $0x0  }
0x10a: {  	s19 =	sadd.s32 s30, s19;
	[sflag:s4] =	ssyncadd.s32 $0xFFFF3800  }
0x10b: {  	[tilespmem:s3], [sflag:$0x2] =	stream.linear.gather [hbm4b:s19+s3], $0x190, $0x38;
	[tilespmem:$0xCA00] =	vst v63  }
0x10c: {  	_ =	swait.ge [sflag:s4], $0x190  }
0x10d: {  	[sflag:s4] =	ssyncset.done $0x0  }
0x10e: {  	[sflag:s4] =	ssyncadd.s32 $0xFFFFFE70  }
0x10f: {  	[tilespmem:s6], [sflag:$0x1] =	stream.indirect.gather [hbm4b:s2+s5], $0x80, s3, s5, $0xb8;
	[tilespmem:$0xCA00] =	vst v63  }
0x110: {  	_ =	swait.ge [sflag:s7], $0xC800  }
0x111: {  	s20 =	sshll.u32 s20, $0x4;
	[sflag:s7] =	ssyncset.done $0x0  }
0x112: {  	s20 =	sadd.s32 s1, s20;
	[sflag:s7] =	ssyncadd.s32 $0xFFFF3800  }
0x113: {  	[hbm4b:s20+s3] =	stream.linear.scatter [tilespmem:s6], [sflag:$0x2], $0xC800, $0x38;
	[tilespmem:$0xCA00] =	vst v63  }
0x114: {  	s22 =	sadd.s32 $0x1F40, s0;
	_ =	swait.ge [sflag:s4], $0xC800  }
0x115: {  	s21 =	sshrl.u32 s22, $0x3;
	[sflag:s4] =	ssyncset.done $0x0  }
0x116: {  	s21 =	sadd.s32 s30, s21;
	[sflag:s4] =	ssyncadd.s32 $0xFFFF3800  }
0x117: {  	[tilespmem:s3], [sflag:$0x2] =	stream.linear.gather [hbm4b:s21+s3], $0x190, $0x38;
	[tilespmem:$0xCA00] =	vst v63  }
0x118: {  	_ =	swait.ge [sflag:s4], $0x190  }
0x119: {  	[sflag:s4] =	ssyncset.done $0x0  }
0x11a: {  	[sflag:s4] =	ssyncadd.s32 $0xFFFFFE70  }
0x11b: {  	[tilespmem:s6], [sflag:$0x1] =	stream.indirect.gather [hbm4b:s2+s5], $0x80, s3, s5, $0xb8;
	[tilespmem:$0xCA00] =	vst v63  }
0x11c: {  	_ =	swait.ge [sflag:s7], $0xC800  }
0x11d: {  	s22 =	sshll.u32 s22, $0x4;
	[sflag:s7] =	ssyncset.done $0x0  }
0x11e: {  	s22 =	sadd.s32 s1, s22;
	[sflag:s7] =	ssyncadd.s32 $0xFFFF3800  }
0x11f: {  	[hbm4b:s22+s3] =	stream.linear.scatter [tilespmem:s6], [sflag:$0x2], $0xC800, $0x38;
	[tilespmem:$0xCA00] =	vst v63  }
0x120: {  	s24 =	sadd.s32 $0x20D0, s0;
	_ =	swait.ge [sflag:s4], $0xC800  }
0x121: {  	s23 =	sshrl.u32 s24, $0x3;
	[sflag:s4] =	ssyncset.done $0x0  }
0x122: {  	s23 =	sadd.s32 s30, s23;
	[sflag:s4] =	ssyncadd.s32 $0xFFFF3800  }
0x123: {  	[tilespmem:s3], [sflag:$0x2] =	stream.linear.gather [hbm4b:s23+s3], $0x190, $0x38;
	[tilespmem:$0xCA00] =	vst v63  }
0x124: {  	_ =	swait.ge [sflag:s4], $0x190  }
0x125: {  	[sflag:s4] =	ssyncset.done $0x0  }
0x126: {  	[sflag:s4] =	ssyncadd.s32 $0xFFFFFE70  }
0x127: {  	[tilespmem:s6], [sflag:$0x1] =	stream.indirect.gather [hbm4b:s2+s5], $0x80, s3, s5, $0xb8;
	[tilespmem:$0xCA00] =	vst v63  }
0x128: {  	_ =	swait.ge [sflag:s7], $0xC800  }
0x129: {  	s24 =	sshll.u32 s24, $0x4;
	[sflag:s7] =	ssyncset.done $0x0  }
0x12a: {  	s24 =	sadd.s32 s1, s24;
	[sflag:s7] =	ssyncadd.s32 $0xFFFF3800  }
0x12b: {  	[hbm4b:s24+s3] =	stream.linear.scatter [tilespmem:s6], [sflag:$0x2], $0xC800, $0x38;
	[tilespmem:$0xCA00] =	vst v63  }
0x12c: {  	s26 =	sadd.s32 $0x2260, s0;
	_ =	swait.ge [sflag:s4], $0xC800  }
0x12d: {  	s25 =	sshrl.u32 s26, $0x3;
	[sflag:s4] =	ssyncset.done $0x0  }
0x12e: {  	s25 =	sadd.s32 s30, s25;
	[sflag:s4] =	ssyncadd.s32 $0xFFFF3800  }
0x12f: {  	[tilespmem:s3], [sflag:$0x2] =	stream.linear.gather [hbm4b:s25+s3], $0x190, $0x38;
	[tilespmem:$0xCA00] =	vst v63  }
0x130: {  	_ =	swait.ge [sflag:s4], $0x190  }
0x131: {  	[sflag:s4] =	ssyncset.done $0x0  }
0x132: {  	[sflag:s4] =	ssyncadd.s32 $0xFFFFFE70  }
0x133: {  	[tilespmem:s6], [sflag:$0x1] =	stream.indirect.gather [hbm4b:s2+s5], $0x80, s3, s5, $0xb8;
	[tilespmem:$0xCA00] =	vst v63  }
0x134: {  	_ =	swait.ge [sflag:s7], $0xC800  }
0x135: {  	s26 =	sshll.u32 s26, $0x4;
	[sflag:s7] =	ssyncset.done $0x0  }
0x136: {  	s26 =	sadd.s32 s1, s26;
	[dreg:$0x1e] =	wrdreg s1;
	[sflag:s7] =	ssyncadd.s32 $0xFFFF3800  }
0x137: {  	[hbm4b:s26+s3] =	stream.linear.scatter [tilespmem:s6], [sflag:$0x2], $0xC800, $0x38;
	[tilespmem:$0xCA00] =	vst v63  }
0x138: {  	s29 =	sadd.s32 $0x23F0, s0;
	_ =	swait.ge [sflag:s4], $0xC800  }
0x139: {  	s28 =	sshrl.u32 s29, $0x3;
	[sflag:s4] =	ssyncset.done $0x0  }
0x13a: {  	s28 =	sadd.s32 s30, s28;
	[sflag:s4] =	ssyncadd.s32 $0xFFFF3800  }
0x13b: {  	[tilespmem:s3], [sflag:$0x2] =	stream.linear.gather [hbm4b:s28+s3], $0x190, $0x38;
	[tilespmem:$0xCA00] =	vst v63  }
0x13c: {  	_ =	swait.ge [sflag:s4], $0x190  }
0x13d: {  	[sflag:s4] =	ssyncset.done $0x0  }
0x13e: {  	[sflag:s4] =	ssyncadd.s32 $0xFFFFFE70  }
0x13f: {  	[tilespmem:s6], [sflag:$0x1] =	stream.indirect.gather [hbm4b:s2+s5], $0x80, s3, s5, $0xb8;
	[tilespmem:$0xCA00] =	vst v63  }
0x140: {  	_ =	swait.ge [sflag:s7], $0xC800  }
0x141: {  	s29 =	sshll.u32 s29, $0x4;
	[sflag:s7] =	ssyncset.done $0x0  }
0x142: {  	s29 =	sadd.s32 s1, s29;
	s0 =	sadd.s32 $0x2580, s0;
	[sflag:s7] =	ssyncadd.s32 $0xFFFF3800  }
0x143: {  	[hbm4b:s29+s3] =	stream.linear.scatter [tilespmem:s6], [sflag:$0x2], $0xC800, $0x38;
	[tilespmem:$0xCA00] =	vst v63  }
0x144: {  	s1 =	sshrl.u32 s0, $0x3;
	_ =	swait.ge [sflag:s4], $0xC800  }
0x145: {  	s30 =	sadd.s32 s30, s1;
	s1 =	ssub.s32 $0x2, s31;
	[sflag:s4] =	ssyncset.done $0x0  }
0x146: {  	s31 =	sshrl.u32 s1, $0x1;
	[sflag:s4] =	ssyncadd.s32 $0xFFFF3800  }
0x147: {  	[tilespmem:s3], [sflag:$0x2] =	stream.linear.gather [hbm4b:s30+s3], $0x190, $0x38;
	[tilespmem:$0xCA00] =	vst v63  }
0x148: {  	s1 =	ssub.s32 s1, s31;
	_ =	swait.ge [sflag:s4], $0x190  }
0x149: {  	s1 =	smax.u32 s1, $0x1;
	[sflag:s4] =	ssyncset.done $0x0  }
0x14a: {  	p0 =	sne.s32 s1, $0x1;
	[sflag:s4] =	ssyncadd.s32 $0xFFFFFE70  }
0x14b: {  	[tilespmem:s6], [sflag:$0x1] =	stream.indirect.gather [hbm4b:s2+s5], $0x80, s3, s5, $0xb8;
	[tilespmem:$0xCA00] =	vst v63  }
.Ltmp0:
0x14c: {  	_ =	swait.ge [sflag:s7], $0xC800;
	(pc) =	sbr.rel @!p0 .LBB2_2-.Ltmp0, $4  }
0x14d: {  	s0 =	sshll.u32 s0, $0x4;
	[sflag:s7] =	ssyncset.done $0x0;
	s31 =	rddreg [dreg:$0x1e]  }
0x14e: {  	s31 =	sadd.s32 s31, s0;
	[sflag:s7] =	ssyncadd.s32 $0xFFFF3800  }
0x14f: {  	[hbm4b:s31+s3] =	stream.linear.scatter [tilespmem:s6], [sflag:$0x2], $0xC800, $0x38;
	[tilespmem:$0xCA00] =	vst v63  }
0x150: {  	s1 =	sadd.s32 $0xFFFFFFFF, s1;
	_ =	swait.ge [sflag:s4], $0xC800  }
.LBB2_1:
0x151: {  	[sflag:s4] =	ssyncset.done $0x0  }
0x152: {  	s0 =	rddreg [dreg:$0x3];
	[sflag:s4] =	ssyncadd.s32 $0xFFFF3800  }
0x153: {  	[tilespmem:s3], [sflag:$0x2] =	stream.linear.gather [hbm4b:s0+s3], $0x190, $0x38;
	[tilespmem:$0xCA00] =	vst v63  }
0x154: {  	_ =	swait.ge [sflag:s4], $0x190  }
0x155: {  	[sflag:s4] =	ssyncset.done $0x0  }
0x156: {  	[sflag:s4] =	ssyncadd.s32 $0xFFFFFE70  }
0x157: {  	[tilespmem:s6], [sflag:$0x1] =	stream.indirect.gather [hbm4b:s2+s5], $0x80, s3, s5, $0xb8;
	[tilespmem:$0xCA00] =	vst v63  }
0x158: {  	_ =	swait.ge [sflag:s7], $0xC800  }
0x159: {  	[sflag:s7] =	ssyncset.done $0x0  }
0x15a: {  	s0 =	rddreg [dreg:$0x4];
	[sflag:s7] =	ssyncadd.s32 $0xFFFF3800  }
0x15b: {  	[hbm4b:s0+s3] =	stream.linear.scatter [tilespmem:s6], [sflag:$0x2], $0xC800, $0x38;
	[tilespmem:$0xCA00] =	vst v63  }
0x15c: {  	_ =	swait.ge [sflag:s4], $0xC800  }
0x15d: {  	[sflag:s4] =	ssyncset.done $0x0  }
0x15e: {  	s0 =	rddreg [dreg:$0x5];
	[sflag:s4] =	ssyncadd.s32 $0xFFFF3800  }
0x15f: {  	[tilespmem:s3], [sflag:$0x2] =	stream.linear.gather [hbm4b:s0+s3], $0x190, $0x38;
	[tilespmem:$0xCA00] =	vst v63  }
0x160: {  	_ =	swait.ge [sflag:s4], $0x190  }
0x161: {  	[sflag:s4] =	ssyncset.done $0x0  }
0x162: {  	[sflag:s4] =	ssyncadd.s32 $0xFFFFFE70  }
0x163: {  	[tilespmem:s6], [sflag:$0x1] =	stream.indirect.gather [hbm4b:s2+s5], $0x80, s3, s5, $0xb8;
	[tilespmem:$0xCA00] =	vst v63  }
0x164: {  	_ =	swait.ge [sflag:s7], $0xC800  }
0x165: {  	[sflag:s7] =	ssyncset.done $0x0  }
0x166: {  	s0 =	rddreg [dreg:$0x6];
	[sflag:s7] =	ssyncadd.s32 $0xFFFF3800  }
0x167: {  	[hbm4b:s0+s3] =	stream.linear.scatter [tilespmem:s6], [sflag:$0x2], $0xC800, $0x38;
	[tilespmem:$0xCA00] =	vst v63  }
0x168: {  	_ =	swait.ge [sflag:s4], $0xC800  }
0x169: {  	[sflag:s4] =	ssyncset.done $0x0  }
0x16a: {  	s0 =	rddreg [dreg:$0x7];
	[sflag:s4] =	ssyncadd.s32 $0xFFFF3800  }
0x16b: {  	[tilespmem:s3], [sflag:$0x2] =	stream.linear.gather [hbm4b:s0+s3], $0x190, $0x38;
	[tilespmem:$0xCA00] =	vst v63  }
0x16c: {  	_ =	swait.ge [sflag:s4], $0x190  }
0x16d: {  	[sflag:s4] =	ssyncset.done $0x0  }
0x16e: {  	[sflag:s4] =	ssyncadd.s32 $0xFFFFFE70  }
0x16f: {  	[tilespmem:s6], [sflag:$0x1] =	stream.indirect.gather [hbm4b:s2+s5], $0x80, s3, s5, $0xb8;
	[tilespmem:$0xCA00] =	vst v63  }
0x170: {  	_ =	swait.ge [sflag:s7], $0xC800  }
0x171: {  	[sflag:s7] =	ssyncset.done $0x0  }
0x172: {  	s0 =	rddreg [dreg:$0x8];
	[sflag:s7] =	ssyncadd.s32 $0xFFFF3800  }
0x173: {  	[hbm4b:s0+s3] =	stream.linear.scatter [tilespmem:s6], [sflag:$0x2], $0xC800, $0x38;
	[tilespmem:$0xCA00] =	vst v63  }
0x174: {  	_ =	swait.ge [sflag:s4], $0xC800  }
0x175: {  	[sflag:s4] =	ssyncset.done $0x0  }
0x176: {  	s0 =	rddreg [dreg:$0x9];
	[sflag:s4] =	ssyncadd.s32 $0xFFFF3800  }
0x177: {  	[tilespmem:s3], [sflag:$0x2] =	stream.linear.gather [hbm4b:s0+s3], $0x190, $0x38;
	[tilespmem:$0xCA00] =	vst v63  }
0x178: {  	_ =	swait.ge [sflag:s4], $0x190  }
0x179: {  	[sflag:s4] =	ssyncset.done $0x0  }
0x17a: {  	[sflag:s4] =	ssyncadd.s32 $0xFFFFFE70  }
0x17b: {  	[tilespmem:s6], [sflag:$0x1] =	stream.indirect.gather [hbm4b:s2+s5], $0x80, s3, s5, $0xb8;
	[tilespmem:$0xCA00] =	vst v63  }
0x17c: {  	_ =	swait.ge [sflag:s7], $0xC800  }
0x17d: {  	[sflag:s7] =	ssyncset.done $0x0  }
0x17e: {  	s0 =	rddreg [dreg:$0xa];
	[sflag:s7] =	ssyncadd.s32 $0xFFFF3800  }
0x17f: {  	[hbm4b:s0+s3] =	stream.linear.scatter [tilespmem:s6], [sflag:$0x2], $0xC800, $0x38;
	[tilespmem:$0xCA00] =	vst v63  }
0x180: {  	_ =	swait.ge [sflag:s4], $0xC800  }
0x181: {  	[sflag:s4] =	ssyncset.done $0x0  }
0x182: {  	s0 =	rddreg [dreg:$0xb];
	[sflag:s4] =	ssyncadd.s32 $0xFFFF3800  }
0x183: {  	[tilespmem:s3], [sflag:$0x2] =	stream.linear.gather [hbm4b:s0+s3], $0x190, $0x38;
	[tilespmem:$0xCA00] =	vst v63  }
0x184: {  	_ =	swait.ge [sflag:s4], $0x190  }
0x185: {  	[sflag:s4] =	ssyncset.done $0x0  }
0x186: {  	[sflag:s4] =	ssyncadd.s32 $0xFFFFFE70  }
0x187: {  	[tilespmem:s6], [sflag:$0x1] =	stream.indirect.gather [hbm4b:s2+s5], $0x80, s3, s5, $0xb8;
	[tilespmem:$0xCA00] =	vst v63  }
0x188: {  	_ =	swait.ge [sflag:s7], $0xC800  }
0x189: {  	[sflag:s7] =	ssyncset.done $0x0  }
0x18a: {  	s0 =	rddreg [dreg:$0xc];
	[sflag:s7] =	ssyncadd.s32 $0xFFFF3800  }
0x18b: {  	[hbm4b:s0+s3] =	stream.linear.scatter [tilespmem:s6], [sflag:$0x2], $0xC800, $0x38;
	[tilespmem:$0xCA00] =	vst v63  }
0x18c: {  	_ =	swait.ge [sflag:s4], $0xC800  }
0x18d: {  	[sflag:s4] =	ssyncset.done $0x0  }
0x18e: {  	s0 =	rddreg [dreg:$0xd];
	[sflag:s4] =	ssyncadd.s32 $0xFFFF3800  }
0x18f: {  	[tilespmem:s3], [sflag:$0x2] =	stream.linear.gather [hbm4b:s0+s3], $0x190, $0x38;
	[tilespmem:$0xCA00] =	vst v63  }
0x190: {  	_ =	swait.ge [sflag:s4], $0x190  }
0x191: {  	[sflag:s4] =	ssyncset.done $0x0  }
0x192: {  	[sflag:s4] =	ssyncadd.s32 $0xFFFFFE70  }
0x193: {  	[tilespmem:s6], [sflag:$0x1] =	stream.indirect.gather [hbm4b:s2+s5], $0x80, s3, s5, $0xb8;
	[tilespmem:$0xCA00] =	vst v63  }
0x194: {  	_ =	swait.ge [sflag:s7], $0xC800  }
0x195: {  	[sflag:s7] =	ssyncset.done $0x0  }
0x196: {  	s0 =	rddreg [dreg:$0xe];
	[sflag:s7] =	ssyncadd.s32 $0xFFFF3800  }
0x197: {  	[hbm4b:s0+s3] =	stream.linear.scatter [tilespmem:s6], [sflag:$0x2], $0xC800, $0x38;
	[tilespmem:$0xCA00] =	vst v63  }
0x198: {  	_ =	swait.ge [sflag:s4], $0xC800  }
0x199: {  	[sflag:s4] =	ssyncset.done $0x0  }
0x19a: {  	s0 =	rddreg [dreg:$0xf];
	[sflag:s4] =	ssyncadd.s32 $0xFFFF3800  }
0x19b: {  	[tilespmem:s3], [sflag:$0x2] =	stream.linear.gather [hbm4b:s0+s3], $0x190, $0x38;
	[tilespmem:$0xCA00] =	vst v63  }
0x19c: {  	_ =	swait.ge [sflag:s4], $0x190  }
0x19d: {  	[sflag:s4] =	ssyncset.done $0x0  }
0x19e: {  	[sflag:s4] =	ssyncadd.s32 $0xFFFFFE70  }
0x19f: {  	[tilespmem:s6], [sflag:$0x1] =	stream.indirect.gather [hbm4b:s2+s5], $0x80, s3, s5, $0xb8;
	[tilespmem:$0xCA00] =	vst v63  }
0x1a0: {  	_ =	swait.ge [sflag:s7], $0xC800  }
0x1a1: {  	[sflag:s7] =	ssyncset.done $0x0  }
0x1a2: {  	s0 =	rddreg [dreg:$0x10];
	[sflag:s7] =	ssyncadd.s32 $0xFFFF3800  }
0x1a3: {  	[hbm4b:s0+s3] =	stream.linear.scatter [tilespmem:s6], [sflag:$0x2], $0xC800, $0x38;
	[tilespmem:$0xCA00] =	vst v63  }
0x1a4: {  	_ =	swait.ge [sflag:s4], $0xC800  }
0x1a5: {  	[sflag:s4] =	ssyncset.done $0x0  }
0x1a6: {  	s0 =	rddreg [dreg:$0x11];
	[sflag:s4] =	ssyncadd.s32 $0xFFFF3800  }
0x1a7: {  	[tilespmem:s3], [sflag:$0x2] =	stream.linear.gather [hbm4b:s0+s3], $0x190, $0x38;
	[tilespmem:$0xCA00] =	vst v63  }
0x1a8: {  	_ =	swait.ge [sflag:s4], $0x190  }
0x1a9: {  	[sflag:s4] =	ssyncset.done $0x0  }
0x1aa: {  	[sflag:s4] =	ssyncadd.s32 $0xFFFFFE70  }
0x1ab: {  	[tilespmem:s6], [sflag:$0x1] =	stream.indirect.gather [hbm4b:s2+s5], $0x80, s3, s5, $0xb8;
	[tilespmem:$0xCA00] =	vst v63  }
0x1ac: {  	_ =	swait.ge [sflag:s7], $0xC800  }
0x1ad: {  	[sflag:s7] =	ssyncset.done $0x0  }
0x1ae: {  	s0 =	rddreg [dreg:$0x12];
	[sflag:s7] =	ssyncadd.s32 $0xFFFF3800  }
0x1af: {  	[hbm4b:s0+s3] =	stream.linear.scatter [tilespmem:s6], [sflag:$0x2], $0xC800, $0x38;
	[tilespmem:$0xCA00] =	vst v63  }
0x1b0: {  	_ =	swait.ge [sflag:s4], $0xC800  }
0x1b1: {  	[sflag:s4] =	ssyncset.done $0x0  }
0x1b2: {  	s0 =	rddreg [dreg:$0x13];
	[sflag:s4] =	ssyncadd.s32 $0xFFFF3800  }
0x1b3: {  	[tilespmem:s3], [sflag:$0x2] =	stream.linear.gather [hbm4b:s0+s3], $0x190, $0x38;
	[tilespmem:$0xCA00] =	vst v63  }
0x1b4: {  	_ =	swait.ge [sflag:s4], $0x190  }
0x1b5: {  	[sflag:s4] =	ssyncset.done $0x0  }
0x1b6: {  	[sflag:s4] =	ssyncadd.s32 $0xFFFFFE70  }
0x1b7: {  	[tilespmem:s6], [sflag:$0x1] =	stream.indirect.gather [hbm4b:s2+s5], $0x80, s3, s5, $0xb8;
	[tilespmem:$0xCA00] =	vst v63  }
0x1b8: {  	_ =	swait.ge [sflag:s7], $0xC800  }
0x1b9: {  	[sflag:s7] =	ssyncset.done $0x0  }
0x1ba: {  	s0 =	rddreg [dreg:$0x14];
	[sflag:s7] =	ssyncadd.s32 $0xFFFF3800  }
0x1bb: {  	[hbm4b:s0+s3] =	stream.linear.scatter [tilespmem:s6], [sflag:$0x2], $0xC800, $0x38;
	[tilespmem:$0xCA00] =	vst v63  }
0x1bc: {  	_ =	swait.ge [sflag:s4], $0xC800  }
0x1bd: {  	[sflag:s4] =	ssyncset.done $0x0  }
0x1be: {  	s0 =	rddreg [dreg:$0x15];
	[sflag:s4] =	ssyncadd.s32 $0xFFFF3800  }
0x1bf: {  	[tilespmem:s3], [sflag:$0x2] =	stream.linear.gather [hbm4b:s0+s3], $0x190, $0x38;
	[tilespmem:$0xCA00] =	vst v63  }
0x1c0: {  	_ =	swait.ge [sflag:s4], $0x190  }
0x1c1: {  	[sflag:s4] =	ssyncset.done $0x0  }
0x1c2: {  	[sflag:s4] =	ssyncadd.s32 $0xFFFFFE70  }
0x1c3: {  	[tilespmem:s6], [sflag:$0x1] =	stream.indirect.gather [hbm4b:s2+s5], $0x80, s3, s5, $0xb8;
	[tilespmem:$0xCA00] =	vst v63  }
0x1c4: {  	_ =	swait.ge [sflag:s7], $0xC800  }
0x1c5: {  	[sflag:s7] =	ssyncset.done $0x0  }
0x1c6: {  	s0 =	rddreg [dreg:$0x16];
	[sflag:s7] =	ssyncadd.s32 $0xFFFF3800  }
0x1c7: {  	[hbm4b:s0+s3] =	stream.linear.scatter [tilespmem:s6], [sflag:$0x2], $0xC800, $0x38;
	[tilespmem:$0xCA00] =	vst v63  }
0x1c8: {  	_ =	swait.ge [sflag:s4], $0xC800  }
0x1c9: {  	[sflag:s4] =	ssyncset.done $0x0  }
0x1ca: {  	s0 =	rddreg [dreg:$0x17];
	[sflag:s4] =	ssyncadd.s32 $0xFFFF3800  }
0x1cb: {  	[tilespmem:s3], [sflag:$0x2] =	stream.linear.gather [hbm4b:s0+s3], $0x190, $0x38;
	[tilespmem:$0xCA00] =	vst v63  }
0x1cc: {  	_ =	swait.ge [sflag:s4], $0x190  }
0x1cd: {  	[sflag:s4] =	ssyncset.done $0x0  }
0x1ce: {  	[sflag:s4] =	ssyncadd.s32 $0xFFFFFE70  }
0x1cf: {  	[tilespmem:s6], [sflag:$0x1] =	stream.indirect.gather [hbm4b:s2+s5], $0x80, s3, s5, $0xb8;
	[tilespmem:$0xCA00] =	vst v63  }
0x1d0: {  	_ =	swait.ge [sflag:s7], $0xC800  }
0x1d1: {  	[sflag:s7] =	ssyncset.done $0x0  }
0x1d2: {  	s0 =	rddreg [dreg:$0x18];
	[sflag:s7] =	ssyncadd.s32 $0xFFFF3800  }
0x1d3: {  	[hbm4b:s0+s3] =	stream.linear.scatter [tilespmem:s6], [sflag:$0x2], $0xC800, $0x38;
	[tilespmem:$0xCA00] =	vst v63  }
0x1d4: {  	_ =	swait.ge [sflag:s4], $0xC800  }
0x1d5: {  	[sflag:s4] =	ssyncset.done $0x0  }
0x1d6: {  	s0 =	rddreg [dreg:$0x19];
	[sflag:s4] =	ssyncadd.s32 $0xFFFF3800  }
0x1d7: {  	[tilespmem:s3], [sflag:$0x2] =	stream.linear.gather [hbm4b:s0+s3], $0x190, $0x38;
	[tilespmem:$0xCA00] =	vst v63  }
0x1d8: {  	_ =	swait.ge [sflag:s4], $0x190  }
0x1d9: {  	[sflag:s4] =	ssyncset.done $0x0  }
0x1da: {  	[sflag:s4] =	ssyncadd.s32 $0xFFFFFE70  }
0x1db: {  	[tilespmem:s6], [sflag:$0x1] =	stream.indirect.gather [hbm4b:s2+s5], $0x80, s3, s5, $0xb8;
	[tilespmem:$0xCA00] =	vst v63  }
0x1dc: {  	_ =	swait.ge [sflag:s7], $0xC800  }
0x1dd: {  	[sflag:s7] =	ssyncset.done $0x0  }
0x1de: {  	s0 =	rddreg [dreg:$0x1a];
	[sflag:s7] =	ssyncadd.s32 $0xFFFF3800  }
0x1df: {  	[hbm4b:s0+s3] =	stream.linear.scatter [tilespmem:s6], [sflag:$0x2], $0xC800, $0x38;
	[tilespmem:$0xCA00] =	vst v63  }
0x1e0: {  	_ =	swait.ge [sflag:s4], $0xC800  }
0x1e1: {  	[sflag:s4] =	ssyncset.done $0x0  }
0x1e2: {  	s0 =	rddreg [dreg:$0x1b];
	[sflag:s4] =	ssyncadd.s32 $0xFFFF3800  }
0x1e3: {  	[tilespmem:s3], [sflag:$0x2] =	stream.linear.gather [hbm4b:s0+s3], $0x190, $0x38;
	[tilespmem:$0xCA00] =	vst v63  }
0x1e4: {  	_ =	swait.ge [sflag:s4], $0x190  }
0x1e5: {  	[sflag:s4] =	ssyncset.done $0x0  }
0x1e6: {  	[sflag:s4] =	ssyncadd.s32 $0xFFFFFE70  }
0x1e7: {  	[tilespmem:s6], [sflag:$0x1] =	stream.indirect.gather [hbm4b:s2+s5], $0x80, s3, s5, $0xb8;
	[tilespmem:$0xCA00] =	vst v63  }
0x1e8: {  	_ =	swait.ge [sflag:s7], $0xC800  }
0x1e9: {  	[sflag:s7] =	ssyncset.done $0x0  }
0x1ea: {  	s0 =	rddreg [dreg:$0x1c];
	[sflag:s7] =	ssyncadd.s32 $0xFFFF3800  }
0x1eb: {  	[hbm4b:s0+s3] =	stream.linear.scatter [tilespmem:s6], [sflag:$0x2], $0xC800, $0x38;
	[tilespmem:$0xCA00] =	vst v63  }
0x1ec: {  	_ =	swait.ge [sflag:s4], $0xC800  }
0x1ed: {  	[sflag:s4] =	ssyncset.done $0x0  }
0x1ee: {  	s0 =	rddreg [dreg:$0x1d];
	[sflag:s4] =	ssyncadd.s32 $0xFFFF3800  }
0x1ef: {  	[tilespmem:s3], [sflag:$0x2] =	stream.linear.gather [hbm4b:s0+s3], $0x190, $0x38;
	[tilespmem:$0xCA00] =	vst v63  }
0x1f0: {  	_ =	swait.ge [sflag:s4], $0x190  }
0x1f1: {  	[sflag:s4] =	ssyncset.done $0x0  }
0x1f2: {  	[sflag:s4] =	ssyncadd.s32 $0xFFFFFE70  }
0x1f3: {  	[tilespmem:s6], [sflag:$0x1] =	stream.indirect.gather [hbm4b:s2+s5], $0x80, s3, s5, $0xb8;
	[tilespmem:$0xCA00] =	vst v63  }
0x1f4: {  	_ =	swait.ge [sflag:s7], $0xC800  }
0x1f5: {  	[sflag:s7] =	ssyncset.done $0x0  }
0x1f6: {  	[sflag:s7] =	ssyncadd.s32 $0xFFFF3800  }
0x1f7: {  	[hbm4b:s8+s3] =	stream.linear.scatter [tilespmem:s6], [sflag:$0x2], $0xC800, $0x38;
	[tilespmem:$0xCA00] =	vst v63  }
0x1f8: {  	_ =	swait.ge [sflag:s4], $0xC800  }
0x1f9: {  	[sflag:s4] =	ssyncset.done $0x0  }
0x1fa: {  	[sflag:s4] =	ssyncadd.s32 $0xFFFF3800  }
0x1fb: {  	[tilespmem:s3], [sflag:$0x2] =	stream.linear.gather [hbm4b:s9+s3], $0x190, $0x38;
	[tilespmem:$0xCA00] =	vst v63  }
0x1fc: {  	_ =	swait.ge [sflag:s4], $0x190  }
0x1fd: {  	[sflag:s4] =	ssyncset.done $0x0  }
0x1fe: {  	[sflag:s4] =	ssyncadd.s32 $0xFFFFFE70  }
0x1ff: {  	[tilespmem:s6], [sflag:$0x1] =	stream.indirect.gather [hbm4b:s2+s5], $0x80, s3, s5, $0xb8;
	[tilespmem:$0xCA00] =	vst v63  }
0x200: {  	_ =	swait.ge [sflag:s7], $0xC800  }
0x201: {  	[sflag:s7] =	ssyncset.done $0x0  }
0x202: {  	[sflag:s7] =	ssyncadd.s32 $0xFFFF3800  }
0x203: {  	[hbm4b:s10+s3] =	stream.linear.scatter [tilespmem:s6], [sflag:$0x2], $0xC800, $0x38;
	[tilespmem:$0xCA00] =	vst v63  }
0x204: {  	_ =	swait.ge [sflag:s4], $0xC800  }
0x205: {  	[sflag:s4] =	ssyncset.done $0x0  }
0x206: {  	[sflag:s4] =	ssyncadd.s32 $0xFFFF3800  }
0x207: {  	[tilespmem:s3], [sflag:$0x2] =	stream.linear.gather [hbm4b:s11+s3], $0x190, $0x38;
	[tilespmem:$0xCA00] =	vst v63  }
0x208: {  	_ =	swait.ge [sflag:s4], $0x190  }
0x209: {  	[sflag:s4] =	ssyncset.done $0x0  }
0x20a: {  	[sflag:s4] =	ssyncadd.s32 $0xFFFFFE70  }
0x20b: {  	[tilespmem:s6], [sflag:$0x1] =	stream.indirect.gather [hbm4b:s2+s5], $0x80, s3, s5, $0xb8;
	[tilespmem:$0xCA00] =	vst v63  }
0x20c: {  	_ =	swait.ge [sflag:s7], $0xC800  }
0x20d: {  	[sflag:s7] =	ssyncset.done $0x0  }
0x20e: {  	[sflag:s7] =	ssyncadd.s32 $0xFFFF3800  }
0x20f: {  	[hbm4b:s12+s3] =	stream.linear.scatter [tilespmem:s6], [sflag:$0x2], $0xC800, $0x38;
	[tilespmem:$0xCA00] =	vst v63  }
0x210: {  	_ =	swait.ge [sflag:s4], $0xC800  }
0x211: {  	[sflag:s4] =	ssyncset.done $0x0  }
0x212: {  	[sflag:s4] =	ssyncadd.s32 $0xFFFF3800  }
0x213: {  	[tilespmem:s3], [sflag:$0x2] =	stream.linear.gather [hbm4b:s13+s3], $0x190, $0x38;
	[tilespmem:$0xCA00] =	vst v63  }
0x214: {  	_ =	swait.ge [sflag:s4], $0x190  }
0x215: {  	[sflag:s4] =	ssyncset.done $0x0  }
0x216: {  	[sflag:s4] =	ssyncadd.s32 $0xFFFFFE70  }
0x217: {  	[tilespmem:s6], [sflag:$0x1] =	stream.indirect.gather [hbm4b:s2+s5], $0x80, s3, s5, $0xb8;
	[tilespmem:$0xCA00] =	vst v63  }
0x218: {  	_ =	swait.ge [sflag:s7], $0xC800  }
0x219: {  	[sflag:s7] =	ssyncset.done $0x0  }
0x21a: {  	[sflag:s7] =	ssyncadd.s32 $0xFFFF3800  }
0x21b: {  	[hbm4b:s14+s3] =	stream.linear.scatter [tilespmem:s6], [sflag:$0x2], $0xC800, $0x38;
	[tilespmem:$0xCA00] =	vst v63  }
0x21c: {  	_ =	swait.ge [sflag:s4], $0xC800  }
0x21d: {  	[sflag:s4] =	ssyncset.done $0x0  }
0x21e: {  	[sflag:s4] =	ssyncadd.s32 $0xFFFF3800  }
0x21f: {  	[tilespmem:s3], [sflag:$0x2] =	stream.linear.gather [hbm4b:s15+s3], $0x190, $0x38;
	[tilespmem:$0xCA00] =	vst v63  }
0x220: {  	_ =	swait.ge [sflag:s4], $0x190  }
0x221: {  	[sflag:s4] =	ssyncset.done $0x0  }
0x222: {  	[sflag:s4] =	ssyncadd.s32 $0xFFFFFE70  }
0x223: {  	[tilespmem:s6], [sflag:$0x1] =	stream.indirect.gather [hbm4b:s2+s5], $0x80, s3, s5, $0xb8;
	[tilespmem:$0xCA00] =	vst v63  }
0x224: {  	_ =	swait.ge [sflag:s7], $0xC800  }
0x225: {  	[sflag:s7] =	ssyncset.done $0x0  }
0x226: {  	[sflag:s7] =	ssyncadd.s32 $0xFFFF3800  }
0x227: {  	[hbm4b:s16+s3] =	stream.linear.scatter [tilespmem:s6], [sflag:$0x2], $0xC800, $0x38;
	[tilespmem:$0xCA00] =	vst v63  }
0x228: {  	_ =	swait.ge [sflag:s4], $0xC800  }
0x229: {  	[sflag:s4] =	ssyncset.done $0x0  }
0x22a: {  	[sflag:s4] =	ssyncadd.s32 $0xFFFF3800  }
0x22b: {  	[tilespmem:s3], [sflag:$0x2] =	stream.linear.gather [hbm4b:s17+s3], $0x190, $0x38;
	[tilespmem:$0xCA00] =	vst v63  }
0x22c: {  	_ =	swait.ge [sflag:s4], $0x190  }
0x22d: {  	[sflag:s4] =	ssyncset.done $0x0  }
0x22e: {  	[sflag:s4] =	ssyncadd.s32 $0xFFFFFE70  }
0x22f: {  	[tilespmem:s6], [sflag:$0x1] =	stream.indirect.gather [hbm4b:s2+s5], $0x80, s3, s5, $0xb8;
	[tilespmem:$0xCA00] =	vst v63  }
0x230: {  	_ =	swait.ge [sflag:s7], $0xC800  }
0x231: {  	[sflag:s7] =	ssyncset.done $0x0  }
0x232: {  	[sflag:s7] =	ssyncadd.s32 $0xFFFF3800  }
0x233: {  	[hbm4b:s18+s3] =	stream.linear.scatter [tilespmem:s6], [sflag:$0x2], $0xC800, $0x38;
	[tilespmem:$0xCA00] =	vst v63  }
0x234: {  	_ =	swait.ge [sflag:s4], $0xC800  }
0x235: {  	[sflag:s4] =	ssyncset.done $0x0  }
0x236: {  	[sflag:s4] =	ssyncadd.s32 $0xFFFF3800  }
0x237: {  	[tilespmem:s3], [sflag:$0x2] =	stream.linear.gather [hbm4b:s19+s3], $0x190, $0x38;
	[tilespmem:$0xCA00] =	vst v63  }
0x238: {  	_ =	swait.ge [sflag:s4], $0x190  }
0x239: {  	[sflag:s4] =	ssyncset.done $0x0  }
0x23a: {  	[sflag:s4] =	ssyncadd.s32 $0xFFFFFE70  }
0x23b: {  	[tilespmem:s6], [sflag:$0x1] =	stream.indirect.gather [hbm4b:s2+s5], $0x80, s3, s5, $0xb8;
	[tilespmem:$0xCA00] =	vst v63  }
0x23c: {  	_ =	swait.ge [sflag:s7], $0xC800  }
0x23d: {  	[sflag:s7] =	ssyncset.done $0x0  }
0x23e: {  	[sflag:s7] =	ssyncadd.s32 $0xFFFF3800  }
0x23f: {  	[hbm4b:s20+s3] =	stream.linear.scatter [tilespmem:s6], [sflag:$0x2], $0xC800, $0x38;
	[tilespmem:$0xCA00] =	vst v63  }
0x240: {  	_ =	swait.ge [sflag:s4], $0xC800  }
0x241: {  	[sflag:s4] =	ssyncset.done $0x0  }
0x242: {  	[sflag:s4] =	ssyncadd.s32 $0xFFFF3800  }
0x243: {  	[tilespmem:s3], [sflag:$0x2] =	stream.linear.gather [hbm4b:s21+s3], $0x190, $0x38;
	[tilespmem:$0xCA00] =	vst v63  }
0x244: {  	_ =	swait.ge [sflag:s4], $0x190  }
0x245: {  	[sflag:s4] =	ssyncset.done $0x0  }
0x246: {  	[sflag:s4] =	ssyncadd.s32 $0xFFFFFE70  }
0x247: {  	[tilespmem:s6], [sflag:$0x1] =	stream.indirect.gather [hbm4b:s2+s5], $0x80, s3, s5, $0xb8;
	[tilespmem:$0xCA00] =	vst v63  }
0x248: {  	_ =	swait.ge [sflag:s7], $0xC800  }
0x249: {  	[sflag:s7] =	ssyncset.done $0x0  }
0x24a: {  	[sflag:s7] =	ssyncadd.s32 $0xFFFF3800  }
0x24b: {  	[hbm4b:s22+s3] =	stream.linear.scatter [tilespmem:s6], [sflag:$0x2], $0xC800, $0x38;
	[tilespmem:$0xCA00] =	vst v63  }
0x24c: {  	_ =	swait.ge [sflag:s4], $0xC800  }
0x24d: {  	[sflag:s4] =	ssyncset.done $0x0  }
0x24e: {  	[sflag:s4] =	ssyncadd.s32 $0xFFFF3800  }
0x24f: {  	[tilespmem:s3], [sflag:$0x2] =	stream.linear.gather [hbm4b:s23+s3], $0x190, $0x38;
	[tilespmem:$0xCA00] =	vst v63  }
0x250: {  	_ =	swait.ge [sflag:s4], $0x190  }
0x251: {  	[sflag:s4] =	ssyncset.done $0x0  }
0x252: {  	[sflag:s4] =	ssyncadd.s32 $0xFFFFFE70  }
0x253: {  	[tilespmem:s6], [sflag:$0x1] =	stream.indirect.gather [hbm4b:s2+s5], $0x80, s3, s5, $0xb8;
	[tilespmem:$0xCA00] =	vst v63  }
0x254: {  	_ =	swait.ge [sflag:s7], $0xC800  }
0x255: {  	[sflag:s7] =	ssyncset.done $0x0  }
0x256: {  	[sflag:s7] =	ssyncadd.s32 $0xFFFF3800  }
0x257: {  	[hbm4b:s24+s3] =	stream.linear.scatter [tilespmem:s6], [sflag:$0x2], $0xC800, $0x38;
	[tilespmem:$0xCA00] =	vst v63  }
0x258: {  	_ =	swait.ge [sflag:s4], $0xC800  }
0x259: {  	[sflag:s4] =	ssyncset.done $0x0  }
0x25a: {  	[sflag:s4] =	ssyncadd.s32 $0xFFFF3800  }
0x25b: {  	[tilespmem:s3], [sflag:$0x2] =	stream.linear.gather [hbm4b:s25+s3], $0x190, $0x38;
	[tilespmem:$0xCA00] =	vst v63  }
0x25c: {  	_ =	swait.ge [sflag:s4], $0x190  }
0x25d: {  	[sflag:s4] =	ssyncset.done $0x0  }
0x25e: {  	[sflag:s4] =	ssyncadd.s32 $0xFFFFFE70  }
0x25f: {  	[tilespmem:s6], [sflag:$0x1] =	stream.indirect.gather [hbm4b:s2+s5], $0x80, s3, s5, $0xb8;
	[tilespmem:$0xCA00] =	vst v63  }
0x260: {  	_ =	swait.ge [sflag:s7], $0xC800  }
0x261: {  	[sflag:s7] =	ssyncset.done $0x0  }
0x262: {  	[sflag:s7] =	ssyncadd.s32 $0xFFFF3800  }
0x263: {  	[hbm4b:s26+s3] =	stream.linear.scatter [tilespmem:s6], [sflag:$0x2], $0xC800, $0x38;
	[tilespmem:$0xCA00] =	vst v63  }
0x264: {  	_ =	swait.ge [sflag:s4], $0xC800  }
0x265: {  	[sflag:s4] =	ssyncset.done $0x0  }
0x266: {  	[sflag:s4] =	ssyncadd.s32 $0xFFFF3800  }
0x267: {  	[tilespmem:s3], [sflag:$0x2] =	stream.linear.gather [hbm4b:s28+s3], $0x190, $0x38;
	[tilespmem:$0xCA00] =	vst v63  }
0x268: {  	_ =	swait.ge [sflag:s4], $0x190  }
0x269: {  	[sflag:s4] =	ssyncset.done $0x0  }
0x26a: {  	[sflag:s4] =	ssyncadd.s32 $0xFFFFFE70  }
0x26b: {  	[tilespmem:s6], [sflag:$0x1] =	stream.indirect.gather [hbm4b:s2+s5], $0x80, s3, s5, $0xb8;
	[tilespmem:$0xCA00] =	vst v63  }
0x26c: {  	_ =	swait.ge [sflag:s7], $0xC800  }
0x26d: {  	[sflag:s7] =	ssyncset.done $0x0  }
0x26e: {  	[sflag:s7] =	ssyncadd.s32 $0xFFFF3800  }
0x26f: {  	[hbm4b:s29+s3] =	stream.linear.scatter [tilespmem:s6], [sflag:$0x2], $0xC800, $0x38;
	[tilespmem:$0xCA00] =	vst v63  }
0x270: {  	_ =	swait.ge [sflag:s4], $0xC800  }
0x271: {  	[sflag:s4] =	ssyncset.done $0x0  }
0x272: {  	[sflag:s4] =	ssyncadd.s32 $0xFFFF3800  }
0x273: {  	[tilespmem:s3], [sflag:$0x2] =	stream.linear.gather [hbm4b:s30+s3], $0x190, $0x38;
	[tilespmem:$0xCA00] =	vst v63  }
0x274: {  	_ =	swait.ge [sflag:s4], $0x190  }
0x275: {  	[sflag:s4] =	ssyncset.done $0x0  }
0x276: {  	p0 =	sne.s32 s1, $0x1;
	[sflag:s4] =	ssyncadd.s32 $0xFFFFFE70  }
0x277: {  	[tilespmem:s6], [sflag:$0x1] =	stream.indirect.gather [hbm4b:s2+s5], $0x80, s3, s5, $0xb8;
	[tilespmem:$0xCA00] =	vst v63  }
.Ltmp1:
0x278: {  	_ =	swait.ge [sflag:s7], $0xC800;
	(pc) =	sbr.rel @p0 .LBB2_1-.Ltmp1, $4  }
0x279: {  	[sflag:s7] =	ssyncset.done $0x0  }
0x27a: {  	[sflag:s7] =	ssyncadd.s32 $0xFFFF3800  }
0x27b: {  	[hbm4b:s31+s3] =	stream.linear.scatter [tilespmem:s6], [sflag:$0x2], $0xC800, $0x38;
	[tilespmem:$0xCA00] =	vst v63  }
0x27c: {  	s1 =	sadd.s32 $0xFFFFFFFF, s1;
	_ =	swait.ge [sflag:s4], $0xC800  }
.LBB2_2:
0x27d: {  	[sflag:s4] =	ssyncset.done $0x0  }
0x27e: {  	[sflag:s4] =	ssyncadd.s32 $0xFFFF3800  }
0x27f: {  	_ =	sfence.sel $0x180000  }
0x280: {  	[bflag:$0x0] =	sbarrier.arrive $0xFFFF  }
0x281: {  	_ =	strace $0x90000047  }
0x282: {  	s0 =	stileid.u32;
	[bflag:$0x2] =	sbarrier.arrive $0xFFFF  }
0x283: {  	p0 =	sne.s32 s0, $0x0;
	s0 =	rddreg [dreg:$0x2]  }
0x284: {  	s0 =	sadd.s32 @!p0 $0x100000, s0  }
0x285: {  	[sflag:s0] =	ssyncadd.tile.s32 @!p0 $0x1;
	_ =	shalt  }
.Lfunc_end2:
_tile_overlayer_lowered:
.L_overlay_start_2:
0x286: {  	(tag) =	ssettag $0x2  }
0x287: {  	s0 =	rddreg [dreg:$0x0];
	s2 =	stileid.u32  }
0x288: {  	s1 =	rddreg [dreg:$0x1];
	p0 =	sne.s32 s2, $0x0  }
0x289: {  	s3 =	rddreg [dreg:$0x2];
	[bflag:$0x3] =	sbarrier.arrive $0xFFFF;
	s2 =	simm.s32 @!p0 $0x1C02  }
0x28a: {  	[timem:s3], [sflag:s2] =	dma.local @!p0 [hbm:s0], s1  }
0x28b: {  	s0 =	simm.s32 @!p0 $0x2  }
0x28c: {  	_ =	swait.ge @!p0 [sflag:s0], s1  }
0x28d: {  	s1 =	ssub.s32 @!p0 $0x0, s1;
	[sflag:s0] =	ssyncset.done @!p0 $0x0  }
0x28e: {  	[sflag:s0] =	ssyncadd.s32 @!p0 s1  }
0x28f: {  	[bflag:$0x3] =	sbarrier.arrive $0xFFFF  }
0x290: {  	_ =	shalt  }

// kernel: scatter_offload_async_start.1
scs
__scs_entry_jumppad:
0x0: {  	(pc) =	sbr.rel $0x88, $3  }
0x1: {  	(tag) =	ssettag $0x0;
	lr =	simm.s32 $0x1  }
0x2: {  	[smem:$0x3F94] =	sst lr;
	_ =	strace $0xD0000000  }
0x3: {  	_ = 	snop  }
0x4: {  	_ = 	snop  }
0x5: {  	_ = 	snop  }
0x6: {  	_ = 	snop  }
0x7: {  	_ = 	snop  }
__scs_overlays_trampoline_lowered:
0x8: {  	[smem:$0x3FA3] =	sst s0  }
0x9: {  	[smem:$0x3FA4] =	sst s1  }
0xa: {  	[smem:$0x3FA5] =	sst s2  }
0xb: {  	[smem:$0x3FA6] =	sst s3  }
0xc: {  	[smem:$0x3FA7] =	sst s4  }
0xd: {  	[smem:$0x3FA8] =	sst s5  }
0xe: {  	[smem:$0x3FA9] =	sst s6  }
0xf: {  	[smem:$0x3FAA] =	sst s7  }
0x10: {  	[smem:$0x3FAB] =	sst s8  }
0x11: {  	[smem:$0x3FAC] =	sst s9;
	s0 =	simm.s32 @!p0 $0x0  }
0x12: {  	s1 =	sld [smem:$0x3F92];
	s0 =	simm.s32 @p0 $0x1  }
0x13: {  	[smem:$0x3FAD] =	sst s0;
	s0 =	simm.s32 @!p1 $0x0  }
0x14: {  	s2 =	sld [smem:$0x3F91];
	s0 =	simm.s32 @p1 $0x1  }
0x15: {  	[smem:$0x3FAE] =	sst s0;
	s0 =	simm.s32 @!p2 $0x0  }
0x16: {  	s3 =	sld [smem:$0x3FDB];
	s0 =	simm.s32 @p2 $0x1  }
0x17: {  	s4 =	simm.s32 $0x1BF5;
	[smem:$0x3FB0] =	sst s0  }
0x18: {  	s0 =	sld [smem:$0x3F93];
	_ =	swait.ge [sflag:s4], $0x0  }
0x19: {  	s7 =	sld [smem:$0x3F94]  }
0x1a: {  	s8 =	sadd.s32 $0xFFFFE003, lr  }
0x1b: {  	s9 =	sadd.s32 $0xFFFFFEF7, lr;
	s5 =	simm.s32 $0xFFFFFFFF;
	p2 =	slt.u32 s8, $0xFFFFF086  }
0x1c: {  	p1 =	slt.u32 s9, $0xF7A;
	s5 =	simm.s32 @!p2 $0x0  }
0x1d: {  	s5 =	simm.s32 @p1 $0x1;
	p0 =	seq.s32 s7, s2  }
0x1e: {  	s7 =	smul.u32 @!p0 $0xF7A, s2;
	p2 =	seq.s32 @!p0 s5, $0x0  }
0x1f: {  	s9 =	smul.u32 $0xF7A, s1;
	s8 =	simm.s32 @!p0 $0x1BF5;
	p2 =	por !p2, p0  }
0x20: {  	[sflag:s8] =	ssyncset.s32 @!p0 $0xFFFFF086;
	s6 =	sadd.s32 @!p0 s3, s7;
	s7 =	simm.s32 @!p0 $0x108  }
0x21: {  	s3 =	sadd.s32 s3, s9;
	s6 =	sadd.s32 @!p0 $0x88, s6;
	s7 =	simm.s32 @p2 $0x1082  }
0x22: {  	[simem:s7], [sflag:s8] =	dma.local @!p0 [hbm:s6], $0xF7A  }
0x23: {  	s9 =	sor.u32 $0xD0000000, s2;
	s6 =	simm.s32 $0x108;
	_ =	swait.ge @!p0 [sflag:s8], $0x0  }
0x24: {  	s3 =	sadd.s32 $0x88, s3;
	s6 =	simm.s32 @!p1 $0x1082;
	[sflag:s4] =	ssyncset.s32 $0xFFFFF086  }
0x25: {  	[simem:s6], [sflag:s4] =	dma.local [hbm:s3], $0xF7A  }
0x26: {  	[smem:$0x3F94] =	sst s1;
	(tag) =	ssettag s2;
	_ =	strace s9  }
0x27: {  	s1 =	sld [smem:$0x3FA4]  }
0x28: {  	s2 =	sld [smem:$0x3FA5]  }
0x29: {  	s4 =	sld [smem:$0x3FA7]  }
0x2a: {  	p0 =	seq.s32 s5, $0x0;
	s5 =	sld [smem:$0x3FA8]  }
0x2b: {  	s6 =	sld [smem:$0x3FA9]  }
0x2c: {  	s7 =	sld [smem:$0x3FAA]  }
0x2d: {  	s3 =	simm.s32 $0x108;
	s8 =	sld [smem:$0x3FAB]  }
0x2e: {  	s3 =	simm.s32 @!p0 $0x1082;
	s9 =	sld [smem:$0x3FAC]  }
0x2f: {  	lr =	sadd.s32 s0, s3;
	s0 =	sld [smem:$0x3FA3]  }
0x30: {  	s3 =	sld [smem:$0x3FA6]  }
0x31: {  	[smem:$0x3FAF] =	sst s10  }
0x32: {  	s10 =	sld [smem:$0x3FAD];
	_ =	sdelay $0x3  }
0x33: {  	p0 =	seq.s32 s10, $0x1;
	s10 =	sld [smem:$0x3FAF];
	_ =	sdelay $0x3  }
0x34: {  	[smem:$0x3FAF] =	sst s10  }
0x35: {  	s10 =	sld [smem:$0x3FAE];
	_ =	sdelay $0x3  }
0x36: {  	p1 =	seq.s32 s10, $0x1;
	s10 =	sld [smem:$0x3FAF];
	_ =	sdelay $0x3  }
0x37: {  	[smem:$0x3FAF] =	sst s10  }
0x38: {  	s10 =	sld [smem:$0x3FB0]  }
0x39: {  	_ = 	snop;
	(pc) =	sbr.ind lr, $3  }
0x3a: {  	_ = 	snop  }
0x3b: {  	_ = 	snop  }
0x3c: {  	p2 =	seq.s32 s10, $0x1;
	s10 =	sld [smem:$0x3FAF]  }
0x3d: {  	_ =	shalt  }
0x3e: {  	_ =	shalt  }
0x3f: {  	_ =	shalt  }
0x40: {  	_ =	shalt  }
0x41: {  	_ =	shalt  }
0x42: {  	_ =	shalt  }
0x43: {  	_ =	shalt  }
0x44: {  	_ =	shalt  }
0x45: {  	_ =	shalt  }
0x46: {  	_ =	shalt  }
0x47: {  	_ =	shalt  }
0x48: {  	_ =	shalt  }
0x49: {  	_ =	shalt  }
0x4a: {  	_ =	shalt  }
0x4b: {  	_ =	shalt  }
0x4c: {  	_ =	shalt  }
0x4d: {  	_ =	shalt  }
0x4e: {  	_ =	shalt  }
0x4f: {  	_ =	shalt  }
0x50: {  	_ =	shalt  }
0x51: {  	_ =	shalt  }
0x52: {  	_ =	shalt  }
0x53: {  	_ =	shalt  }
0x54: {  	_ =	shalt  }
0x55: {  	_ =	shalt  }
0x56: {  	_ =	shalt  }
0x57: {  	_ =	shalt  }
0x58: {  	_ =	shalt  }
0x59: {  	_ =	shalt  }
0x5a: {  	_ =	shalt  }
0x5b: {  	_ =	shalt  }
0x5c: {  	_ =	shalt  }
0x5d: {  	_ =	shalt  }
0x5e: {  	_ =	shalt  }
0x5f: {  	_ =	shalt  }
0x60: {  	_ =	shalt  }
0x61: {  	_ =	shalt  }
0x62: {  	_ =	shalt  }
0x63: {  	_ =	shalt  }
0x64: {  	_ =	shalt  }
0x65: {  	_ =	shalt  }
0x66: {  	_ =	shalt  }
0x67: {  	_ =	shalt  }
0x68: {  	_ =	shalt  }
0x69: {  	_ =	shalt  }
0x6a: {  	_ =	shalt  }
0x6b: {  	_ =	shalt  }
0x6c: {  	_ =	shalt  }
0x6d: {  	_ =	shalt  }
0x6e: {  	_ =	shalt  }
0x6f: {  	_ =	shalt  }
0x70: {  	_ =	shalt  }
0x71: {  	_ =	shalt  }
0x72: {  	_ =	shalt  }
0x73: {  	_ =	shalt  }
0x74: {  	_ =	shalt  }
0x75: {  	_ =	shalt  }
0x76: {  	_ =	shalt  }
0x77: {  	_ =	shalt  }
0x78: {  	_ =	shalt  }
0x79: {  	_ =	shalt  }
0x7a: {  	_ =	shalt  }
0x7b: {  	_ =	shalt  }
0x7c: {  	_ =	shalt  }
0x7d: {  	_ =	shalt  }
0x7e: {  	_ =	shalt  }
0x7f: {  	_ =	shalt  }
0x80: {  	_ =	shalt  }
0x81: {  	_ =	shalt  }
0x82: {  	_ =	shalt  }
0x83: {  	_ =	shalt  }
0x84: {  	_ =	shalt  }
0x85: {  	_ =	shalt  }
0x86: {  	_ =	shalt  }
0x87: {  	_ =	shalt  }
.Lfunc_end0:
.L_simem_size_0:
called_computation.1_lowered:
.L_overlay_start_0:
0x88: {  	s0 =	sld [smem:$0x3FD9]  }
0x89: {  	s1 =	sld [smem:$0x3FFE];
	_ =	sdelay $0x3  }
0x8a: {  	s0 =	sadd.s32 s1, s0  }
0x8b: {  	[smem:$0x3FBB] =	sst s0  }
0x8c: {  	_ = 	snop  }
0x8d: {  	(tm) =	ssettm $0x1  }
0x8e: {  	s15 =	sld [smem:$0x3FFB];
	_ =	sdelay $0x3  }
0x8f: {  	_ =	strace s15  }
0x90: {  	s0 =	sld [smem:$0x3FFC];
	_ =	sdelay $0x3  }
0x91: {  	_ =	strace s0  }
0x92: {  	s0 =	sld [smem:$0x3FFD];
	_ =	sdelay $0x3  }
0x93: {  	_ =	strace s0  }
0x94: {  	_ =	strace $0x8FFFFFFF  }
0x95: {  	s16 =	sld [smem:$0x3FDB];
	_ =	sdelay $0x1  }
0x96: {  	s17 =	simm.s32 $_scs_section_size  }
0x97: {  	s2 =	simm.s32 $_size__tile_overlayer_lowered;
	s3 =	simm.s32 $_tile_overlayer_lowered  }
0x98: {  	s20 =	simm.s32 $0x1BFF;
	s19 =	sshll.u32 s3, $0x1;
	s0 =	sadd.s32 s17, s16  }
0x99: {  	s4 =	simm.s32 $0x0;
	s18 =	sshll.u32 s2, $0x1;
	s2 =	sadd.s32 s19, s0  }
0x9a: {  	[timem:s4], [sflag:s20] =	dma.local [hbm:s2], s18  }
0x9b: {  	_ =	swait.ge [sflag:s20], s18  }
0x9c: {  	s1 =	ssub.s32 $0x0, s18;
	[sflag:s20] =	ssyncset.done $0x0  }
0x9d: {  	[sflag:s20] =	ssyncadd.s32 s1;
	_ =	sdelay $0x1  }
0x9e: {  	s21 =	simm.s32 $0x1B8B  }
0x9f: {  	_ =	swait.ge [sflag:s21], $0x1  }
0xa0: {  	[sflag:s21] =	ssyncset.done $0x0  }
0xa1: {  	s23 =	simm.s32 $0x1B8E;
	s22 =	sld [smem:$0x3FFE];
	[sflag:s21] =	ssyncadd.s32 $0xFFFFFFFF  }
0xa2: {  	s24 =	simm.s32 $execute0_lowered;
	[smem:$0x3FD2] =	sst s23  }
0xa3: {  	s2 =	sshll.u32 s24, $0x1;
	_ =	strace $0x8000004C;
	[dreg:$0x1] =	wrdreg $0xFFFFFFFF  }
0xa4: {  	s25 =	simm.s32 $_size_execute0_lowered;
	s0 =	sadd.s32 s0, s2;
	[dreg:$0x0] =	wrdreg $0x0  }
0xa5: {  	s2 =	sshll.u32 s25, $0x1;
	[dreg:$0x2] =	wrdreg s0  }
0xa6: {  	[dreg:$0x3] =	wrdreg s2  }
0xa7: {  	[dreg:$0x4] =	wrdreg $0xC0  }
0xa8: {  	_ =	task [dreg:s4], $0x5FFFF  }
0xa9: {  	[dreg:$0x1] =	wrdreg $0xFFFFFFFF  }
0xaa: {  	[dreg:$0x0] =	wrdreg $0x60  }
0xab: {  	[dreg:$0x2] =	wrdreg s22  }
0xac: {  	[dreg:$0x3] =	wrdreg $0x9  }
0xad: {  	_ =	task.clear_ibuf [dreg:s4], $0x4FFFF;
	_ =	strace $0x9000004C  }
0xae: {  	s26 =	simm.s32 $0x9;
	_ =	strace $0x8000004E  }
0xaf: {  	_ =	swait.ge [sflag:s26], $0x1  }
0xb0: {  	[sflag:s26] =	ssyncadd.s32 $0xFFFFFFFF  }
0xb1: {  	_ =	strace $0x9000004E  }
0xb2: {  	_ =	sfence  }
0xb3: {  	s28 =	sld [smem:$0x0];
	_ =	sdelay $0x1  }
0xb4: {  	s29 =	srdreg.scid  }
0xb5: {  	s30 =	sshll.u32 s29, $0xD;
	s31 =	sshrl.u32 s29, $0x2  }
0xb6: {  	s1 =	sand.u32 $0x1, s29;
	s2 =	sand.u32 $0x4000, s30;
	s0 =	sadd.s32 s31, s28  }
0xb7: {  	s1 =	sor.u32 s2, s1;
	s0 =	sshll.u32 s0, $0x11  }
0xb8: {  	s0 =	sor.u32 s0, s1  }
0xb9: {  	s0 =	sadd.s32 $0x8F2B, s0  }
0xba: {  	[sflag:s0] =	ssyncadd.remote.s32 $0x1  }
0xbb: {  	_ =	sfence.sel $0xFFFF  }
0xbc: {  	[dreg:$0x0] =	wrdreg $0xFFFFFFFF;
	(pc) =	sbr.abs _section_cstart, $3  }
0xbd: {  	[dreg:$0x1] =	wrdreg $0xFFFFFFFF  }
0xbe: {  	_ =	task.clear_ibuf [dreg:s4], $0x2FFFF;
	_ =	strace $0x9FFFFFFF  }
0xbf: {  	(tm) =	ssettm $0x7FFFFFFF  }
tec
execute0_lowered:
.L_overlay_start_1:
0x0: {  	(tag) =	ssettag $0x1  }
0x1: {  	s0 =	rddreg [dreg:$0x0];
	_ =	strace $0x8000004D;
	s15 =	stileid.u32  }
0x2: {  	s2 =	simm.s32 $0x1;
	s1 =	smin.u32 s15, $0x8;
	s3 =	sshll.u32 s15, $0x1  }
0x3: {  	v1 =	vimm.s32 $0xFFFFFFFF;
	[sflag:s2] =	ssyncpa.u1 $0x0;
	s1 =	sadd.s32 s1, s3  }
0x4: {  	p0 =	slt.u32 s15, $0x8;
	[tilespmem:$0x10] =	vst v1;
	s4 =	smul.u32 $0x1F40, s1;
	s1 =	simm.s32 $0x5DC0  }
0x5: {  	v0 =	vimm.f32 $0.0e+00;
	[tilespmem:$0x20] =	vst v1;
	s1 =	simm.s32 @!p0 $0x3E80  }
0x6: {  	[tilespmem:$0x30] =	vst v0;
	s1 =	sadd.s32 s1, s4  }
0x7: {  	[tilespmem:$0x40] =	vst v0;
	s5 =	smin.u32 s1, $0x4E200  }
0x8: {  	s7 =	simm.s32 $0x2;
	s8 =	simm.s32 $0x8;
	[tilespmem:$0x50] =	vst v0;
	s9 =	ssub.s32 s5, s4  }
0x9: {  	s31 =	simm.s32 $0x9;
	s16 =	simm.s32 $0x0;
	[tilespmem:$0x60] =	vst v1;
	p0 =	sgt.s32 s9, $0x0  }
0xa: {  	s17 =	simm.s32 $0xF0;
	s18 =	simm.s32 $0xFFFFFFFF;
	[tilespmem:$0x70] =	vst v1;
	s9 =	simm.s32 @!p0 $0x0  }
0xb: {  	s19 =	simm.s32 $0xFFFFC280;
	s20 =	simm.s32 $0xFFFFFFFE;
	[tilespmem:$0x80] =	vst v1;
	s30 =	smulhi.u32 $0x10624DD3, s9  }
0xc: {  	s21 =	simm.s32 $0xF;
	s25 =	simm.s32 $0x0;
	s24 =	simm.s32 $0x0;
	v1 =	vimm.s32 $0x0;
	[tilespmem:$0xB0] =	vst v0  }
0xd: {  	s6 =	sadd.s32 $0x27B600, s0;
	s15 =	sshllo.u32 s15, $0x1;
	[tilespmem:$0x90] =	vst v1;
	s10 =	sshrl.u32 s30, $0x9  }
0xe: {  	[tilespmem:$0xA0] =	vst v1;
	[sflag:s7] =	ssyncpa.u1 $0x0;
	s7 =	simm.s32 $0x7;
	s11 =	smul.u32 $0x1F40, s10  }
.Ltmp0:
0xf: {  	s13 =	sor.u32 $0x80, s3;
	[sflag:s7] =	ssyncpa.u1 $0x0;
	(pc) =	sbr.rel .LBB2_1-.Ltmp0, $4  }
0x10: {  	s14 =	sor.u32 $0x81, s3;
	[sflag:s8] =	ssyncpa.u1 $0x0;
	p0 =	sne.s32 s9, s11  }
0x11: {  	s23 =	smov.u32 s4;
	s1 =	sadd.s32 $0x800, s0;
	s2 =	simm.s32 @!p0 $0x0  }
0x12: {  	vm0 =	vmmov $0xffff;
	v2 =	vlaneseq.u32;
	[sflag:s31] =	ssyncpa.u1 $0x0;
	s9 =	sadd.s32 $0x285400, s0;
	s10 =	sadd.s32 s2, s10  }
0x13: {  	vm1 =	vmxor vm1, vm1;
	vm2 =	vmmov $0x1;
	vm3 =	vcmask $0x3F3C;
	p0 =	por $0x0, $0x0;
	s11 =	sadd.s32 $0x1, s10;
	s12 =	sadd.s32 $0x2, s10  }
.LBB2_9:
0x14: {  	p1 =	slt.u32 s24, $0x3  }
0x15: {  	s0 =	simm.s32 @!p1 $0x2  }
0x16: {  	_ =	swait.ge @!p1 [sflag:s0], $0x1F40  }
0x17: {  	[sflag:s0] =	ssyncset.done @!p1 $0x0  }
0x18: {  	[sflag:s0] =	ssyncadd.s32 @!p1 $0xFFFFE0C0;
	s0 =	simm.s32 @!p1 $0x9  }
0x19: {  	_ =	swait.ge @!p1 [sflag:s0], $0x10  }
0x1a: {  	[sflag:s0] =	ssyncset.done @!p1 $0x0  }
0x1b: {  	[sflag:s0] =	ssyncadd.s32 @!p1 $0xFFFFFFF0;
	p1 =	sne.s32 s24, s12  }
.Ltmp1:
0x1c: {  	s2 =	sadd.s32 $0x1F40, s23;
	(pc) =	sbr.rel @!p1 .LBB2_10-.Ltmp1, $4  }
0x1d: {  	s22 =	smov.u32 s4;
	s31 =	sadd.s32 $0x1, s24;
	s17 =	sadd.s32 $0x1F40, s17  }
0x1e: {  	s18 =	sadd.s32 $0x1, s18;
	s25 =	smov.u32 s23;
	p2 =	slt.s32 s2, s5  }
0x1f: {  	p0 =	por !p0, !p0;
	s19 =	sadd.s32 $0x1F40, s19;
	s22 =	smov.u32 @p2 s2  }
0x20: {  	s20 =	sadd.s32 $0x1, s20;
	s23 =	smov.u32 s22;
	s24 =	smov.u32 s31  }
.LBB2_1:
0x21: {  	p1 =	sge.u32 s24, s10  }
0x22: {  	s0 =	smulhi.u32 @!p1 $0xAAAAAAAB, s24;
	_ =	sdelay $0x1  }
0x23: {  	s0 =	sshrl.u32 @!p1 s0, $0x1  }
0x24: {  	s0 =	smul.u32 @!p1 $0x3, s0;
	_ =	sdelay $0x1  }
0x25: {  	s0 =	ssub.s32 @!p1 s24, s0  }
0x26: {  	s0 =	smul.u32 @!p1 $0x7D00, s0;
	_ =	sdelay $0x1  }
0x27: {  	s2 =	sshrl.u32 @!p1 s23, $0x3;
	s0 =	sshrl.u32 @!p1 s0, $0x2  }
0x28: {  	s22 =	sand.u32 @!p1 $0x7, s23;
	s2 =	sadd.s32 @!p1 s6, s2;
	s0 =	sadd.s32 @!p1 $0x100, s0  }
0x29: {  	[tilespmem:s0], [sflag:$0x7] =	stream.linear.gather @!p1 [hbm4b:s2+s22], $0x1F40, $0x38;
	[tilespmem:$0x11A60] =	vst v63  }
0x2a: {  	s0 =	sadd.s32 $0xFFFFFFFF, s24  }
0x2b: {  	p1 =	sge.u32 s0, s10  }
.Ltmp2:
0x2c: {  	_ = 	snop;
	(pc) =	sbr.rel @p1 .LBB2_5-.Ltmp2, $1  }
0x2d: {  	_ =	sdelay $0x3  }
0x2e: {  	s2 =	smulhi.u32 $0xAAAAAAAB, s0;
	_ =	sdelay $0x1  }
0x2f: {  	s2 =	sshrl.u32 s2, $0x1  }
0x30: {  	s2 =	smul.u32 $0x3, s2;
	_ =	sdelay $0x1  }
0x31: {  	s2 =	ssub.s32 s0, s2  }
0x32: {  	s2 =	smul.u32 $0x7D00, s2  }
0x33: {  	_ =	swait.ge [sflag:s7], $0x1F40  }
0x34: {  	[sflag:s7] =	ssyncset.done $0x0;
	s2 =	sshrl.u32 s2, $0x2  }
0x35: {  	[sflag:s7] =	ssyncadd.s32 $0xFFFFE0C0;
	(ifvalue) =	ssetifvalue $0xFFFFFFFF;
	v3 =	vld.msk [tilespmem:s2+$0x100 ss:$0x1], $0xffff;
	_ =	sdelay $0x2  }
0x36: {  	s30 =	smulhi.u32 $0xAAAAAAAB, s18;
	p1 =	sne.s32 s24, $0x1  }
0x37: {  	v4 =	vimm.s32 @!p1 $0x0  }
0x38: {  	s2 =	sshrl.u32 s30, $0x1;
	v4 =	vperm.xlane @!p1 v3, v4  }
0x39: {  	s22 =	sshll.u32 s24, $0x4;
	s2 =	smul.u32 $0xFFFE8900, s2;
	vm4 =	vlt.u32 v3, $0x2800  }
0x3a: {  	s22 =	sand.u32 $0x10, s22;
	v3 =	vnsel vm4, $0xFFFFFFFE, v3;
	vm4 =	vlt.u32 @!p1 v4, $0x2800  }
0x3b: {  	s2 =	sshra.s32 s2, $0x2;
	[tilespmem:s22+$0x60] =	vst v3;
	v3 =	vnsel @!p1 vm4, $0xFFFFFFFE, v4  }
0x3c: {  	s28 =	sadd.s32 s2, s17;
	[tilespmem:$0x80] =	vst @!p1 v3  }
0x3d: {  	v3 =	vld.msk [tilespmem:s28+$0x0 ss:$0x1], $0xffff;
	_ =	sdelay $0x4  }
0x3e: {  	(xrf1) =	vunique.msk.u32 $0xffff, v3;
	_ =	sdelay $0xd  }
0x3f: {  	v4 =	vimm.s32 $0xFFFFFFFF;
	v5, _, _ =	vpop (xrf1)  }
0x40: {  	vm5 =	vne.s32 v3, v4;
	vm4 =	veq.s32 v5, v2  }
0x41: {  	vm6 =	vlt.u32 v3, $0x2800;
	vm4 =	vmand vm5, vm4  }
0x42: {  	vm4 =	vmand vm6, vm4  }
0x43: {  	v4 =	vnsel vm4, $0xFFFFFFFF, v3  }
0x44: {  	s31 =	sand.u32 $0x1, s0  }
0x45: {  	s0 =	simm.s32 $0x1F40;
	p1 =	seq.s32 s31, $0x1  }
0x46: {  	s0 =	simm.s32 @!p1 $0x0  }
0x47: {  	s26 =	sadd.s32 $0x7DF0, s0;
	(ifvalue) =	ssetifvalue $0xFFFFFFFF  }
0x48: {  	v3 =	vperm.xlane v3, v1;
	[tilespmem:s26], [sflag:$0x8] =	stream.indirect_vreg.gather [hbm4b:s1+s16], $0x1, v4, vm0, $0x4038;
	v4 =	vnsel vm6, $0xFFFFFFFE, v4;
	[tilespmem:$0x11A60] =	vst v63  }
0x49: {  	s2 =	simm.s32 $0x0;
	s22 =	sadd.s32 $0xFFFFFFF0, s28;
	[tilespmem:s28+$0x0] =	vst v4  }
.LBB2_3:
0x4a: {  	v4 =	vld.msk [tilespmem:s22+$0x0 ss:$0x1], $0xffff;
	s2 =	sadd.s32 $0x10, s2;
	v5 =	vmov v3;
	s28 =	smov.u32 s22  }
0x4b: {  	p1 =	slt.u32 s2, $0x1F30;
	_ =	sdelay $0x4  }
0x4c: {  	v3 =	vperm.xlane v4, v1;
	(xrf1) =	vunique.msk.u32 $0xffff, v4;
	_ =	sdelay $0xd  }
0x4d: {  	v6, _, _ =	vpop (xrf1)  }
0x4e: {  	vm5 =	vne.s32 v4, v5;
	vm4 =	veq.s32 v6, v2  }
0x4f: {  	vm6 =	vlt.u32 v4, $0x2800;
	vm4 =	vmand vm5, vm4  }
0x50: {  	vm4 =	vmand vm6, vm4  }
0x51: {  	v4 =	vnsel vm4, $0xFFFFFFFF, v4  }
.Ltmp3:
0x52: {  	v5 =	vnsel vm6, $0xFFFFFFFE, v4;
	(pc) =	sbr.rel @p1 .LBB2_3-.Ltmp3, $3  }
0x53: {  	_ =	sdelay $0x1  }
0x54: {  	s22 =	sadd.s32 $0xFFFFFFF0, s22;
	s26 =	sadd.s32 $0xFFFFFFF0, s26;
	(ifvalue) =	ssetifvalue $0xFFFFFFFF  }
0x55: {  	[tilespmem:s26], [sflag:$0x8] =	stream.indirect_vreg.gather [hbm4b:s1+s16], $0x1, v4, vm0, $0x4038;
	[tilespmem:s28+$0x0] =	vst v5  }
0x56: {  	s2 =	sshrl.u32 s25, $0x3  }
0x57: {  	s0 =	sadd.s32 $0x9D40, s0;
	s2 =	sadd.s32 s9, s2  }
0x58: {  	[tilespmem:s0], [sflag:$0x8] =	stream.linear.gather [hbm:s2], $0x1F40, $0x38;
	[tilespmem:$0x11A60] =	vst v63  }
.LBB2_5:
0x59: {  	p1 =	slt.u32 s24, $0x2  }
0x5a: {  	p2 =	sge.u32 @!p1 s24, s12  }
0x5b: {  	p1 =	por p1, p2  }
.Ltmp4:
0x5c: {  	_ = 	snop;
	(pc) =	sbr.rel @p1 .LBB2_9-.Ltmp4, $1  }
0x5d: {  	_ =	sdelay $0x3  }
0x5e: {  	s0 =	sadd.s32 $0xFFFFFFFE, s24  }
0x5f: {  	s2 =	smulhi.u32 $0xAAAAAAAB, s0;
	_ =	sdelay $0x1  }
0x60: {  	s2 =	sshrl.u32 s2, $0x1  }
0x61: {  	s2 =	smul.u32 $0x3, s2;
	_ =	sdelay $0x1  }
0x62: {  	s0 =	ssub.s32 s0, s2  }
0x63: {  	_ =	swait.ge [sflag:s8], $0x3E80;
	s0 =	smul.u32 $0x1F40, s0  }
0x64: {  	p1 =	sne.s32 s24, s11;
	[sflag:s8] =	ssyncset.done $0x0  }
0x65: {  	[sflag:s8] =	ssyncadd.s32 $0xFFFFC180;
	s2 =	sadd.s32 @!p1 $0x203F, s0  }
0x66: {  	[spmem:s14] =	stream.linear.scatter @!p1 [tilespmem:s2], [sflag:$0x1], $0x1, $0x38;
	[tilespmem:$0x11A60] =	vst v63  }
0x67: {  	s2 =	simm.s32 @!p1 $0x1  }
0x68: {  	_ =	swait.ge @!p1 [sflag:s2], $0x1  }
0x69: {  	s22 =	sshll.u32 s24, $0x4;
	[sflag:s2] =	ssyncset.done @!p1 $0x0  }
0x6a: {  	s25 =	sand.u32 $0x10, s22;
	[sflag:s2] =	ssyncadd.s32 @!p1 $0xFFFFFFFF  }
0x6b: {  	s2 =	sxor.u32 $0x10, s25;
	v4 =	vld [tilespmem:s25+$0x10]  }
0x6c: {  	v5 =	vld [tilespmem:s2+$0x60]  }
0x6d: {  	v3 =	vld [tilespmem:$0x80];
	_ =	sdelay $0x2  }
0x6e: {  	(v2sf) =	vpush v4, $0x0  }
0x6f: {  	(v2sf) =	vpush v5, $0x0  }
0x70: {  	(v2sf) =	vpush v3, $0x0;
	_ =	sdelay $0xc  }
0x71: {  	s22 =	spop (v2sf)  }
0x72: {  	s26 =	spop (v2sf)  }
0x73: {  	s28 =	spop (v2sf)  }
0x74: {  	p2 =	seq.s32 s22, s26;
	p3 =	seq.s32 s28, s22  }
0x75: {  	p3 =	por p2, p3  }
0x76: {  	s26 =	sand.u32 $0x1, s24;
	v4 =	vpsel p3, $0xFFFFFFFF, v4  }
0x77: {  	s29 =	smul.u32 $0x1F40, s26;
	[tilespmem:s25+$0x10] =	vst.msk $0x1, v4  }
0x78: {  	v4 =	vld [tilespmem:$0x30]  }
0x79: {  	v5 =	vld [tilespmem:s29+$0x9D40]  }
0x7a: {  	v6 =	vld [tilespmem:s25+$0x40];
	_ =	sdelay $0x3  }
0x7b: {  	vm4 =	vmmov vm1;
	v5 =	vadd.f32 v5, v4  }
0x7c: {  	vm5 =	vmmov vm2;
	vm4 =	vmmov @p2 vm2;
	s22 =	sshll.u32 s26, $0x4;
	v4 =	vadd.f32 v6, v4  }
0x7d: {  	s26 =	sor.u32 $0x11A40, s22;
	vm5 =	vmmov @p3 vm1;
	[tilespmem:s29+$0x9D40] =	vst.msk vm4, v5  }
0x7e: {  	[tilespmem:s26+$0x0] =	vst.msk vm5, v4  }
0x7f: {  	v4 =	vld [tilespmem:s29+$0x7DF0];
	_ =	sdelay $0x3  }
0x80: {  	v5 =	vimm.f32 $0.0e+00  }
0x81: {  	v4 =	vshift.insert v4, v5, s21  }
0x82: {  	s22 =	sor.u32 $0x40, s2  }
0x83: {  	[tilespmem:s22+$0x0] =	vst.msk $0x1, v4  }
0x84: {  	[tilespmem:s29+$0x7DFF] =	vst.msk $0x1, v5  }
0x85: {  	v4 =	vld [tilespmem:s0+$0x2030];
	_ =	sdelay $0x1  }
0x86: {  	s22 =	smulhi.u32 $0xAAAAAAAB, s20;
	s0 =	simm.s32 $0x1  }
0x87: {  	s0 =	simm.s32 @!p0 $0x0  }
0x88: {  	s22 =	sshrl.u32 s22, $0x1;
	s0 =	smul.u32 $0x7D00, s0  }
0x89: {  	s22 =	smul.u32 $0xFFFE8900, s22;
	v4 =	vshift.insert v4, v1, s21  }
0x8a: {  	s0 =	sshrl.u32 s0, $0x2  }
0x8b: {  	s22 =	sshra.s32 s22, $0x2;
	s30 =	sadd.s32 $0x9D40, s0;
	[tilespmem:s2+$0x10] =	vst.msk $0x1, v4  }
0x8c: {  	s22 =	sadd.s32 s22, s19;
	v6 =	vld [tilespmem:s30+$0x0]  }
0x8d: {  	v7 =	vld [tilespmem:s22+$0x0];
	_ =	sdelay $0x3  }
0x8e: {  	v5 =	vadd.f32 v6, v5  }
0x8f: {  	vm4 =	vne.s32 v7, $0xFFFFFFFF  }
0x90: {  	(xrf2) =	vadd.seg.scan.f32 vm4, v5;
	_ =	sdelay $0x3  }
0x91: {  	s31 =	sadd.s32 $0x5EC0, s0;
	v5 =	vperm.xlane v4, v1  }
0x92: {  	v6 =	vld [tilespmem:s31+$0x0]  }
0x93: {  	vm5 =	veq.s32 v7, v3;
	vm6 =	veq.s32 v7, v5  }
0x94: {  	vm7 =	vgt.u32 v7, $0xFFFFFFFD;
	vm6 =	vmor vm6, vm5  }
0x95: {  	vm6 =	vmor vm6, vm7  }
0x96: {  	v9 =	vld [tilespmem:$0xA0];
	v7 =	vsel vm6, $0xFFFFFFFF, v7  }
0x97: {  	v10 =	vld [tilespmem:$0x90];
	v6 =	vsel vm5, $0x0, v6;
	v8, _, _ =	vpop (xrf2)  }
0x98: {  	v6 =	vadd.f32 v8, v6  }
0x99: {  	s0 =	sadd.s32 $0xDBC0, s0  }
0x9a: {  	vm4 =	vmand vm4, vm3;
	[tilespmem:s0+$0x0] =	vst v6;
	(ifvalue) =	ssetifvalue $0xFFFFFFFF  }
0x9b: {  	vm6 =	veq.s32 v9, $0x1;
	[hbm4b:s1+s16] =	stream.indirect_vreg.scatter [tilespmem:s0], [sflag:$0x2], $0x1, v7, vm0, $0x4038;
	v7 =	vsel vm4, $0x0, v8;
	[tilespmem:$0x11A60] =	vst v63  }
0x9c: {  	s2 =	simm.s32 $0x0;
	s22 =	sadd.s32 $0x10, s22;
	vm4 =	vmor vm6, vm5;
	v6 =	vsel vm5, v8, v10;
	v7 =	vshift.insert v7, v0, s21  }
.LBB2_7:
0x9d: {  	v8 =	vld [tilespmem:s22+$0x0];
	s30 =	sadd.s32 $0x10, s30  }
0x9e: {  	s31 =	sadd.s32 $0x10, s31;
	v9 =	vld [tilespmem:s30+$0x0]  }
0x9f: {  	s2 =	sadd.s32 $0x10, s2;
	v10 =	vld [tilespmem:s31+$0x0]  }
0xa0: {  	p2 =	slt.u32 s2, $0x1F30;
	_ =	sdelay $0x2  }
0xa1: {  	v7 =	vadd.f32 v9, v7  }
0xa2: {  	vm5 =	vne.s32 v8, $0xFFFFFFFF  }
0xa3: {  	vm6 =	vmand vm5, vm3;
	(xrf2) =	vadd.seg.scan.f32 vm5, v7;
	_ =	sdelay $0x5  }
0xa4: {  	vm7 =	veq.s32 v8, v5;
	vm5 =	veq.s32 v8, v3  }
0xa5: {  	vm8 =	vgt.u32 v8, $0xFFFFFFFD;
	vm4 =	vmor vm4, vm5;
	vm7 =	vmor vm7, vm5  }
0xa6: {  	vm7 =	vmor vm7, vm8  }
0xa7: {  	v8 =	vsel vm7, $0xFFFFFFFF, v8  }
.Ltmp5:
0xa8: {  	v7 =	vsel vm5, $0x0, v10;
	v9, _, _ =	vpop (xrf2);
	(pc) =	sbr.rel @p2 .LBB2_7-.Ltmp5, $4  }
0xa9: {  	v6 =	vsel vm5, v9, v6;
	v10 =	vadd.f32 v9, v7;
	v7 =	vsel vm6, $0x0, v9  }
0xaa: {  	s0 =	sadd.s32 $0x10, s0;
	v7 =	vshift.insert v7, v0, s21  }
0xab: {  	s22 =	sadd.s32 $0x10, s22;
	[tilespmem:s0+$0x0] =	vst v10;
	(ifvalue) =	ssetifvalue $0xFFFFFFFF  }
0xac: {  	[hbm4b:s1+s16] =	stream.indirect_vreg.scatter [tilespmem:s0], [sflag:$0x2], $0x1, v8, vm0, $0x4038;
	[tilespmem:$0x11A60] =	vst v63  }
0xad: {  	v3 =	vld [tilespmem:s29+$0xFAF0];
	_ =	sdelay $0x4  }
0xae: {  	v3 =	vshift.insert v3, v0, s21  }
0xaf: {  	s0 =	simm.s32 $0x30  }
0xb0: {  	[tilespmem:s0+$0x0] =	vst.msk $0x1, v3  }
0xb1: {  	v3 =	vsel vm4, $0x1, v1;
	[tilespmem:$0x90] =	vst v6  }
0xb2: {  	s0 =	sadd.s32 @!p1 $0xFAFF, s29;
	[tilespmem:$0xA0] =	vst v3  }
0xb3: {  	[spmem:s15] =	stream.linear.scatter @!p1 [tilespmem:s0], [sflag:$0x1], $0x1, $0x38;
	[tilespmem:$0x11A60] =	vst v63  }
0xb4: {  	s0 =	simm.s32 @!p1 $0x1  }
0xb5: {  	v3 =	vmctz.xlane @!p1 vm4;
	_ =	swait.ge @!p1 [sflag:s0], $0x1  }
0xb6: {  	(v2sf) =	vpush @!p1 v4, $0x0  }
0xb7: {  	(v2sf) =	vpush @!p1 v3, $0x0;
	_ =	sdelay $0xd  }
0xb8: {  	s2 =	spop @!p1 (v2sf)  }
0xb9: {  	s22 =	spop @!p1 (v2sf)  }
0xba: {  	p2 =	sne.s32 @!p1 s28, s2;
	p3 =	slt.s32 @!p1 s22, $0xF  }
0xbb: {  	[sflag:s0] =	ssyncset.done @!p1 $0x0;
	p2 =	por p2, p1;
	p3 =	por !p3, p1  }
0xbc: {  	[sflag:s0] =	ssyncadd.s32 @!p1 $0xFFFFFFFF;
	v3 =	vimm.s32 @!p2 $0xFFFFFFFF;
	s22 =	simm.s32 @p3 $0xF  }
0xbd: {  	[tilespmem:$0x80] =	vst @!p2 v3;
	s2 =	sadd.s32 @!p1 $0x90, s22  }
0xbe: {  	[spmem:s3] =	stream.linear.scatter @!p1 [tilespmem:s2], [sflag:$0x1], $0x1, $0x38;
	[tilespmem:$0x11A60] =	vst v63  }
0xbf: {  	_ =	swait.ge @!p1 [sflag:s0], $0x1  }
0xc0: {  	[sflag:s0] =	ssyncset.done @!p1 $0x0  }
0xc1: {  	s2 =	simm.s32 @!p1 $0x80;
	[sflag:s0] =	ssyncadd.s32 @!p1 $0xFFFFFFFF  }
0xc2: {  	[spmem:s13] =	stream.linear.scatter @!p1 [tilespmem:s2], [sflag:$0x1], $0x1, $0x38;
	[tilespmem:$0x11A60] =	vst v63  }
0xc3: {  	_ =	swait.ge @!p1 [sflag:s0], $0x1  }
0xc4: {  	[sflag:s0] =	ssyncset.done @!p1 $0x0  }
0xc5: {  	[sflag:s0] =	ssyncadd.s32 @!p1 $0xFFFFFFFF;
	(ifvalue) =	ssetifvalue $0xFFFFFFFF;
	v3 =	vld [tilespmem:s25+$0x10];
	_ =	sdelay $0x3  }
.Ltmp6:
0xc6: {  	_ = 	snop;
	(pc) =	sbr.rel .LBB2_9-.Ltmp6, $3  }
0xc7: {  	_ =	sdelay $0x1  }
0xc8: {  	(ifvalue) =	ssetifvalue $0xFFFFFFFF  }
0xc9: {  	[hbm4b:s1+s16] =	stream.indirect_vreg.scatter [tilespmem:s26], [sflag:$0x9], $0x1, v3, vm0, $0x4038;
	[tilespmem:$0x11A60] =	vst v63  }
.LBB2_10:
0xca: {  	_ =	sfence.sel $0x180000  }
0xcb: {  	s0 =	simm.s32 $0x7;
	[bflag:$0x0] =	sbarrier.arrive $0xFFFF  }
0xcc: {  	s26 =	simm.s32 $0x8;
	[sflag:s0] =	ssyncpa.u1 $0x1  }
0xcd: {  	s28 =	simm.s32 $0x9;
	[sflag:s26] =	ssyncpa.u1 $0x1  }
0xce: {  	[sflag:s28] =	ssyncpa.u1 $0x1  }
0xcf: {  	_ =	sfence.stream.spmem  }
0xd0: {  	s29 =	simm.s32 $0x3;
	[bflag:$0x0] =	sbarrier.arrive $0xFFFF  }
0xd1: {  	s30 =	simm.s32 $0x4;
	[sflag:s29] =	ssyncpa.u1 $0x1  }
0xd2: {  	s31 =	simm.s32 $0x3C;
	s2 =	stileid.u32;
	[sflag:s30] =	ssyncpa.u1 $0x1  }
0xd3: {  	p0 =	sne.s32 s2, $0x0;
	[sflag:s31] =	ssyncpa.u1 $0x1  }
0xd4: {  	s0 =	simm.s32 @p0 $0x1;
	_ =	sfence @p0  }
0xd5: {  	[sflag:s0] =	ssyncpa.u1 @p0 $0x1;
	s0 =	simm.s32 @p0 $0x2  }
0xd6: {  	[sflag:s0] =	ssyncpa.u1 @p0 $0x1  }
0xd7: {  	_ =	strace @p0 $0x9000004D  }
0xd8: {  	[bflag:$0x2] =	sbarrier.arrive @p0 $0xFFFF  }
0xd9: {  	_ =	shalt @p0  }
.LBB2_11:
0xda: {  	_ =	sfence.stream.spmem;
	s0 =	simm.s32 $0x5  }
0xdb: {  	s2 =	simm.s32 $0x80;
	s3 =	simm.s32 $0xC0;
	[sflag:s0] =	ssyncpa.u1 $0x0  }
0xdc: {  	[tilespmem:s3], [sflag:$0x5] =	stream.linear.gather [spmem:s2], $0x20, $0x38;
	[tilespmem:$0x11A60] =	vst v63  }
0xdd: {  	s2 =	simm.s32 $0x0;
	s3 =	simm.s32 $0xE0  }
0xde: {  	[tilespmem:s3], [sflag:$0x5] =	stream.linear.gather [spmem:s2], $0x20, $0x38;
	[tilespmem:$0x11A60] =	vst v63  }
.Ltmp7:
0xdf: {  	_ = 	snop;
	(pc) =	sbr.rel .LBB2_12-.Ltmp7, $4  }
0xe0: {  	_ =	swait.ge [sflag:s0], $0x40  }
0xe1: {  	[sflag:s0] =	ssyncset.done $0x0  }
0xe2: {  	s31 =	simm.s32 $0x6;
	[sflag:s0] =	ssyncadd.s32 $0xFFFFFFC0  }
0xe3: {  	s4 =	simm.s32 $0x0;
	[sflag:s31] =	ssyncpa.u1 $0x0  }
.LBB2_17:
0xe4: {  	p0 =	sgt.u32 s5, $0x27FF  }
0xe5: {  	s0 =	sshrl.u32 @!p0 s5, $0x3  }
0xe6: {  	s5 =	sand.u32 @!p0 $0x7, s5;
	s6 =	simm.s32 @!p0 $0xB0;
	s0 =	sadd.s32 @!p0 s1, s0  }
0xe7: {  	[tilespmem:s6], [sflag:$0x6] =	stream.linear.gather @!p0 [hbm4b:s0+s5], $0x1, $0x38;
	[tilespmem:$0x11A60] =	vst v63  }
0xe8: {  	s0 =	simm.s32 @!p0 $0x6  }
0xe9: {  	_ =	swait.ge @!p0 [sflag:s0], $0x1  }
0xea: {  	[sflag:s0] =	ssyncset.done @!p0 $0x0  }
0xeb: {  	[sflag:s0] =	ssyncadd.s32 @!p0 $0xFFFFFFFF  }
0xec: {  	v2 =	vmov @!p0 s4;
	v1 =	vld.msk @!p0 [tilespmem:$0xB0], $0x1;
	_ =	sdelay $0x3  }
0xed: {  	s0 =	simm.s32 @!p0 $0xE0  }
0xee: {  	[tilespmem:v2+s0+$0x0], v1 =	vst.idx.ret.add.f32.msk @!p0 $0x1, v1  }
0xef: {  	[tilespmem:s2+$0xC0] =	vst.msk $0x1, v0  }
0xf0: {  	v0 =	vld.msk [tilespmem:s4+$0xE0], $0x1;
	_ =	sdelay $0x4  }
0xf1: {  	[tilespmem:s2+$0xE0] =	vst.msk $0x1, v0;
	s2 =	sadd.s32 $0x1, s2  }
.LBB2_19:
0xf2: {  	s4 =	sadd.s32 $0x1, s4  }
0xf3: {  	p0 =	sne.s32 s4, $0x20  }
.Ltmp8:
0xf4: {  	_ = 	snop;
	(pc) =	sbr.rel @!p0 .LBB2_20-.Ltmp8, $1  }
0xf5: {  	_ =	sdelay $0x3  }
.LBB2_12:
0xf6: {  	v0 =	vld.msk [tilespmem:s4+$0xC0], $0x1;
	_ =	sdelay $0x4  }
0xf7: {  	(v2sf) =	vpush v0, $0x0;
	_ =	sdelay $0xe  }
0xf8: {  	s5 =	spop (v2sf)  }
0xf9: {  	p0 =	seq.s32 s5, $0xFFFFFFFF  }
.Ltmp9:
0xfa: {  	_ = 	snop;
	(pc) =	sbr.rel @p0 .LBB2_19-.Ltmp9, $1  }
0xfb: {  	_ =	sdelay $0x3  }
0xfc: {  	p0 =	slt.s32 s2, $0x1  }
.Ltmp10:
0xfd: {  	_ = 	snop;
	(pc) =	sbr.rel @p0 .LBB2_17-.Ltmp10, $1  }
0xfe: {  	_ =	sdelay $0x3  }
0xff: {  	s0 =	simm.s32 $0xC0;
	p0 =	por $0x0, $0x0  }
0x100: {  	v1 =	vld.msk @!p0 [tilespmem:s0+$0x0], $0x1;
	_ =	sdelay $0x4  }
0x101: {  	(v2sf) =	vpush @!p0 v1, $0x0;
	_ =	sdelay $0xd  }
0x102: {  	p2 =	sne.s32 s2, $0x1  }
.Ltmp11:
0x103: {  	s6 =	spop @!p0 (v2sf);
	(pc) =	sbr.rel @!p2 .LBB2_16-.Ltmp11, $4  }
0x104: {  	p1 =	seq.s32 @!p0 s5, s6  }
0x105: {  	s6 =	simm.s32 $0x0;
	p1 =	por !p1, p0  }
0x106: {  	s8 =	simm.s32 $0xFFFFFFFF;
	s6 =	simm.s32 @p1 $0xFFFFFFFF  }
0x107: {  	s7 =	simm.s32 $0x1;
	s6 =	smov.u32 @p0 s8  }
.LBB2_15:
0x108: {  	s8 =	smov.u32 s6;
	p0 =	sne.s32 s6, $0xFFFFFFFF  }
0x109: {  	s0 =	sadd.s32 $0x1, s0;
	s6 =	smov.u32 s7;
	s7 =	sadd.s32 $0x1, s7  }
0x10a: {  	p1 =	sne.s32 s2, s7;
	v1 =	vld.msk @!p0 [tilespmem:s0+$0x0], $0x1;
	_ =	sdelay $0x4  }
0x10b: {  	(v2sf) =	vpush @!p0 v1, $0x0;
	_ =	sdelay $0xe  }
.Ltmp12:
0x10c: {  	s9 =	spop @!p0 (v2sf);
	(pc) =	sbr.rel @p1 .LBB2_15-.Ltmp12, $4  }
0x10d: {  	p2 =	seq.s32 @!p0 s5, s9  }
0x10e: {  	p2 =	por !p2, p0  }
0x10f: {  	s6 =	simm.s32 @p2 $0xFFFFFFFF  }
0x110: {  	s6 =	smov.u32 @p0 s8  }
.LBB2_16:
0x111: {  	p0 =	sne.s32 s6, $0xFFFFFFFF  }
.Ltmp13:
0x112: {  	_ = 	snop;
	(pc) =	sbr.rel @!p0 .LBB2_17-.Ltmp13, $1  }
0x113: {  	_ =	sdelay $0x3  }
0x114: {  	v0 =	vld.msk [tilespmem:s4+$0xE0], $0x1;
	v1 =	vmov s6  }
.Ltmp14:
0x115: {  	_ = 	snop;
	(pc) =	sbr.rel .LBB2_19-.Ltmp14, $2  }
0x116: {  	_ =	sdelay $0x2  }
0x117: {  	[tilespmem:v1+s3+$0x0], v0 =	vst.idx.ret.add.f32.msk $0x1, v0  }
.LBB2_20:
0x118: {  	p0 =	slt.s32 s2, $0x1  }
.Ltmp15:
0x119: {  	_ = 	snop;
	(pc) =	sbr.rel @p0 .LBB2_24-.Ltmp15, $3  }
0x11a: {  	_ =	sdelay $0x1  }
0x11b: {  	s0 =	simm.s32 $0x6  }
0x11c: {  	s3 =	simm.s32 $0x0;
	[sflag:s0] =	ssyncpa.u1 $0x1  }
0x11d: {  	s0 =	simm.s32 $0xC0  }
0x11e: {  	v0 =	vld.msk [tilespmem:s0+$0x0], $0x1;
	_ =	sdelay $0x4  }
0x11f: {  	(v2sf) =	vpush v0, $0x0;
	_ =	sdelay $0xe  }
0x120: {  	s2 =	sadd.s32 $0xFFFFFFFF, s2;
	s4 =	spop (v2sf)  }
0x121: {  	p1 =	sne.s32 s2, $0x0;
	p0 =	sgt.u32 s4, $0x27FF  }
.Ltmp16:
0x122: {  	s5 =	sshrl.u32 @!p0 s4, $0x3;
	(pc) =	sbr.rel @!p1 .LBB2_23-.Ltmp16, $4  }
0x123: {  	s0 =	simm.s32 $0xE0;
	s4 =	sand.u32 @!p0 $0x7, s4;
	s5 =	sadd.s32 @!p0 s1, s5  }
0x124: {  	[hbm4b:s5+s4] =	stream.linear.scatter @!p0 [tilespmem:s0], [sflag:$0x5], $0x1, $0x38;
	[tilespmem:$0x11A60] =	vst v63  }
0x125: {  	s5 =	simm.s32 $0x0  }
0x126: {  	s4 =	simm.s32 $0xC1;
	s5 =	simm.s32 @!p0 $0x4  }
.LBB2_22:
0x127: {  	v0 =	vld.msk [tilespmem:s4+$0x0], $0x1;
	s2 =	sadd.s32 $0xFFFFFFFF, s2;
	s3 =	sadd.s32 s3, s5  }
0x128: {  	p0 =	sne.s32 s2, $0x0;
	_ =	sdelay $0x3  }
0x129: {  	(v2sf) =	vpush v0, $0x0;
	_ =	sdelay $0xe  }
.Ltmp17:
0x12a: {  	s6 =	spop (v2sf);
	(pc) =	sbr.rel @p0 .LBB2_22-.Ltmp17, $4  }
0x12b: {  	s5 =	simm.s32 $0x0;
	p1 =	sgt.u32 s6, $0x27FF  }
0x12c: {  	s0 =	sadd.s32 $0x1, s0;
	s5 =	simm.s32 @!p1 $0x4;
	s7 =	sshrl.u32 @!p1 s6, $0x3  }
0x12d: {  	s4 =	sadd.s32 $0x1, s4;
	s6 =	sand.u32 @!p1 $0x7, s6;
	s7 =	sadd.s32 @!p1 s1, s7  }
0x12e: {  	[hbm4b:s7+s6] =	stream.linear.scatter @!p1 [tilespmem:s0], [sflag:$0x5], $0x1, $0x38;
	[tilespmem:$0x11A60] =	vst v63  }
.LBB2_23:
0x12f: {  	s0 =	sadd.s32 s3, s5  }
0x130: {  	s3 =	sshrl.u32 s0, $0x2  }
.LBB2_24:
0x131: {  	s0 =	simm.s32 $0x5  }
0x132: {  	_ =	swait.ge [sflag:s0], s3  }
0x133: {  	s1 =	ssub.s32 $0x0, s3;
	[sflag:s0] =	ssyncset.done $0x0  }
0x134: {  	[sflag:s0] =	ssyncadd.s32 s1  }
0x135: {  	[sflag:s0] =	ssyncpa.u1 $0x1  }
0x136: {  	s29 =	simm.s32 $0x1;
	_ =	sfence  }
0x137: {  	s30 =	simm.s32 $0x2;
	[sflag:s29] =	ssyncpa.u1 $0x1  }
0x138: {  	[sflag:s30] =	ssyncpa.u1 $0x1  }
0x139: {  	_ =	strace $0x9000004D  }
0x13a: {  	[bflag:$0x2] =	sbarrier.arrive $0xFFFF  }
0x13b: {  	s31 =	rddreg [dreg:$0x1]  }
0x13c: {  	s0 =	sadd.s32 $0x100000, s31  }
0x13d: {  	[sflag:s0] =	ssyncadd.tile.s32 $0x1;
	_ =	shalt  }
.Lfunc_end2:
_tile_overlayer_lowered:
.L_overlay_start_2:
0x13e: {  	(tag) =	ssettag $0x2  }
0x13f: {  	s0 =	rddreg [dreg:$0x0];
	s2 =	stileid.u32  }
0x140: {  	s1 =	rddreg [dreg:$0x1];
	p0 =	sne.s32 s2, $0x0  }
0x141: {  	s3 =	rddreg [dreg:$0x2];
	[bflag:$0x3] =	sbarrier.arrive $0xFFFF;
	s2 =	simm.s32 @!p0 $0x1C01  }
0x142: {  	[timem:s3], [sflag:s2] =	dma.local @!p0 [hbm:s0], s1  }
0x143: {  	s0 =	simm.s32 @!p0 $0x1  }
0x144: {  	_ =	swait.ge @!p0 [sflag:s0], s1  }
0x145: {  	s1 =	ssub.s32 @!p0 $0x0, s1;
	[sflag:s0] =	ssyncset.done @!p0 $0x0  }
0x146: {  	[sflag:s0] =	ssyncadd.s32 @!p0 s1  }
0x147: {  	[bflag:$0x3] =	sbarrier.arrive $0xFFFF  }
0x148: {  	_ =	shalt  }

// kernel: scatter_offload_async_start.2
scs
__scs_entry_jumppad:
0x0: {  	(pc) =	sbr.rel $0x88, $3  }
0x1: {  	(tag) =	ssettag $0x0;
	lr =	simm.s32 $0x1  }
0x2: {  	[smem:$0x3F94] =	sst lr;
	_ =	strace $0xD0000000  }
0x3: {  	_ = 	snop  }
0x4: {  	_ = 	snop  }
0x5: {  	_ = 	snop  }
0x6: {  	_ = 	snop  }
0x7: {  	_ = 	snop  }
__scs_overlays_trampoline_lowered:
0x8: {  	[smem:$0x3FA3] =	sst s0  }
0x9: {  	[smem:$0x3FA4] =	sst s1  }
0xa: {  	[smem:$0x3FA5] =	sst s2  }
0xb: {  	[smem:$0x3FA6] =	sst s3  }
0xc: {  	[smem:$0x3FA7] =	sst s4  }
0xd: {  	[smem:$0x3FA8] =	sst s5  }
0xe: {  	[smem:$0x3FA9] =	sst s6  }
0xf: {  	[smem:$0x3FAA] =	sst s7  }
0x10: {  	[smem:$0x3FAB] =	sst s8  }
0x11: {  	[smem:$0x3FAC] =	sst s9;
	s0 =	simm.s32 @!p0 $0x0  }
0x12: {  	s1 =	sld [smem:$0x3F92];
	s0 =	simm.s32 @p0 $0x1  }
0x13: {  	[smem:$0x3FAD] =	sst s0;
	s0 =	simm.s32 @!p1 $0x0  }
0x14: {  	s2 =	sld [smem:$0x3F91];
	s0 =	simm.s32 @p1 $0x1  }
0x15: {  	[smem:$0x3FAE] =	sst s0;
	s0 =	simm.s32 @!p2 $0x0  }
0x16: {  	s3 =	sld [smem:$0x3FDB];
	s0 =	simm.s32 @p2 $0x1  }
0x17: {  	s4 =	simm.s32 $0x1BF5;
	[smem:$0x3FB0] =	sst s0  }
0x18: {  	s0 =	sld [smem:$0x3F93];
	_ =	swait.ge [sflag:s4], $0x0  }
0x19: {  	s7 =	sld [smem:$0x3F94]  }
0x1a: {  	s8 =	sadd.s32 $0xFFFFE003, lr  }
0x1b: {  	s9 =	sadd.s32 $0xFFFFFEF7, lr;
	s5 =	simm.s32 $0xFFFFFFFF;
	p2 =	slt.u32 s8, $0xFFFFF086  }
0x1c: {  	p1 =	slt.u32 s9, $0xF7A;
	s5 =	simm.s32 @!p2 $0x0  }
0x1d: {  	s5 =	simm.s32 @p1 $0x1;
	p0 =	seq.s32 s7, s2  }
0x1e: {  	s7 =	smul.u32 @!p0 $0xF7A, s2;
	p2 =	seq.s32 @!p0 s5, $0x0  }
0x1f: {  	s9 =	smul.u32 $0xF7A, s1;
	s8 =	simm.s32 @!p0 $0x1BF5;
	p2 =	por !p2, p0  }
0x20: {  	[sflag:s8] =	ssyncset.s32 @!p0 $0xFFFFF086;
	s6 =	sadd.s32 @!p0 s3, s7;
	s7 =	simm.s32 @!p0 $0x108  }
0x21: {  	s3 =	sadd.s32 s3, s9;
	s6 =	sadd.s32 @!p0 $0x88, s6;
	s7 =	simm.s32 @p2 $0x1082  }
0x22: {  	[simem:s7], [sflag:s8] =	dma.local @!p0 [hbm:s6], $0xF7A  }
0x23: {  	s9 =	sor.u32 $0xD0000000, s2;
	s6 =	simm.s32 $0x108;
	_ =	swait.ge @!p0 [sflag:s8], $0x0  }
0x24: {  	s3 =	sadd.s32 $0x88, s3;
	s6 =	simm.s32 @!p1 $0x1082;
	[sflag:s4] =	ssyncset.s32 $0xFFFFF086  }
0x25: {  	[simem:s6], [sflag:s4] =	dma.local [hbm:s3], $0xF7A  }
0x26: {  	[smem:$0x3F94] =	sst s1;
	(tag) =	ssettag s2;
	_ =	strace s9  }
0x27: {  	s1 =	sld [smem:$0x3FA4]  }
0x28: {  	s2 =	sld [smem:$0x3FA5]  }
0x29: {  	s4 =	sld [smem:$0x3FA7]  }
0x2a: {  	p0 =	seq.s32 s5, $0x0;
	s5 =	sld [smem:$0x3FA8]  }
0x2b: {  	s6 =	sld [smem:$0x3FA9]  }
0x2c: {  	s7 =	sld [smem:$0x3FAA]  }
0x2d: {  	s3 =	simm.s32 $0x108;
	s8 =	sld [smem:$0x3FAB]  }
0x2e: {  	s3 =	simm.s32 @!p0 $0x1082;
	s9 =	sld [smem:$0x3FAC]  }
0x2f: {  	lr =	sadd.s32 s0, s3;
	s0 =	sld [smem:$0x3FA3]  }
0x30: {  	s3 =	sld [smem:$0x3FA6]  }
0x31: {  	[smem:$0x3FAF] =	sst s10  }
0x32: {  	s10 =	sld [smem:$0x3FAD];
	_ =	sdelay $0x3  }
0x33: {  	p0 =	seq.s32 s10, $0x1;
	s10 =	sld [smem:$0x3FAF];
	_ =	sdelay $0x3  }
0x34: {  	[smem:$0x3FAF] =	sst s10  }
0x35: {  	s10 =	sld [smem:$0x3FAE];
	_ =	sdelay $0x3  }
0x36: {  	p1 =	seq.s32 s10, $0x1;
	s10 =	sld [smem:$0x3FAF];
	_ =	sdelay $0x3  }
0x37: {  	[smem:$0x3FAF] =	sst s10  }
0x38: {  	s10 =	sld [smem:$0x3FB0]  }
0x39: {  	_ = 	snop;
	(pc) =	sbr.ind lr, $3  }
0x3a: {  	_ = 	snop  }
0x3b: {  	_ = 	snop  }
0x3c: {  	p2 =	seq.s32 s10, $0x1;
	s10 =	sld [smem:$0x3FAF]  }
0x3d: {  	_ =	shalt  }
0x3e: {  	_ =	shalt  }
0x3f: {  	_ =	shalt  }
0x40: {  	_ =	shalt  }
0x41: {  	_ =	shalt  }
0x42: {  	_ =	shalt  }
0x43: {  	_ =	shalt  }
0x44: {  	_ =	shalt  }
0x45: {  	_ =	shalt  }
0x46: {  	_ =	shalt  }
0x47: {  	_ =	shalt  }
0x48: {  	_ =	shalt  }
0x49: {  	_ =	shalt  }
0x4a: {  	_ =	shalt  }
0x4b: {  	_ =	shalt  }
0x4c: {  	_ =	shalt  }
0x4d: {  	_ =	shalt  }
0x4e: {  	_ =	shalt  }
0x4f: {  	_ =	shalt  }
0x50: {  	_ =	shalt  }
0x51: {  	_ =	shalt  }
0x52: {  	_ =	shalt  }
0x53: {  	_ =	shalt  }
0x54: {  	_ =	shalt  }
0x55: {  	_ =	shalt  }
0x56: {  	_ =	shalt  }
0x57: {  	_ =	shalt  }
0x58: {  	_ =	shalt  }
0x59: {  	_ =	shalt  }
0x5a: {  	_ =	shalt  }
0x5b: {  	_ =	shalt  }
0x5c: {  	_ =	shalt  }
0x5d: {  	_ =	shalt  }
0x5e: {  	_ =	shalt  }
0x5f: {  	_ =	shalt  }
0x60: {  	_ =	shalt  }
0x61: {  	_ =	shalt  }
0x62: {  	_ =	shalt  }
0x63: {  	_ =	shalt  }
0x64: {  	_ =	shalt  }
0x65: {  	_ =	shalt  }
0x66: {  	_ =	shalt  }
0x67: {  	_ =	shalt  }
0x68: {  	_ =	shalt  }
0x69: {  	_ =	shalt  }
0x6a: {  	_ =	shalt  }
0x6b: {  	_ =	shalt  }
0x6c: {  	_ =	shalt  }
0x6d: {  	_ =	shalt  }
0x6e: {  	_ =	shalt  }
0x6f: {  	_ =	shalt  }
0x70: {  	_ =	shalt  }
0x71: {  	_ =	shalt  }
0x72: {  	_ =	shalt  }
0x73: {  	_ =	shalt  }
0x74: {  	_ =	shalt  }
0x75: {  	_ =	shalt  }
0x76: {  	_ =	shalt  }
0x77: {  	_ =	shalt  }
0x78: {  	_ =	shalt  }
0x79: {  	_ =	shalt  }
0x7a: {  	_ =	shalt  }
0x7b: {  	_ =	shalt  }
0x7c: {  	_ =	shalt  }
0x7d: {  	_ =	shalt  }
0x7e: {  	_ =	shalt  }
0x7f: {  	_ =	shalt  }
0x80: {  	_ =	shalt  }
0x81: {  	_ =	shalt  }
0x82: {  	_ =	shalt  }
0x83: {  	_ =	shalt  }
0x84: {  	_ =	shalt  }
0x85: {  	_ =	shalt  }
0x86: {  	_ =	shalt  }
0x87: {  	_ =	shalt  }
.Lfunc_end0:
.L_simem_size_0:
called_computation.2_lowered:
.L_overlay_start_0:
0x88: {  	s2 =	sld [smem:$0x3FD9]  }
0x89: {  	s3 =	sld [smem:$0x3FFE];
	_ =	sdelay $0x1  }
0x8a: {  	s1 =	srdreg.scid  }
0x8b: {  	s0 =	sand.u32 $0x1, s1  }
0x8c: {  	s17 =	sshll.u32 s0, $0xA;
	s2 =	sadd.s32 s3, s2  }
0x8d: {  	s2 =	sadd.s32 s2, s17  }
0x8e: {  	[smem:$0x3FBB] =	sst s2  }
0x8f: {  	_ = 	snop  }
0x90: {  	(tm) =	ssettm $0x1  }
0x91: {  	s18 =	sld [smem:$0x3FFB];
	_ =	sdelay $0x3  }
0x92: {  	_ =	strace s18  }
0x93: {  	s2 =	sld [smem:$0x3FFC];
	_ =	sdelay $0x3  }
0x94: {  	_ =	strace s2  }
0x95: {  	s2 =	sld [smem:$0x3FFD];
	_ =	sdelay $0x3  }
0x96: {  	_ =	strace s2  }
0x97: {  	_ =	strace $0x8FFFFFFF  }
0x98: {  	s19 =	sld [smem:$0x3FDB];
	_ =	sdelay $0x1  }
0x99: {  	s20 =	simm.s32 $_scs_section_size  }
0x9a: {  	s4 =	simm.s32 $_size__tile_overlayer_lowered;
	s5 =	simm.s32 $_tile_overlayer_lowered  }
0x9b: {  	s6 =	simm.s32 $0x1BFF;
	s21 =	sshll.u32 s5, $0x1;
	s3 =	sadd.s32 s20, s19  }
0x9c: {  	s22 =	simm.s32 $0x0;
	s4 =	sshll.u32 s4, $0x1;
	s5 =	sadd.s32 s21, s3  }
0x9d: {  	[timem:s22], [sflag:s6] =	dma.local [hbm:s5], s4  }
0x9e: {  	_ =	swait.ge [sflag:s6], s4  }
0x9f: {  	s4 =	ssub.s32 $0x0, s4;
	[sflag:s6] =	ssyncset.done $0x0  }
0xa0: {  	[sflag:s6] =	ssyncadd.s32 s4;
	_ =	sdelay $0x1  }
0xa1: {  	s23 =	simm.s32 $0x1B8B  }
0xa2: {  	_ =	swait.ge [sflag:s23], $0x1  }
0xa3: {  	[sflag:s23] =	ssyncset.done $0x0  }
0xa4: {  	[sflag:s23] =	ssyncadd.s32 $0xFFFFFFFF  }
0xa5: {  	s4 =	sld [smem:$0x0]  }
0xa6: {  	s5 =	sand.u32 $0xFFFFFFFE, s1  }
0xa7: {  	p0 =	sne.s32 s1, s5  }
0xa8: {  	s5 =	sshll.u32 @p0 s5, $0xE  }
0xa9: {  	s5 =	sadd.s32 @p0 $0x11B8D, s5;
	s6 =	sshll.u32 @p0 s4, $0x11  }
0xaa: {  	s5 =	sor.u32 @p0 s6, s5  }
0xab: {  	[sflag:s5] =	ssyncadd.remote.s32 @p0 $0x1;
	_ =	sdelay $0x1  }
0xac: {  	s5 =	simm.s32 @p0 $0x1B8D  }
0xad: {  	_ =	swait.eq @p0 [sflag:s5], $0x1  }
0xae: {  	[sflag:s5] =	ssyncadd.s32 @p0 $0xFFFFFFFF  }
0xaf: {  	s6 =	sshll.u32 @!p0 s1, $0xE  }
0xb0: {  	s6 =	sor.u32 @!p0 $0x4000, s6;
	s5 =	simm.s32 @!p0 $0x1B8D  }
0xb1: {  	s7 =	sshll.u32 @!p0 s4, $0x11;
	s6 =	sadd.s32 @!p0 $0x11B8D, s6;
	_ =	swait.eq @!p0 [sflag:s5], $0x1  }
0xb2: {  	[sflag:s5] =	ssyncadd.s32 @!p0 $0xFFFFFFFF;
	s5 =	sor.u32 @!p0 s7, s6  }
0xb3: {  	s25 =	simm.s32 $0x1B8E;
	s24 =	sld [smem:$0x3FFE];
	[sflag:s5] =	ssyncadd.remote.s32 @!p0 $0x1  }
0xb4: {  	s26 =	simm.s32 $execute0_lowered;
	[smem:$0x3FD2] =	sst s25  }
0xb5: {  	s6 =	sshll.u32 s26, $0x1;
	_ =	strace $0x8000004F;
	[dreg:$0x1] =	wrdreg $0xFFFFFFFF  }
0xb6: {  	s28 =	simm.s32 $_size_execute0_lowered;
	s3 =	sadd.s32 s3, s6;
	[dreg:$0x0] =	wrdreg $0x0  }
0xb7: {  	s6 =	sshll.u32 s28, $0x1;
	[dreg:$0x2] =	wrdreg s3  }
0xb8: {  	[dreg:$0x3] =	wrdreg s6  }
0xb9: {  	[dreg:$0x4] =	wrdreg $0xC0  }
0xba: {  	_ =	task [dreg:s22], $0x5FFFF  }
0xbb: {  	[dreg:$0x1] =	wrdreg $0xFFFFFFFF  }
0xbc: {  	[dreg:$0x0] =	wrdreg $0x60  }
0xbd: {  	[dreg:$0x2] =	wrdreg s24  }
0xbe: {  	[dreg:$0x3] =	wrdreg s1  }
0xbf: {  	[dreg:$0x4] =	wrdreg s4  }
0xc0: {  	[dreg:$0x5] =	wrdreg $0xB  }
0xc1: {  	_ =	task.clear_ibuf [dreg:s22], $0x6FFFF;
	_ =	strace $0x9000004F  }
0xc2: {  	s29 =	simm.s32 $0xB;
	_ =	strace $0x80000051  }
0xc3: {  	_ =	swait.ge [sflag:s29], $0x1  }
0xc4: {  	[sflag:s29] =	ssyncadd.s32 $0xFFFFFFFF  }
0xc5: {  	_ =	strace $0x90000051  }
0xc6: {  	_ =	sfence  }
0xc7: {  	s30 =	sld [smem:$0x0];
	_ =	sdelay $0x2  }
0xc8: {  	s31 =	sshll.u32 s1, $0xD;
	s1 =	sshrl.u32 s1, $0x2  }
0xc9: {  	s4 =	sand.u32 $0x4000, s31;
	s1 =	sadd.s32 s1, s30  }
0xca: {  	s0 =	sor.u32 s4, s0;
	s1 =	sshll.u32 s1, $0x11  }
0xcb: {  	s0 =	sor.u32 s1, s0  }
0xcc: {  	s0 =	sadd.s32 $0x8F2B, s0  }
0xcd: {  	[sflag:s0] =	ssyncadd.remote.s32 $0x1  }
0xce: {  	_ =	sfence.sel $0xFFFF  }
0xcf: {  	[dreg:$0x0] =	wrdreg $0xFFFFFFFF;
	(pc) =	sbr.abs _section_cstart, $3  }
0xd0: {  	[dreg:$0x1] =	wrdreg $0xFFFFFFFF  }
0xd1: {  	_ =	task.clear_ibuf [dreg:s22], $0x2FFFF;
	_ =	strace $0x9FFFFFFF  }
0xd2: {  	(tm) =	ssettm $0x7FFFFFFF  }
0xd3: {  	_ =	shalt  }
tec
execute0_lowered:
.L_overlay_start_1:
0x0: {  	(tag) =	ssettag $0x1  }
0x1: {  	s2 =	rddreg [dreg:$0x0]  }
0x2: {  	s4 =	rddreg [dreg:$0x1];
	_ =	strace $0x80000050;
	s1 =	simm.s32 $0x1  }
0x3: {  	s9 =	simm.s32 $0x108;
	v0 =	vimm.s32 $0x0;
	[sflag:s1] =	ssyncpa.u1 $0x0  }
0x4: {  	[tilespmem:s9+$0x70] =	vst v0  }
0x5: {  	[tilespmem:s9+$0x60] =	vst v0  }
0x6: {  	[tilespmem:s9+$0x50] =	vst v0  }
0x7: {  	[tilespmem:s9+$0x40] =	vst v0  }
0x8: {  	[tilespmem:s9+$0x30] =	vst v0  }
0x9: {  	s1 =	sadd.s32 $0x28F200, s2;
	[tilespmem:s9+$0x20] =	vst v0  }
0xa: {  	s5 =	sadd.s32 $0x4EC600, s2;
	s6 =	sadd.s32 $0xA600, s2;
	s2 =	simm.s32 $0x40;
	[tilespmem:s9+$0x10] =	vst v0  }
.LBB2_1:
0xb: {  	s2 =	sadd.s32 $0x40, s2;
	[tilespmem:s9+$0x0] =	vst v0;
	s9 =	sadd.s32 $0x80, s9  }
0xc: {  	p0 =	slt.u32 s2, $0x5040;
	[tilespmem:s9+$0x70] =	vst v0  }
0xd: {  	[tilespmem:s9+$0x60] =	vst v0  }
.Ltmp0:
0xe: {  	[tilespmem:s9+$0x50] =	vst v0;
	(pc) =	sbr.rel @p0 .LBB2_1-.Ltmp0, $4  }
0xf: {  	[tilespmem:s9+$0x40] =	vst v0  }
0x10: {  	[tilespmem:s9+$0x30] =	vst v0  }
0x11: {  	[tilespmem:s9+$0x20] =	vst v0  }
0x12: {  	[tilespmem:s9+$0x10] =	vst v0  }
0x13: {  	s2 =	srdreg.scid  }
0x14: {  	s7 =	sshll.u32 s2, $0x4  }
0x15: {  	s2 =	stileid.u32;
	s7 =	sand.u32 $0x10, s7  }
0x16: {  	s8 =	sor.u32 s2, s7  }
0x17: {  	s7 =	smul.u32 $0x1F, s8  }
0x18: {  	s10 =	smin.u32 s8, $0x8  }
0x19: {  	s7 =	sadd.s32 s10, s7  }
0x1a: {  	p0 =	slt.u32 s8, $0x8;
	s8 =	simm.s32 $0x2800;
	s7 =	smul.u32 $0x140, s7  }
0x1b: {  	s8 =	simm.s32 @!p0 $0x26C0  }
0x1c: {  	s8 =	sadd.s32 s8, s7  }
0x1d: {  	s8 =	smin.u32 s8, $0x4E200  }
0x1e: {  	s11 =	ssub.s32 s8, s7  }
0x1f: {  	p0 =	sgt.s32 s11, $0x0  }
0x20: {  	s11 =	simm.s32 @!p0 $0x0  }
0x21: {  	s31 =	smulhi.u32 $0x66666667, s11;
	_ =	sdelay $0x1  }
0x22: {  	s12 =	sshrl.u32 s31, $0x7  }
0x23: {  	[tilespmem:s9+$0x0] =	vst v0;
	s9 =	simm.s32 $0x2;
	s13 =	smul.u32 $0x140, s12  }
.Ltmp1:
0x24: {  	s17 =	simm.s32 $0x0;
	s14 =	simm.s32 $0xA;
	(pc) =	sbr.rel .LBB2_3-.Ltmp1, $4  }
0x25: {  	v0 =	vimm.s32 $0xFFFFFFFF;
	s16 =	simm.s32 $0x0;
	[sflag:s9] =	ssyncpa.u1 $0x0;
	s10 =	simm.s32 $0x9  }
0x26: {  	[tilespmem:$0x14208] =	vst v0;
	[sflag:s10] =	ssyncpa.u1 $0x0;
	p0 =	sne.s32 s11, s13;
	s13 =	simm.s32 $0x1  }
0x27: {  	s15 =	smov.u32 s7;
	s11 =	simm.s32 $0x1;
	s13 =	simm.s32 @!p0 $0x0  }
0x28: {  	v0 =	vlaneseq.u32;
	p0 =	por $0x0, $0x0;
	s12 =	sadd.s32 s13, s12;
	s13 =	sshll.u32 s2, $0x8  }
.LBB2_20:
0x29: {  	s17 =	sshrl.u32 s24, $0x2  }
.LBB2_22:
0x2a: {  	_ =	swait.ge [sflag:s14], s17;
	v1 =	vmov s20;
	vm0 =	veq.s32 v0, $0x0  }
0x2b: {  	s0 =	ssub.s32 $0x0, s17;
	vm14 =	veq.s32 v0, $0x2;
	[sflag:s14] =	ssyncset.done $0x0;
	v1 =	vsel vm0, s19, v1  }
0x2c: {  	vm15 =	veq.s32 v0, $0x3;
	[sflag:s14] =	ssyncadd.s32 s0;
	v1 =	vsel vm14, s21, v1  }
0x2d: {  	[sflag:s14] =	ssyncpa.u1 $0x1;
	v1 =	vsel vm15, s28, v1  }
0x2e: {  	[tilespmem:$0x14208] =	vst v1  }
.LBB2_23:
0x2f: {  	s0 =	sadd.s32 $0x140, s15  }
0x30: {  	s3 =	smov.u32 s7;
	p1 =	slt.s32 s0, s8  }
0x31: {  	s3 =	smov.u32 @p1 s0;
	p1 =	sne.s32 s16, s12  }
.Ltmp2:
0x32: {  	_ = 	snop;
	(pc) =	sbr.rel @!p1 .LBB2_24-.Ltmp2, $3  }
0x33: {  	_ =	sdelay $0x1  }
0x34: {  	s31 =	sadd.s32 $0x1, s16;
	s17 =	smov.u32 s15  }
0x35: {  	p0 =	por !p0, !p0;
	s16 =	smov.u32 s31;
	s15 =	smov.u32 s3  }
.LBB2_3:
0x36: {  	p1 =	sge.u32 s16, s12  }
0x37: {  	p2 =	sgt.s32 @!p1 s15, $0x4E0C0  }
0x38: {  	s18 =	smov.u32 s15;
	s19 =	sshra.s32 @!p1 s15, $0x1F;
	p2 =	por !p2, p1  }
0x39: {  	s19 =	sand.u32 @!p1 s19, s15;
	s18 =	simm.s32 @p2 $0x4E0C0  }
0x3a: {  	s18 =	ssub.s32 @!p1 s18, s19  }
0x3b: {  	s19 =	sxor.u32 @!p1 $0xFFFFFFFF, s16;
	s18 =	sadd.s32 @!p1 $0xFFFB1F40, s18  }
0x3c: {  	s19 =	sand.u32 @!p1 $0x1, s19;
	s20 =	sshll.u32 @!p1 s18, $0x2  }
0x3d: {  	p2 =	sgt.s32 @!p1 s18, $0x13F;
	s18 =	ssub.s32 @!p1 $0x500, s20;
	s20 =	smul.u32 @!p1 $0x500, s19  }
0x3e: {  	s21 =	sshrl.u32 @!p1 s15, $0x3;
	s22 =	sand.u32 @!p1 $0x7, s15  }
0x3f: {  	p2 =	por !p2, p1;
	s18 =	sshrl.u32 @!p1 s18, $0x2;
	s20 =	sshrl.u32 @!p1 s20, $0x2  }
0x40: {  	s21 =	sadd.s32 @!p1 s5, s21;
	s18 =	simm.s32 @!p2 $0x0;
	s20 =	sadd.s32 @!p1 $0x15248, s20  }
0x41: {  	[tilespmem:s20], [sflag:$0x9] =	stream.linear.gather @!p1 [hbm4b:s21+s22], s18, $0x38;
	[tilespmem:$0x1F4C8] =	vst v63  }
0x42: {  	s18 =	ssub.s32 @!p1 $0x4E200, s15  }
0x43: {  	p2 =	sgt.s32 @!p1 s18, $0x0  }
0x44: {  	s19 =	smul.u32 @!p1 $0x14000, s19;
	p2 =	por !p2, p1  }
0x45: {  	s18 =	simm.s32 @p2 $0x0  }
0x46: {  	s19 =	sshrl.u32 @!p1 s19, $0x2;
	s20 =	sshll.u32 @!p1 s15, $0x3;
	s18 =	smin.u32 @!p1 s18, $0x140  }
0x47: {  	s19 =	sadd.s32 @!p1 $0x154C8, s19;
	s20 =	sadd.s32 @!p1 s6, s20;
	s18 =	sshll.u32 @!p1 s18, $0x6  }
0x48: {  	[tilespmem:s19], [sflag:$0x9] =	stream.linear.gather @!p1 [hbm:s20], s18, $0x38;
	[tilespmem:$0x1F4C8] =	vst v63  }
0x49: {  	p1 =	seq.s32 s16, $0x0  }
.Ltmp3:
0x4a: {  	_ = 	snop;
	(pc) =	sbr.rel @p1 .LBB2_23-.Ltmp3, $1  }
0x4b: {  	_ =	sdelay $0x3  }
0x4c: {  	p1 =	sgt.s32 s17, $0x4E0C0  }
0x4d: {  	s18 =	smov.u32 s17;
	s19 =	sshra.s32 s17, $0x1F;
	s20 =	ssub.s32 $0x4E200, s17  }
0x4e: {  	s18 =	simm.s32 @!p1 $0x4E0C0;
	s19 =	sand.u32 s19, s17;
	p1 =	sgt.s32 s20, $0x0  }
0x4f: {  	s18 =	ssub.s32 s18, s19;
	s20 =	simm.s32 @!p1 $0x0  }
0x50: {  	s18 =	sadd.s32 $0xFFFB1F40, s18;
	s29 =	smin.u32 s20, $0x140  }
0x51: {  	s21 =	sshll.u32 s18, $0x2;
	s19 =	sshll.u32 s29, $0x6  }
0x52: {  	p1 =	sgt.s32 s18, $0x13F;
	s30 =	ssub.s32 $0x500, s21;
	_ =	swait.ge [sflag:s10], s19  }
0x53: {  	s19 =	ssub.s32 $0x0, s19;
	[sflag:s10] =	ssyncset.done $0x0;
	s18 =	sshrl.u32 s30, $0x2  }
0x54: {  	[sflag:s10] =	ssyncadd.s32 s19;
	s18 =	simm.s32 @p1 $0x0  }
0x55: {  	_ =	swait.ge [sflag:s10], s18  }
0x56: {  	s18 =	ssub.s32 $0x0, s18;
	[sflag:s10] =	ssyncset.done $0x0  }
0x57: {  	[sflag:s10] =	ssyncadd.s32 s18  }
0x58: {  	v1 =	vld [tilespmem:$0x14208];
	_ =	sdelay $0x4  }
0x59: {  	(v2sf) =	vpush v1, $0x0  }
0x5a: {  	(v2sf) =	vpush v1, $0x1  }
0x5b: {  	(v2sf) =	vpush v1, $0x2  }
0x5c: {  	(v2sf) =	vpush v1, $0x3;
	_ =	sdelay $0x3  }
0x5d: {  	s18 =	sadd.s32 $0x140, s17  }
0x5e: {  	p1 =	slt.s32 s8, s18  }
0x5f: {  	s18 =	smov.u32 @p1 s8  }
0x60: {  	s17 =	ssub.s32 s18, s17  }
0x61: {  	p1 =	slt.s32 s20, s17  }
0x62: {  	s17 =	smov.u32 @p1 s20  }
0x63: {  	s19 =	simm.s32 $0x1;
	p1 =	slt.s32 s17, $0x1  }
.Ltmp4:
0x64: {  	s19 =	simm.s32 @!p0 $0x0;
	(pc) =	sbr.rel @p1 .LBB2_8-.Ltmp4, $4  }
0x65: {  	s31 =	smul.u32 $0x500, s19;
	s24 =	spop (v2sf)  }
0x66: {  	s25 =	spop (v2sf)  }
0x67: {  	s18 =	sshrl.u32 s31, $0x2;
	s21 =	spop (v2sf)  }
0x68: {  	s23 =	simm.s32 $0x0;
	s18 =	sadd.s32 $0x15248, s18;
	s28 =	spop (v2sf)  }
0x69: {  	s19 =	smin.u32 s17, $0x10  }
0x6a: {  	v1 =	vmov s19  }
0x6b: {  	vm1 =	vgt.u32 v1, v0  }
0x6c: {  	p2 =	sgt.s32 s17, $0x10  }
.Ltmp5:
0x6d: {  	_ = 	snop;
	(pc) =	sbr.rel @!p2 .LBB2_7-.Ltmp5, $2  }
0x6e: {  	_ =	sdelay $0x2  }
0x6f: {  	s20 =	simm.s32 $0x10;
	s22 =	sadd.s32 $0xFFFFFFF0, s17;
	s19 =	smov.u32 s18;
	vm0 =	vmmov vm1;
	v1 =	vld.msk [tilespmem:s18+$0x0 ss:$0x1], vm1  }
.LBB2_6:
0x70: {  	s26 =	smin.u32 s22, $0x10;
	s20 =	sadd.s32 $0x10, s20  }
0x71: {  	v2 =	vmov s26;
	p2 =	slt.s32 s20, s17  }
0x72: {  	vm1 =	vgt.u32 v2, v0;
	_ =	sdelay $0x1  }
0x73: {  	v2 =	vshll.u32 v1, $0x7  }
.Ltmp6:
0x74: {  	v1 =	vand.u32 $0x1, v1;
	v2 =	vand.u32 $0xFFFFFF00, v2;
	(pc) =	sbr.rel @p2 .LBB2_6-.Ltmp6, $4  }
0x75: {  	v1 =	vor.u32 v1, v2  }
0x76: {  	[tilespmem:s19+$0x0] =	vst.msk vm0, v1;
	s19 =	sadd.s32 $0x10, s19;
	vm0 =	vmmov vm1  }
0x77: {  	v1 =	vld.msk [tilespmem:s19+$0x0 ss:$0x1], vm1  }
0x78: {  	s22 =	sadd.s32 $0xFFFFFFF0, s22  }
.LBB2_7:
0x79: {  	_ =	sdelay $0x3  }
0x7a: {  	v2 =	vshll.u32 v1, $0x7  }
0x7b: {  	v1 =	vand.u32 $0x1, v1;
	v2 =	vand.u32 $0xFFFFFF00, v2  }
0x7c: {  	v1 =	vor.u32 v1, v2  }
0x7d: {  	[tilespmem:s19+$0x0] =	vst.msk vm0, v1  }
.LBB2_8:
0x7e: {  	s22 =	sand.u32 $0x1, s16  }
0x7f: {  	s19 =	smul.u32 $0x140, s22  }
0x80: {  	p2 =	sne.s32 s25, $0xFFFFFFFF  }
0x81: {  	v1 =	vld.msk @!p2 [tilespmem:s19+$0x15248], $0x1;
	_ =	sdelay $0x4  }
0x82: {  	(v2sf) =	vpush @!p2 v1, $0x0  }
0x83: {  	s19 =	smul.u32 @!p2 $0x14000, s22;
	_ =	sdelay $0x1  }
0x84: {  	s19 =	sshrl.u32 @!p2 s19, $0x2  }
0x85: {  	v1 =	vld @!p2 [tilespmem:s19+$0x154C8]  }
0x86: {  	v2 =	vld @!p2 [tilespmem:s19+$0x154D8]  }
0x87: {  	v3 =	vld @!p2 [tilespmem:s19+$0x154E8]  }
0x88: {  	v4 =	vld @!p2 [tilespmem:s19+$0x154F8]  }
0x89: {  	v5 =	vld @!p2 [tilespmem:s19+$0x15508]  }
0x8a: {  	v6 =	vld @!p2 [tilespmem:s19+$0x15518];
	v1 =	vunpack.i.l.bf16.f32 @!p2 v1  }
0x8b: {  	[tilespmem:$0x108] =	vst @!p2 v1;
	v1 =	vunpack.i.l.bf16.f32 @!p2 v2;
	v2 =	vld @!p2 [tilespmem:s19+$0x15528]  }
0x8c: {  	[tilespmem:$0x118] =	vst @!p2 v1;
	v1 =	vunpack.i.l.bf16.f32 @!p2 v3;
	v3 =	vld @!p2 [tilespmem:s19+$0x15538]  }
0x8d: {  	[tilespmem:$0x128] =	vst @!p2 v1;
	v1 =	vunpack.i.l.bf16.f32 @!p2 v4  }
.Ltmp7:
0x8e: {  	[tilespmem:$0x138] =	vst @!p2 v1;
	v1 =	vunpack.i.l.bf16.f32 @!p2 v5;
	(pc) =	sbr.rel @p1 .LBB2_21-.Ltmp7, $4  }
0x8f: {  	[tilespmem:$0x148] =	vst @!p2 v1;
	v1 =	vunpack.i.l.bf16.f32 @!p2 v6  }
0x90: {  	[tilespmem:$0x158] =	vst @!p2 v1;
	v1 =	vunpack.i.l.bf16.f32 @!p2 v2;
	s19 =	spop @!p2 (v2sf)  }
0x91: {  	s28 =	simm.s32 @!p2 $0x1;
	s21 =	simm.s32 @!p2 $0x0;
	[tilespmem:$0x168] =	vst @!p2 v1;
	v1 =	vunpack.i.l.bf16.f32 @!p2 v3;
	s20 =	smov.u32 s19  }
0x92: {  	[tilespmem:$0x178] =	vst @!p2 v1;
	[sflag:s14] =	ssyncpa.u1 $0x0;
	s19 =	smov.u32 @p2 s24;
	s20 =	smov.u32 @p2 s25  }
0x93: {  	v1 =	vld.msk [tilespmem:s18+$0x0], $0x1;
	_ =	sdelay $0x4  }
0x94: {  	(v2sf) =	vpush v1, $0x0;
	_ =	sdelay $0xe  }
0x95: {  	s25 =	spop (v2sf)  }
0x96: {  	s24 =	sxor.u32 s19, s25  }
0x97: {  	p2 =	slt.u32 s24, $0x2;
	s24 =	sadd.s32 $0xFFFFFFFF, s17  }
0x98: {  	p1 =	sgt.s32 @!p2 s19, $0x0;
	p3 =	sne.s32 s24, $0x0  }
.Ltmp8:
0x99: {  	s30 =	smov.u32 s19;
	p1 =	por !p1, p2;
	(pc) =	sbr.rel @!p3 .LBB2_11-.Ltmp8, $4  }
0x9a: {  	s30 =	simm.s32 @p1 $0x0  }
0x9b: {  	s26 =	simm.s32 @!p2 $0x1;
	s29 =	simm.s32 @!p2 $0xA188;
	s30 =	smin.u32 @!p2 s30, $0x138701  }
0x9c: {  	s26 =	smov.u32 @p2 s23;
	s23 =	sshrl.u32 @!p2 s30, $0x1;
	s30 =	sshrl.u32 @!p2 s30, $0x4  }
0x9d: {  	s30 =	sadd.s32 @!p2 s1, s30;
	s31 =	sand.u32 @!p2 $0x7, s23;
	s23 =	sadd.s32 $0x1, s18  }
.LBB2_10:
0x9e: {  	s0 =	smov.u32 s26  }
0x9f: {  	[tilespmem:s29], [sflag:$0x2] =	stream.linear.gather @!p2 [hbm4b:s30+s31], $0x80, $0x38;
	[tilespmem:$0x1F4C8] =	vst v63  }
0xa0: {  	s24 =	sadd.s32 $0xFFFFFFFF, s24;
	s30 =	smov.u32 s25;
	v1 =	vld.msk [tilespmem:s23+$0x0], $0x1  }
0xa1: {  	p1 =	sne.s32 s24, $0x0;
	_ =	sdelay $0x3  }
0xa2: {  	(v2sf) =	vpush v1, $0x0;
	_ =	sdelay $0xe  }
0xa3: {  	s25 =	spop (v2sf)  }
0xa4: {  	s26 =	sxor.u32 s30, s25  }
0xa5: {  	p2 =	slt.u32 s26, $0x2  }
0xa6: {  	p3 =	sgt.s32 @!p2 s30, $0x0;
	s29 =	sshll.u32 @!p2 s0, $0x9;
	s26 =	sadd.s32 @!p2 $0x1, s0  }
.Ltmp9:
0xa7: {  	p3 =	por !p3, p2;
	s29 =	sshra.s32 @!p2 s29, $0x2;
	(pc) =	sbr.rel @p1 .LBB2_10-.Ltmp9, $4  }
0xa8: {  	s26 =	smov.u32 @p2 s0;
	s30 =	simm.s32 @p3 $0x0;
	s29 =	sadd.s32 @!p2 $0xA188, s29  }
0xa9: {  	s0 =	smin.u32 @!p2 s30, $0x138701  }
0xaa: {  	s31 =	sshrl.u32 @!p2 s0, $0x1;
	s0 =	sshrl.u32 @!p2 s0, $0x4  }
0xab: {  	s23 =	sadd.s32 $0x1, s23;
	s30 =	sadd.s32 @!p2 s1, s0;
	s31 =	sand.u32 @!p2 $0x7, s31  }
.LBB2_11:
0xac: {  	[tilespmem:s29], [sflag:$0x2] =	stream.linear.gather @!p2 [hbm4b:s30+s31], $0x80, $0x38;
	[tilespmem:$0x1F4C8] =	vst v63  }
0xad: {  	s0 =	sshll.u32 s26, $0x7;
	s22 =	smul.u32 $0x14000, s22  }
.Ltmp10:
0xae: {  	s0 =	sand.u32 $0x3FFFFF80, s0;
	(pc) =	sbr.rel .LBB2_12-.Ltmp10, $4  }
0xaf: {  	s23 =	simm.s32 $0x0;
	_ =	swait.ge [sflag:s9], s0  }
0xb0: {  	s0 =	ssub.s32 $0x0, s0;
	s31 =	sshrl.u32 s22, $0x2;
	[sflag:s9] =	ssyncset.done $0x0  }
0xb1: {  	s25 =	simm.s32 $0x0;
	[sflag:s9] =	ssyncadd.s32 s0;
	s0 =	sadd.s32 $0x154C8, s31  }
0xb2: {  	s24 =	simm.s32 $0x0;
	s26 =	simm.s32 $0x0;
	s22 =	sand.u32 $0xFFFFFFFE, s20;
	v1 =	vmov s0  }
.LBB2_13:
0xb3: {  	_ =	sdelay $0x2  }
0xb4: {  	s0 =	sand.u32 $0x7FFFFF80, s23  }
0xb5: {  	v2 =	vld.idx.msk [tilespmem:v1+s0+$0x0 ss:$0x1], $0xffff  }
0xb6: {  	v4 =	vld.idx.msk [tilespmem:v1+s0+$0x10 ss:$0x1], $0xffff  }
0xb7: {  	s29 =	sshll.u32 s21, $0x9;
	v6 =	vld.idx.msk [tilespmem:v1+s0+$0x20 ss:$0x1], $0xffff  }
0xb8: {  	s29 =	sshra.s32 s29, $0x2;
	v8 =	vld.idx.msk [tilespmem:v1+s0+$0x30 ss:$0x1], $0xffff  }
0xb9: {  	v3 =	vld [tilespmem:s29+$0x108]  }
0xba: {  	s30 =	sand.u32 $0x7FFFFFC0, s23;
	v5 =	vld [tilespmem:s29+$0x118]  }
0xbb: {  	s31 =	sor.u32 $0x40, s30;
	v7 =	vld [tilespmem:s29+$0x128]  }
0xbc: {  	s3 =	sand.u32 $0x1, s26;
	v9 =	vld.idx.msk [tilespmem:v1+s31+$0x0 ss:$0x1], $0xffff  }
0xbd: {  	p1 =	seq.s32 s3, $0x1;
	s3 =	sor.u32 $0x60, s30;
	v10 =	vld [tilespmem:s29+$0x138]  }
0xbe: {  	s31 =	sor.u32 $0x50, s30;
	v50 =	vld.idx.msk [tilespmem:v1+s3+$0x0 ss:$0x1], $0xffff;
	v11 =	vunpack.i.u.bf16.f32 v2;
	v2 =	vunpack.i.l.bf16.f32 v2  }
0xbf: {  	v13 =	vld.idx.msk [tilespmem:v1+s31+$0x0 ss:$0x1], $0xffff;
	v47 =	vunpack.i.u.bf16.f32 v4;
	v4 =	vunpack.i.l.bf16.f32 v4;
	v48 =	vunpack.i.u.bf16.f32 v6  }
0xc0: {  	v12 =	vld [tilespmem:s29+$0x148];
	s31 =	sor.u32 $0x70, s30;
	v6 =	vunpack.i.l.bf16.f32 v6;
	v51 =	vunpack.i.u.bf16.f32 v8;
	v52 =	vunpack.i.l.bf16.f32 v8  }
0xc1: {  	v53 =	vld.idx.msk [tilespmem:v1+s31+$0x0 ss:$0x1], $0xffff;
	v2 =	vpsel p1, v11, v2;
	v4 =	vpsel p1, v47, v4;
	v49 =	vpsel p1, v48, v6  }
0xc2: {  	v14 =	vld [tilespmem:s29+$0x158];
	v54 =	vunpack.i.u.bf16.f32 v9;
	v55 =	vunpack.i.l.bf16.f32 v9;
	v2 =	vmax.f32 v2, v3  }
0xc3: {  	v56 =	vld [tilespmem:s29+$0x168];
	v61 =	vunpack.i.u.bf16.f32 v50;
	v3 =	vmax.f32 v4, v5;
	v4 =	vmax.f32 v49, v7;
	[tilespmem:s29+$0x108] =	vst v2  }
0xc4: {  	v59 =	vld [tilespmem:s29+$0x178];
	v57 =	vunpack.i.u.bf16.f32 v13;
	v58 =	vunpack.i.l.bf16.f32 v13;
	v2 =	vpsel p1, v51, v52;
	[tilespmem:s29+$0x118] =	vst v3  }
0xc5: {  	v5 =	vunpack.i.l.bf16.f32 v50;
	v3 =	vpsel p1, v54, v55;
	[tilespmem:s29+$0x128] =	vst v4;
	v2 =	vmax.f32 v2, v10  }
0xc6: {  	v60 =	vpsel p1, v57, v58;
	v62 =	vunpack.i.u.bf16.f32 v53;
	v3 =	vmax.f32 v3, v12;
	[tilespmem:s29+$0x138] =	vst v2  }
0xc7: {  	v63 =	vunpack.i.l.bf16.f32 v53;
	v2 =	vmax.f32 v60, v14;
	[tilespmem:s29+$0x148] =	vst v3;
	v3 =	vpsel p1, v61, v5  }
0xc8: {  	[tilespmem:s29+$0x158] =	vst v2;
	v2 =	vmax.f32 v3, v56;
	v3 =	vpsel p1, v62, v63  }
0xc9: {  	[tilespmem:s29+$0x168] =	vst v2;
	v2 =	vmax.f32 v3, v59  }
0xca: {  	[tilespmem:s29+$0x178] =	vst v2  }
.LBB2_19:
0xcb: {  	s26 =	sadd.s32 $0x1, s26  }
0xcc: {  	p1 =	sne.s32 s17, s26  }
.Ltmp11:
0xcd: {  	_ = 	snop;
	(pc) =	sbr.rel @!p1 .LBB2_20-.Ltmp11, $2  }
0xce: {  	_ =	sdelay $0x2  }
0xcf: {  	s23 =	sadd.s32 $0x40, s23;
	s18 =	sadd.s32 $0x1, s18  }
.LBB2_12:
0xd0: {  	v2 =	vld.msk [tilespmem:s18+$0x0], $0x1;
	_ =	sdelay $0x4  }
0xd1: {  	(v2sf) =	vpush v2, $0x0;
	_ =	sdelay $0xe  }
0xd2: {  	s30 =	smov.u32 s19;
	s19 =	spop (v2sf)  }
0xd3: {  	p1 =	sne.s32 s30, s19  }
.Ltmp12:
0xd4: {  	_ = 	snop;
	(pc) =	sbr.rel @!p1 .LBB2_13-.Ltmp12, $1  }
0xd5: {  	_ =	sdelay $0x3  }
0xd6: {  	s31 =	sand.u32 $0xFFFFFFFE, s30;
	s0 =	sand.u32 $0xFFFFFFFE, s19  }
0xd7: {  	p1 =	sne.s32 s31, s0  }
.Ltmp13:
0xd8: {  	_ = 	snop;
	(pc) =	sbr.rel @p1 .LBB2_16-.Ltmp13, $2  }
0xd9: {  	_ =	sdelay $0x2  }
0xda: {  	s29 =	sadd.s32 $0x1, s21  }
0xdb: {  	_ =	sdelay $0x2  }
0xdc: {  	s0 =	sand.u32 $0x7FFFFF80, s23  }
0xdd: {  	s21 =	smulhi.u32 $0xCCCCCCCD, s29;
	v2 =	vld.idx.msk [tilespmem:v1+s0+$0x0 ss:$0x1], $0xffff  }
0xde: {  	v3 =	vld.idx.msk [tilespmem:v1+s0+$0x10 ss:$0x1], $0xffff  }
0xdf: {  	s30 =	sand.u32 $0x7FFFFFC0, s23;
	v4 =	vld.idx.msk [tilespmem:v1+s0+$0x20 ss:$0x1], $0xffff;
	s21 =	sshrl.u32 s21, $0x8  }
0xe0: {  	v5 =	vld.idx.msk [tilespmem:v1+s0+$0x30 ss:$0x1], $0xffff;
	s3 =	sor.u32 $0x40, s30;
	s21 =	smul.u32 $0x140, s21  }
0xe1: {  	s31 =	sand.u32 $0x1, s26;
	v6 =	vld.idx.msk [tilespmem:v1+s3+$0x0 ss:$0x1], $0xffff;
	s3 =	sor.u32 $0x50, s30  }
0xe2: {  	p1 =	seq.s32 s31, $0x1;
	v8 =	vld.idx.msk [tilespmem:v1+s3+$0x0 ss:$0x1], $0xffff;
	s3 =	sor.u32 $0x60, s30;
	s21 =	ssub.s32 s29, s21;
	v7 =	vunpack.i.u.bf16.f32 v2;
	v2 =	vunpack.i.l.bf16.f32 v2  }
0xe3: {  	s31 =	sor.u32 $0x70, s30;
	v9 =	vld.idx.msk [tilespmem:v1+s3+$0x0 ss:$0x1], $0xffff;
	s29 =	sshll.u32 s21, $0x7;
	v57 =	vunpack.i.u.bf16.f32 v3;
	v3 =	vunpack.i.l.bf16.f32 v3;
	v2 =	vpsel p1, v7, v2  }
0xe4: {  	v58 =	vld.idx.msk [tilespmem:v1+s31+$0x0 ss:$0x1], $0xffff;
	[tilespmem:s29+$0x108] =	vst v2;
	v2 =	vpsel p1, v57, v3;
	v3 =	vunpack.i.u.bf16.f32 v4;
	v4 =	vunpack.i.l.bf16.f32 v4  }
0xe5: {  	v59 =	vunpack.i.l.bf16.f32 v5;
	[tilespmem:s29+$0x118] =	vst v2;
	v2 =	vpsel p1, v3, v4;
	v3 =	vunpack.i.u.bf16.f32 v5  }
0xe6: {  	v60 =	vunpack.i.l.bf16.f32 v6;
	[tilespmem:s29+$0x128] =	vst v2;
	v2 =	vpsel p1, v3, v59;
	v3 =	vunpack.i.u.bf16.f32 v6  }
.Ltmp14:
0xe7: {  	v61 =	vunpack.i.l.bf16.f32 v8;
	[tilespmem:s29+$0x138] =	vst v2;
	v2 =	vpsel p1, v3, v60;
	v3 =	vunpack.i.u.bf16.f32 v8;
	(pc) =	sbr.rel .LBB2_19-.Ltmp14, $4  }
0xe8: {  	v62 =	vunpack.i.l.bf16.f32 v9;
	[tilespmem:s29+$0x148] =	vst v2;
	v2 =	vpsel p1, v3, v61;
	v3 =	vunpack.i.u.bf16.f32 v9  }
0xe9: {  	v63 =	vunpack.i.l.bf16.f32 v58;
	[tilespmem:s29+$0x158] =	vst v2;
	v2 =	vpsel p1, v3, v62;
	v3 =	vunpack.i.u.bf16.f32 v58  }
0xea: {  	[tilespmem:s29+$0x168] =	vst v2;
	v2 =	vpsel p1, v3, v63  }
0xeb: {  	s28 =	sadd.s32 $0x1, s28;
	[tilespmem:s29+$0x178] =	vst v2  }
.LBB2_16:
0xec: {  	p1 =	sne.s32 s28, $0x2  }
0xed: {  	s0 =	sand.u32 @p1 $0x1, s30;
	s28 =	sshll.u32 @p1 s21, $0x9  }
0xee: {  	p2 =	seq.s32 @p1 s0, $0x0;
	s0 =	sshra.s32 @p1 s28, $0x2  }
0xef: {  	v2 =	vld @p1 [tilespmem:s0+$0x108];
	p3 =	por !p2, !p1  }
0xf0: {  	v3 =	vld @!p3 [tilespmem:s0+$0x118]  }
0xf1: {  	v4 =	vld @!p3 [tilespmem:s0+$0x128]  }
0xf2: {  	v5 =	vld @!p3 [tilespmem:s0+$0x138]  }
0xf3: {  	v6 =	vimm.f32 @!p3 $-Inf;
	v7 =	vld @!p3 [tilespmem:s0+$0x148]  }
0xf4: {  	v9 =	vld @!p3 [tilespmem:s0+$0x158];
	v8 =	vpack.i.f32.bf16 @!p3 v6, v2  }
0xf5: {  	[tilespmem:s0+$0x108] =	vst @!p3 v8;
	v3 =	vpack.i.f32.bf16 @!p3 v6, v3;
	v8 =	vld @!p3 [tilespmem:s0+$0x168]  }
0xf6: {  	[tilespmem:s0+$0x118] =	vst @!p3 v3;
	v3 =	vpack.i.f32.bf16 @!p3 v6, v4;
	v4 =	vld @!p3 [tilespmem:s0+$0x178]  }
0xf7: {  	p2 =	por p2, !p1;
	[tilespmem:s0+$0x128] =	vst @!p3 v3;
	v3 =	vpack.i.f32.bf16 @!p3 v6, v5  }
0xf8: {  	v5 =	vld @!p2 [tilespmem:s0+$0x118];
	[tilespmem:s0+$0x138] =	vst @!p3 v3;
	v3 =	vpack.i.f32.bf16 @!p3 v6, v7  }
0xf9: {  	v7 =	vld @!p2 [tilespmem:s0+$0x128];
	[tilespmem:s0+$0x148] =	vst @!p3 v3;
	v3 =	vpack.i.f32.bf16 @!p3 v6, v9  }
0xfa: {  	[tilespmem:s0+$0x158] =	vst @!p3 v3;
	v3 =	vpack.i.f32.bf16 @!p3 v6, v8;
	v8 =	vld @!p2 [tilespmem:s0+$0x138]  }
0xfb: {  	[tilespmem:s0+$0x168] =	vst @!p3 v3;
	v3 =	vpack.i.f32.bf16 @!p3 v6, v4;
	v4 =	vimm.f32 @!p2 $-Inf;
	v6 =	vld @!p2 [tilespmem:s0+$0x148]  }
0xfc: {  	[tilespmem:s0+$0x178] =	vst @!p3 v3;
	v2 =	vpack.i.f32.bf16 @!p2 v2, v4;
	v3 =	vld @!p2 [tilespmem:s0+$0x158]  }
0xfd: {  	s28 =	sadd.s32 @!p1 $0x13F, s21;
	[tilespmem:s0+$0x108] =	vst @!p2 v2;
	v2 =	vpack.i.f32.bf16 @!p2 v5, v4;
	v5 =	vld @!p2 [tilespmem:s0+$0x168]  }
0xfe: {  	s3 =	smulhi.u32 @!p1 $0xCCCCCCCD, s28;
	[tilespmem:s0+$0x118] =	vst @!p2 v2;
	v2 =	vpack.i.f32.bf16 @!p2 v7, v4;
	v7 =	vld @!p2 [tilespmem:s0+$0x178]  }
0xff: {  	[tilespmem:s0+$0x128] =	vst @!p2 v2;
	v2 =	vpack.i.f32.bf16 @!p2 v8, v4  }
0x100: {  	s3 =	sshrl.u32 @!p1 s3, $0x8;
	[tilespmem:s0+$0x138] =	vst @!p2 v2;
	v2 =	vpack.i.f32.bf16 @!p2 v6, v4  }
0x101: {  	s3 =	smul.u32 @!p1 $0x140, s3;
	[tilespmem:s0+$0x148] =	vst @!p2 v2;
	v2 =	vpack.i.f32.bf16 @!p2 v3, v4  }
0x102: {  	[tilespmem:s0+$0x158] =	vst @!p2 v2;
	v2 =	vpack.i.f32.bf16 @!p2 v5, v4  }
0x103: {  	s3 =	ssub.s32 @!p1 s28, s3;
	[tilespmem:s0+$0x168] =	vst @!p2 v2;
	v2 =	vpack.i.f32.bf16 @!p2 v7, v4  }
0x104: {  	[tilespmem:s0+$0x178] =	vst @!p2 v2;
	s0 =	sshll.u32 @!p1 s3, $0x7;
	s3 =	sshll.u32 @!p1 s21, $0x9  }
0x105: {  	s3 =	sshra.s32 @!p1 s3, $0x2;
	v2 =	vld @!p1 [tilespmem:s0+$0x108]  }
0x106: {  	v3 =	vld @!p1 [tilespmem:s3+$0x108];
	_ =	sdelay $0x4  }
0x107: {  	v2 =	vpack.i.f32.bf16 @!p1 v3, v2  }
0x108: {  	v3 =	vld @!p1 [tilespmem:s3+$0x118];
	[tilespmem:s3+$0x108] =	vst @!p1 v2  }
0x109: {  	v2 =	vld @!p1 [tilespmem:s0+$0x118];
	_ =	sdelay $0x4  }
0x10a: {  	v2 =	vpack.i.f32.bf16 @!p1 v3, v2  }
0x10b: {  	v3 =	vld @!p1 [tilespmem:s3+$0x128];
	[tilespmem:s3+$0x118] =	vst @!p1 v2  }
0x10c: {  	v2 =	vld @!p1 [tilespmem:s0+$0x128];
	_ =	sdelay $0x4  }
0x10d: {  	v2 =	vpack.i.f32.bf16 @!p1 v3, v2  }
0x10e: {  	v3 =	vld @!p1 [tilespmem:s3+$0x138];
	[tilespmem:s3+$0x128] =	vst @!p1 v2  }
0x10f: {  	v2 =	vld @!p1 [tilespmem:s0+$0x138];
	_ =	sdelay $0x4  }
0x110: {  	v2 =	vpack.i.f32.bf16 @!p1 v3, v2  }
0x111: {  	v3 =	vld @!p1 [tilespmem:s3+$0x148];
	[tilespmem:s3+$0x138] =	vst @!p1 v2  }
0x112: {  	v2 =	vld @!p1 [tilespmem:s0+$0x148];
	_ =	sdelay $0x4  }
0x113: {  	v2 =	vpack.i.f32.bf16 @!p1 v3, v2  }
0x114: {  	v3 =	vld @!p1 [tilespmem:s3+$0x158];
	[tilespmem:s3+$0x148] =	vst @!p1 v2  }
0x115: {  	v2 =	vld @!p1 [tilespmem:s0+$0x158];
	_ =	sdelay $0x4  }
0x116: {  	v2 =	vpack.i.f32.bf16 @!p1 v3, v2  }
0x117: {  	v3 =	vld @!p1 [tilespmem:s3+$0x168];
	[tilespmem:s3+$0x158] =	vst @!p1 v2  }
0x118: {  	v2 =	vld @!p1 [tilespmem:s0+$0x168];
	_ =	sdelay $0x4  }
0x119: {  	v2 =	vpack.i.f32.bf16 @!p1 v3, v2  }
0x11a: {  	v3 =	vld @!p1 [tilespmem:s3+$0x178];
	[tilespmem:s3+$0x168] =	vst @!p1 v2  }
0x11b: {  	v2 =	vld @!p1 [tilespmem:s0+$0x178]  }
0x11c: {  	p2 =	seq.s32 s31, s22  }
.Ltmp15:
0x11d: {  	_ = 	snop;
	(pc) =	sbr.rel @!p2 .LBB2_17-.Ltmp15, $3  }
0x11e: {  	_ =	sdelay $0x1  }
0x11f: {  	s28 =	sshll.u32 s21, $0x9;
	v2 =	vpack.i.f32.bf16 @!p1 v3, v2  }
0x120: {  	s21 =	sshra.s32 s28, $0x2;
	[tilespmem:s3+$0x178] =	vst @!p1 v2  }
.Ltmp16:
0x121: {  	s0 =	sadd.s32 $0x108, s21;
	(pc) =	sbr.rel .LBB2_18-.Ltmp16, $4  }
0x122: {  	[spmem:s13] =	stream.linear.scatter [tilespmem:s0], [sflag:$0x1], $0x80, $0x38;
	[tilespmem:$0x1F4C8] =	vst v63  }
0x123: {  	_ =	swait.ge [sflag:s11], $0x80  }
0x124: {  	[sflag:s11] =	ssyncset.done $0x0  }
0x125: {  	[sflag:s11] =	ssyncadd.s32 $0xFFFFFF80  }
.LBB2_17:
0x126: {  	s0 =	sshll.u32 s25, $0x9  }
0x127: {  	v3 =	vld [tilespmem:s21+$0x108];
	s28 =	sshra.s32 s0, $0x2  }
0x128: {  	v2 =	vld [tilespmem:s28+$0xA188];
	_ =	sdelay $0x3  }
0x129: {  	v5 =	vunpack.i.u.bf16.f32 v3  }
0x12a: {  	v3 =	vunpack.i.l.bf16.f32 v3;
	v4 =	vunpack.i.u.bf16.f32 v2;
	v2 =	vunpack.i.l.bf16.f32 v2  }
0x12b: {  	v4 =	vmax.f32 v4, v5;
	v2 =	vmax.f32 v2, v3  }
0x12c: {  	v2 =	vpack.i.f32.bf16 v4, v2  }
0x12d: {  	v3 =	vld [tilespmem:s21+$0x118];
	[tilespmem:s21+$0x108] =	vst v2  }
0x12e: {  	v2 =	vld [tilespmem:s28+$0xA198];
	_ =	sdelay $0x3  }
0x12f: {  	v51 =	vunpack.i.u.bf16.f32 v3  }
0x130: {  	v3 =	vunpack.i.l.bf16.f32 v3;
	v50 =	vunpack.i.u.bf16.f32 v2;
	v2 =	vunpack.i.l.bf16.f32 v2  }
0x131: {  	v4 =	vmax.f32 v50, v51;
	v2 =	vmax.f32 v2, v3  }
0x132: {  	v2 =	vpack.i.f32.bf16 v4, v2  }
0x133: {  	v3 =	vld [tilespmem:s21+$0x128];
	[tilespmem:s21+$0x118] =	vst v2  }
0x134: {  	v2 =	vld [tilespmem:s28+$0xA1A8];
	_ =	sdelay $0x3  }
0x135: {  	v53 =	vunpack.i.u.bf16.f32 v3  }
0x136: {  	v3 =	vunpack.i.l.bf16.f32 v3;
	v52 =	vunpack.i.u.bf16.f32 v2;
	v2 =	vunpack.i.l.bf16.f32 v2  }
0x137: {  	v4 =	vmax.f32 v52, v53;
	v2 =	vmax.f32 v2, v3  }
0x138: {  	v2 =	vpack.i.f32.bf16 v4, v2  }
0x139: {  	v3 =	vld [tilespmem:s21+$0x138];
	[tilespmem:s21+$0x128] =	vst v2  }
0x13a: {  	v2 =	vld [tilespmem:s28+$0xA1B8];
	_ =	sdelay $0x3  }
0x13b: {  	v55 =	vunpack.i.u.bf16.f32 v3  }
0x13c: {  	v3 =	vunpack.i.l.bf16.f32 v3;
	v54 =	vunpack.i.u.bf16.f32 v2;
	v2 =	vunpack.i.l.bf16.f32 v2  }
0x13d: {  	v4 =	vmax.f32 v54, v55;
	v2 =	vmax.f32 v2, v3  }
0x13e: {  	v2 =	vpack.i.f32.bf16 v4, v2  }
0x13f: {  	v3 =	vld [tilespmem:s21+$0x148];
	[tilespmem:s21+$0x138] =	vst v2  }
0x140: {  	v2 =	vld [tilespmem:s28+$0xA1C8];
	_ =	sdelay $0x3  }
0x141: {  	v57 =	vunpack.i.u.bf16.f32 v3  }
0x142: {  	v3 =	vunpack.i.l.bf16.f32 v3;
	v56 =	vunpack.i.u.bf16.f32 v2;
	v2 =	vunpack.i.l.bf16.f32 v2  }
0x143: {  	v4 =	vmax.f32 v56, v57;
	v2 =	vmax.f32 v2, v3  }
0x144: {  	v2 =	vpack.i.f32.bf16 v4, v2  }
0x145: {  	v3 =	vld [tilespmem:s21+$0x158];
	[tilespmem:s21+$0x148] =	vst v2  }
0x146: {  	v2 =	vld [tilespmem:s28+$0xA1D8];
	_ =	sdelay $0x3  }
0x147: {  	v59 =	vunpack.i.u.bf16.f32 v3  }
0x148: {  	v3 =	vunpack.i.l.bf16.f32 v3;
	v58 =	vunpack.i.u.bf16.f32 v2;
	v2 =	vunpack.i.l.bf16.f32 v2  }
0x149: {  	v4 =	vmax.f32 v58, v59;
	v2 =	vmax.f32 v2, v3  }
0x14a: {  	v2 =	vpack.i.f32.bf16 v4, v2  }
0x14b: {  	v3 =	vld [tilespmem:s21+$0x168];
	[tilespmem:s21+$0x158] =	vst v2  }
0x14c: {  	v2 =	vld [tilespmem:s28+$0xA1E8];
	_ =	sdelay $0x3  }
0x14d: {  	v61 =	vunpack.i.u.bf16.f32 v3  }
0x14e: {  	v3 =	vunpack.i.l.bf16.f32 v3;
	v60 =	vunpack.i.u.bf16.f32 v2;
	v2 =	vunpack.i.l.bf16.f32 v2  }
0x14f: {  	v4 =	vmax.f32 v60, v61;
	v2 =	vmax.f32 v2, v3  }
0x150: {  	v2 =	vpack.i.f32.bf16 v4, v2  }
0x151: {  	v3 =	vld [tilespmem:s21+$0x178];
	[tilespmem:s21+$0x168] =	vst v2  }
0x152: {  	v2 =	vld [tilespmem:s28+$0xA1F8];
	_ =	sdelay $0x3  }
0x153: {  	p1 =	slt.s32 s30, $0x0;
	p2 =	sgt.s32 s31, $0x138701;
	v63 =	vunpack.i.u.bf16.f32 v3  }
0x154: {  	p1 =	por p1, p2;
	v3 =	vunpack.i.l.bf16.f32 v3;
	v62 =	vunpack.i.u.bf16.f32 v2;
	v2 =	vunpack.i.l.bf16.f32 v2  }
0x155: {  	s3 =	sshrl.u32 @!p1 s30, $0x4;
	v4 =	vmax.f32 v62, v63;
	v2 =	vmax.f32 v2, v3  }
0x156: {  	s0 =	sshrl.u32 @!p1 s30, $0x1;
	s3 =	sadd.s32 @!p1 s1, s3;
	v2 =	vpack.i.f32.bf16 v4, v2  }
0x157: {  	s0 =	sand.u32 @!p1 $0x7, s0;
	s28 =	sadd.s32 $0x108, s21;
	[tilespmem:s21+$0x178] =	vst v2;
	s21 =	simm.s32 $0x0  }
0x158: {  	[hbm4b:s3+s0] =	stream.linear.scatter @!p1 [tilespmem:s28], [sflag:$0xA], $0x80, $0x38;
	[tilespmem:$0x1F4C8] =	vst v63  }
0x159: {  	s21 =	simm.s32 @!p1 $0x200  }
0x15a: {  	s24 =	sadd.s32 s24, s21  }
.LBB2_18:
0x15b: {  	_ =	sdelay $0x2  }
0x15c: {  	s0 =	sand.u32 $0x7FFFFF80, s23  }
0x15d: {  	s3 =	smulhi.u32 $0xCCCCCCCD, s29;
	v2 =	vld.idx.msk [tilespmem:v1+s0+$0x0 ss:$0x1], $0xffff  }
0x15e: {  	v3 =	vld.idx.msk [tilespmem:v1+s0+$0x10 ss:$0x1], $0xffff  }
0x15f: {  	s28 =	sand.u32 $0x7FFFFFC0, s23;
	v4 =	vld.idx.msk [tilespmem:v1+s0+$0x20 ss:$0x1], $0xffff;
	s3 =	sshrl.u32 s3, $0x8  }
0x160: {  	v5 =	vld.idx.msk [tilespmem:v1+s0+$0x30 ss:$0x1], $0xffff;
	s21 =	sor.u32 $0x40, s28;
	s3 =	smul.u32 $0x140, s3  }
0x161: {  	s30 =	sand.u32 $0x1, s26;
	s31 =	sor.u32 $0x50, s28;
	v6 =	vld.idx.msk [tilespmem:v1+s21+$0x0 ss:$0x1], $0xffff  }
0x162: {  	p1 =	seq.s32 s30, $0x1;
	s30 =	sor.u32 $0x60, s28;
	v8 =	vld.idx.msk [tilespmem:v1+s31+$0x0 ss:$0x1], $0xffff;
	s21 =	ssub.s32 s29, s3;
	v7 =	vunpack.i.u.bf16.f32 v2;
	v2 =	vunpack.i.l.bf16.f32 v2  }
0x163: {  	v9 =	vld.idx.msk [tilespmem:v1+s30+$0x0 ss:$0x1], $0xffff;
	s31 =	sor.u32 $0x70, s28;
	s3 =	sshll.u32 s21, $0x7;
	v57 =	vunpack.i.u.bf16.f32 v3;
	v3 =	vunpack.i.l.bf16.f32 v3;
	v2 =	vpsel p1, v7, v2  }
0x164: {  	v58 =	vld.idx.msk [tilespmem:v1+s31+$0x0 ss:$0x1], $0xffff;
	[tilespmem:s3+$0x108] =	vst v2;
	v2 =	vpsel p1, v57, v3;
	v3 =	vunpack.i.u.bf16.f32 v4;
	v4 =	vunpack.i.l.bf16.f32 v4  }
0x165: {  	v59 =	vunpack.i.l.bf16.f32 v5;
	[tilespmem:s3+$0x118] =	vst v2;
	v2 =	vpsel p1, v3, v4;
	v3 =	vunpack.i.u.bf16.f32 v5  }
0x166: {  	v60 =	vunpack.i.l.bf16.f32 v6;
	[tilespmem:s3+$0x128] =	vst v2;
	v2 =	vpsel p1, v3, v59;
	v3 =	vunpack.i.u.bf16.f32 v6  }
.Ltmp17:
0x167: {  	v61 =	vunpack.i.l.bf16.f32 v8;
	[tilespmem:s3+$0x138] =	vst v2;
	v2 =	vpsel p1, v3, v60;
	v3 =	vunpack.i.u.bf16.f32 v8;
	(pc) =	sbr.rel .LBB2_19-.Ltmp17, $4  }
0x168: {  	v62 =	vunpack.i.l.bf16.f32 v9;
	[tilespmem:s3+$0x148] =	vst v2;
	v2 =	vpsel p1, v3, v61;
	v3 =	vunpack.i.u.bf16.f32 v9  }
0x169: {  	v63 =	vunpack.i.l.bf16.f32 v58;
	[tilespmem:s3+$0x158] =	vst v2;
	v2 =	vpsel p1, v3, v62;
	v3 =	vunpack.i.u.bf16.f32 v58  }
0x16a: {  	[tilespmem:s3+$0x168] =	vst v2;
	v2 =	vpsel p1, v3, v63  }
0x16b: {  	s25 =	sadd.s32 $0x1, s25;
	s28 =	simm.s32 $0x1;
	[tilespmem:s3+$0x178] =	vst v2  }
.LBB2_21:
.Ltmp18:
0x16c: {  	(pc) =	sbr.rel .LBB2_22-.Ltmp18, $3  }
0x16d: {  	_ =	sdelay $0x1  }
0x16e: {  	_ =	swait.ge [sflag:s9], $0x0  }
0x16f: {  	s17 =	simm.s32 $0x0;
	[sflag:s9] =	ssyncset.done $0x0  }
.LBB2_24:
0x170: {  	_ =	sfence.sel $0x180000  }
0x171: {  	s0 =	simm.s32 $0x9;
	[bflag:$0x0] =	sbarrier.arrive $0xFFFF  }
0x172: {  	s7 =	simm.s32 $0x2;
	[sflag:s0] =	ssyncpa.u1 $0x1  }
0x173: {  	[sflag:s7] =	ssyncpa.u1 $0x1  }
0x174: {  	v0 =	vld [tilespmem:$0x14208];
	_ =	sdelay $0x4  }
0x175: {  	(v2sf) =	vpush v0, $0x0  }
0x176: {  	(v2sf) =	vpush v0, $0x1;
	_ =	sdelay $0x2  }
0x177: {  	(v2sf) =	vpush v0, $0x2;
	_ =	sdelay $0xa  }
0x178: {  	s9 =	spop (v2sf)  }
0x179: {  	s30 =	spop (v2sf)  }
0x17a: {  	s0 =	sxor.u32 s30, s9  }
0x17b: {  	p0 =	sgt.u32 s0, $0x1;
	s0 =	smov.u32 s9  }
0x17c: {  	s8 =	spop (v2sf);
	s0 =	simm.s32 @!p0 $0xFFFFFFFF  }
0x17d: {  	v2 =	vimm.s32 $0x1;
	v3 =	vlaneseq.u32;
	p1 =	seq.s32 s8, $0xFFFFFFFF;
	v1 =	vmov s0  }
.Ltmp19:
0x17e: {  	v2 =	vperm.xlane v0, v2;
	v1 =	vperm.xlane v1, v3;
	(pc) =	sbr.rel @p1 .LBB2_26-.Ltmp19, $4  }
0x17f: {  	vm0 =	vcmask $0x3F04  }
0x180: {  	s6 =	sshll.u32 s2, $0x1;
	v1 =	vsel vm0, v1, v2  }
0x181: {  	s3 =	simm.s32 $0x14208;
	s5 =	simm.s32 $0x1;
	s31 =	sor.u32 $0x1000, s6;
	[tilespmem:$0x14208] =	vst v1  }
0x182: {  	[spmem:s31] =	stream.linear.scatter [tilespmem:s3], [sflag:$0x1], $0x2, $0x38;
	[tilespmem:$0x1F4C8] =	vst v63  }
0x183: {  	(v2sf) =	vpush v0, $0x3;
	_ =	sdelay $0xe  }
0x184: {  	s0 =	spop (v2sf)  }
0x185: {  	p1 =	sne.s32 s0, $0x2  }
0x186: {  	s0 =	sand.u32 @p1 $0x1, s9;
	s7 =	sshll.u32 @p1 s8, $0x9  }
0x187: {  	p2 =	seq.s32 @p1 s0, $0x0;
	s0 =	sshra.s32 @p1 s7, $0x2  }
0x188: {  	v0 =	vld @p1 [tilespmem:s0+$0x108];
	p3 =	por !p2, !p1  }
0x189: {  	v1 =	vld @!p3 [tilespmem:s0+$0x118]  }
0x18a: {  	v2 =	vld @!p3 [tilespmem:s0+$0x128]  }
0x18b: {  	v3 =	vld @!p3 [tilespmem:s0+$0x138]  }
0x18c: {  	v4 =	vimm.f32 @!p3 $-Inf;
	v5 =	vld @!p3 [tilespmem:s0+$0x148]  }
0x18d: {  	v7 =	vld @!p3 [tilespmem:s0+$0x158];
	v6 =	vpack.i.f32.bf16 @!p3 v4, v0  }
0x18e: {  	[tilespmem:s0+$0x108] =	vst @!p3 v6;
	v1 =	vpack.i.f32.bf16 @!p3 v4, v1;
	v6 =	vld @!p3 [tilespmem:s0+$0x168]  }
0x18f: {  	[tilespmem:s0+$0x118] =	vst @!p3 v1;
	v1 =	vpack.i.f32.bf16 @!p3 v4, v2;
	v2 =	vld @!p3 [tilespmem:s0+$0x178]  }
0x190: {  	p2 =	por p2, !p1;
	[tilespmem:s0+$0x128] =	vst @!p3 v1;
	v1 =	vpack.i.f32.bf16 @!p3 v4, v3  }
0x191: {  	v3 =	vld @!p2 [tilespmem:s0+$0x118];
	[tilespmem:s0+$0x138] =	vst @!p3 v1;
	v1 =	vpack.i.f32.bf16 @!p3 v4, v5  }
0x192: {  	v5 =	vld @!p2 [tilespmem:s0+$0x128];
	[tilespmem:s0+$0x148] =	vst @!p3 v1;
	v1 =	vpack.i.f32.bf16 @!p3 v4, v7  }
0x193: {  	[tilespmem:s0+$0x158] =	vst @!p3 v1;
	v1 =	vpack.i.f32.bf16 @!p3 v4, v6;
	v6 =	vld @!p2 [tilespmem:s0+$0x138]  }
0x194: {  	[tilespmem:s0+$0x168] =	vst @!p3 v1;
	v1 =	vpack.i.f32.bf16 @!p3 v4, v2;
	v2 =	vimm.f32 @!p2 $-Inf;
	v4 =	vld @!p2 [tilespmem:s0+$0x148]  }
0x195: {  	[tilespmem:s0+$0x178] =	vst @!p3 v1;
	v0 =	vpack.i.f32.bf16 @!p2 v0, v2;
	v1 =	vld @!p2 [tilespmem:s0+$0x158]  }
0x196: {  	s3 =	sadd.s32 @!p1 $0x13F, s8;
	[tilespmem:s0+$0x108] =	vst @!p2 v0;
	v0 =	vpack.i.f32.bf16 @!p2 v3, v2;
	v3 =	vld @!p2 [tilespmem:s0+$0x168]  }
0x197: {  	s9 =	smulhi.u32 @!p1 $0xCCCCCCCD, s3;
	[tilespmem:s0+$0x118] =	vst @!p2 v0;
	v0 =	vpack.i.f32.bf16 @!p2 v5, v2;
	v5 =	vld @!p2 [tilespmem:s0+$0x178]  }
0x198: {  	[tilespmem:s0+$0x128] =	vst @!p2 v0;
	v0 =	vpack.i.f32.bf16 @!p2 v6, v2  }
0x199: {  	s9 =	sshrl.u32 @!p1 s9, $0x8;
	[tilespmem:s0+$0x138] =	vst @!p2 v0;
	v0 =	vpack.i.f32.bf16 @!p2 v4, v2  }
0x19a: {  	s9 =	smul.u32 @!p1 $0x140, s9;
	[tilespmem:s0+$0x148] =	vst @!p2 v0;
	v0 =	vpack.i.f32.bf16 @!p2 v1, v2  }
0x19b: {  	[tilespmem:s0+$0x158] =	vst @!p2 v0;
	v0 =	vpack.i.f32.bf16 @!p2 v3, v2  }
0x19c: {  	s3 =	ssub.s32 @!p1 s3, s9;
	[tilespmem:s0+$0x168] =	vst @!p2 v0;
	v0 =	vpack.i.f32.bf16 @!p2 v5, v2  }
0x19d: {  	[tilespmem:s0+$0x178] =	vst @!p2 v0;
	s0 =	sshll.u32 @!p1 s3, $0x7;
	s3 =	sshll.u32 @!p1 s8, $0x9  }
0x19e: {  	s8 =	sshra.s32 @!p1 s3, $0x2;
	v0 =	vld @!p1 [tilespmem:s0+$0x108]  }
0x19f: {  	v1 =	vld @!p1 [tilespmem:s8+$0x108];
	_ =	sdelay $0x4  }
0x1a0: {  	v0 =	vpack.i.f32.bf16 @!p1 v1, v0  }
0x1a1: {  	v1 =	vld @!p1 [tilespmem:s8+$0x118];
	[tilespmem:s8+$0x108] =	vst @!p1 v0  }
0x1a2: {  	v0 =	vld @!p1 [tilespmem:s0+$0x118];
	_ =	sdelay $0x4  }
0x1a3: {  	v0 =	vpack.i.f32.bf16 @!p1 v1, v0  }
0x1a4: {  	v1 =	vld @!p1 [tilespmem:s8+$0x128];
	[tilespmem:s8+$0x118] =	vst @!p1 v0  }
0x1a5: {  	v0 =	vld @!p1 [tilespmem:s0+$0x128];
	_ =	sdelay $0x4  }
0x1a6: {  	v0 =	vpack.i.f32.bf16 @!p1 v1, v0  }
0x1a7: {  	v1 =	vld @!p1 [tilespmem:s8+$0x138];
	[tilespmem:s8+$0x128] =	vst @!p1 v0  }
0x1a8: {  	v0 =	vld @!p1 [tilespmem:s0+$0x138];
	_ =	sdelay $0x4  }
0x1a9: {  	v0 =	vpack.i.f32.bf16 @!p1 v1, v0  }
0x1aa: {  	v1 =	vld @!p1 [tilespmem:s8+$0x148];
	[tilespmem:s8+$0x138] =	vst @!p1 v0  }
0x1ab: {  	v0 =	vld @!p1 [tilespmem:s0+$0x148];
	_ =	sdelay $0x4  }
0x1ac: {  	v0 =	vpack.i.f32.bf16 @!p1 v1, v0  }
0x1ad: {  	v1 =	vld @!p1 [tilespmem:s8+$0x158];
	[tilespmem:s8+$0x148] =	vst @!p1 v0  }
0x1ae: {  	v0 =	vld @!p1 [tilespmem:s0+$0x158];
	_ =	sdelay $0x4  }
0x1af: {  	v0 =	vpack.i.f32.bf16 @!p1 v1, v0  }
0x1b0: {  	v1 =	vld @!p1 [tilespmem:s8+$0x168];
	[tilespmem:s8+$0x158] =	vst @!p1 v0  }
0x1b1: {  	v0 =	vld @!p1 [tilespmem:s0+$0x168];
	_ =	sdelay $0x4  }
0x1b2: {  	v0 =	vpack.i.f32.bf16 @!p1 v1, v0  }
0x1b3: {  	v1 =	vld @!p1 [tilespmem:s8+$0x178];
	[tilespmem:s8+$0x168] =	vst @!p1 v0  }
0x1b4: {  	v0 =	vld @!p1 [tilespmem:s0+$0x178];
	_ =	sdelay $0x2  }
0x1b5: {  	s0 =	simm.s32 $0x1  }
0x1b6: {  	s3 =	smov.u32 @p1 s7;
	s0 =	simm.s32 @!p0 $0x0  }
0x1b7: {  	s3 =	sshra.s32 s3, $0x2;
	s0 =	sor.u32 s0, s6;
	v0 =	vpack.i.f32.bf16 @!p1 v1, v0  }
0x1b8: {  	s7 =	simm.s32 $0x82;
	s3 =	sadd.s32 $0x108, s3;
	s0 =	sshll.u32 s0, $0x7;
	[tilespmem:s8+$0x178] =	vst @!p1 v0  }
0x1b9: {  	[spmem:s0] =	stream.linear.scatter [tilespmem:s3], [sflag:$0x1], $0x80, $0x38;
	[tilespmem:$0x1F4C8] =	vst v63  }
.LBB2_26:
0x1ba: {  	_ =	swait.ge [sflag:s5], s7  }
0x1bb: {  	s0 =	ssub.s32 $0x0, s7;
	[sflag:s5] =	ssyncset.done $0x0  }
0x1bc: {  	p0 =	sne.s32 s2, $0x0;
	[sflag:s5] =	ssyncadd.s32 s0  }
.Ltmp20:
0x1bd: {  	_ =	sfence.stream.spmem;
	(pc) =	sbr.rel @p0 .LBB2_46-.Ltmp20, $4  }
0x1be: {  	s29 =	simm.s32 $0x3;
	[bflag:$0x0] =	sbarrier.arrive $0xFFFF  }
0x1bf: {  	s30 =	simm.s32 $0x4;
	[sflag:s29] =	ssyncpa.u1 $0x1  }
0x1c0: {  	s31 =	simm.s32 $0x3C;
	[sflag:s30] =	ssyncpa.u1 $0x1  }
0x1c1: {  	s5 =	sand.u32 $0x1, s4;
	[sflag:s31] =	ssyncpa.u1 $0x1  }
0x1c2: {  	_ =	sfence.stream.spmem;
	s0 =	simm.s32 $0x5  }
0x1c3: {  	s3 =	simm.s32 $0x1000;
	s6 =	simm.s32 $0x14218;
	[sflag:s0] =	ssyncpa.u1 $0x0  }
0x1c4: {  	[tilespmem:s6], [sflag:$0x5] =	stream.linear.gather [spmem:s3], $0x20, $0x38;
	[tilespmem:$0x1F4C8] =	vst v63  }
0x1c5: {  	s26 =	simm.s32 $0x0;
	s28 =	simm.s32 $0x14238  }
0x1c6: {  	[tilespmem:s28], [sflag:$0x5] =	stream.linear.gather [spmem:s26], $0x1000, $0x38;
	[tilespmem:$0x1F4C8] =	vst v63  }
0x1c7: {  	_ =	swait.ge [sflag:s0], $0x1020  }
0x1c8: {  	[sflag:s0] =	ssyncset.done $0x0  }
0x1c9: {  	s29 =	simm.s32 $0x0;
	[sflag:s0] =	ssyncadd.s32 $0xFFFFEFE0  }
0x1ca: {  	v0 =	vld.msk [tilespmem:s29+$0x14218], $0x1;
	_ =	sdelay $0x1  }
0x1cb: {  	s30 =	simm.s32 $0x1  }
0x1cc: {  	v1 =	vld.msk [tilespmem:s30+$0x14218], $0x1;
	_ =	sdelay $0x1  }
0x1cd: {  	(v2sf) =	vpush v0, $0x0;
	_ =	sdelay $0x2  }
0x1ce: {  	(v2sf) =	vpush v1, $0x0;
	_ =	sdelay $0x2  }
0x1cf: {  	s31 =	simm.s32 $0x2  }
0x1d0: {  	v0 =	vld.msk [tilespmem:s31+$0x14218], $0x1;
	_ =	sdelay $0x2  }
0x1d1: {  	s8 =	simm.s32 $0xFFFFFFFF;
	s7 =	simm.s32 $0xFFFFFFFF;
	s6 =	simm.s32 $0xC  }
.LBB2_28:
0x1d2: {  	s0 =	smov.u32 s7;
	s3 =	smov.u32 s8  }
0x1d3: {  	s7 =	sshra.s32 s6, $0x2;
	p1 =	sne.s32 s6, $0x7C;
	s6 =	sadd.s32 $0x4, s6;
	(v2sf) =	vpush v0, $0x0  }
0x1d4: {  	v0 =	vld.msk [tilespmem:s7+$0x14218], $0x1  }
.Ltmp21:
0x1d5: {  	(pc) =	sbr.rel @p1 .LBB2_28-.Ltmp21, $4  }
0x1d6: {  	s7 =	spop (v2sf)  }
0x1d7: {  	p2 =	sne.s32 s8, $0xFFFFFFFF;
	s8 =	smov.u32 s7  }
0x1d8: {  	p3 =	seq.s32 s7, $0xFFFFFFFF;
	s8 =	smov.u32 @p2 s3  }
0x1d9: {  	s7 =	smov.u32 @p3 s0;
	s8 =	smov.u32 @p3 s3  }
0x1da: {  	(v2sf) =	vpush v0, $0x0;
	_ =	sdelay $0x8  }
0x1db: {  	s0 =	spop (v2sf)  }
0x1dc: {  	p1 =	sne.s32 s8, $0xFFFFFFFF;
	s3 =	smov.u32 s0  }
0x1dd: {  	p2 =	seq.s32 s0, $0xFFFFFFFF;
	s3 =	smov.u32 @p1 s8  }
0x1de: {  	s9 =	simm.s32 $0x6;
	s3 =	smov.u32 @p2 s8;
	s6 =	spop (v2sf)  }
0x1df: {  	s10 =	simm.s32 $0x14188;
	p1 =	sne.s32 s3, $0xFFFFFFFF;
	s8 =	smov.u32 s6  }
0x1e0: {  	s11 =	simm.s32 $0x0;
	s8 =	smov.u32 @p1 s3;
	p1 =	seq.s32 s6, $0xFFFFFFFF  }
.Ltmp22:
0x1e1: {  	s8 =	smov.u32 @p1 s3;
	s3 =	spop (v2sf);
	(pc) =	sbr.rel .LBB2_30-.Ltmp22, $4  }
0x1e2: {  	s0 =	smov.u32 @p2 s7;
	p2 =	sne.s32 s8, $0xFFFFFFFF;
	s7 =	smov.u32 s3  }
0x1e3: {  	s6 =	smov.u32 @p1 s0;
	p1 =	seq.s32 s3, $0xFFFFFFFF;
	s7 =	smov.u32 @p2 s8  }
0x1e4: {  	[sflag:s9] =	ssyncpa.u1 $0x0;
	s3 =	smov.u32 @p1 s6;
	s7 =	smov.u32 @p1 s8  }
0x1e5: {  	s6 =	simm.s32 $0x0;
	s8 =	sand.u32 $0xFFFFFFFE, s3;
	s7 =	sand.u32 $0xFFFFFFFE, s7  }
.LBB2_35:
0x1e6: {  	s0 =	sshll.u32 s11, $0x7  }
0x1e7: {  	s31 =	sshll.u32 s15, $0x9;
	s13 =	sand.u32 $0x3FFFFF80, s0  }
0x1e8: {  	s12 =	sshra.s32 s31, $0x2;
	v0 =	vld [tilespmem:s13+$0x14238]  }
0x1e9: {  	v1 =	vld [tilespmem:s12+$0x14238];
	_ =	sdelay $0x3  }
0x1ea: {  	v2 =	vunpack.i.u.bf16.f32 v0  }
0x1eb: {  	v0 =	vunpack.i.l.bf16.f32 v0;
	v3 =	vunpack.i.u.bf16.f32 v1;
	v1 =	vunpack.i.l.bf16.f32 v1  }
0x1ec: {  	v2 =	vmax.f32 v2, v3;
	v0 =	vmax.f32 v0, v1  }
0x1ed: {  	v0 =	vpack.i.f32.bf16 v2, v0  }
0x1ee: {  	v43 =	vld [tilespmem:s12+$0x14248];
	[tilespmem:s12+$0x14238] =	vst v0  }
0x1ef: {  	v0 =	vld [tilespmem:s13+$0x14248];
	_ =	sdelay $0x3  }
0x1f0: {  	v45 =	vunpack.i.u.bf16.f32 v43  }
0x1f1: {  	v1 =	vunpack.i.l.bf16.f32 v43;
	v44 =	vunpack.i.u.bf16.f32 v0;
	v0 =	vunpack.i.l.bf16.f32 v0  }
0x1f2: {  	v2 =	vmax.f32 v44, v45;
	v0 =	vmax.f32 v0, v1  }
0x1f3: {  	v0 =	vpack.i.f32.bf16 v2, v0  }
0x1f4: {  	v46 =	vld [tilespmem:s12+$0x14258];
	[tilespmem:s12+$0x14248] =	vst v0  }
0x1f5: {  	v0 =	vld [tilespmem:s13+$0x14258];
	_ =	sdelay $0x3  }
0x1f6: {  	v48 =	vunpack.i.u.bf16.f32 v46  }
0x1f7: {  	v1 =	vunpack.i.l.bf16.f32 v46;
	v47 =	vunpack.i.u.bf16.f32 v0;
	v0 =	vunpack.i.l.bf16.f32 v0  }
0x1f8: {  	v2 =	vmax.f32 v47, v48;
	v0 =	vmax.f32 v0, v1  }
0x1f9: {  	v0 =	vpack.i.f32.bf16 v2, v0  }
0x1fa: {  	v49 =	vld [tilespmem:s12+$0x14268];
	[tilespmem:s12+$0x14258] =	vst v0  }
0x1fb: {  	v0 =	vld [tilespmem:s13+$0x14268];
	_ =	sdelay $0x3  }
0x1fc: {  	v51 =	vunpack.i.u.bf16.f32 v49  }
0x1fd: {  	v1 =	vunpack.i.l.bf16.f32 v49;
	v50 =	vunpack.i.u.bf16.f32 v0;
	v0 =	vunpack.i.l.bf16.f32 v0  }
0x1fe: {  	v2 =	vmax.f32 v50, v51;
	v0 =	vmax.f32 v0, v1  }
0x1ff: {  	v0 =	vpack.i.f32.bf16 v2, v0  }
0x200: {  	v52 =	vld [tilespmem:s12+$0x14278];
	[tilespmem:s12+$0x14268] =	vst v0  }
0x201: {  	v0 =	vld [tilespmem:s13+$0x14278];
	_ =	sdelay $0x3  }
0x202: {  	v54 =	vunpack.i.u.bf16.f32 v52  }
0x203: {  	v1 =	vunpack.i.l.bf16.f32 v52;
	v53 =	vunpack.i.u.bf16.f32 v0;
	v0 =	vunpack.i.l.bf16.f32 v0  }
0x204: {  	v2 =	vmax.f32 v53, v54;
	v0 =	vmax.f32 v0, v1  }
0x205: {  	v0 =	vpack.i.f32.bf16 v2, v0  }
0x206: {  	v55 =	vld [tilespmem:s12+$0x14288];
	[tilespmem:s12+$0x14278] =	vst v0  }
0x207: {  	v0 =	vld [tilespmem:s13+$0x14288];
	_ =	sdelay $0x3  }
0x208: {  	v57 =	vunpack.i.u.bf16.f32 v55  }
0x209: {  	v1 =	vunpack.i.l.bf16.f32 v55;
	v56 =	vunpack.i.u.bf16.f32 v0;
	v0 =	vunpack.i.l.bf16.f32 v0  }
0x20a: {  	v2 =	vmax.f32 v56, v57;
	v0 =	vmax.f32 v0, v1  }
0x20b: {  	v0 =	vpack.i.f32.bf16 v2, v0  }
0x20c: {  	v58 =	vld [tilespmem:s12+$0x14298];
	[tilespmem:s12+$0x14288] =	vst v0  }
0x20d: {  	v0 =	vld [tilespmem:s13+$0x14298];
	_ =	sdelay $0x3  }
0x20e: {  	v60 =	vunpack.i.u.bf16.f32 v58  }
0x20f: {  	v1 =	vunpack.i.l.bf16.f32 v58;
	v59 =	vunpack.i.u.bf16.f32 v0;
	v0 =	vunpack.i.l.bf16.f32 v0  }
0x210: {  	v2 =	vmax.f32 v59, v60;
	v0 =	vmax.f32 v0, v1  }
0x211: {  	v0 =	vpack.i.f32.bf16 v2, v0  }
0x212: {  	v61 =	vld [tilespmem:s12+$0x142A8];
	[tilespmem:s12+$0x14298] =	vst v0  }
0x213: {  	v0 =	vld [tilespmem:s13+$0x142A8];
	_ =	sdelay $0x3  }
0x214: {  	v63 =	vunpack.i.u.bf16.f32 v61  }
0x215: {  	v1 =	vunpack.i.l.bf16.f32 v61;
	v62 =	vunpack.i.u.bf16.f32 v0;
	v0 =	vunpack.i.l.bf16.f32 v0  }
0x216: {  	v2 =	vmax.f32 v62, v63;
	v0 =	vmax.f32 v0, v1  }
0x217: {  	v0 =	vpack.i.f32.bf16 v2, v0  }
0x218: {  	[tilespmem:s12+$0x142A8] =	vst v0  }
.LBB2_40:
0x219: {  	s11 =	sadd.s32 $0x1, s11  }
0x21a: {  	p1 =	sne.s32 s11, $0x20  }
.Ltmp23:
0x21b: {  	_ = 	snop;
	(pc) =	sbr.rel @!p1 .LBB2_41-.Ltmp23, $1  }
0x21c: {  	_ =	sdelay $0x3  }
.LBB2_30:
0x21d: {  	v0 =	vld.msk [tilespmem:s11+$0x14218], $0x1;
	_ =	sdelay $0x4  }
0x21e: {  	(v2sf) =	vpush v0, $0x0;
	_ =	sdelay $0xe  }
0x21f: {  	s12 =	spop (v2sf)  }
0x220: {  	p1 =	seq.s32 s12, $0xFFFFFFFF  }
.Ltmp24:
0x221: {  	_ = 	snop;
	(pc) =	sbr.rel @p1 .LBB2_40-.Ltmp24, $1  }
0x222: {  	_ =	sdelay $0x3  }
0x223: {  	p1 =	slt.s32 s6, $0x1  }
.Ltmp25:
0x224: {  	_ = 	snop;
	(pc) =	sbr.rel @p1 .LBB2_36-.Ltmp25, $2  }
0x225: {  	_ =	sdelay $0x2  }
0x226: {  	s13 =	sand.u32 $0xFFFFFFFE, s12  }
0x227: {  	s14 =	simm.s32 $0x14218;
	p1 =	por $0x0, $0x0  }
0x228: {  	v1 =	vld.msk @!p1 [tilespmem:s14+$0x0], $0x1;
	_ =	sdelay $0x4  }
0x229: {  	(v2sf) =	vpush @!p1 v1, $0x0;
	_ =	sdelay $0xe  }
0x22a: {  	p3 =	sne.s32 s6, $0x1;
	s0 =	spop @!p1 (v2sf)  }
.Ltmp26:
0x22b: {  	s0 =	sand.u32 @!p1 $0xFFFFFFFE, s0;
	(pc) =	sbr.rel @!p3 .LBB2_34-.Ltmp26, $4  }
0x22c: {  	p2 =	seq.s32 @!p1 s13, s0  }
0x22d: {  	s15 =	simm.s32 $0x0;
	p2 =	por !p2, p1  }
0x22e: {  	s0 =	simm.s32 $0xFFFFFFFF;
	s15 =	simm.s32 @p2 $0xFFFFFFFF  }
0x22f: {  	s16 =	simm.s32 $0x1;
	s15 =	smov.u32 @p1 s0  }
.LBB2_33:
0x230: {  	s0 =	smov.u32 s15;
	p1 =	sne.s32 s15, $0xFFFFFFFF  }
0x231: {  	s14 =	sadd.s32 $0x1, s14;
	s15 =	smov.u32 s16;
	s16 =	sadd.s32 $0x1, s16  }
0x232: {  	p2 =	sne.s32 s6, s16;
	v1 =	vld.msk @!p1 [tilespmem:s14+$0x0], $0x1;
	_ =	sdelay $0x4  }
0x233: {  	(v2sf) =	vpush @!p1 v1, $0x0;
	_ =	sdelay $0xe  }
0x234: {  	s3 =	spop @!p1 (v2sf)  }
.Ltmp27:
0x235: {  	s3 =	sand.u32 @!p1 $0xFFFFFFFE, s3;
	(pc) =	sbr.rel @p2 .LBB2_33-.Ltmp27, $4  }
0x236: {  	p3 =	seq.s32 @!p1 s13, s3  }
0x237: {  	p3 =	por !p3, p1  }
0x238: {  	s15 =	simm.s32 @p3 $0xFFFFFFFF  }
0x239: {  	s15 =	smov.u32 @p1 s0  }
.LBB2_34:
0x23a: {  	p1 =	seq.s32 s15, $0xFFFFFFFF  }
.Ltmp28:
0x23b: {  	_ = 	snop;
	(pc) =	sbr.rel @!p1 .LBB2_35-.Ltmp28, $1  }
0x23c: {  	_ =	sdelay $0x3  }
.LBB2_36:
0x23d: {  	p1 =	sgt.u32 s12, $0x138701  }
0x23e: {  	p2 =	seq.s32 @!p1 s13, s7  }
0x23f: {  	p1 =	por p1, p2  }
0x240: {  	p2 =	sne.s32 @!p1 s13, s8  }
0x241: {  	p1 =	por p1, !p2  }
.Ltmp29:
0x242: {  	_ = 	snop;
	(pc) =	sbr.rel @p1 .LBB2_37-.Ltmp29, $1  }
0x243: {  	_ =	sdelay $0x3  }
0x244: {  	s0 =	sshrl.u32 s12, $0x1;
	s3 =	sshrl.u32 s12, $0x4  }
0x245: {  	s3 =	sadd.s32 s1, s3;
	s0 =	sand.u32 $0x7, s0  }
0x246: {  	[tilespmem:s10], [sflag:$0x6] =	stream.linear.gather [hbm4b:s3+s0], $0x80, $0x38;
	[tilespmem:$0x1F4C8] =	vst v63  }
0x247: {  	_ =	swait.ge [sflag:s9], $0x80  }
0x248: {  	[sflag:s9] =	ssyncset.done $0x0  }
0x249: {  	s12 =	sshll.u32 s11, $0x9;
	[sflag:s9] =	ssyncadd.s32 $0xFFFFFF80  }
0x24a: {  	s13 =	sshrl.u32 s12, $0x2;
	v1 =	vld [tilespmem:$0x14188]  }
0x24b: {  	v2 =	vld [tilespmem:s13+$0x14238]  }
0x24c: {  	v4 =	vld [tilespmem:s13+$0x14248]  }
0x24d: {  	v5 =	vld [tilespmem:$0x141A8]  }
0x24e: {  	v7 =	vld [tilespmem:s13+$0x14258]  }
0x24f: {  	v9 =	vld [tilespmem:$0x141B8]  }
0x250: {  	v41 =	vld [tilespmem:s13+$0x14268]  }
0x251: {  	v42 =	vld [tilespmem:$0x141C8]  }
0x252: {  	v11 =	vld [tilespmem:s13+$0x14278]  }
0x253: {  	v12 =	vld [tilespmem:$0x141D8]  }
0x254: {  	v14 =	vld [tilespmem:s13+$0x14288]  }
0x255: {  	v48 =	vld [tilespmem:$0x141E8];
	v6 =	vunpack.i.u.bf16.f32 v1  }
0x256: {  	v51 =	vld [tilespmem:s13+$0x14298];
	v1 =	vunpack.i.l.bf16.f32 v1;
	v8 =	vunpack.i.u.bf16.f32 v2;
	v2 =	vunpack.i.l.bf16.f32 v2  }
0x257: {  	v54 =	vld [tilespmem:$0x141F8];
	v10 =	vunpack.i.u.bf16.f32 v4;
	v4 =	vunpack.i.l.bf16.f32 v4;
	v43 =	vunpack.i.u.bf16.f32 v5  }
0x258: {  	v15 =	vld [tilespmem:s13+$0x142A8];
	v5 =	vunpack.i.l.bf16.f32 v5;
	v44 =	vunpack.i.u.bf16.f32 v7;
	v7 =	vunpack.i.l.bf16.f32 v7  }
0x259: {  	v45 =	vunpack.i.u.bf16.f32 v9;
	v9 =	vunpack.i.l.bf16.f32 v9;
	v13 =	vunpack.i.u.bf16.f32 v41  }
0x25a: {  	v3 =	vld [tilespmem:$0x14198];
	v49 =	vunpack.i.u.bf16.f32 v42;
	v50 =	vunpack.i.u.bf16.f32 v11;
	v52 =	vunpack.i.l.bf16.f32 v11  }
0x25b: {  	v53 =	vunpack.i.u.bf16.f32 v12;
	v12 =	vunpack.i.l.bf16.f32 v12;
	v55 =	vunpack.i.u.bf16.f32 v14  }
0x25c: {  	v14 =	vunpack.i.l.bf16.f32 v14;
	v58 =	vunpack.i.u.bf16.f32 v48;
	v59 =	vunpack.i.u.bf16.f32 v51  }
0x25d: {  	v60 =	vunpack.i.l.bf16.f32 v51;
	v61 =	vunpack.i.u.bf16.f32 v54;
	v62 =	vunpack.i.u.bf16.f32 v15  }
0x25e: {  	v63 =	vunpack.i.l.bf16.f32 v15;
	v6 =	vmax.f32 v6, v8;
	v1 =	vmax.f32 v1, v2  }
0x25f: {  	v2 =	vunpack.i.u.bf16.f32 v3;
	v3 =	vunpack.i.l.bf16.f32 v3;
	v8 =	vunpack.i.l.bf16.f32 v41  }
0x260: {  	v5 =	vmax.f32 v5, v7;
	v46 =	vmax.f32 v45, v13;
	v7 =	vmax.f32 v49, v50  }
0x261: {  	v1 =	vpack.i.f32.bf16 v6, v1;
	v2 =	vmax.f32 v2, v10;
	v3 =	vmax.f32 v3, v4  }
0x262: {  	v56 =	vmax.f32 v53, v55;
	v6 =	vmax.f32 v43, v44;
	v2 =	vpack.i.f32.bf16 v2, v3;
	[tilespmem:s13+$0x14238] =	vst v1  }
0x263: {  	v8 =	vmax.f32 v9, v8;
	v4 =	vunpack.i.l.bf16.f32 v42;
	v3 =	vpack.i.f32.bf16 v6, v5;
	[tilespmem:s13+$0x14248] =	vst v2  }
0x264: {  	v57 =	vmax.f32 v12, v14;
	v47 =	vpack.i.f32.bf16 v46, v8;
	v1 =	vmax.f32 v4, v52;
	[tilespmem:s13+$0x14258] =	vst v3  }
0x265: {  	v4 =	vmax.f32 v58, v59;
	v1 =	vpack.i.f32.bf16 v7, v1;
	v3 =	vunpack.i.l.bf16.f32 v48;
	[tilespmem:s13+$0x14268] =	vst v47  }
0x266: {  	v2 =	vpack.i.f32.bf16 v56, v57;
	v3 =	vmax.f32 v3, v60;
	[tilespmem:s13+$0x14278] =	vst v1;
	v1 =	vunpack.i.l.bf16.f32 v54  }
0x267: {  	[tilespmem:s13+$0x14288] =	vst v2;
	v2 =	vpack.i.f32.bf16 v4, v3;
	v3 =	vmax.f32 v61, v62;
	v1 =	vmax.f32 v1, v63  }
0x268: {  	[tilespmem:s13+$0x14298] =	vst v2;
	v1 =	vpack.i.f32.bf16 v3, v1  }
0x269: {  	[tilespmem:s13+$0x142A8] =	vst v1  }
.LBB2_39:
0x26a: {  	[tilespmem:s6+$0x14218] =	vst.msk $0x1, v0;
	s0 =	sshrl.u32 s12, $0x2  }
0x26b: {  	v0 =	vld [tilespmem:s0+$0x14238];
	_ =	sdelay $0x2  }
0x26c: {  	s3 =	sshll.u32 s6, $0x9  }
0x26d: {  	s3 =	sshra.s32 s3, $0x2  }
0x26e: {  	[tilespmem:s3+$0x14238] =	vst v0  }
0x26f: {  	v0 =	vld [tilespmem:s0+$0x14248];
	_ =	sdelay $0x4  }
0x270: {  	[tilespmem:s3+$0x14248] =	vst v0  }
0x271: {  	v0 =	vld [tilespmem:s0+$0x14258];
	_ =	sdelay $0x4  }
0x272: {  	[tilespmem:s3+$0x14258] =	vst v0  }
0x273: {  	v0 =	vld [tilespmem:s0+$0x14268];
	_ =	sdelay $0x4  }
0x274: {  	[tilespmem:s3+$0x14268] =	vst v0  }
0x275: {  	v0 =	vld [tilespmem:s0+$0x14278];
	_ =	sdelay $0x4  }
0x276: {  	[tilespmem:s3+$0x14278] =	vst v0  }
0x277: {  	v0 =	vld [tilespmem:s0+$0x14288];
	_ =	sdelay $0x4  }
0x278: {  	[tilespmem:s3+$0x14288] =	vst v0  }
0x279: {  	v0 =	vld [tilespmem:s0+$0x14298];
	_ =	sdelay $0x4  }
0x27a: {  	[tilespmem:s3+$0x14298] =	vst v0  }
0x27b: {  	v0 =	vld [tilespmem:s0+$0x142A8]  }
.Ltmp30:
0x27c: {  	_ = 	snop;
	(pc) =	sbr.rel .LBB2_40-.Ltmp30, $2  }
0x27d: {  	_ =	sdelay $0x2  }
0x27e: {  	s6 =	sadd.s32 $0x1, s6;
	[tilespmem:s3+$0x142A8] =	vst v0  }
.LBB2_37:
.Ltmp31:
0x27f: {  	(pc) =	sbr.rel .LBB2_39-.Ltmp31, $2  }
0x280: {  	_ =	sdelay $0x2  }
0x281: {  	s12 =	sshll.u32 s11, $0x9  }
.LBB2_41:
0x282: {  	s0 =	simm.s32 $0x6;
	p1 =	seq.s32 s6, $0x0  }
0x283: {  	[sflag:s0] =	ssyncpa.u1 $0x1;
	v0 =	vimm.s32 @p1 $0xFFFFFFFF  }
0x284: {  	s9 =	sadd.s32 $0xFFFFFFFF, s6;
	[tilespmem:$0x15238] =	vst @p1 v0  }
0x285: {  	v0 =	vld.msk @!p1 [tilespmem:s9+$0x14218], $0x1;
	_ =	sdelay $0x1  }
0x286: {  	v1 =	vld.msk @!p1 [tilespmem:$0x14218], $0x1;
	_ =	sdelay $0x2  }
0x287: {  	p2 =	seq.s32 @!p1 s9, $0x0;
	v0 =	vbroadcast @!p1 v0, $0x0  }
0x288: {  	vm0 =	vmmov @!p1 $0x1;
	p2 =	por !p2, p1  }
0x289: {  	v1 =	vnsel @!p1 vm0, $0xFFFFFFFF, v1;
	vm0 =	vcmask @!p1 $0x308;
	v0 =	vpsel !p2, $0xFFFFFFFF, v0  }
0x28a: {  	p2 =	sne.s32 @!p1 s7, s8;
	v0 =	vsel @!p1 vm0, v1, v0  }
0x28b: {  	s0 =	simm.s32 @!p1 $0x14238;
	s3 =	simm.s32 @!p1 $0x0;
	p3 =	por !p2, p1;
	[tilespmem:$0x15238] =	vst @!p1 v0  }
0x28c: {  	[spmem:s3] =	stream.linear.scatter @!p1 [tilespmem:s0], [sflag:$0x1], $0x80, $0x38;
	[tilespmem:$0x1F4C8] =	vst v63  }
0x28d: {  	s0 =	sshll.u32 @!p3 s9, $0x9  }
0x28e: {  	s0 =	sshra.s32 @!p3 s0, $0x2  }
0x28f: {  	s3 =	simm.s32 @!p3 $0x80;
	s0 =	sadd.s32 @!p3 $0x14238, s0  }
0x290: {  	[spmem:s3] =	stream.linear.scatter @!p3 [tilespmem:s0], [sflag:$0x1], $0x80, $0x38;
	[tilespmem:$0x1F4C8] =	vst v63  }
0x291: {  	s0 =	simm.s32 @!p3 $0x1  }
0x292: {  	_ =	swait.ge @!p3 [sflag:s0], $0x100  }
0x293: {  	p1 =	por p2, p1;
	[sflag:s0] =	ssyncset.done @!p3 $0x0  }
0x294: {  	[sflag:s0] =	ssyncadd.s32 @!p3 $0xFFFFFF00;
	s0 =	simm.s32 @!p1 $0x1  }
0x295: {  	_ =	swait.ge @!p1 [sflag:s0], $0x80  }
0x296: {  	s29 =	simm.s32 $0x15238;
	[sflag:s0] =	ssyncset.done @!p1 $0x0  }
0x297: {  	s30 =	simm.s32 $0x1000;
	s31 =	simm.s32 $0x1;
	[sflag:s0] =	ssyncadd.s32 @!p1 $0xFFFFFF80  }
0x298: {  	[spmem:s30] =	stream.linear.scatter [tilespmem:s29], [sflag:$0x1], $0x10, $0x38;
	[tilespmem:$0x1F4C8] =	vst v63  }
0x299: {  	_ =	swait.ge [sflag:s31], $0x10  }
0x29a: {  	[sflag:s31] =	ssyncset.done $0x0  }
0x29b: {  	p1 =	seq.s32 s5, $0x0;
	[sflag:s31] =	ssyncadd.s32 $0xFFFFFFF0  }
0x29c: {  	s3 =	sshll.u32 @p1 s4, $0xE;
	s11 =	rddreg [dreg:$0x2]  }
0x29d: {  	s0 =	sadd.s32 @p1 $0x15C3C, s3;
	s3 =	sshll.u32 @p1 s11, $0x11  }
0x29e: {  	_ =	sfence.stream.spmem;
	s0 =	sor.u32 @p1 s3, s0  }
0x29f: {  	[sflag:s0] =	ssyncadd.remote.s32 @p1 $0x1;
	s0 =	simm.s32 @p1 $0x4  }
0x2a0: {  	s7 =	simm.s32 @!p1 $0x3C;
	s3 =	sand.u32 $0xFFFFFFFE, s4;
	_ =	swait.ge @p1 [sflag:s0], $0x22  }
0x2a1: {  	s8 =	simm.s32 @!p1 $0x0;
	s3 =	sadd.s32 @!p1 $0x4, s3;
	[sflag:s0] =	ssyncset.done @p1 $0x0  }
0x2a2: {  	s10 =	simm.s32 @!p1 $0x100;
	[sflag:s0] =	ssyncadd.s32 @p1 $0xFFFFFFDE;
	s0 =	sshll.u32 @!p1 s3, $0x1A  }
0x2a3: {  	s3 =	sshll.u32 @!p1 s3, $0xD;
	s0 =	sor.u32 @!p1 s0, s11;
	_ =	swait.eq @!p1 [sflag:s7], $0x1  }
0x2a4: {  	s3 =	sor.u32 @!p1 $0x1C04, s3;
	s7 =	simm.s32 @!p1 $0x1C03;
	s0 =	sor.u32 @!p1 $0x80004000, s0  }
0x2a5: {  	[spmem:s10], [sflag:s3] =	dma.general @!p1 [spmem:s8], [sflag:s7], length:$0x20, [dreg:$0x0], stride_count:$0x0, ici_dest:s0, dma_misc:DstOpCode:WRITE  }
0x2a6: {  	p2 =	slt.s32 s9, $0x2;
	s8 =	simm.s32 @!p1 $0x200;
	s10 =	simm.s32 @!p1 $0x202  }
0x2a7: {  	[spmem:s10], [sflag:s3] =	dma.general @!p1 [spmem:s8], [sflag:s7], length:$0x2, [dreg:$0x0], stride_count:$0x0, ici_dest:s0, dma_misc:DstOpCode:WRITE  }
.Ltmp32:
0x2a8: {  	s0 =	simm.s32 @!p1 $0x3;
	(pc) =	sbr.rel @p2 .LBB2_45-.Ltmp32, $4  }
0x2a9: {  	s3 =	sshll.u32 @!p1 s4, $0xE;
	_ =	swait.ge @!p1 [sflag:s0], $0x22  }
0x2aa: {  	s4 =	sshll.u32 @!p1 s11, $0x11;
	s3 =	sadd.s32 @!p1 $0x11C3C, s3;
	[sflag:s0] =	ssyncset.done @!p1 $0x0  }
0x2ab: {  	[sflag:s0] =	ssyncadd.s32 @!p1 $0xFFFFFFDE;
	s0 =	sor.u32 @!p1 s4, s3  }
0x2ac: {  	s3 =	simm.s32 $0x0;
	[sflag:s0] =	ssyncadd.remote.s32 @!p1 $0xFFFFFFFF  }
0x2ad: {  	s0 =	simm.s32 $0x14219  }
0x2ae: {  	v0 =	vld.msk [tilespmem:s0+$0x0], $0x1;
	_ =	sdelay $0x4  }
0x2af: {  	(v2sf) =	vpush v0, $0x0;
	_ =	sdelay $0xc  }
0x2b0: {  	s4 =	sadd.s32 $0xFFFFFFFE, s6  }
0x2b1: {  	s4 =	sadd.s32 $0xFFFFFFFF, s4  }
0x2b2: {  	p1 =	sne.s32 s4, $0x0;
	s0 =	spop (v2sf)  }
.Ltmp33:
0x2b3: {  	p2 =	sgt.u32 s0, $0x138701;
	(pc) =	sbr.rel @!p1 .LBB2_44-.Ltmp33, $4  }
0x2b4: {  	s6 =	sshrl.u32 @!p2 s0, $0x1;
	s0 =	sshrl.u32 @!p2 s0, $0x4  }
0x2b5: {  	s3 =	simm.s32 $0x142B8;
	s0 =	sadd.s32 @!p2 s1, s0;
	s6 =	sand.u32 @!p2 $0x7, s6  }
0x2b6: {  	[hbm4b:s0+s6] =	stream.linear.scatter @!p2 [tilespmem:s3], [sflag:$0x5], $0x80, $0x38;
	[tilespmem:$0x1F4C8] =	vst v63  }
0x2b7: {  	s8 =	simm.s32 $0x1421A;
	s7 =	simm.s32 $0x0;
	s6 =	simm.s32 $0x0  }
.LBB2_43:
0x2b8: {  	s0 =	simm.s32 $0x0  }
0x2b9: {  	v0 =	vld.msk [tilespmem:s8+$0x0], $0x1;
	s4 =	sadd.s32 $0xFFFFFFFF, s4;
	s0 =	simm.s32 @!p2 $0x200  }
0x2ba: {  	p1 =	sne.s32 s4, $0x0;
	s7 =	sadd.s32 s7, s0;
	_ =	sdelay $0x3  }
0x2bb: {  	(v2sf) =	vpush v0, $0x0;
	_ =	sdelay $0xe  }
.Ltmp34:
0x2bc: {  	s0 =	spop (v2sf);
	(pc) =	sbr.rel @p1 .LBB2_43-.Ltmp34, $4  }
0x2bd: {  	p2 =	sgt.u32 s0, $0x138701  }
0x2be: {  	s3 =	sadd.s32 $0x80, s3;
	s9 =	sshrl.u32 @!p2 s0, $0x1;
	s0 =	sshrl.u32 @!p2 s0, $0x4  }
0x2bf: {  	s8 =	sadd.s32 $0x1, s8;
	s0 =	sadd.s32 @!p2 s1, s0;
	s9 =	sand.u32 @!p2 $0x7, s9  }
0x2c0: {  	[hbm4b:s0+s9] =	stream.linear.scatter @!p2 [tilespmem:s3], [sflag:$0x5], $0x80, $0x38;
	[tilespmem:$0x1F4C8] =	vst v63  }
.LBB2_44:
0x2c1: {  	s6 =	simm.s32 @!p2 $0x200  }
0x2c2: {  	s0 =	sadd.s32 s7, s6  }
0x2c3: {  	s3 =	sshrl.u32 s0, $0x2  }
.LBB2_45:
0x2c4: {  	s0 =	simm.s32 $0x5  }
0x2c5: {  	_ =	swait.ge [sflag:s0], s3  }
0x2c6: {  	s31 =	ssub.s32 $0x0, s3;
	[sflag:s0] =	ssyncset.done $0x0  }
0x2c7: {  	[sflag:s0] =	ssyncadd.s32 s31  }
0x2c8: {  	[sflag:s0] =	ssyncpa.u1 $0x1  }
.LBB2_46:
0x2c9: {  	s0 =	sor.u32 s5, s2  }
0x2ca: {  	p1 =	sne.s32 s0, $0x0  }
.Ltmp35:
0x2cb: {  	_ = 	snop;
	(pc) =	sbr.rel @p1 .LBB2_64-.Ltmp35, $3  }
0x2cc: {  	_ =	sdelay $0x1  }
0x2cd: {  	[bflag:$0x0] =	sbarrier.arrive $0xFFFF  }
0x2ce: {  	_ =	sfence  }
0x2cf: {  	s0 =	simm.s32 $0x7  }
0x2d0: {  	s2 =	simm.s32 $0x1000;
	s3 =	simm.s32 $0x14218;
	[sflag:s0] =	ssyncpa.u1 $0x0  }
0x2d1: {  	[tilespmem:s3], [sflag:$0x7] =	stream.linear.gather [spmem:s2], $0x20, $0x38;
	[tilespmem:$0x1F4C8] =	vst v63  }
0x2d2: {  	s31 =	simm.s32 $0x14238;
	s2 =	simm.s32 $0x0  }
0x2d3: {  	[tilespmem:s31], [sflag:$0x7] =	stream.linear.gather [spmem:s2], $0x1000, $0x38;
	[tilespmem:$0x1F4C8] =	vst v63  }
.Ltmp36:
0x2d4: {  	_ = 	snop;
	(pc) =	sbr.rel .LBB2_48-.Ltmp36, $4  }
0x2d5: {  	_ =	swait.ge [sflag:s0], $0x1020  }
0x2d6: {  	[sflag:s0] =	ssyncset.done $0x0  }
0x2d7: {  	s3 =	simm.s32 $0x8;
	[sflag:s0] =	ssyncadd.s32 $0xFFFFEFE0  }
0x2d8: {  	s4 =	simm.s32 $0x14188;
	s5 =	simm.s32 $0x0;
	[sflag:s3] =	ssyncpa.u1 $0x0  }
.LBB2_56:
0x2d9: {  	s0 =	sshrl.u32 s6, $0x1;
	s31 =	sshrl.u32 s6, $0x4  }
0x2da: {  	s6 =	sadd.s32 s1, s31;
	s0 =	sand.u32 $0x7, s0  }
0x2db: {  	[tilespmem:s4], [sflag:$0x8] =	stream.linear.gather [hbm4b:s6+s0], $0x80, $0x38;
	[tilespmem:$0x1F4C8] =	vst v63  }
0x2dc: {  	_ =	swait.ge [sflag:s3], $0x80  }
0x2dd: {  	[sflag:s3] =	ssyncset.done $0x0  }
0x2de: {  	s6 =	sshll.u32 s5, $0x9;
	[sflag:s3] =	ssyncadd.s32 $0xFFFFFF80  }
0x2df: {  	s7 =	sshrl.u32 s6, $0x2;
	v1 =	vld [tilespmem:$0x14188]  }
0x2e0: {  	v2 =	vld [tilespmem:s7+$0x14238]  }
0x2e1: {  	v4 =	vld [tilespmem:s7+$0x14248]  }
0x2e2: {  	v5 =	vld [tilespmem:$0x141A8]  }
0x2e3: {  	v7 =	vld [tilespmem:s7+$0x14258]  }
0x2e4: {  	v9 =	vld [tilespmem:$0x141B8]  }
0x2e5: {  	v41 =	vld [tilespmem:s7+$0x14268]  }
0x2e6: {  	v42 =	vld [tilespmem:$0x141C8]  }
0x2e7: {  	v11 =	vld [tilespmem:s7+$0x14278]  }
0x2e8: {  	v12 =	vld [tilespmem:$0x141D8]  }
0x2e9: {  	v14 =	vld [tilespmem:s7+$0x14288]  }
0x2ea: {  	v48 =	vld [tilespmem:$0x141E8];
	v6 =	vunpack.i.u.bf16.f32 v1  }
0x2eb: {  	v51 =	vld [tilespmem:s7+$0x14298];
	v1 =	vunpack.i.l.bf16.f32 v1;
	v8 =	vunpack.i.u.bf16.f32 v2;
	v2 =	vunpack.i.l.bf16.f32 v2  }
0x2ec: {  	v54 =	vld [tilespmem:$0x141F8];
	v10 =	vunpack.i.u.bf16.f32 v4;
	v4 =	vunpack.i.l.bf16.f32 v4;
	v43 =	vunpack.i.u.bf16.f32 v5  }
0x2ed: {  	v15 =	vld [tilespmem:s7+$0x142A8];
	v5 =	vunpack.i.l.bf16.f32 v5;
	v44 =	vunpack.i.u.bf16.f32 v7;
	v7 =	vunpack.i.l.bf16.f32 v7  }
0x2ee: {  	v45 =	vunpack.i.u.bf16.f32 v9;
	v9 =	vunpack.i.l.bf16.f32 v9;
	v13 =	vunpack.i.u.bf16.f32 v41  }
0x2ef: {  	v3 =	vld [tilespmem:$0x14198];
	v49 =	vunpack.i.u.bf16.f32 v42;
	v50 =	vunpack.i.u.bf16.f32 v11;
	v52 =	vunpack.i.l.bf16.f32 v11  }
0x2f0: {  	v53 =	vunpack.i.u.bf16.f32 v12;
	v12 =	vunpack.i.l.bf16.f32 v12;
	v55 =	vunpack.i.u.bf16.f32 v14  }
0x2f1: {  	v14 =	vunpack.i.l.bf16.f32 v14;
	v58 =	vunpack.i.u.bf16.f32 v48;
	v59 =	vunpack.i.u.bf16.f32 v51  }
0x2f2: {  	v60 =	vunpack.i.l.bf16.f32 v51;
	v61 =	vunpack.i.u.bf16.f32 v54;
	v62 =	vunpack.i.u.bf16.f32 v15  }
0x2f3: {  	v63 =	vunpack.i.l.bf16.f32 v15;
	v6 =	vmax.f32 v6, v8;
	v1 =	vmax.f32 v1, v2  }
0x2f4: {  	v2 =	vunpack.i.u.bf16.f32 v3;
	v3 =	vunpack.i.l.bf16.f32 v3;
	v8 =	vunpack.i.l.bf16.f32 v41  }
0x2f5: {  	v5 =	vmax.f32 v5, v7;
	v46 =	vmax.f32 v45, v13;
	v7 =	vmax.f32 v49, v50  }
0x2f6: {  	v1 =	vpack.i.f32.bf16 v6, v1;
	v2 =	vmax.f32 v2, v10;
	v3 =	vmax.f32 v3, v4  }
0x2f7: {  	v56 =	vmax.f32 v53, v55;
	v6 =	vmax.f32 v43, v44;
	v2 =	vpack.i.f32.bf16 v2, v3;
	[tilespmem:s7+$0x14238] =	vst v1  }
0x2f8: {  	v8 =	vmax.f32 v9, v8;
	v4 =	vunpack.i.l.bf16.f32 v42;
	v3 =	vpack.i.f32.bf16 v6, v5;
	[tilespmem:s7+$0x14248] =	vst v2  }
0x2f9: {  	v57 =	vmax.f32 v12, v14;
	v47 =	vpack.i.f32.bf16 v46, v8;
	v1 =	vmax.f32 v4, v52;
	[tilespmem:s7+$0x14258] =	vst v3  }
0x2fa: {  	v4 =	vmax.f32 v58, v59;
	v1 =	vpack.i.f32.bf16 v7, v1;
	v3 =	vunpack.i.l.bf16.f32 v48;
	[tilespmem:s7+$0x14268] =	vst v47  }
0x2fb: {  	v2 =	vpack.i.f32.bf16 v56, v57;
	v3 =	vmax.f32 v3, v60;
	[tilespmem:s7+$0x14278] =	vst v1;
	v1 =	vunpack.i.l.bf16.f32 v54  }
0x2fc: {  	[tilespmem:s7+$0x14288] =	vst v2;
	v2 =	vpack.i.f32.bf16 v4, v3;
	v3 =	vmax.f32 v61, v62;
	v1 =	vmax.f32 v1, v63  }
0x2fd: {  	[tilespmem:s7+$0x14298] =	vst v2;
	v1 =	vpack.i.f32.bf16 v3, v1  }
0x2fe: {  	[tilespmem:s7+$0x142A8] =	vst v1  }
.LBB2_57:
0x2ff: {  	[tilespmem:s2+$0x14218] =	vst.msk $0x1, v0;
	s0 =	sshrl.u32 s6, $0x2  }
0x300: {  	v0 =	vld [tilespmem:s0+$0x14238];
	_ =	sdelay $0x2  }
0x301: {  	s31 =	sshll.u32 s2, $0x9  }
0x302: {  	s6 =	sshra.s32 s31, $0x2  }
0x303: {  	[tilespmem:s6+$0x14238] =	vst v0  }
0x304: {  	v0 =	vld [tilespmem:s0+$0x14248];
	_ =	sdelay $0x4  }
0x305: {  	[tilespmem:s6+$0x14248] =	vst v0  }
0x306: {  	v0 =	vld [tilespmem:s0+$0x14258];
	_ =	sdelay $0x4  }
0x307: {  	[tilespmem:s6+$0x14258] =	vst v0  }
0x308: {  	v0 =	vld [tilespmem:s0+$0x14268];
	_ =	sdelay $0x4  }
0x309: {  	[tilespmem:s6+$0x14268] =	vst v0  }
0x30a: {  	v0 =	vld [tilespmem:s0+$0x14278];
	_ =	sdelay $0x4  }
0x30b: {  	[tilespmem:s6+$0x14278] =	vst v0  }
0x30c: {  	v0 =	vld [tilespmem:s0+$0x14288];
	_ =	sdelay $0x4  }
0x30d: {  	[tilespmem:s6+$0x14288] =	vst v0  }
0x30e: {  	v0 =	vld [tilespmem:s0+$0x14298];
	_ =	sdelay $0x4  }
0x30f: {  	[tilespmem:s6+$0x14298] =	vst v0  }
0x310: {  	v0 =	vld [tilespmem:s0+$0x142A8];
	_ =	sdelay $0x4  }
0x311: {  	s2 =	sadd.s32 $0x1, s2;
	[tilespmem:s6+$0x142A8] =	vst v0  }
.LBB2_58:
0x312: {  	s5 =	sadd.s32 $0x1, s5  }
0x313: {  	p1 =	sne.s32 s5, $0x20  }
.Ltmp37:
0x314: {  	_ = 	snop;
	(pc) =	sbr.rel @!p1 .LBB2_59-.Ltmp37, $1  }
0x315: {  	_ =	sdelay $0x3  }
.LBB2_48:
0x316: {  	v0 =	vld.msk [tilespmem:s5+$0x14218], $0x1;
	_ =	sdelay $0x4  }
0x317: {  	(v2sf) =	vpush v0, $0x0;
	_ =	sdelay $0xe  }
0x318: {  	s6 =	spop (v2sf)  }
0x319: {  	p1 =	seq.s32 s6, $0xFFFFFFFF  }
.Ltmp38:
0x31a: {  	_ = 	snop;
	(pc) =	sbr.rel @p1 .LBB2_58-.Ltmp38, $1  }
0x31b: {  	_ =	sdelay $0x3  }
0x31c: {  	p1 =	slt.s32 s2, $0x1  }
.Ltmp39:
0x31d: {  	_ = 	snop;
	(pc) =	sbr.rel @p1 .LBB2_54-.Ltmp39, $1  }
0x31e: {  	_ =	sdelay $0x3  }
0x31f: {  	s7 =	simm.s32 $0x14218;
	p1 =	por $0x0, $0x0  }
0x320: {  	v1 =	vld.msk @!p1 [tilespmem:s7+$0x0], $0x1;
	_ =	sdelay $0x4  }
0x321: {  	(v2sf) =	vpush @!p1 v1, $0x0;
	_ =	sdelay $0xe  }
0x322: {  	p3 =	sne.s32 s2, $0x1;
	s0 =	spop @!p1 (v2sf)  }
.Ltmp40:
0x323: {  	s0 =	sxor.u32 @!p1 s6, s0;
	(pc) =	sbr.rel @!p3 .LBB2_52-.Ltmp40, $4  }
0x324: {  	p2 =	slt.u32 @!p1 s0, $0x2  }
0x325: {  	s8 =	simm.s32 $0x0;
	p2 =	por !p2, p1  }
0x326: {  	s0 =	simm.s32 $0xFFFFFFFF;
	s8 =	simm.s32 @p2 $0xFFFFFFFF  }
0x327: {  	s9 =	simm.s32 $0x1;
	s8 =	smov.u32 @p1 s0  }
.LBB2_51:
0x328: {  	s0 =	smov.u32 s8;
	p1 =	sne.s32 s8, $0xFFFFFFFF  }
0x329: {  	s7 =	sadd.s32 $0x1, s7;
	s8 =	smov.u32 s9;
	s9 =	sadd.s32 $0x1, s9  }
0x32a: {  	p2 =	sne.s32 s2, s9;
	v1 =	vld.msk @!p1 [tilespmem:s7+$0x0], $0x1;
	_ =	sdelay $0x4  }
0x32b: {  	(v2sf) =	vpush @!p1 v1, $0x0;
	_ =	sdelay $0xe  }
0x32c: {  	s10 =	spop @!p1 (v2sf)  }
.Ltmp41:
0x32d: {  	s10 =	sxor.u32 @!p1 s6, s10;
	(pc) =	sbr.rel @p2 .LBB2_51-.Ltmp41, $4  }
0x32e: {  	p3 =	slt.u32 @!p1 s10, $0x2  }
0x32f: {  	p3 =	por !p3, p1  }
0x330: {  	s8 =	simm.s32 @p3 $0xFFFFFFFF  }
0x331: {  	s8 =	smov.u32 @p1 s0  }
.LBB2_52:
0x332: {  	p1 =	seq.s32 s8, $0xFFFFFFFF  }
.Ltmp42:
0x333: {  	_ = 	snop;
	(pc) =	sbr.rel @p1 .LBB2_54-.Ltmp42, $1  }
0x334: {  	_ =	sdelay $0x3  }
0x335: {  	s0 =	sshll.u32 s5, $0x7  }
0x336: {  	s31 =	sshll.u32 s8, $0x9;
	s7 =	sand.u32 $0x3FFFFF80, s0  }
0x337: {  	s6 =	sshra.s32 s31, $0x2;
	v0 =	vld [tilespmem:s7+$0x14238]  }
0x338: {  	v1 =	vld [tilespmem:s6+$0x14238];
	_ =	sdelay $0x3  }
0x339: {  	v2 =	vunpack.i.u.bf16.f32 v0  }
0x33a: {  	v0 =	vunpack.i.l.bf16.f32 v0;
	v3 =	vunpack.i.u.bf16.f32 v1;
	v1 =	vunpack.i.l.bf16.f32 v1  }
0x33b: {  	v2 =	vmax.f32 v2, v3;
	v0 =	vmax.f32 v0, v1  }
0x33c: {  	v0 =	vpack.i.f32.bf16 v2, v0  }
0x33d: {  	v43 =	vld [tilespmem:s6+$0x14248];
	[tilespmem:s6+$0x14238] =	vst v0  }
0x33e: {  	v0 =	vld [tilespmem:s7+$0x14248];
	_ =	sdelay $0x3  }
0x33f: {  	v45 =	vunpack.i.u.bf16.f32 v43  }
0x340: {  	v1 =	vunpack.i.l.bf16.f32 v43;
	v44 =	vunpack.i.u.bf16.f32 v0;
	v0 =	vunpack.i.l.bf16.f32 v0  }
0x341: {  	v2 =	vmax.f32 v44, v45;
	v0 =	vmax.f32 v0, v1  }
0x342: {  	v0 =	vpack.i.f32.bf16 v2, v0  }
0x343: {  	v46 =	vld [tilespmem:s6+$0x14258];
	[tilespmem:s6+$0x14248] =	vst v0  }
0x344: {  	v0 =	vld [tilespmem:s7+$0x14258];
	_ =	sdelay $0x3  }
0x345: {  	v48 =	vunpack.i.u.bf16.f32 v46  }
0x346: {  	v1 =	vunpack.i.l.bf16.f32 v46;
	v47 =	vunpack.i.u.bf16.f32 v0;
	v0 =	vunpack.i.l.bf16.f32 v0  }
0x347: {  	v2 =	vmax.f32 v47, v48;
	v0 =	vmax.f32 v0, v1  }
0x348: {  	v0 =	vpack.i.f32.bf16 v2, v0  }
0x349: {  	v49 =	vld [tilespmem:s6+$0x14268];
	[tilespmem:s6+$0x14258] =	vst v0  }
0x34a: {  	v0 =	vld [tilespmem:s7+$0x14268];
	_ =	sdelay $0x3  }
0x34b: {  	v51 =	vunpack.i.u.bf16.f32 v49  }
0x34c: {  	v1 =	vunpack.i.l.bf16.f32 v49;
	v50 =	vunpack.i.u.bf16.f32 v0;
	v0 =	vunpack.i.l.bf16.f32 v0  }
0x34d: {  	v2 =	vmax.f32 v50, v51;
	v0 =	vmax.f32 v0, v1  }
0x34e: {  	v0 =	vpack.i.f32.bf16 v2, v0  }
0x34f: {  	v52 =	vld [tilespmem:s6+$0x14278];
	[tilespmem:s6+$0x14268] =	vst v0  }
0x350: {  	v0 =	vld [tilespmem:s7+$0x14278];
	_ =	sdelay $0x3  }
0x351: {  	v54 =	vunpack.i.u.bf16.f32 v52  }
0x352: {  	v1 =	vunpack.i.l.bf16.f32 v52;
	v53 =	vunpack.i.u.bf16.f32 v0;
	v0 =	vunpack.i.l.bf16.f32 v0  }
0x353: {  	v2 =	vmax.f32 v53, v54;
	v0 =	vmax.f32 v0, v1  }
0x354: {  	v0 =	vpack.i.f32.bf16 v2, v0  }
0x355: {  	v55 =	vld [tilespmem:s6+$0x14288];
	[tilespmem:s6+$0x14278] =	vst v0  }
0x356: {  	v0 =	vld [tilespmem:s7+$0x14288];
	_ =	sdelay $0x3  }
0x357: {  	v57 =	vunpack.i.u.bf16.f32 v55  }
0x358: {  	v1 =	vunpack.i.l.bf16.f32 v55;
	v56 =	vunpack.i.u.bf16.f32 v0;
	v0 =	vunpack.i.l.bf16.f32 v0  }
0x359: {  	v2 =	vmax.f32 v56, v57;
	v0 =	vmax.f32 v0, v1  }
0x35a: {  	v0 =	vpack.i.f32.bf16 v2, v0  }
0x35b: {  	v58 =	vld [tilespmem:s6+$0x14298];
	[tilespmem:s6+$0x14288] =	vst v0  }
0x35c: {  	v0 =	vld [tilespmem:s7+$0x14298];
	_ =	sdelay $0x3  }
0x35d: {  	v60 =	vunpack.i.u.bf16.f32 v58  }
0x35e: {  	v1 =	vunpack.i.l.bf16.f32 v58;
	v59 =	vunpack.i.u.bf16.f32 v0;
	v0 =	vunpack.i.l.bf16.f32 v0  }
0x35f: {  	v2 =	vmax.f32 v59, v60;
	v0 =	vmax.f32 v0, v1  }
0x360: {  	v0 =	vpack.i.f32.bf16 v2, v0  }
0x361: {  	v61 =	vld [tilespmem:s6+$0x142A8];
	[tilespmem:s6+$0x14298] =	vst v0  }
0x362: {  	v0 =	vld [tilespmem:s7+$0x142A8];
	_ =	sdelay $0x3  }
.Ltmp43:
0x363: {  	v63 =	vunpack.i.u.bf16.f32 v61;
	(pc) =	sbr.rel .LBB2_58-.Ltmp43, $4  }
0x364: {  	v1 =	vunpack.i.l.bf16.f32 v61;
	v62 =	vunpack.i.u.bf16.f32 v0;
	v0 =	vunpack.i.l.bf16.f32 v0  }
0x365: {  	v2 =	vmax.f32 v62, v63;
	v0 =	vmax.f32 v0, v1  }
0x366: {  	v0 =	vpack.i.f32.bf16 v2, v0  }
0x367: {  	[tilespmem:s6+$0x142A8] =	vst v0  }
.LBB2_54:
0x368: {  	p1 =	slt.u32 s6, $0x138702  }
.Ltmp44:
0x369: {  	_ = 	snop;
	(pc) =	sbr.rel @p1 .LBB2_56-.Ltmp44, $1  }
0x36a: {  	_ =	sdelay $0x3  }
.Ltmp45:
0x36b: {  	(pc) =	sbr.rel .LBB2_57-.Ltmp45, $2  }
0x36c: {  	_ =	sdelay $0x2  }
0x36d: {  	s6 =	sshll.u32 s5, $0x9  }
.LBB2_59:
0x36e: {  	p1 =	slt.s32 s2, $0x1  }
.Ltmp46:
0x36f: {  	_ = 	snop;
	(pc) =	sbr.rel @p1 .LBB2_63-.Ltmp46, $3  }
0x370: {  	_ =	sdelay $0x1  }
0x371: {  	s0 =	simm.s32 $0x8  }
0x372: {  	s3 =	simm.s32 $0x0;
	[sflag:s0] =	ssyncpa.u1 $0x1  }
0x373: {  	s0 =	simm.s32 $0x14218  }
0x374: {  	v0 =	vld.msk [tilespmem:s0+$0x0], $0x1;
	_ =	sdelay $0x4  }
0x375: {  	(v2sf) =	vpush v0, $0x0;
	_ =	sdelay $0xd  }
0x376: {  	s2 =	sadd.s32 $0xFFFFFFFF, s2  }
0x377: {  	p1 =	sne.s32 s2, $0x0;
	s0 =	spop (v2sf)  }
.Ltmp47:
0x378: {  	p2 =	sgt.u32 s0, $0x138701;
	(pc) =	sbr.rel @!p1 .LBB2_62-.Ltmp47, $4  }
0x379: {  	s5 =	sshrl.u32 @!p2 s0, $0x1;
	s0 =	sshrl.u32 @!p2 s0, $0x4  }
0x37a: {  	s4 =	simm.s32 $0x14238;
	s0 =	sadd.s32 @!p2 s1, s0;
	s5 =	sand.u32 @!p2 $0x7, s5  }
0x37b: {  	[hbm4b:s0+s5] =	stream.linear.scatter @!p2 [tilespmem:s4], [sflag:$0x7], $0x80, $0x38;
	[tilespmem:$0x1F4C8] =	vst v63  }
0x37c: {  	s6 =	simm.s32 $0x14219;
	s5 =	simm.s32 $0x0  }
.LBB2_61:
0x37d: {  	s0 =	simm.s32 $0x0  }
0x37e: {  	v0 =	vld.msk [tilespmem:s6+$0x0], $0x1;
	s2 =	sadd.s32 $0xFFFFFFFF, s2;
	s0 =	simm.s32 @!p2 $0x200  }
0x37f: {  	p1 =	sne.s32 s2, $0x0;
	s3 =	sadd.s32 s3, s0;
	_ =	sdelay $0x3  }
0x380: {  	(v2sf) =	vpush v0, $0x0;
	_ =	sdelay $0xe  }
.Ltmp48:
0x381: {  	s0 =	spop (v2sf);
	(pc) =	sbr.rel @p1 .LBB2_61-.Ltmp48, $4  }
0x382: {  	p2 =	sgt.u32 s0, $0x138701  }
0x383: {  	s4 =	sadd.s32 $0x80, s4;
	s7 =	sshrl.u32 @!p2 s0, $0x1;
	s0 =	sshrl.u32 @!p2 s0, $0x4  }
0x384: {  	s6 =	sadd.s32 $0x1, s6;
	s0 =	sadd.s32 @!p2 s1, s0;
	s7 =	sand.u32 @!p2 $0x7, s7  }
0x385: {  	[hbm4b:s0+s7] =	stream.linear.scatter @!p2 [tilespmem:s4], [sflag:$0x7], $0x80, $0x38;
	[tilespmem:$0x1F4C8] =	vst v63  }
.LBB2_62:
0x386: {  	s5 =	simm.s32 @!p2 $0x200  }
0x387: {  	s0 =	sadd.s32 s3, s5  }
0x388: {  	s3 =	sshrl.u32 s0, $0x2  }
.LBB2_63:
0x389: {  	s0 =	simm.s32 $0x7  }
0x38a: {  	_ =	swait.ge [sflag:s0], s3  }
0x38b: {  	s1 =	ssub.s32 $0x0, s3;
	[sflag:s0] =	ssyncset.done $0x0  }
0x38c: {  	[sflag:s0] =	ssyncadd.s32 s1  }
0x38d: {  	[sflag:s0] =	ssyncpa.u1 $0x1  }
.LBB2_64:
0x38e: {  	_ =	sfence;
	s0 =	simm.s32 $0x1  }
0x38f: {  	[sflag:s0] =	ssyncpa.u1 $0x1  }
0x390: {  	_ =	strace $0x90000050  }
0x391: {  	[bflag:$0x2] =	sbarrier.arrive $0xFFFF  }
0x392: {  	s0 =	rddreg [dreg:$0x3]  }
0x393: {  	s0 =	sadd.s32 @!p0 $0x100000, s0  }
0x394: {  	[sflag:s0] =	ssyncadd.tile.s32 @!p0 $0x1;
	_ =	shalt  }
.Lfunc_end2:
_tile_overlayer_lowered:
.L_overlay_start_2:
0x395: {  	(tag) =	ssettag $0x2  }
0x396: {  	s0 =	rddreg [dreg:$0x0];
	s2 =	stileid.u32  }
0x397: {  	s1 =	rddreg [dreg:$0x1];
	p0 =	sne.s32 s2, $0x0  }
0x398: {  	s3 =	rddreg [dreg:$0x2];
	[bflag:$0x3] =	sbarrier.arrive $0xFFFF;
	s2 =	simm.s32 @!p0 $0x1C01  }
0x399: {  	[timem:s3], [sflag:s2] =	dma.local @!p0 [hbm:s0], s1  }
0x39a: {  	s0 =	simm.s32 @!p0 $0x1  }
0x39b: {  	_ =	swait.ge @!p0 [sflag:s0], s1  }
0x39c: {  	s1 =	ssub.s32 @!p0 $0x0, s1;
	[sflag:s0] =	ssyncset.done @!p0 $0x0  }
0x39d: {  	[sflag:s0] =	ssyncadd.s32 @!p0 s1  }
0x39e: {  	[bflag:$0x3] =	sbarrier.arrive $0xFFFF  }
0x39f: {  	_ =	shalt  }

// kernel: scatter_offload_async_start
scs
__scs_entry_jumppad:
0x0: {  	(pc) =	sbr.rel $0x88, $3  }
0x1: {  	(tag) =	ssettag $0x0;
	lr =	simm.s32 $0x1  }
0x2: {  	[smem:$0x3F94] =	sst lr;
	_ =	strace $0xD0000000  }
0x3: {  	_ = 	snop  }
0x4: {  	_ = 	snop  }
0x5: {  	_ = 	snop  }
0x6: {  	_ = 	snop  }
0x7: {  	_ = 	snop  }
__scs_overlays_trampoline_lowered:
0x8: {  	[smem:$0x3FA3] =	sst s0  }
0x9: {  	[smem:$0x3FA4] =	sst s1  }
0xa: {  	[smem:$0x3FA5] =	sst s2  }
0xb: {  	[smem:$0x3FA6] =	sst s3  }
0xc: {  	[smem:$0x3FA7] =	sst s4  }
0xd: {  	[smem:$0x3FA8] =	sst s5  }
0xe: {  	[smem:$0x3FA9] =	sst s6  }
0xf: {  	[smem:$0x3FAA] =	sst s7  }
0x10: {  	[smem:$0x3FAB] =	sst s8  }
0x11: {  	[smem:$0x3FAC] =	sst s9;
	s0 =	simm.s32 @!p0 $0x0  }
0x12: {  	s1 =	sld [smem:$0x3F92];
	s0 =	simm.s32 @p0 $0x1  }
0x13: {  	[smem:$0x3FAD] =	sst s0;
	s0 =	simm.s32 @!p1 $0x0  }
0x14: {  	s2 =	sld [smem:$0x3F91];
	s0 =	simm.s32 @p1 $0x1  }
0x15: {  	[smem:$0x3FAE] =	sst s0;
	s0 =	simm.s32 @!p2 $0x0  }
0x16: {  	s3 =	sld [smem:$0x3FDB];
	s0 =	simm.s32 @p2 $0x1  }
0x17: {  	s4 =	simm.s32 $0x1BF5;
	[smem:$0x3FB0] =	sst s0  }
0x18: {  	s0 =	sld [smem:$0x3F93];
	_ =	swait.ge [sflag:s4], $0x0  }
0x19: {  	s7 =	sld [smem:$0x3F94]  }
0x1a: {  	s8 =	sadd.s32 $0xFFFFE003, lr  }
0x1b: {  	s9 =	sadd.s32 $0xFFFFFEF7, lr;
	s5 =	simm.s32 $0xFFFFFFFF;
	p2 =	slt.u32 s8, $0xFFFFF086  }
0x1c: {  	p1 =	slt.u32 s9, $0xF7A;
	s5 =	simm.s32 @!p2 $0x0  }
0x1d: {  	s5 =	simm.s32 @p1 $0x1;
	p0 =	seq.s32 s7, s2  }
0x1e: {  	s7 =	smul.u32 @!p0 $0xF7A, s2;
	p2 =	seq.s32 @!p0 s5, $0x0  }
0x1f: {  	s9 =	smul.u32 $0xF7A, s1;
	s8 =	simm.s32 @!p0 $0x1BF5;
	p2 =	por !p2, p0  }
0x20: {  	[sflag:s8] =	ssyncset.s32 @!p0 $0xFFFFF086;
	s6 =	sadd.s32 @!p0 s3, s7;
	s7 =	simm.s32 @!p0 $0x108  }
0x21: {  	s3 =	sadd.s32 s3, s9;
	s6 =	sadd.s32 @!p0 $0x88, s6;
	s7 =	simm.s32 @p2 $0x1082  }
0x22: {  	[simem:s7], [sflag:s8] =	dma.local @!p0 [hbm:s6], $0xF7A  }
0x23: {  	s9 =	sor.u32 $0xD0000000, s2;
	s6 =	simm.s32 $0x108;
	_ =	swait.ge @!p0 [sflag:s8], $0x0  }
0x24: {  	s3 =	sadd.s32 $0x88, s3;
	s6 =	simm.s32 @!p1 $0x1082;
	[sflag:s4] =	ssyncset.s32 $0xFFFFF086  }
0x25: {  	[simem:s6], [sflag:s4] =	dma.local [hbm:s3], $0xF7A  }
0x26: {  	[smem:$0x3F94] =	sst s1;
	(tag) =	ssettag s2;
	_ =	strace s9  }
0x27: {  	s1 =	sld [smem:$0x3FA4]  }
0x28: {  	s2 =	sld [smem:$0x3FA5]  }
0x29: {  	s4 =	sld [smem:$0x3FA7]  }
0x2a: {  	p0 =	seq.s32 s5, $0x0;
	s5 =	sld [smem:$0x3FA8]  }
0x2b: {  	s6 =	sld [smem:$0x3FA9]  }
0x2c: {  	s7 =	sld [smem:$0x3FAA]  }
0x2d: {  	s3 =	simm.s32 $0x108;
	s8 =	sld [smem:$0x3FAB]  }
0x2e: {  	s3 =	simm.s32 @!p0 $0x1082;
	s9 =	sld [smem:$0x3FAC]  }
0x2f: {  	lr =	sadd.s32 s0, s3;
	s0 =	sld [smem:$0x3FA3]  }
0x30: {  	s3 =	sld [smem:$0x3FA6]  }
0x31: {  	[smem:$0x3FAF] =	sst s10  }
0x32: {  	s10 =	sld [smem:$0x3FAD];
	_ =	sdelay $0x3  }
0x33: {  	p0 =	seq.s32 s10, $0x1;
	s10 =	sld [smem:$0x3FAF];
	_ =	sdelay $0x3  }
0x34: {  	[smem:$0x3FAF] =	sst s10  }
0x35: {  	s10 =	sld [smem:$0x3FAE];
	_ =	sdelay $0x3  }
0x36: {  	p1 =	seq.s32 s10, $0x1;
	s10 =	sld [smem:$0x3FAF];
	_ =	sdelay $0x3  }
0x37: {  	[smem:$0x3FAF] =	sst s10  }
0x38: {  	s10 =	sld [smem:$0x3FB0]  }
0x39: {  	_ = 	snop;
	(pc) =	sbr.ind lr, $3  }
0x3a: {  	_ = 	snop  }
0x3b: {  	_ = 	snop  }
0x3c: {  	p2 =	seq.s32 s10, $0x1;
	s10 =	sld [smem:$0x3FAF]  }
0x3d: {  	_ =	shalt  }
0x3e: {  	_ =	shalt  }
0x3f: {  	_ =	shalt  }
0x40: {  	_ =	shalt  }
0x41: {  	_ =	shalt  }
0x42: {  	_ =	shalt  }
0x43: {  	_ =	shalt  }
0x44: {  	_ =	shalt  }
0x45: {  	_ =	shalt  }
0x46: {  	_ =	shalt  }
0x47: {  	_ =	shalt  }
0x48: {  	_ =	shalt  }
0x49: {  	_ =	shalt  }
0x4a: {  	_ =	shalt  }
0x4b: {  	_ =	shalt  }
0x4c: {  	_ =	shalt  }
0x4d: {  	_ =	shalt  }
0x4e: {  	_ =	shalt  }
0x4f: {  	_ =	shalt  }
0x50: {  	_ =	shalt  }
0x51: {  	_ =	shalt  }
0x52: {  	_ =	shalt  }
0x53: {  	_ =	shalt  }
0x54: {  	_ =	shalt  }
0x55: {  	_ =	shalt  }
0x56: {  	_ =	shalt  }
0x57: {  	_ =	shalt  }
0x58: {  	_ =	shalt  }
0x59: {  	_ =	shalt  }
0x5a: {  	_ =	shalt  }
0x5b: {  	_ =	shalt  }
0x5c: {  	_ =	shalt  }
0x5d: {  	_ =	shalt  }
0x5e: {  	_ =	shalt  }
0x5f: {  	_ =	shalt  }
0x60: {  	_ =	shalt  }
0x61: {  	_ =	shalt  }
0x62: {  	_ =	shalt  }
0x63: {  	_ =	shalt  }
0x64: {  	_ =	shalt  }
0x65: {  	_ =	shalt  }
0x66: {  	_ =	shalt  }
0x67: {  	_ =	shalt  }
0x68: {  	_ =	shalt  }
0x69: {  	_ =	shalt  }
0x6a: {  	_ =	shalt  }
0x6b: {  	_ =	shalt  }
0x6c: {  	_ =	shalt  }
0x6d: {  	_ =	shalt  }
0x6e: {  	_ =	shalt  }
0x6f: {  	_ =	shalt  }
0x70: {  	_ =	shalt  }
0x71: {  	_ =	shalt  }
0x72: {  	_ =	shalt  }
0x73: {  	_ =	shalt  }
0x74: {  	_ =	shalt  }
0x75: {  	_ =	shalt  }
0x76: {  	_ =	shalt  }
0x77: {  	_ =	shalt  }
0x78: {  	_ =	shalt  }
0x79: {  	_ =	shalt  }
0x7a: {  	_ =	shalt  }
0x7b: {  	_ =	shalt  }
0x7c: {  	_ =	shalt  }
0x7d: {  	_ =	shalt  }
0x7e: {  	_ =	shalt  }
0x7f: {  	_ =	shalt  }
0x80: {  	_ =	shalt  }
0x81: {  	_ =	shalt  }
0x82: {  	_ =	shalt  }
0x83: {  	_ =	shalt  }
0x84: {  	_ =	shalt  }
0x85: {  	_ =	shalt  }
0x86: {  	_ =	shalt  }
0x87: {  	_ =	shalt  }
.Lfunc_end0:
.L_simem_size_0:
called_computation_lowered:
.L_overlay_start_0:
0x88: {  	s2 =	sld [smem:$0x3FD9]  }
0x89: {  	s3 =	sld [smem:$0x3FFE];
	_ =	sdelay $0x1  }
0x8a: {  	s1 =	srdreg.scid  }
0x8b: {  	s0 =	sand.u32 $0x1, s1  }
0x8c: {  	s17 =	sshll.u32 s0, $0xA;
	s2 =	sadd.s32 s3, s2  }
0x8d: {  	s2 =	sadd.s32 s2, s17  }
0x8e: {  	[smem:$0x3FBB] =	sst s2  }
0x8f: {  	_ = 	snop  }
0x90: {  	s18 =	sld [smem:$0x3FD0];
	(tm) =	ssettm $0x1  }
0x91: {  	s19 =	sld [smem:$0x3FFB];
	_ =	sdelay $0x3  }
0x92: {  	_ =	strace s19  }
0x93: {  	s2 =	sld [smem:$0x3FFC];
	_ =	sdelay $0x3  }
0x94: {  	_ =	strace s2  }
0x95: {  	s2 =	sld [smem:$0x3FFD];
	_ =	sdelay $0x3  }
0x96: {  	_ =	strace s2  }
0x97: {  	_ =	strace $0x8FFFFFFF  }
0x98: {  	s20 =	sld [smem:$0x3FDB];
	_ =	sdelay $0x1  }
0x99: {  	s4 =	simm.s32 $_scs_section_size  }
0x9a: {  	s5 =	simm.s32 $_size__tile_overlayer_lowered;
	s6 =	simm.s32 $_tile_overlayer_lowered  }
0x9b: {  	s7 =	simm.s32 $0x1BFF;
	s21 =	sshll.u32 s6, $0x1;
	s4 =	sadd.s32 s4, s20  }
0x9c: {  	s22 =	simm.s32 $0x0;
	s5 =	sshll.u32 s5, $0x1;
	s6 =	sadd.s32 s21, s4  }
0x9d: {  	[timem:s22], [sflag:s7] =	dma.local [hbm:s6], s5  }
0x9e: {  	_ =	swait.ge [sflag:s7], s5  }
0x9f: {  	s5 =	ssub.s32 $0x0, s5;
	[sflag:s7] =	ssyncset.done $0x0  }
0xa0: {  	[sflag:s7] =	ssyncadd.s32 s5;
	_ =	sdelay $0x1  }
0xa1: {  	s23 =	simm.s32 $0x1B8B  }
0xa2: {  	_ =	swait.ge [sflag:s23], $0x1  }
0xa3: {  	[sflag:s23] =	ssyncset.done $0x0  }
0xa4: {  	[sflag:s23] =	ssyncadd.s32 $0xFFFFFFFF  }
0xa5: {  	s5 =	sld [smem:$0x0]  }
0xa6: {  	s6 =	sand.u32 $0xFFFFFFFE, s1  }
0xa7: {  	p0 =	sne.s32 s1, s6  }
0xa8: {  	s6 =	sshll.u32 @p0 s6, $0xE  }
0xa9: {  	s6 =	sadd.s32 @p0 $0x11B8D, s6;
	s7 =	sshll.u32 @p0 s5, $0x11  }
0xaa: {  	s6 =	sor.u32 @p0 s7, s6  }
0xab: {  	[sflag:s6] =	ssyncadd.remote.s32 @p0 $0x1;
	_ =	sdelay $0x1  }
0xac: {  	s6 =	simm.s32 @p0 $0x1B8D  }
0xad: {  	_ =	swait.eq @p0 [sflag:s6], $0x1  }
0xae: {  	[sflag:s6] =	ssyncadd.s32 @p0 $0xFFFFFFFF  }
0xaf: {  	s7 =	sshll.u32 @!p0 s1, $0xE  }
0xb0: {  	s7 =	sor.u32 @!p0 $0x4000, s7;
	s6 =	simm.s32 @!p0 $0x1B8D  }
0xb1: {  	s8 =	sshll.u32 @!p0 s5, $0x11;
	s7 =	sadd.s32 @!p0 $0x11B8D, s7;
	_ =	swait.eq @!p0 [sflag:s6], $0x1  }
0xb2: {  	[sflag:s6] =	ssyncadd.s32 @!p0 $0xFFFFFFFF;
	s6 =	sor.u32 @!p0 s8, s7  }
0xb3: {  	s25 =	simm.s32 $0x1B8E;
	s24 =	sld [smem:$0x3FFE];
	[sflag:s6] =	ssyncadd.remote.s32 @!p0 $0x1  }
0xb4: {  	s26 =	simm.s32 $execute0_lowered;
	[smem:$0x3FD2] =	sst s25  }
0xb5: {  	s7 =	sshll.u32 s26, $0x1;
	_ =	strace $0x80000052;
	[dreg:$0x1] =	wrdreg $0xFFFFFFFF  }
0xb6: {  	s28 =	simm.s32 $_size_execute0_lowered;
	s4 =	sadd.s32 s4, s7;
	[dreg:$0x0] =	wrdreg $0x0  }
0xb7: {  	s7 =	sshll.u32 s28, $0x1;
	[dreg:$0x2] =	wrdreg s4  }
0xb8: {  	[dreg:$0x3] =	wrdreg s7  }
0xb9: {  	[dreg:$0x4] =	wrdreg $0xC0  }
0xba: {  	_ =	task [dreg:s22], $0x5FFFF  }
0xbb: {  	[dreg:$0x1] =	wrdreg $0xFFFFFFFF  }
0xbc: {  	[dreg:$0x0] =	wrdreg $0x60  }
0xbd: {  	[dreg:$0x2] =	wrdreg s18  }
0xbe: {  	[dreg:$0x3] =	wrdreg s24  }
0xbf: {  	[dreg:$0x4] =	wrdreg s1  }
0xc0: {  	[dreg:$0x5] =	wrdreg s5  }
0xc1: {  	[dreg:$0x6] =	wrdreg $0xA  }
0xc2: {  	_ =	task.clear_ibuf [dreg:s22], $0x7FFFF;
	_ =	strace $0x90000052  }
0xc3: {  	s29 =	simm.s32 $0xA;
	_ =	strace $0x80000054  }
0xc4: {  	_ =	swait.ge [sflag:s29], $0x1  }
0xc5: {  	[sflag:s29] =	ssyncadd.s32 $0xFFFFFFFF  }
0xc6: {  	_ =	strace $0x90000054  }
0xc7: {  	_ =	sfence  }
0xc8: {  	s30 =	sld [smem:$0x0];
	_ =	sdelay $0x2  }
0xc9: {  	s31 =	sshll.u32 s1, $0xD;
	s1 =	sshrl.u32 s1, $0x2  }
0xca: {  	s4 =	sand.u32 $0x4000, s31;
	s1 =	sadd.s32 s1, s30  }
0xcb: {  	s0 =	sor.u32 s4, s0;
	s1 =	sshll.u32 s1, $0x11  }
0xcc: {  	s0 =	sor.u32 s1, s0  }
0xcd: {  	s0 =	sadd.s32 $0x8F2B, s0  }
0xce: {  	[sflag:s0] =	ssyncadd.remote.s32 $0x1  }
0xcf: {  	_ =	sfence.sel $0xFFFF  }
0xd0: {  	[dreg:$0x0] =	wrdreg $0xFFFFFFFF;
	(pc) =	sbr.abs _section_cstart, $3  }
0xd1: {  	[dreg:$0x1] =	wrdreg $0xFFFFFFFF  }
0xd2: {  	_ =	task.clear_ibuf [dreg:s22], $0x2FFFF;
	_ =	strace $0x9FFFFFFF  }
0xd3: {  	(tm) =	ssettm $0x7FFFFFFF  }
tec
execute0_lowered:
.L_overlay_start_1:
0x0: {  	(tag) =	ssettag $0x1  }
0x1: {  	s1 =	rddreg [dreg:$0x0]  }
0x2: {  	s2 =	rddreg [dreg:$0x1]  }
0x3: {  	s3 =	rddreg [dreg:$0x2];
	_ =	strace $0x80000053;
	s0 =	simm.s32 $0x1  }
0x4: {  	v0 =	vimm.s32 $0x0;
	[sflag:s0] =	ssyncpa.u1 $0x0;
	s0 =	simm.s32 $0x108  }
0x5: {  	[tilespmem:s0+$0x70] =	vst v0  }
0x6: {  	[tilespmem:s0+$0x60] =	vst v0  }
0x7: {  	[tilespmem:s0+$0x50] =	vst v0  }
0x8: {  	[tilespmem:s0+$0x40] =	vst v0  }
0x9: {  	[tilespmem:s0+$0x30] =	vst v0  }
0xa: {  	s15 =	sadd.s32 $0x4EC600, s2;
	s6 =	sadd.s32 $0xC5D000, s2;
	[tilespmem:s0+$0x20] =	vst v0  }
0xb: {  	s14 =	sadd.s32 $0x4F6400, s2;
	s5 =	sand.u32 $0x1, s3;
	s3 =	simm.s32 $0x40;
	[tilespmem:s0+$0x10] =	vst v0  }
.LBB2_1:
0xc: {  	s3 =	sadd.s32 $0x40, s3;
	[tilespmem:s0+$0x0] =	vst v0;
	s0 =	sadd.s32 $0x80, s0  }
0xd: {  	p0 =	slt.u32 s3, $0x3C40;
	[tilespmem:s0+$0x70] =	vst v0  }
0xe: {  	[tilespmem:s0+$0x60] =	vst v0  }
.Ltmp0:
0xf: {  	[tilespmem:s0+$0x50] =	vst v0;
	(pc) =	sbr.rel @p0 .LBB2_1-.Ltmp0, $4  }
0x10: {  	[tilespmem:s0+$0x40] =	vst v0  }
0x11: {  	[tilespmem:s0+$0x30] =	vst v0  }
0x12: {  	[tilespmem:s0+$0x20] =	vst v0  }
0x13: {  	[tilespmem:s0+$0x10] =	vst v0  }
0x14: {  	s9 =	stileid.u32  }
0x15: {  	s2 =	smul.u32 $0x29, s9  }
0x16: {  	s3 =	smin.u32 s9, $0xB  }
0x17: {  	s2 =	sadd.s32 s3, s2  }
0x18: {  	p0 =	slt.u32 s9, $0xB;
	s7 =	smul.u32 $0xF0, s2;
	s2 =	simm.s32 $0x2760  }
0x19: {  	s2 =	simm.s32 @!p0 $0x2670  }
0x1a: {  	s2 =	sadd.s32 s2, s7  }
0x1b: {  	s8 =	smin.u32 s2, $0x27100  }
0x1c: {  	s2 =	ssub.s32 s8, s7  }
0x1d: {  	p0 =	sgt.s32 s2, $0x0  }
0x1e: {  	s29 =	simm.s32 $0x2;
	s10 =	simm.s32 $0x9;
	s2 =	simm.s32 @!p0 $0x0  }
0x1f: {  	s4 =	simm.s32 $0xA;
	s11 =	simm.s32 $0xB;
	s28 =	smulhi.u32 $0x88888889, s2  }
0x20: {  	[dreg:$0x5] =	wrdreg s5;
	s31 =	smul.u32 $0x4E20, s5;
	s12 =	simm.s32 $0x1  }
0x21: {  	s22 =	simm.s32 $0x0;
	s18 =	simm.s32 $0xC;
	s30 =	sshrl.u32 s28, $0x7  }
0x22: {  	s20 =	simm.s32 $0x0;
	s21 =	simm.s32 $0x0;
	s3 =	smul.u32 $0xF0, s30  }
.Ltmp1:
0x23: {  	[tilespmem:s0+$0x0] =	vst v0;
	v0 =	vimm.s32 $0xFFFFFFFF;
	[sflag:s29] =	ssyncpa.u1 $0x0;
	s16 =	sshll.u32 s9, $0x8;
	(pc) =	sbr.rel .LBB2_3-.Ltmp1, $4  }
0x24: {  	[tilespmem:$0xF208] =	vst v0;
	[sflag:s10] =	ssyncpa.u1 $0x0;
	p0 =	sne.s32 s2, s3;
	s2 =	simm.s32 $0x1  }
0x25: {  	s14 =	sadd.s32 s31, s14;
	[sflag:s4] =	ssyncpa.u1 $0x0;
	s2 =	simm.s32 @!p0 $0x0  }
0x26: {  	s15 =	sadd.s32 s31, s15;
	[sflag:s11] =	ssyncpa.u1 $0x0;
	s13 =	sadd.s32 s2, s30  }
0x27: {  	v0 =	vlaneseq.u32;
	s19 =	smov.u32 s7;
	p0 =	por $0x0, $0x0;
	s17 =	sadd.s32 $0x1, s13  }
.LBB2_18:
0x28: {  	s0 =	sshrl.u32 s31, $0x2  }
.LBB2_20:
0x29: {  	_ =	swait.ge [sflag:s18], s0  }
0x2a: {  	s31 =	ssub.s32 $0x0, s0;
	v1 =	vmov s24;
	vm0 =	veq.s32 v0, $0x0;
	[sflag:s18] =	ssyncset.done $0x0  }
0x2b: {  	vm15 =	veq.s32 v0, $0x2;
	v1 =	vsel vm0, s30, v1;
	[sflag:s18] =	ssyncadd.s32 s31  }
0x2c: {  	v1 =	vsel vm15, s22, v1;
	[sflag:s18] =	ssyncpa.u1 $0x1  }
0x2d: {  	[tilespmem:$0xF208] =	vst v1  }
.LBB2_21:
0x2e: {  	s0 =	sadd.s32 $0xF0, s19  }
0x2f: {  	s2 =	smov.u32 s7;
	p1 =	slt.s32 s0, s8  }
0x30: {  	s2 =	smov.u32 @p1 s0;
	p1 =	sne.s32 s21, s17  }
.Ltmp2:
0x31: {  	_ = 	snop;
	(pc) =	sbr.rel @!p1 .LBB2_22-.Ltmp2, $3  }
0x32: {  	_ =	sdelay $0x1  }
0x33: {  	s22 =	smov.u32 s20;
	s31 =	sadd.s32 $0x1, s21;
	s20 =	smov.u32 s19  }
0x34: {  	p0 =	por !p0, !p0;
	s21 =	smov.u32 s31;
	s19 =	smov.u32 s2  }
.LBB2_3:
0x35: {  	p1 =	sge.u32 s21, s13  }
0x36: {  	s0 =	smulhi.u32 @!p1 $0xAAAAAAAB, s21  }
0x37: {  	s2 =	smov.u32 s19;
	p2 =	sgt.s32 @!p1 s19, $0x27010  }
0x38: {  	s3 =	sshra.s32 @!p1 s19, $0x1F;
	p2 =	por !p2, p1;
	s0 =	sshrl.u32 @!p1 s0, $0x1  }
0x39: {  	s3 =	sand.u32 @!p1 s3, s19;
	s2 =	simm.s32 @p2 $0x27010;
	s0 =	smul.u32 @!p1 $0x3, s0  }
0x3a: {  	s2 =	ssub.s32 @!p1 s2, s3  }
0x3b: {  	s2 =	sadd.s32 @!p1 $0xFFFD8FF0, s2;
	s0 =	ssub.s32 @!p1 s21, s0  }
0x3c: {  	s3 =	sshll.u32 @!p1 s2, $0x2;
	p2 =	sgt.s32 @!p1 s2, $0xEF;
	s0 =	smul.u32 @!p1 $0x3C0, s0  }
0x3d: {  	s4 =	sand.u32 @!p1 $0x7, s19;
	s2 =	ssub.s32 @!p1 $0x3C0, s3;
	p2 =	por !p2, p1  }
0x3e: {  	s3 =	sshrl.u32 @!p1 s19, $0x3;
	s2 =	sshrl.u32 @!p1 s2, $0x2;
	s0 =	sshrl.u32 @!p1 s0, $0x2  }
0x3f: {  	s3 =	sadd.s32 @!p1 s3, s14;
	s2 =	simm.s32 @!p2 $0x0;
	s0 =	sadd.s32 @!p1 $0x10248, s0  }
0x40: {  	[tilespmem:s0], [sflag:$0xA] =	stream.linear.gather @!p1 [hbm4b:s3+s4], s2, $0x38;
	[tilespmem:$0x1F6F8] =	vst v63  }
0x41: {  	s0 =	sadd.s32 $0xFFFFFFFF, s21  }
0x42: {  	p1 =	sge.u32 s0, s13  }
0x43: {  	p2 =	sgt.s32 @!p1 s20, $0x27010  }
0x44: {  	s2 =	smov.u32 s20;
	s3 =	sshra.s32 @!p1 s20, $0x1F;
	p2 =	por !p2, p1  }
0x45: {  	s3 =	sand.u32 @!p1 s3, s20;
	s2 =	simm.s32 @p2 $0x27010  }
0x46: {  	s2 =	ssub.s32 @!p1 s2, s3  }
0x47: {  	s2 =	sadd.s32 @!p1 $0xFFFD8FF0, s2  }
0x48: {  	s4 =	sand.u32 @!p1 $0x1, s0;
	s3 =	sshll.u32 @!p1 s2, $0x2  }
0x49: {  	p2 =	sgt.s32 @!p1 s2, $0xEF;
	s2 =	ssub.s32 @!p1 $0x3C0, s3;
	s3 =	smulhi.u32 @!p1 $0xAAAAAAAB, s0  }
0x4a: {  	s23 =	smul.u32 @!p1 $0x3C0, s4;
	p2 =	por !p2, p1;
	s2 =	sshrl.u32 @!p1 s2, $0x2  }
0x4b: {  	s5 =	simm.s32 @!p1 $0xA;
	s2 =	simm.s32 @!p2 $0x0;
	s3 =	sshrl.u32 @!p1 s3, $0x1  }
0x4c: {  	s23 =	sshrl.u32 @!p1 s23, $0x2;
	_ =	swait.ge @!p1 [sflag:s5], s2;
	s3 =	smul.u32 @!p1 $0x3, s3  }
0x4d: {  	s23 =	sadd.s32 @!p1 $0x10518, s23;
	s24 =	ssub.s32 @!p1 $0x0, s2;
	[sflag:s5] =	ssyncset.done @!p1 $0x0  }
0x4e: {  	[sflag:s5] =	ssyncadd.s32 @!p1 s24;
	s5 =	sshrl.u32 @!p1 s20, $0x3;
	s0 =	ssub.s32 @!p1 s0, s3  }
0x4f: {  	s24 =	sand.u32 @!p1 $0x7, s20;
	s5 =	sadd.s32 @!p1 s5, s15;
	s0 =	smul.u32 @!p1 $0x3C0, s0  }
0x50: {  	[tilespmem:s23], [sflag:$0xB] =	stream.linear.gather @!p1 [hbm4b:s5+s24], s2, $0x38;
	[tilespmem:$0x1F6F8] =	vst v63  }
0x51: {  	s3 =	ssub.s32 @!p1 $0x27100, s20;
	s2 =	smul.u32 @!p1 $0x1E000, s4  }
0x52: {  	p2 =	slt.s32 @!p1 s3, $0xF0  }
0x53: {  	p2 =	por !p2, p1;
	s0 =	sshrl.u32 @!p1 s0, $0x2;
	s2 =	sshrl.u32 @!p1 s2, $0x2  }
0x54: {  	s3 =	simm.s32 @p2 $0xF0;
	s0 =	sadd.s32 @!p1 $0x10248, s0;
	s2 =	sor.u32 @!p1 $0x106F8, s2  }
0x55: {  	[tilespmem:s2], [sflag:$0x9] =	stream.indirect.gather @!p1 [hbm4b:s6+s3], $0x80, s0, s3, $0xb8;
	[tilespmem:$0x1F6F8] =	vst v63  }
0x56: {  	p1 =	slt.u32 s21, $0x2  }
.Ltmp3:
0x57: {  	_ = 	snop;
	(pc) =	sbr.rel @p1 .LBB2_21-.Ltmp3, $1  }
0x58: {  	_ =	sdelay $0x3  }
0x59: {  	p1 =	sgt.s32 s22, $0x27010  }
0x5a: {  	s0 =	smov.u32 s22;
	s2 =	sshra.s32 s22, $0x1F;
	s3 =	ssub.s32 $0x27100, s22  }
0x5b: {  	s0 =	simm.s32 @!p1 $0x27010;
	s2 =	sand.u32 s2, s22;
	p1 =	slt.s32 s3, $0xF0  }
0x5c: {  	s0 =	ssub.s32 s0, s2;
	s3 =	simm.s32 @!p1 $0xF0  }
0x5d: {  	s0 =	sadd.s32 $0xFFFD8FF0, s0;
	s25 =	sshll.u32 s3, $0x7  }
0x5e: {  	s26 =	sshll.u32 s0, $0x2;
	s2 =	sand.u32 $0x3FFFFF80, s25  }
0x5f: {  	p1 =	sgt.s32 s0, $0xEF;
	s29 =	ssub.s32 $0x3C0, s26;
	_ =	swait.ge [sflag:s10], s2  }
0x60: {  	s2 =	ssub.s32 $0x0, s2;
	[sflag:s10] =	ssyncset.done $0x0;
	s0 =	sshrl.u32 s29, $0x2  }
0x61: {  	[sflag:s10] =	ssyncadd.s32 s2;
	s0 =	simm.s32 @p1 $0x0  }
0x62: {  	_ =	swait.ge [sflag:s11], s0  }
0x63: {  	s0 =	ssub.s32 $0x0, s0;
	[sflag:s11] =	ssyncset.done $0x0  }
0x64: {  	[sflag:s11] =	ssyncadd.s32 s0  }
0x65: {  	v1 =	vld [tilespmem:$0xF208];
	_ =	sdelay $0x4  }
0x66: {  	(v2sf) =	vpush v1, $0x0  }
0x67: {  	(v2sf) =	vpush v1, $0x1  }
0x68: {  	(v2sf) =	vpush v1, $0x2;
	_ =	sdelay $0x3  }
0x69: {  	s0 =	sadd.s32 $0xF0, s22  }
0x6a: {  	s2 =	ssub.s32 $0x4E200, s22;
	p1 =	slt.s32 s8, s0  }
0x6b: {  	s0 =	smov.u32 @p1 s8;
	p1 =	sgt.s32 s2, $0x0  }
0x6c: {  	s26 =	ssub.s32 s0, s22;
	s2 =	simm.s32 @!p1 $0x0  }
0x6d: {  	p1 =	slt.s32 s2, s26  }
0x6e: {  	s26 =	smov.u32 @p1 s2  }
0x6f: {  	s25 =	simm.s32 $0x1;
	p1 =	slt.s32 s26, $0x1  }
.Ltmp4:
0x70: {  	s25 =	simm.s32 @!p0 $0x0;
	(pc) =	sbr.rel @p1 .LBB2_8-.Ltmp4, $4  }
0x71: {  	s31 =	smul.u32 $0x3C0, s25  }
0x72: {  	s28 =	spop (v2sf)  }
0x73: {  	s0 =	sshrl.u32 s31, $0x2;
	s30 =	spop (v2sf)  }
0x74: {  	s23 =	sadd.s32 $0x10518, s0;
	s22 =	spop (v2sf)  }
0x75: {  	s0 =	smin.u32 s26, $0x10  }
0x76: {  	v1 =	vmov s0  }
0x77: {  	p2 =	sgt.s32 s26, $0x10;
	vm1 =	vgt.u32 v1, v0  }
.Ltmp5:
0x78: {  	_ = 	snop;
	(pc) =	sbr.rel @!p2 .LBB2_7-.Ltmp5, $2  }
0x79: {  	_ =	sdelay $0x2  }
0x7a: {  	s4 =	simm.s32 $0x10;
	s24 =	sadd.s32 $0xFFFFFFF0, s26;
	s0 =	smov.u32 s23;
	vm0 =	vmmov vm1  }
.LBB2_6:
0x7b: {  	s2 =	smin.u32 s24, $0x10;
	s4 =	sadd.s32 $0x10, s4;
	v1 =	vld.msk [tilespmem:s0+$0x0 ss:$0x1], vm1  }
0x7c: {  	v2 =	vmov s2;
	p2 =	slt.s32 s4, s26  }
0x7d: {  	vm1 =	vgt.u32 v2, v0  }
.Ltmp6:
0x7e: {  	(pc) =	sbr.rel @p2 .LBB2_6-.Ltmp6, $3  }
0x7f: {  	_ =	sdelay $0x1  }
0x80: {  	v1 =	vshll.u32 v1, $0x4  }
0x81: {  	s24 =	sadd.s32 $0xFFFFFFF0, s24;
	[tilespmem:s0+$0x0] =	vst.msk vm0, v1;
	s0 =	sadd.s32 $0x10, s0;
	vm0 =	vmmov vm1  }
.LBB2_7:
0x82: {  	_ =	sdelay $0x4  }
0x83: {  	v1 =	vld.msk [tilespmem:s0+$0x0 ss:$0x1], vm1;
	_ =	sdelay $0x4  }
0x84: {  	v1 =	vshll.u32 v1, $0x4  }
0x85: {  	[tilespmem:s0+$0x0] =	vst.msk vm0, v1  }
.LBB2_8:
0x86: {  	s0 =	sand.u32 $0x1, s21  }
0x87: {  	s0 =	smul.u32 $0xF0, s0  }
0x88: {  	p2 =	sne.s32 s30, $0xFFFFFFFF  }
0x89: {  	v1 =	vld.msk @!p2 [tilespmem:s0+$0x10518], $0x1;
	_ =	sdelay $0x4  }
0x8a: {  	(v2sf) =	vpush @!p2 v1, $0x0;
	_ =	sdelay $0xc  }
.Ltmp7:
0x8b: {  	_ = 	snop;
	(pc) =	sbr.rel @p1 .LBB2_19-.Ltmp7, $4  }
0x8c: {  	_ = 	snop  }
0x8d: {  	s29 =	spop @!p2 (v2sf)  }
0x8e: {  	s22 =	simm.s32 @!p2 $0x0;
	s24 =	smov.u32 s29  }
0x8f: {  	[sflag:s18] =	ssyncpa.u1 $0x0;
	s29 =	smov.u32 @p2 s28;
	s24 =	smov.u32 @p2 s30  }
0x90: {  	v1 =	vld.msk [tilespmem:s23+$0x0], $0x1;
	_ =	sdelay $0x4  }
0x91: {  	(v2sf) =	vpush v1, $0x0;
	_ =	sdelay $0xe  }
0x92: {  	s2 =	smul.u32 $0x1E000, s25;
	s0 =	spop (v2sf)  }
0x93: {  	s26 =	ssub.s32 $0x0, s26;
	p1 =	seq.s32 s29, s0  }
0x94: {  	s30 =	sadd.s32 $0x1, s26;
	s2 =	sshrl.u32 s2, $0x2;
	p2 =	sgt.s32 @!p1 s29, $0x0  }
0x95: {  	s25 =	sor.u32 $0x10738, s2;
	s2 =	smov.u32 s29;
	p2 =	por !p2, p1  }
0x96: {  	s2 =	simm.s32 @p2 $0x0;
	p2 =	seq.s32 s30, $0x0  }
.Ltmp8:
0x97: {  	_ = 	snop;
	(pc) =	sbr.rel @p2 .LBB2_11-.Ltmp8, $4  }
0x98: {  	_ = 	snop  }
0x99: {  	s28 =	simm.s32 $0x0;
	s31 =	sadd.s32 $0x1, s23;
	s2 =	smin.u32 @!p1 s2, $0x270F0  }
0x9a: {  	s4 =	simm.s32 @!p1 $0x1;
	s5 =	simm.s32 @!p1 $0x7988;
	s3 =	sand.u32 @!p1 $0x3FFF8, s2  }
0x9b: {  	s4 =	smov.u32 @p1 s28;
	s2 =	sand.u32 @!p1 $0x7, s2;
	s3 =	sadd.s32 @!p1 s1, s3  }
.LBB2_10:
0x9c: {  	s9 =	smov.u32 s4  }
0x9d: {  	[tilespmem:s5], [sflag:$0x2] =	stream.linear.gather @!p1 [hbm4b:s3+s2], $0x80, $0x38;
	[tilespmem:$0x1F6F8] =	vst v63  }
0x9e: {  	s30 =	sadd.s32 $0x1, s30;
	s2 =	smov.u32 s0;
	v1 =	vld.msk [tilespmem:s31+$0x0], $0x1  }
0x9f: {  	p2 =	seq.s32 s30, $0x0;
	_ =	sdelay $0x3  }
0xa0: {  	(v2sf) =	vpush v1, $0x0;
	_ =	sdelay $0xe  }
0xa1: {  	s0 =	spop (v2sf)  }
0xa2: {  	p1 =	seq.s32 s2, s0  }
0xa3: {  	p3 =	sgt.s32 @!p1 s2, $0x0;
	s3 =	sshll.u32 @!p1 s4, $0x9;
	s4 =	sadd.s32 @!p1 $0x1, s4  }
.Ltmp9:
0xa4: {  	p3 =	por !p3, p1;
	s3 =	sshra.s32 @!p1 s3, $0x2;
	(pc) =	sbr.rel @!p2 .LBB2_10-.Ltmp9, $4  }
0xa5: {  	s4 =	smov.u32 @p1 s9;
	s2 =	simm.s32 @p3 $0x0;
	s5 =	sadd.s32 @!p1 $0x7988, s3  }
0xa6: {  	s2 =	smin.u32 @!p1 s2, $0x270F0  }
0xa7: {  	s3 =	sand.u32 @!p1 $0x3FFF8, s2;
	s2 =	sand.u32 @!p1 $0x7, s2  }
0xa8: {  	s31 =	sadd.s32 $0x1, s31;
	s3 =	sadd.s32 @!p1 s1, s3  }
.LBB2_11:
0xa9: {  	[tilespmem:s5], [sflag:$0x2] =	stream.linear.gather @!p1 [hbm4b:s3+s2], $0x80, $0x38;
	[tilespmem:$0x1F6F8] =	vst v63  }
.Ltmp10:
0xaa: {  	s0 =	sshll.u32 s4, $0x7;
	(pc) =	sbr.rel .LBB2_12-.Ltmp10, $4  }
0xab: {  	s30 =	simm.s32 $0x2;
	s0 =	sand.u32 $0x3FFFFF80, s0  }
0xac: {  	_ =	swait.ge [sflag:s30], s0  }
0xad: {  	s0 =	ssub.s32 $0x0, s0;
	[sflag:s30] =	ssyncset.done $0x0  }
0xae: {  	s31 =	simm.s32 $0x0;
	[sflag:s30] =	ssyncadd.s32 s0  }
.LBB2_13:
0xaf: {  	v1 =	vld [tilespmem:s25+$0xFFFFFFC0];
	_ =	sdelay $0x3  }
0xb0: {  	s0 =	sshra.s32 s0, $0x2  }
0xb1: {  	[tilespmem:s0+$0x108] =	vst.add.f32.msk $0xffff, v1  }
0xb2: {  	v1 =	vld [tilespmem:s25+$0xFFFFFFD0];
	_ =	sdelay $0x4  }
0xb3: {  	[tilespmem:s0+$0x118] =	vst.add.f32.msk $0xffff, v1  }
0xb4: {  	v1 =	vld [tilespmem:s25+$0xFFFFFFE0];
	_ =	sdelay $0x4  }
0xb5: {  	[tilespmem:s0+$0x128] =	vst.add.f32.msk $0xffff, v1  }
0xb6: {  	v1 =	vld [tilespmem:s25+$0xFFFFFFF0];
	_ =	sdelay $0x4  }
0xb7: {  	[tilespmem:s0+$0x138] =	vst.add.f32.msk $0xffff, v1  }
0xb8: {  	v1 =	vld [tilespmem:s25+$0x0];
	_ =	sdelay $0x4  }
0xb9: {  	[tilespmem:s0+$0x148] =	vst.add.f32.msk $0xffff, v1  }
0xba: {  	v1 =	vld [tilespmem:s25+$0x10];
	_ =	sdelay $0x4  }
0xbb: {  	[tilespmem:s0+$0x158] =	vst.add.f32.msk $0xffff, v1  }
0xbc: {  	v1 =	vld [tilespmem:s25+$0x20];
	_ =	sdelay $0x4  }
0xbd: {  	[tilespmem:s0+$0x168] =	vst.add.f32.msk $0xffff, v1  }
0xbe: {  	v1 =	vld [tilespmem:s25+$0x30];
	_ =	sdelay $0x4  }
0xbf: {  	[tilespmem:s0+$0x178] =	vst.add.f32.msk $0xffff, v1  }
.LBB2_17:
0xc0: {  	s26 =	sadd.s32 $0x1, s26  }
0xc1: {  	p1 =	seq.s32 s26, $0x0  }
.Ltmp11:
0xc2: {  	_ = 	snop;
	(pc) =	sbr.rel @p1 .LBB2_18-.Ltmp11, $2  }
0xc3: {  	_ =	sdelay $0x2  }
0xc4: {  	s23 =	sadd.s32 $0x1, s23;
	s25 =	sadd.s32 $0x80, s25;
	s29 =	smov.u32 s30  }
.LBB2_12:
0xc5: {  	v1 =	vld.msk [tilespmem:s23+$0x0], $0x1;
	_ =	sdelay $0x4  }
0xc6: {  	(v2sf) =	vpush v1, $0x0;
	_ =	sdelay $0xe  }
0xc7: {  	s30 =	spop (v2sf)  }
0xc8: {  	p1 =	sne.s32 s29, s30  }
.Ltmp12:
0xc9: {  	_ = 	snop;
	(pc) =	sbr.rel @!p1 .LBB2_13-.Ltmp12, $2  }
0xca: {  	_ =	sdelay $0x2  }
0xcb: {  	s0 =	sshll.u32 s22, $0x9  }
0xcc: {  	p1 =	seq.s32 s29, s24  }
.Ltmp13:
0xcd: {  	_ = 	snop;
	(pc) =	sbr.rel @!p1 .LBB2_15-.Ltmp13, $1  }
0xce: {  	_ =	sdelay $0x3  }
0xcf: {  	s0 =	sshra.s32 s0, $0x2  }
.Ltmp14:
0xd0: {  	s0 =	sadd.s32 $0x108, s0;
	(pc) =	sbr.rel .LBB2_16-.Ltmp14, $4  }
0xd1: {  	[spmem:s16] =	stream.linear.scatter [tilespmem:s0], [sflag:$0x1], $0x80, $0x38;
	[tilespmem:$0x1F6F8] =	vst v63  }
0xd2: {  	_ =	swait.ge [sflag:s12], $0x80  }
0xd3: {  	[sflag:s12] =	ssyncset.done $0x0  }
0xd4: {  	[sflag:s12] =	ssyncadd.s32 $0xFFFFFF80  }
.LBB2_15:
0xd5: {  	s2 =	sshll.u32 s28, $0x9  }
0xd6: {  	s2 =	sshra.s32 s2, $0x2  }
0xd7: {  	v1 =	vld [tilespmem:s2+$0x7988];
	_ =	sdelay $0x3  }
0xd8: {  	s0 =	sshra.s32 s0, $0x2  }
0xd9: {  	[tilespmem:s0+$0x108] =	vst.add.f32.msk $0xffff, v1  }
0xda: {  	v1 =	vld [tilespmem:s2+$0x7998];
	_ =	sdelay $0x4  }
0xdb: {  	[tilespmem:s0+$0x118] =	vst.add.f32.msk $0xffff, v1  }
0xdc: {  	v1 =	vld [tilespmem:s2+$0x79A8];
	_ =	sdelay $0x4  }
0xdd: {  	[tilespmem:s0+$0x128] =	vst.add.f32.msk $0xffff, v1  }
0xde: {  	v1 =	vld [tilespmem:s2+$0x79B8];
	_ =	sdelay $0x4  }
0xdf: {  	[tilespmem:s0+$0x138] =	vst.add.f32.msk $0xffff, v1  }
0xe0: {  	v1 =	vld [tilespmem:s2+$0x79C8];
	_ =	sdelay $0x4  }
0xe1: {  	[tilespmem:s0+$0x148] =	vst.add.f32.msk $0xffff, v1  }
0xe2: {  	v1 =	vld [tilespmem:s2+$0x79D8];
	_ =	sdelay $0x4  }
0xe3: {  	[tilespmem:s0+$0x158] =	vst.add.f32.msk $0xffff, v1  }
0xe4: {  	v1 =	vld [tilespmem:s2+$0x79E8];
	_ =	sdelay $0x4  }
0xe5: {  	[tilespmem:s0+$0x168] =	vst.add.f32.msk $0xffff, v1  }
0xe6: {  	v1 =	vld [tilespmem:s2+$0x79F8];
	_ =	sdelay $0x2  }
0xe7: {  	p1 =	sgt.u32 s29, $0x270F0  }
0xe8: {  	s2 =	sand.u32 @!p1 $0x3FFF8, s29  }
0xe9: {  	s3 =	sadd.s32 $0x108, s0;
	[tilespmem:s0+$0x178] =	vst.add.f32.msk $0xffff, v1;
	s0 =	sadd.s32 @!p1 s1, s2;
	s2 =	sand.u32 @!p1 $0x7, s29  }
0xea: {  	[hbm4b:s0+s2] =	stream.linear.scatter @!p1 [tilespmem:s3], [sflag:$0xC], $0x80, $0x38;
	[tilespmem:$0x1F6F8] =	vst v63  }
0xeb: {  	s0 =	simm.s32 $0x0  }
0xec: {  	s0 =	simm.s32 @!p1 $0x200  }
0xed: {  	s31 =	sadd.s32 s0, s31  }
.LBB2_16:
0xee: {  	s0 =	sadd.s32 $0x1, s22  }
0xef: {  	s2 =	smulhi.u32 $0x88888889, s0;
	_ =	sdelay $0x1  }
0xf0: {  	v1 =	vld [tilespmem:s25+$0xFFFFFFC0];
	s2 =	sshrl.u32 s2, $0x7  }
0xf1: {  	s2 =	smul.u32 $0xF0, s2;
	_ =	sdelay $0x1  }
0xf2: {  	s22 =	ssub.s32 s0, s2  }
0xf3: {  	s0 =	sshll.u32 s22, $0x7  }
0xf4: {  	[tilespmem:s0+$0x108] =	vst v1  }
0xf5: {  	v1 =	vld [tilespmem:s25+$0xFFFFFFD0];
	_ =	sdelay $0x4  }
0xf6: {  	[tilespmem:s0+$0x118] =	vst v1  }
0xf7: {  	v1 =	vld [tilespmem:s25+$0xFFFFFFE0];
	_ =	sdelay $0x4  }
0xf8: {  	[tilespmem:s0+$0x128] =	vst v1  }
0xf9: {  	v1 =	vld [tilespmem:s25+$0xFFFFFFF0];
	_ =	sdelay $0x4  }
0xfa: {  	[tilespmem:s0+$0x138] =	vst v1  }
0xfb: {  	v1 =	vld [tilespmem:s25+$0x0];
	_ =	sdelay $0x4  }
0xfc: {  	[tilespmem:s0+$0x148] =	vst v1  }
0xfd: {  	v1 =	vld [tilespmem:s25+$0x10];
	_ =	sdelay $0x4  }
0xfe: {  	[tilespmem:s0+$0x158] =	vst v1  }
0xff: {  	v1 =	vld [tilespmem:s25+$0x20];
	_ =	sdelay $0x4  }
0x100: {  	[tilespmem:s0+$0x168] =	vst v1  }
0x101: {  	v1 =	vld [tilespmem:s25+$0x30]  }
.Ltmp15:
0x102: {  	_ = 	snop;
	(pc) =	sbr.rel .LBB2_17-.Ltmp15, $2  }
0x103: {  	_ =	sdelay $0x2  }
0x104: {  	s28 =	sadd.s32 $0x1, s28;
	[tilespmem:s0+$0x178] =	vst v1  }
.LBB2_19:
.Ltmp16:
0x105: {  	(pc) =	sbr.rel .LBB2_20-.Ltmp16, $4  }
0x106: {  	_ = 	snop  }
0x107: {  	s0 =	simm.s32 $0x2  }
0x108: {  	_ =	swait.ge [sflag:s0], $0x0  }
0x109: {  	s30 =	smov.u32 s29;
	[sflag:s0] =	ssyncset.done $0x0;
	s0 =	simm.s32 $0x0  }
.LBB2_22:
0x10a: {  	_ =	sfence.sel $0x180000  }
0x10b: {  	s0 =	simm.s32 $0x9;
	[bflag:$0x0] =	sbarrier.arrive $0xFFFF  }
0x10c: {  	s24 =	simm.s32 $0xA;
	[sflag:s0] =	ssyncpa.u1 $0x1  }
0x10d: {  	s25 =	simm.s32 $0xB;
	[sflag:s24] =	ssyncpa.u1 $0x1  }
0x10e: {  	s26 =	simm.s32 $0x2;
	[sflag:s25] =	ssyncpa.u1 $0x1  }
0x10f: {  	[sflag:s26] =	ssyncpa.u1 $0x1  }
0x110: {  	v0 =	vld [tilespmem:$0xF208];
	_ =	sdelay $0x4  }
0x111: {  	(v2sf) =	vpush v0, $0x0  }
0x112: {  	(v2sf) =	vpush v0, $0x1;
	_ =	sdelay $0x1  }
0x113: {  	(v2sf) =	vpush v0, $0x2;
	_ =	sdelay $0xb  }
0x114: {  	s0 =	spop (v2sf)  }
0x115: {  	s2 =	spop (v2sf)  }
0x116: {  	s3 =	smov.u32 s0;
	p0 =	sne.s32 s0, s2  }
0x117: {  	s4 =	spop (v2sf);
	s3 =	simm.s32 @!p0 $0xFFFFFFFF  }
0x118: {  	v2 =	vimm.s32 $0x1;
	v3 =	vlaneseq.u32;
	p0 =	seq.s32 s4, $0xFFFFFFFF;
	v1 =	vmov s3  }
0x119: {  	s16 =	stileid.u32;
	v0 =	vperm.xlane v0, v2;
	p1 =	sne.s32 @!p0 s0, s2;
	v1 =	vperm.xlane v1, v3  }
0x11a: {  	vm0 =	vcmask $0x3F04;
	s6 =	simm.s32 $0xF208;
	s0 =	simm.s32 @!p0 $0x1;
	p1 =	por !p1, p0  }
0x11b: {  	s3 =	sshll.u32 s16, $0x1;
	s2 =	sshll.u32 @!p0 s4, $0x9;
	s0 =	simm.s32 @p1 $0x0;
	v0 =	vsel vm0, v1, v0  }
0x11c: {  	s5 =	sor.u32 $0x1000, s3;
	s2 =	sshra.s32 @!p0 s2, $0x2;
	s0 =	sor.u32 @!p0 s0, s3;
	[tilespmem:$0xF208] =	vst v0  }
0x11d: {  	[spmem:s5] =	stream.linear.scatter [tilespmem:s6], [sflag:$0x1], $0x2, $0x38;
	[tilespmem:$0x1F6F8] =	vst v63  }
0x11e: {  	s2 =	sadd.s32 @!p0 $0x108, s2;
	s0 =	sshll.u32 @!p0 s0, $0x7  }
0x11f: {  	[spmem:s0] =	stream.linear.scatter @!p0 [tilespmem:s2], [sflag:$0x1], $0x80, $0x38;
	[tilespmem:$0x1F6F8] =	vst v63  }
0x120: {  	s0 =	simm.s32 @!p0 $0x82  }
0x121: {  	s28 =	simm.s32 $0x1;
	s0 =	simm.s32 @p0 $0x2  }
0x122: {  	_ =	swait.ge [sflag:s28], s0  }
0x123: {  	s0 =	ssub.s32 $0x0, s0;
	[sflag:s28] =	ssyncset.done $0x0  }
0x124: {  	p0 =	sne.s32 s16, $0x0;
	[sflag:s28] =	ssyncadd.s32 s0  }
.Ltmp17:
0x125: {  	_ =	sfence.stream.spmem;
	(pc) =	sbr.rel @p0 .LBB2_39-.Ltmp17, $4  }
0x126: {  	s29 =	simm.s32 $0x3;
	[bflag:$0x0] =	sbarrier.arrive $0xFFFF  }
0x127: {  	s30 =	simm.s32 $0x4;
	[sflag:s29] =	ssyncpa.u1 $0x1  }
0x128: {  	s31 =	simm.s32 $0x3C;
	[sflag:s30] =	ssyncpa.u1 $0x1  }
0x129: {  	s15 =	rddreg [dreg:$0x5];
	[sflag:s31] =	ssyncpa.u1 $0x1  }
0x12a: {  	_ =	sfence.stream.spmem;
	s0 =	simm.s32 $0x5  }
0x12b: {  	s2 =	simm.s32 $0x1000;
	s3 =	simm.s32 $0xF218;
	[sflag:s0] =	ssyncpa.u1 $0x0  }
0x12c: {  	[tilespmem:s3], [sflag:$0x5] =	stream.linear.gather [spmem:s2], $0x20, $0x38;
	[tilespmem:$0x1F6F8] =	vst v63  }
0x12d: {  	s26 =	simm.s32 $0x0;
	s28 =	simm.s32 $0xF238  }
0x12e: {  	[tilespmem:s28], [sflag:$0x5] =	stream.linear.gather [spmem:s26], $0x1000, $0x38;
	[tilespmem:$0x1F6F8] =	vst v63  }
0x12f: {  	_ =	swait.ge [sflag:s0], $0x1020  }
0x130: {  	[sflag:s0] =	ssyncset.done $0x0  }
0x131: {  	s29 =	simm.s32 $0x0;
	[sflag:s0] =	ssyncadd.s32 $0xFFFFEFE0  }
0x132: {  	v0 =	vld.msk [tilespmem:s29+$0xF218], $0x1;
	_ =	sdelay $0x1  }
0x133: {  	s30 =	simm.s32 $0x1  }
0x134: {  	v1 =	vld.msk [tilespmem:s30+$0xF218], $0x1;
	_ =	sdelay $0x1  }
0x135: {  	(v2sf) =	vpush v0, $0x0;
	_ =	sdelay $0x2  }
0x136: {  	(v2sf) =	vpush v1, $0x0;
	_ =	sdelay $0x2  }
0x137: {  	s31 =	simm.s32 $0x2  }
0x138: {  	v0 =	vld.msk [tilespmem:s31+$0xF218], $0x1;
	_ =	sdelay $0x2  }
0x139: {  	s4 =	simm.s32 $0xFFFFFFFF;
	s5 =	simm.s32 $0xFFFFFFFF;
	s0 =	simm.s32 $0xC  }
.LBB2_24:
0x13a: {  	s2 =	smov.u32 s5;
	s3 =	smov.u32 s4  }
0x13b: {  	s4 =	sshra.s32 s0, $0x2;
	p1 =	sne.s32 s0, $0x7C;
	s0 =	sadd.s32 $0x4, s0;
	(v2sf) =	vpush v0, $0x0  }
0x13c: {  	v0 =	vld.msk [tilespmem:s4+$0xF218], $0x1  }
.Ltmp18:
0x13d: {  	(pc) =	sbr.rel @p1 .LBB2_24-.Ltmp18, $4  }
0x13e: {  	s5 =	spop (v2sf)  }
0x13f: {  	p2 =	sne.s32 s3, $0xFFFFFFFF;
	s4 =	smov.u32 s5  }
0x140: {  	p3 =	seq.s32 s5, $0xFFFFFFFF;
	s4 =	smov.u32 @p2 s3  }
0x141: {  	s5 =	smov.u32 @p3 s2;
	s4 =	smov.u32 @p3 s3  }
0x142: {  	(v2sf) =	vpush v0, $0x0;
	_ =	sdelay $0x8  }
0x143: {  	s0 =	spop (v2sf)  }
0x144: {  	p1 =	sne.s32 s4, $0xFFFFFFFF;
	s2 =	smov.u32 s0  }
0x145: {  	s9 =	simm.s32 $0x6;
	p2 =	seq.s32 s0, $0xFFFFFFFF;
	s2 =	smov.u32 @p1 s4  }
0x146: {  	s6 =	simm.s32 $0x0;
	s2 =	smov.u32 @p2 s4;
	s3 =	spop (v2sf)  }
0x147: {  	s0 =	smov.u32 @p2 s5;
	p1 =	sne.s32 s2, $0xFFFFFFFF;
	s4 =	smov.u32 s3  }
.Ltmp19:
0x148: {  	p2 =	seq.s32 s3, $0xFFFFFFFF;
	s4 =	smov.u32 @p1 s2;
	(pc) =	sbr.rel .LBB2_26-.Ltmp19, $4  }
0x149: {  	s10 =	simm.s32 $0xF188;
	s4 =	smov.u32 @p2 s2;
	s7 =	spop (v2sf)  }
0x14a: {  	s11 =	simm.s32 $0x0;
	p1 =	sne.s32 s4, $0xFFFFFFFF;
	s8 =	smov.u32 s7  }
0x14b: {  	s3 =	smov.u32 @p2 s0;
	p2 =	seq.s32 s7, $0xFFFFFFFF;
	s8 =	smov.u32 @p1 s4  }
0x14c: {  	[sflag:s9] =	ssyncpa.u1 $0x0;
	s7 =	smov.u32 @p2 s3;
	s8 =	smov.u32 @p2 s4  }
.LBB2_32:
0x14d: {  	p1 =	sgt.u32 s12, $0x270F0  }
0x14e: {  	p2 =	seq.s32 @!p1 s12, s8  }
0x14f: {  	p1 =	por p1, p2  }
0x150: {  	p2 =	sne.s32 @!p1 s12, s7  }
0x151: {  	p1 =	por p1, !p2  }
0x152: {  	s0 =	sshll.u32 @p1 s11, $0x9  }
0x153: {  	s0 =	sand.u32 @!p1 $0x3FFF8, s12  }
0x154: {  	s2 =	sand.u32 @!p1 $0x7, s12;
	s0 =	sadd.s32 @!p1 s1, s0  }
0x155: {  	[tilespmem:s10], [sflag:$0x6] =	stream.linear.gather @!p1 [hbm4b:s0+s2], $0x80, $0x38;
	[tilespmem:$0x1F6F8] =	vst v63  }
0x156: {  	_ =	swait.ge @!p1 [sflag:s9], $0x80  }
0x157: {  	[sflag:s9] =	ssyncset.done @!p1 $0x0  }
0x158: {  	[sflag:s9] =	ssyncadd.s32 @!p1 $0xFFFFFF80  }
0x159: {  	v1 =	vld @!p1 [tilespmem:$0xF188];
	_ =	sdelay $0x2  }
0x15a: {  	s0 =	sshll.u32 @!p1 s11, $0x9  }
0x15b: {  	s2 =	sshrl.u32 @!p1 s0, $0x2  }
0x15c: {  	[tilespmem:s2+$0xF238] =	vst.add.f32.msk @!p1 $0xffff, v1  }
0x15d: {  	v1 =	vld @!p1 [tilespmem:$0xF198];
	_ =	sdelay $0x4  }
0x15e: {  	[tilespmem:s2+$0xF248] =	vst.add.f32.msk @!p1 $0xffff, v1  }
0x15f: {  	v1 =	vld @!p1 [tilespmem:$0xF1A8];
	_ =	sdelay $0x4  }
0x160: {  	[tilespmem:s2+$0xF258] =	vst.add.f32.msk @!p1 $0xffff, v1  }
0x161: {  	v1 =	vld @!p1 [tilespmem:$0xF1B8];
	_ =	sdelay $0x4  }
0x162: {  	[tilespmem:s2+$0xF268] =	vst.add.f32.msk @!p1 $0xffff, v1  }
0x163: {  	v1 =	vld @!p1 [tilespmem:$0xF1C8];
	_ =	sdelay $0x4  }
0x164: {  	[tilespmem:s2+$0xF278] =	vst.add.f32.msk @!p1 $0xffff, v1  }
0x165: {  	v1 =	vld @!p1 [tilespmem:$0xF1D8];
	_ =	sdelay $0x4  }
0x166: {  	[tilespmem:s2+$0xF288] =	vst.add.f32.msk @!p1 $0xffff, v1  }
0x167: {  	v1 =	vld @!p1 [tilespmem:$0xF1E8];
	_ =	sdelay $0x4  }
0x168: {  	[tilespmem:s2+$0xF298] =	vst.add.f32.msk @!p1 $0xffff, v1  }
0x169: {  	v1 =	vld @!p1 [tilespmem:$0xF1F8];
	_ =	sdelay $0x4  }
0x16a: {  	[tilespmem:s2+$0xF2A8] =	vst.add.f32.msk @!p1 $0xffff, v1  }
0x16b: {  	s0 =	sshrl.u32 s0, $0x2;
	[tilespmem:s6+$0xF218] =	vst.msk $0x1, v0  }
0x16c: {  	v0 =	vld [tilespmem:s0+$0xF238];
	_ =	sdelay $0x2  }
0x16d: {  	s31 =	sshll.u32 s6, $0x9  }
0x16e: {  	s2 =	sshra.s32 s31, $0x2  }
0x16f: {  	[tilespmem:s2+$0xF238] =	vst v0  }
0x170: {  	v0 =	vld [tilespmem:s0+$0xF248];
	_ =	sdelay $0x4  }
0x171: {  	[tilespmem:s2+$0xF248] =	vst v0  }
0x172: {  	v0 =	vld [tilespmem:s0+$0xF258];
	_ =	sdelay $0x4  }
0x173: {  	[tilespmem:s2+$0xF258] =	vst v0  }
0x174: {  	v0 =	vld [tilespmem:s0+$0xF268];
	_ =	sdelay $0x4  }
0x175: {  	[tilespmem:s2+$0xF268] =	vst v0  }
0x176: {  	v0 =	vld [tilespmem:s0+$0xF278];
	_ =	sdelay $0x4  }
0x177: {  	[tilespmem:s2+$0xF278] =	vst v0  }
0x178: {  	v0 =	vld [tilespmem:s0+$0xF288];
	_ =	sdelay $0x4  }
0x179: {  	[tilespmem:s2+$0xF288] =	vst v0  }
0x17a: {  	v0 =	vld [tilespmem:s0+$0xF298];
	_ =	sdelay $0x4  }
0x17b: {  	[tilespmem:s2+$0xF298] =	vst v0  }
0x17c: {  	v0 =	vld [tilespmem:s0+$0xF2A8];
	_ =	sdelay $0x4  }
0x17d: {  	s6 =	sadd.s32 $0x1, s6;
	[tilespmem:s2+$0xF2A8] =	vst v0  }
.LBB2_33:
0x17e: {  	s11 =	sadd.s32 $0x1, s11  }
0x17f: {  	p1 =	sne.s32 s11, $0x20  }
.Ltmp20:
0x180: {  	_ = 	snop;
	(pc) =	sbr.rel @!p1 .LBB2_34-.Ltmp20, $1  }
0x181: {  	_ =	sdelay $0x3  }
.LBB2_26:
0x182: {  	v0 =	vld.msk [tilespmem:s11+$0xF218], $0x1;
	_ =	sdelay $0x4  }
0x183: {  	(v2sf) =	vpush v0, $0x0;
	_ =	sdelay $0xe  }
0x184: {  	s12 =	spop (v2sf)  }
0x185: {  	p1 =	seq.s32 s12, $0xFFFFFFFF  }
.Ltmp21:
0x186: {  	_ = 	snop;
	(pc) =	sbr.rel @p1 .LBB2_33-.Ltmp21, $1  }
0x187: {  	_ =	sdelay $0x3  }
0x188: {  	p1 =	slt.s32 s6, $0x1  }
.Ltmp22:
0x189: {  	_ = 	snop;
	(pc) =	sbr.rel @p1 .LBB2_32-.Ltmp22, $1  }
0x18a: {  	_ =	sdelay $0x3  }
0x18b: {  	s13 =	simm.s32 $0xF218;
	p1 =	por $0x0, $0x0  }
0x18c: {  	v1 =	vld.msk @!p1 [tilespmem:s13+$0x0], $0x1;
	_ =	sdelay $0x4  }
0x18d: {  	(v2sf) =	vpush @!p1 v1, $0x0;
	_ =	sdelay $0xd  }
0x18e: {  	p3 =	sne.s32 s6, $0x1  }
.Ltmp23:
0x18f: {  	s0 =	spop @!p1 (v2sf);
	(pc) =	sbr.rel @!p3 .LBB2_30-.Ltmp23, $4  }
0x190: {  	p2 =	seq.s32 @!p1 s12, s0  }
0x191: {  	s14 =	simm.s32 $0x0;
	p2 =	por !p2, p1  }
0x192: {  	s2 =	simm.s32 $0xFFFFFFFF;
	s14 =	simm.s32 @p2 $0xFFFFFFFF  }
0x193: {  	s0 =	simm.s32 $0x1;
	s14 =	smov.u32 @p1 s2  }
.LBB2_29:
0x194: {  	s2 =	smov.u32 s14;
	p1 =	sne.s32 s14, $0xFFFFFFFF  }
0x195: {  	s13 =	sadd.s32 $0x1, s13;
	s14 =	smov.u32 s0;
	s0 =	sadd.s32 $0x1, s0  }
0x196: {  	p2 =	sne.s32 s6, s0;
	v1 =	vld.msk @!p1 [tilespmem:s13+$0x0], $0x1;
	_ =	sdelay $0x4  }
0x197: {  	(v2sf) =	vpush @!p1 v1, $0x0;
	_ =	sdelay $0xe  }
.Ltmp24:
0x198: {  	s3 =	spop @!p1 (v2sf);
	(pc) =	sbr.rel @p2 .LBB2_29-.Ltmp24, $4  }
0x199: {  	p3 =	seq.s32 @!p1 s12, s3  }
0x19a: {  	p3 =	por !p3, p1  }
0x19b: {  	s14 =	simm.s32 @p3 $0xFFFFFFFF  }
0x19c: {  	s14 =	smov.u32 @p1 s2  }
.LBB2_30:
0x19d: {  	p1 =	seq.s32 s14, $0xFFFFFFFF  }
.Ltmp25:
0x19e: {  	_ = 	snop;
	(pc) =	sbr.rel @p1 .LBB2_32-.Ltmp25, $1  }
0x19f: {  	_ =	sdelay $0x3  }
0x1a0: {  	s0 =	sshll.u32 s11, $0x7  }
0x1a1: {  	s0 =	sand.u32 $0x3FFFFF80, s0  }
0x1a2: {  	v0 =	vld [tilespmem:s0+$0xF238];
	_ =	sdelay $0x2  }
0x1a3: {  	s2 =	sshll.u32 s14, $0x9  }
0x1a4: {  	s2 =	sshra.s32 s2, $0x2  }
0x1a5: {  	[tilespmem:s2+$0xF238] =	vst.add.f32.msk $0xffff, v0  }
0x1a6: {  	v0 =	vld [tilespmem:s0+$0xF248];
	_ =	sdelay $0x4  }
0x1a7: {  	[tilespmem:s2+$0xF248] =	vst.add.f32.msk $0xffff, v0  }
0x1a8: {  	v0 =	vld [tilespmem:s0+$0xF258];
	_ =	sdelay $0x4  }
0x1a9: {  	[tilespmem:s2+$0xF258] =	vst.add.f32.msk $0xffff, v0  }
0x1aa: {  	v0 =	vld [tilespmem:s0+$0xF268];
	_ =	sdelay $0x4  }
0x1ab: {  	[tilespmem:s2+$0xF268] =	vst.add.f32.msk $0xffff, v0  }
0x1ac: {  	v0 =	vld [tilespmem:s0+$0xF278];
	_ =	sdelay $0x4  }
0x1ad: {  	[tilespmem:s2+$0xF278] =	vst.add.f32.msk $0xffff, v0  }
0x1ae: {  	v0 =	vld [tilespmem:s0+$0xF288];
	_ =	sdelay $0x4  }
0x1af: {  	[tilespmem:s2+$0xF288] =	vst.add.f32.msk $0xffff, v0  }
0x1b0: {  	v0 =	vld [tilespmem:s0+$0xF298];
	_ =	sdelay $0x4  }
0x1b1: {  	[tilespmem:s2+$0xF298] =	vst.add.f32.msk $0xffff, v0  }
0x1b2: {  	v0 =	vld [tilespmem:s0+$0xF2A8]  }
.Ltmp26:
0x1b3: {  	_ = 	snop;
	(pc) =	sbr.rel .LBB2_33-.Ltmp26, $2  }
0x1b4: {  	_ =	sdelay $0x2  }
0x1b5: {  	[tilespmem:s2+$0xF2A8] =	vst.add.f32.msk $0xffff, v0  }
.LBB2_34:
0x1b6: {  	s0 =	simm.s32 $0x6;
	p1 =	seq.s32 s6, $0x0  }
0x1b7: {  	[sflag:s0] =	ssyncpa.u1 $0x1;
	v0 =	vimm.s32 @p1 $0xFFFFFFFF  }
0x1b8: {  	s9 =	sadd.s32 $0xFFFFFFFF, s6;
	[tilespmem:$0x10238] =	vst @p1 v0  }
0x1b9: {  	v0 =	vld.msk @!p1 [tilespmem:s9+$0xF218], $0x1;
	_ =	sdelay $0x1  }
0x1ba: {  	v1 =	vld.msk @!p1 [tilespmem:$0xF218], $0x1;
	_ =	sdelay $0x2  }
0x1bb: {  	p2 =	seq.s32 @!p1 s9, $0x0;
	v0 =	vbroadcast @!p1 v0, $0x0  }
0x1bc: {  	vm0 =	vmmov @!p1 $0x1;
	p2 =	por !p2, p1  }
0x1bd: {  	v1 =	vnsel @!p1 vm0, $0xFFFFFFFF, v1;
	vm0 =	vcmask @!p1 $0x308;
	v0 =	vpsel !p2, $0xFFFFFFFF, v0  }
0x1be: {  	p2 =	sne.s32 @!p1 s8, s7;
	v0 =	vsel @!p1 vm0, v1, v0  }
0x1bf: {  	s0 =	simm.s32 @!p1 $0xF238;
	s2 =	simm.s32 @!p1 $0x0;
	p3 =	por !p2, p1;
	[tilespmem:$0x10238] =	vst @!p1 v0  }
0x1c0: {  	[spmem:s2] =	stream.linear.scatter @!p1 [tilespmem:s0], [sflag:$0x1], $0x80, $0x38;
	[tilespmem:$0x1F6F8] =	vst v63  }
0x1c1: {  	s0 =	sshll.u32 @!p3 s9, $0x9  }
0x1c2: {  	s0 =	sshra.s32 @!p3 s0, $0x2  }
0x1c3: {  	s2 =	simm.s32 @!p3 $0x80;
	s0 =	sadd.s32 @!p3 $0xF238, s0  }
0x1c4: {  	[spmem:s2] =	stream.linear.scatter @!p3 [tilespmem:s0], [sflag:$0x1], $0x80, $0x38;
	[tilespmem:$0x1F6F8] =	vst v63  }
0x1c5: {  	s0 =	simm.s32 @!p3 $0x1  }
0x1c6: {  	_ =	swait.ge @!p3 [sflag:s0], $0x100  }
0x1c7: {  	p1 =	por p2, p1;
	[sflag:s0] =	ssyncset.done @!p3 $0x0  }
0x1c8: {  	[sflag:s0] =	ssyncadd.s32 @!p3 $0xFFFFFF00;
	s0 =	simm.s32 @!p1 $0x1  }
0x1c9: {  	_ =	swait.ge @!p1 [sflag:s0], $0x80  }
0x1ca: {  	s29 =	simm.s32 $0x10238;
	[sflag:s0] =	ssyncset.done @!p1 $0x0  }
0x1cb: {  	s30 =	simm.s32 $0x1000;
	s31 =	simm.s32 $0x1;
	[sflag:s0] =	ssyncadd.s32 @!p1 $0xFFFFFF80  }
0x1cc: {  	[spmem:s30] =	stream.linear.scatter [tilespmem:s29], [sflag:$0x1], $0x10, $0x38;
	[tilespmem:$0x1F6F8] =	vst v63  }
0x1cd: {  	_ =	swait.ge [sflag:s31], $0x10  }
0x1ce: {  	[sflag:s31] =	ssyncset.done $0x0  }
0x1cf: {  	p1 =	seq.s32 s15, $0x0;
	s8 =	rddreg [dreg:$0x2];
	[sflag:s31] =	ssyncadd.s32 $0xFFFFFFF0  }
0x1d0: {  	s2 =	sshll.u32 @p1 s8, $0xE;
	s7 =	rddreg [dreg:$0x3]  }
0x1d1: {  	s0 =	sadd.s32 @p1 $0x15C3C, s2;
	s2 =	sshll.u32 @p1 s7, $0x11  }
0x1d2: {  	_ =	sfence.stream.spmem;
	s0 =	sor.u32 @p1 s2, s0  }
0x1d3: {  	[sflag:s0] =	ssyncadd.remote.s32 @p1 $0x1;
	s0 =	simm.s32 @p1 $0x4  }
0x1d4: {  	s3 =	simm.s32 @!p1 $0x3C;
	s2 =	sand.u32 $0xFFFFFFFE, s8;
	_ =	swait.ge @p1 [sflag:s0], $0x22  }
0x1d5: {  	s4 =	simm.s32 @!p1 $0x0;
	s2 =	sadd.s32 @!p1 $0x4, s2;
	[sflag:s0] =	ssyncset.done @p1 $0x0  }
0x1d6: {  	s5 =	simm.s32 @!p1 $0x100;
	[sflag:s0] =	ssyncadd.s32 @p1 $0xFFFFFFDE;
	s0 =	sshll.u32 @!p1 s2, $0x1A  }
0x1d7: {  	s2 =	sshll.u32 @!p1 s2, $0xD;
	s0 =	sor.u32 @!p1 s0, s7;
	_ =	swait.eq @!p1 [sflag:s3], $0x1  }
0x1d8: {  	s2 =	sor.u32 @!p1 $0x1C04, s2;
	s3 =	simm.s32 @!p1 $0x1C03;
	s0 =	sor.u32 @!p1 $0x80004000, s0  }
0x1d9: {  	[spmem:s5], [sflag:s2] =	dma.general @!p1 [spmem:s4], [sflag:s3], length:$0x20, [dreg:$0x0], stride_count:$0x0, ici_dest:s0, dma_misc:DstOpCode:WRITE  }
0x1da: {  	p2 =	slt.s32 s9, $0x2;
	s4 =	simm.s32 @!p1 $0x200;
	s5 =	simm.s32 @!p1 $0x202  }
0x1db: {  	[spmem:s5], [sflag:s2] =	dma.general @!p1 [spmem:s4], [sflag:s3], length:$0x2, [dreg:$0x0], stride_count:$0x0, ici_dest:s0, dma_misc:DstOpCode:WRITE  }
.Ltmp27:
0x1dc: {  	s0 =	simm.s32 @!p1 $0x3;
	(pc) =	sbr.rel @p2 .LBB2_38-.Ltmp27, $4  }
0x1dd: {  	s2 =	sshll.u32 @!p1 s8, $0xE;
	_ =	swait.ge @!p1 [sflag:s0], $0x22  }
0x1de: {  	s3 =	sshll.u32 @!p1 s7, $0x11;
	s2 =	sadd.s32 @!p1 $0x11C3C, s2;
	[sflag:s0] =	ssyncset.done @!p1 $0x0  }
0x1df: {  	[sflag:s0] =	ssyncadd.s32 @!p1 $0xFFFFFFDE;
	s0 =	sor.u32 @!p1 s3, s2  }
0x1e0: {  	[sflag:s0] =	ssyncadd.remote.s32 @!p1 $0xFFFFFFFF;
	s0 =	simm.s32 $0x0  }
0x1e1: {  	s0 =	simm.s32 $0xF219  }
0x1e2: {  	v0 =	vld.msk [tilespmem:s0+$0x0], $0x1;
	_ =	sdelay $0x4  }
0x1e3: {  	(v2sf) =	vpush v0, $0x0;
	_ =	sdelay $0xb  }
0x1e4: {  	s31 =	sadd.s32 $0xFFFFFFFE, s6  }
0x1e5: {  	s0 =	sadd.s32 $0xFFFFFFFF, s31  }
0x1e6: {  	p2 =	sne.s32 s0, $0x0  }
.Ltmp28:
0x1e7: {  	s2 =	spop (v2sf);
	(pc) =	sbr.rel @!p2 .LBB2_37-.Ltmp28, $4  }
0x1e8: {  	s4 =	simm.s32 $0xF2B8;
	s7 =	simm.s32 $0x0;
	p1 =	sgt.u32 s2, $0x270F0  }
0x1e9: {  	s5 =	simm.s32 $0x0;
	s6 =	simm.s32 $0xF21A;
	s3 =	sand.u32 @!p1 $0x3FFF8, s2  }
0x1ea: {  	s2 =	sand.u32 @!p1 $0x7, s2;
	s7 =	simm.s32 @!p1 $0x200;
	s3 =	sadd.s32 @!p1 s1, s3  }
0x1eb: {  	[hbm4b:s3+s2] =	stream.linear.scatter @!p1 [tilespmem:s4], [sflag:$0x5], $0x80, $0x38;
	[tilespmem:$0x1F6F8] =	vst v63  }
.LBB2_36:
0x1ec: {  	v0 =	vld.msk [tilespmem:s6+$0x0], $0x1;
	s0 =	sadd.s32 $0xFFFFFFFF, s0;
	s5 =	sadd.s32 s5, s7  }
0x1ed: {  	p1 =	sne.s32 s0, $0x0;
	_ =	sdelay $0x3  }
0x1ee: {  	(v2sf) =	vpush v0, $0x0;
	_ =	sdelay $0xe  }
.Ltmp29:
0x1ef: {  	s2 =	spop (v2sf);
	(pc) =	sbr.rel @p1 .LBB2_36-.Ltmp29, $4  }
0x1f0: {  	s7 =	simm.s32 $0x0;
	p2 =	sgt.u32 s2, $0x270F0  }
0x1f1: {  	s4 =	sadd.s32 $0x80, s4;
	s7 =	simm.s32 @!p2 $0x200;
	s3 =	sand.u32 @!p2 $0x3FFF8, s2  }
0x1f2: {  	s6 =	sadd.s32 $0x1, s6;
	s2 =	sand.u32 @!p2 $0x7, s2;
	s3 =	sadd.s32 @!p2 s1, s3  }
0x1f3: {  	[hbm4b:s3+s2] =	stream.linear.scatter @!p2 [tilespmem:s4], [sflag:$0x5], $0x80, $0x38;
	[tilespmem:$0x1F6F8] =	vst v63  }
.LBB2_37:
0x1f4: {  	s0 =	sadd.s32 s5, s7  }
0x1f5: {  	s0 =	sshrl.u32 s0, $0x2  }
.LBB2_38:
0x1f6: {  	s2 =	simm.s32 $0x5  }
0x1f7: {  	_ =	swait.ge [sflag:s2], s0  }
0x1f8: {  	s31 =	ssub.s32 $0x0, s0;
	[sflag:s2] =	ssyncset.done $0x0  }
0x1f9: {  	[sflag:s2] =	ssyncadd.s32 s31  }
0x1fa: {  	[sflag:s2] =	ssyncpa.u1 $0x1  }
.LBB2_39:
0x1fb: {  	s0 =	sor.u32 s15, s16  }
0x1fc: {  	p1 =	sne.s32 s0, $0x0  }
.Ltmp30:
0x1fd: {  	_ = 	snop;
	(pc) =	sbr.rel @p1 .LBB2_54-.Ltmp30, $3  }
0x1fe: {  	_ =	sdelay $0x1  }
0x1ff: {  	[bflag:$0x0] =	sbarrier.arrive $0xFFFF  }
0x200: {  	_ =	sfence  }
0x201: {  	s0 =	simm.s32 $0x7  }
0x202: {  	s2 =	simm.s32 $0x1000;
	s3 =	simm.s32 $0xF218;
	[sflag:s0] =	ssyncpa.u1 $0x0  }
0x203: {  	[tilespmem:s3], [sflag:$0x7] =	stream.linear.gather [spmem:s2], $0x20, $0x38;
	[tilespmem:$0x1F6F8] =	vst v63  }
0x204: {  	s30 =	simm.s32 $0xF238;
	s2 =	simm.s32 $0x0  }
0x205: {  	[tilespmem:s30], [sflag:$0x7] =	stream.linear.gather [spmem:s2], $0x1000, $0x38;
	[tilespmem:$0x1F6F8] =	vst v63  }
.Ltmp31:
0x206: {  	_ = 	snop;
	(pc) =	sbr.rel .LBB2_41-.Ltmp31, $4  }
0x207: {  	_ =	swait.ge [sflag:s0], $0x1020  }
0x208: {  	[sflag:s0] =	ssyncset.done $0x0  }
0x209: {  	s31 =	simm.s32 $0x8;
	[sflag:s0] =	ssyncadd.s32 $0xFFFFEFE0  }
0x20a: {  	s3 =	simm.s32 $0x0;
	[sflag:s31] =	ssyncpa.u1 $0x0  }
.LBB2_47:
0x20b: {  	p1 =	slt.u32 s4, $0x270F1  }
0x20c: {  	s0 =	sand.u32 @p1 $0x3FFF8, s4  }
0x20d: {  	s4 =	sand.u32 @p1 $0x7, s4;
	s5 =	simm.s32 @p1 $0xF188;
	s0 =	sadd.s32 @p1 s1, s0  }
0x20e: {  	[tilespmem:s5], [sflag:$0x8] =	stream.linear.gather @p1 [hbm4b:s0+s4], $0x80, $0x38;
	[tilespmem:$0x1F6F8] =	vst v63  }
0x20f: {  	s0 =	simm.s32 @p1 $0x8  }
0x210: {  	_ =	swait.ge @p1 [sflag:s0], $0x80  }
0x211: {  	[sflag:s0] =	ssyncset.done @p1 $0x0  }
0x212: {  	[sflag:s0] =	ssyncadd.s32 @p1 $0xFFFFFF80  }
0x213: {  	v1 =	vld @p1 [tilespmem:$0xF188];
	_ =	sdelay $0x2  }
0x214: {  	s0 =	sshll.u32 @p1 s3, $0x9  }
0x215: {  	s4 =	sshrl.u32 @p1 s0, $0x2  }
0x216: {  	[tilespmem:s4+$0xF238] =	vst.add.f32.msk @p1 $0xffff, v1  }
0x217: {  	v1 =	vld @p1 [tilespmem:$0xF198];
	_ =	sdelay $0x4  }
0x218: {  	[tilespmem:s4+$0xF248] =	vst.add.f32.msk @p1 $0xffff, v1  }
0x219: {  	v1 =	vld @p1 [tilespmem:$0xF1A8];
	_ =	sdelay $0x4  }
0x21a: {  	[tilespmem:s4+$0xF258] =	vst.add.f32.msk @p1 $0xffff, v1  }
0x21b: {  	v1 =	vld @p1 [tilespmem:$0xF1B8];
	_ =	sdelay $0x4  }
0x21c: {  	[tilespmem:s4+$0xF268] =	vst.add.f32.msk @p1 $0xffff, v1  }
0x21d: {  	v1 =	vld @p1 [tilespmem:$0xF1C8];
	_ =	sdelay $0x4  }
0x21e: {  	[tilespmem:s4+$0xF278] =	vst.add.f32.msk @p1 $0xffff, v1  }
0x21f: {  	v1 =	vld @p1 [tilespmem:$0xF1D8];
	_ =	sdelay $0x4  }
0x220: {  	[tilespmem:s4+$0xF288] =	vst.add.f32.msk @p1 $0xffff, v1  }
0x221: {  	v1 =	vld @p1 [tilespmem:$0xF1E8];
	_ =	sdelay $0x4  }
0x222: {  	[tilespmem:s4+$0xF298] =	vst.add.f32.msk @p1 $0xffff, v1  }
0x223: {  	v1 =	vld @p1 [tilespmem:$0xF1F8];
	_ =	sdelay $0x3  }
0x224: {  	s5 =	sshll.u32 @!p1 s3, $0x9  }
0x225: {  	s5 =	smov.u32 @p1 s0;
	[tilespmem:s4+$0xF2A8] =	vst.add.f32.msk @p1 $0xffff, v1  }
0x226: {  	s0 =	sshrl.u32 s5, $0x2;
	[tilespmem:s2+$0xF218] =	vst.msk $0x1, v0  }
0x227: {  	v0 =	vld [tilespmem:s0+$0xF238];
	_ =	sdelay $0x2  }
0x228: {  	s31 =	sshll.u32 s2, $0x9  }
0x229: {  	s4 =	sshra.s32 s31, $0x2  }
0x22a: {  	[tilespmem:s4+$0xF238] =	vst v0  }
0x22b: {  	v0 =	vld [tilespmem:s0+$0xF248];
	_ =	sdelay $0x4  }
0x22c: {  	[tilespmem:s4+$0xF248] =	vst v0  }
0x22d: {  	v0 =	vld [tilespmem:s0+$0xF258];
	_ =	sdelay $0x4  }
0x22e: {  	[tilespmem:s4+$0xF258] =	vst v0  }
0x22f: {  	v0 =	vld [tilespmem:s0+$0xF268];
	_ =	sdelay $0x4  }
0x230: {  	[tilespmem:s4+$0xF268] =	vst v0  }
0x231: {  	v0 =	vld [tilespmem:s0+$0xF278];
	_ =	sdelay $0x4  }
0x232: {  	[tilespmem:s4+$0xF278] =	vst v0  }
0x233: {  	v0 =	vld [tilespmem:s0+$0xF288];
	_ =	sdelay $0x4  }
0x234: {  	[tilespmem:s4+$0xF288] =	vst v0  }
0x235: {  	v0 =	vld [tilespmem:s0+$0xF298];
	_ =	sdelay $0x4  }
0x236: {  	[tilespmem:s4+$0xF298] =	vst v0  }
0x237: {  	v0 =	vld [tilespmem:s0+$0xF2A8];
	_ =	sdelay $0x4  }
0x238: {  	s2 =	sadd.s32 $0x1, s2;
	[tilespmem:s4+$0xF2A8] =	vst v0  }
.LBB2_48:
0x239: {  	s3 =	sadd.s32 $0x1, s3  }
0x23a: {  	p1 =	sne.s32 s3, $0x20  }
.Ltmp32:
0x23b: {  	_ = 	snop;
	(pc) =	sbr.rel @!p1 .LBB2_49-.Ltmp32, $1  }
0x23c: {  	_ =	sdelay $0x3  }
.LBB2_41:
0x23d: {  	v0 =	vld.msk [tilespmem:s3+$0xF218], $0x1;
	_ =	sdelay $0x4  }
0x23e: {  	(v2sf) =	vpush v0, $0x0;
	_ =	sdelay $0xe  }
0x23f: {  	s4 =	spop (v2sf)  }
0x240: {  	p1 =	seq.s32 s4, $0xFFFFFFFF  }
.Ltmp33:
0x241: {  	_ = 	snop;
	(pc) =	sbr.rel @p1 .LBB2_48-.Ltmp33, $1  }
0x242: {  	_ =	sdelay $0x3  }
0x243: {  	p1 =	slt.s32 s2, $0x1  }
.Ltmp34:
0x244: {  	_ = 	snop;
	(pc) =	sbr.rel @p1 .LBB2_47-.Ltmp34, $1  }
0x245: {  	_ =	sdelay $0x3  }
0x246: {  	s5 =	simm.s32 $0xF218;
	p1 =	por $0x0, $0x0  }
0x247: {  	v1 =	vld.msk @!p1 [tilespmem:s5+$0x0], $0x1;
	_ =	sdelay $0x4  }
0x248: {  	(v2sf) =	vpush @!p1 v1, $0x0;
	_ =	sdelay $0xd  }
0x249: {  	p3 =	sne.s32 s2, $0x1  }
.Ltmp35:
0x24a: {  	s0 =	spop @!p1 (v2sf);
	(pc) =	sbr.rel @!p3 .LBB2_45-.Ltmp35, $4  }
0x24b: {  	p2 =	seq.s32 @!p1 s4, s0  }
0x24c: {  	s6 =	simm.s32 $0x0;
	p2 =	por !p2, p1  }
0x24d: {  	s7 =	simm.s32 $0xFFFFFFFF;
	s6 =	simm.s32 @p2 $0xFFFFFFFF  }
0x24e: {  	s0 =	simm.s32 $0x1;
	s6 =	smov.u32 @p1 s7  }
.LBB2_44:
0x24f: {  	s7 =	smov.u32 s6;
	p1 =	sne.s32 s6, $0xFFFFFFFF  }
0x250: {  	s5 =	sadd.s32 $0x1, s5;
	s6 =	smov.u32 s0;
	s0 =	sadd.s32 $0x1, s0  }
0x251: {  	p2 =	sne.s32 s2, s0;
	v1 =	vld.msk @!p1 [tilespmem:s5+$0x0], $0x1;
	_ =	sdelay $0x4  }
0x252: {  	(v2sf) =	vpush @!p1 v1, $0x0;
	_ =	sdelay $0xe  }
.Ltmp36:
0x253: {  	s8 =	spop @!p1 (v2sf);
	(pc) =	sbr.rel @p2 .LBB2_44-.Ltmp36, $4  }
0x254: {  	p3 =	seq.s32 @!p1 s4, s8  }
0x255: {  	p3 =	por !p3, p1  }
0x256: {  	s6 =	simm.s32 @p3 $0xFFFFFFFF  }
0x257: {  	s6 =	smov.u32 @p1 s7  }
.LBB2_45:
0x258: {  	p1 =	seq.s32 s6, $0xFFFFFFFF  }
.Ltmp37:
0x259: {  	_ = 	snop;
	(pc) =	sbr.rel @p1 .LBB2_47-.Ltmp37, $1  }
0x25a: {  	_ =	sdelay $0x3  }
0x25b: {  	s0 =	sshll.u32 s3, $0x7  }
0x25c: {  	s0 =	sand.u32 $0x3FFFFF80, s0  }
0x25d: {  	v0 =	vld [tilespmem:s0+$0xF238];
	_ =	sdelay $0x2  }
0x25e: {  	s4 =	sshll.u32 s6, $0x9  }
0x25f: {  	s4 =	sshra.s32 s4, $0x2  }
0x260: {  	[tilespmem:s4+$0xF238] =	vst.add.f32.msk $0xffff, v0  }
0x261: {  	v0 =	vld [tilespmem:s0+$0xF248];
	_ =	sdelay $0x4  }
0x262: {  	[tilespmem:s4+$0xF248] =	vst.add.f32.msk $0xffff, v0  }
0x263: {  	v0 =	vld [tilespmem:s0+$0xF258];
	_ =	sdelay $0x4  }
0x264: {  	[tilespmem:s4+$0xF258] =	vst.add.f32.msk $0xffff, v0  }
0x265: {  	v0 =	vld [tilespmem:s0+$0xF268];
	_ =	sdelay $0x4  }
0x266: {  	[tilespmem:s4+$0xF268] =	vst.add.f32.msk $0xffff, v0  }
0x267: {  	v0 =	vld [tilespmem:s0+$0xF278];
	_ =	sdelay $0x4  }
0x268: {  	[tilespmem:s4+$0xF278] =	vst.add.f32.msk $0xffff, v0  }
0x269: {  	v0 =	vld [tilespmem:s0+$0xF288];
	_ =	sdelay $0x4  }
0x26a: {  	[tilespmem:s4+$0xF288] =	vst.add.f32.msk $0xffff, v0  }
0x26b: {  	v0 =	vld [tilespmem:s0+$0xF298];
	_ =	sdelay $0x4  }
0x26c: {  	[tilespmem:s4+$0xF298] =	vst.add.f32.msk $0xffff, v0  }
0x26d: {  	v0 =	vld [tilespmem:s0+$0xF2A8]  }
.Ltmp38:
0x26e: {  	_ = 	snop;
	(pc) =	sbr.rel .LBB2_48-.Ltmp38, $2  }
0x26f: {  	_ =	sdelay $0x2  }
0x270: {  	[tilespmem:s4+$0xF2A8] =	vst.add.f32.msk $0xffff, v0  }
.LBB2_49:
0x271: {  	p1 =	slt.s32 s2, $0x1  }
.Ltmp39:
0x272: {  	_ = 	snop;
	(pc) =	sbr.rel @p1 .LBB2_53-.Ltmp39, $3  }
0x273: {  	_ =	sdelay $0x1  }
0x274: {  	s0 =	simm.s32 $0x8  }
0x275: {  	s3 =	simm.s32 $0x0;
	[sflag:s0] =	ssyncpa.u1 $0x1  }
0x276: {  	s0 =	simm.s32 $0xF218  }
0x277: {  	v0 =	vld.msk [tilespmem:s0+$0x0], $0x1;
	_ =	sdelay $0x4  }
0x278: {  	(v2sf) =	vpush v0, $0x0;
	_ =	sdelay $0xe  }
0x279: {  	s0 =	sadd.s32 $0xFFFFFFFF, s2;
	s5 =	spop (v2sf)  }
0x27a: {  	p2 =	sne.s32 s0, $0x0;
	p1 =	sgt.u32 s5, $0x270F0  }
.Ltmp40:
0x27b: {  	s6 =	sand.u32 @!p1 $0x3FFF8, s5;
	(pc) =	sbr.rel @!p2 .LBB2_52-.Ltmp40, $4  }
0x27c: {  	s4 =	simm.s32 $0xF238;
	s5 =	sand.u32 @!p1 $0x7, s5;
	s2 =	sadd.s32 @!p1 s1, s6  }
0x27d: {  	[hbm4b:s2+s5] =	stream.linear.scatter @!p1 [tilespmem:s4], [sflag:$0x7], $0x80, $0x38;
	[tilespmem:$0x1F6F8] =	vst v63  }
0x27e: {  	s5 =	simm.s32 $0x0  }
0x27f: {  	s2 =	simm.s32 $0xF219;
	s5 =	simm.s32 @!p1 $0x200  }
.LBB2_51:
0x280: {  	v0 =	vld.msk [tilespmem:s2+$0x0], $0x1;
	s0 =	sadd.s32 $0xFFFFFFFF, s0;
	s3 =	sadd.s32 s3, s5  }
0x281: {  	p1 =	sne.s32 s0, $0x0;
	_ =	sdelay $0x3  }
0x282: {  	(v2sf) =	vpush v0, $0x0;
	_ =	sdelay $0xe  }
.Ltmp41:
0x283: {  	s6 =	spop (v2sf);
	(pc) =	sbr.rel @p1 .LBB2_51-.Ltmp41, $4  }
0x284: {  	s5 =	simm.s32 $0x0;
	p2 =	sgt.u32 s6, $0x270F0  }
0x285: {  	s4 =	sadd.s32 $0x80, s4;
	s5 =	simm.s32 @!p2 $0x200;
	s7 =	sand.u32 @!p2 $0x3FFF8, s6  }
0x286: {  	s2 =	sadd.s32 $0x1, s2;
	s6 =	sand.u32 @!p2 $0x7, s6;
	s7 =	sadd.s32 @!p2 s1, s7  }
0x287: {  	[hbm4b:s7+s6] =	stream.linear.scatter @!p2 [tilespmem:s4], [sflag:$0x7], $0x80, $0x38;
	[tilespmem:$0x1F6F8] =	vst v63  }
.LBB2_52:
0x288: {  	s0 =	sadd.s32 s3, s5  }
0x289: {  	s3 =	sshrl.u32 s0, $0x2  }
.LBB2_53:
0x28a: {  	s0 =	simm.s32 $0x7  }
0x28b: {  	_ =	swait.ge [sflag:s0], s3  }
0x28c: {  	s1 =	ssub.s32 $0x0, s3;
	[sflag:s0] =	ssyncset.done $0x0  }
0x28d: {  	[sflag:s0] =	ssyncadd.s32 s1  }
0x28e: {  	[sflag:s0] =	ssyncpa.u1 $0x1  }
.LBB2_54:
0x28f: {  	_ =	sfence;
	s0 =	simm.s32 $0x1  }
0x290: {  	[sflag:s0] =	ssyncpa.u1 $0x1  }
0x291: {  	_ =	strace $0x90000053  }
0x292: {  	[bflag:$0x2] =	sbarrier.arrive $0xFFFF  }
0x293: {  	s0 =	rddreg [dreg:$0x4]  }
0x294: {  	s0 =	sadd.s32 @!p0 $0x100000, s0  }
0x295: {  	[sflag:s0] =	ssyncadd.tile.s32 @!p0 $0x1;
	_ =	shalt  }
.Lfunc_end2:
_tile_overlayer_lowered:
.L_overlay_start_2:
0x296: {  	(tag) =	ssettag $0x2  }
0x297: {  	s0 =	rddreg [dreg:$0x0];
	s2 =	stileid.u32  }
0x298: {  	s1 =	rddreg [dreg:$0x1];
	p0 =	sne.s32 s2, $0x0  }
0x299: {  	s3 =	rddreg [dreg:$0x2];
	[bflag:$0x3] =	sbarrier.arrive $0xFFFF;
	s2 =	simm.s32 @!p0 $0x1C01  }
0x29a: {  	[timem:s3], [sflag:s2] =	dma.local @!p0 [hbm:s0], s1  }
0x29b: {  	s0 =	simm.s32 @!p0 $0x1  }
0x29c: {  	_ =	swait.ge @!p0 [sflag:s0], s1  }
0x29d: {  	s1 =	ssub.s32 @!p0 $0x0, s1;
	[sflag:s0] =	ssyncset.done @!p0 $0x0  }
0x29e: {  	[sflag:s0] =	ssyncadd.s32 @!p0 s1  }
0x29f: {  	[bflag:$0x3] =	sbarrier.arrive $0xFFFF  }
0x2a0: {  	_ =	shalt  }

</sc_bundles>
